<compile_context>
chip_gen: v7x
topology: tpu7x:2x2x1
jax: 0.10.2.dev20260603
libtpu: 0.0.44.dev20260713+nightly
codegen_flags: <defaults>
</compile_context>

<pallas_src>
import functools

import jax
import jax.numpy as jnp
from jax import lax
from jax.experimental import pallas as pl
from jax.experimental.pallas import tpu as pltpu
from jax.experimental.pallas import tpu_sc as plsc

B, M, K, D, OUT = 1024, 8, 32, 128, 128
S = B * M * 2
ME = 2 * M
NW = 32
SPW = S // NW
BPW = B // NW
RPW = BPW * M
CH = 4
NCH = SPW // CH
CHW = CH * K * D
LANES = 16
DG = D // LANES


def _sc_body(nv_hbm, m_hbm, out0_hbm, out1_hbm,
             buf0, buf1, mslab, oslab, sem0, sem1, msem):
    wid = lax.axis_index("s") * 2 + lax.axis_index("c")
    seg0 = wid * SPW

    @pl.loop(0, ME * K)
    def _mrow(i):
        pltpu.async_copy(m_hbm.at[pl.ds(i * B + wid * BPW, BPW)],
                         mslab.at[pl.ds(i * BPW, BPW)], msem)

    pltpu.async_copy(nv_hbm.at[pl.ds(seg0 * K * D, CHW)], buf0, sem0)
    pltpu.async_copy(nv_hbm.at[pl.ds(seg0 * K * D + CHW, CHW)], buf1, sem1)

    bufs = (buf0, buf1)
    sems = (sem0, sem1)

    pltpu.make_async_copy(m_hbm.at[pl.ds(0, ME * K * BPW)], mslab,
                          msem).wait()

    @pl.loop(0, NCH, step=2)
    def _chunks(c):
        for bsel in range(2):
            cc = c + bsel
            buf = bufs[bsel]
            sem = sems[bsel]
            pltpu.make_async_copy(nv_hbm.at[pl.ds(0, CHW)], buf, sem).wait()

            @pl.loop(0, CH)
            def _seg(s):
                sloc = cc * CH + s
                bloc = sloc // ME
                me = sloc % ME
                m = me // 2
                e = me % 2
                accs = [jnp.zeros((LANES,), jnp.float32) for _ in range(DG)]
                for k in range(K):
                    mk = plsc.load_gather(
                        mslab, [jnp.zeros((LANES,), jnp.int32)
                                + ((me * K + k) * BPW + bloc)])
                    base = (s * K + k) * D
                    for g in range(DG):
                        accs[g] = accs[g] + mk * buf[pl.ds(base + g * LANES,
                                                           LANES)]
                obase = e * (RPW * D) + (bloc * M + m) * D
                for g in range(DG):
                    oslab[pl.ds(obase + g * LANES, LANES)] = accs[g]

            nxt = cc + 2

            @pl.when(nxt < NCH)
            def _issue():
                pltpu.async_copy(
                    nv_hbm.at[pl.ds((seg0 + nxt * CH) * K * D, CHW)], buf, sem)

    pltpu.sync_copy(oslab.at[pl.ds(0, RPW * D)],
                    out0_hbm.at[pl.ds(wid * RPW * D, RPW * D)])
    pltpu.sync_copy(oslab.at[pl.ds(RPW * D, RPW * D)],
                    out1_hbm.at[pl.ds(wid * RPW * D, RPW * D)])


_sc_mesh = plsc.VectorSubcoreMesh(core_axis_name="c", subcore_axis_name="s")

_sc_sum = functools.partial(
    pl.kernel,
    out_type=(jax.ShapeDtypeStruct((B * M * D,), jnp.float32),
              jax.ShapeDtypeStruct((B * M * D,), jnp.float32)),
    mesh=_sc_mesh,
    compiler_params=pltpu.CompilerParams(needs_layout_passes=False),
    scratch_types=[
        pltpu.VMEM((CHW,), jnp.float32),
        pltpu.VMEM((CHW,), jnp.float32),
        pltpu.VMEM((ME * K * BPW,), jnp.float32),
        pltpu.VMEM((2 * RPW * D,), jnp.float32),
        pltpu.SemaphoreType.DMA,
        pltpu.SemaphoreType.DMA,
        pltpu.SemaphoreType.DMA,
    ],
)(_sc_body)


RB = 2048


def _tc_body(sv_ref, e0_ref, e1_ref, w1_ref, w2a_ref, w2b_ref, b_ref,
             out_ref):
    y = jnp.dot(sv_ref[...], w1_ref[...], preferred_element_type=jnp.float32)
    y = y + jnp.dot(e0_ref[...], w2a_ref[...],
                    preferred_element_type=jnp.float32)
    y = y + jnp.dot(e1_ref[...], w2b_ref[...],
                    preferred_element_type=jnp.float32)
    out_ref[...] = y + b_ref[...]


def kernel(self_vectors, neighbor_vectors, masks, W, b):
    nv_flat = neighbor_vectors.reshape(S * K * D)
    mw = masks.transpose(1, 2, 4, 3, 0).reshape(ME * K * B)
    ent0, ent1 = _sc_sum(nv_flat, mw)
    e0 = ent0.reshape(B * M, D)
    e1 = ent1.reshape(B * M, D)
    sv2 = self_vectors.reshape(B * M, D)
    w1 = W[:, :D].T
    w2a = W[:, D:2 * D].T * (1.0 / K)
    w2b = W[:, 2 * D:].T * (1.0 / K)
    b2 = b.reshape(1, OUT)

    out = pl.pallas_call(
        _tc_body,
        grid=(B * M // RB,),
        in_specs=[
            pl.BlockSpec((RB, D), lambda i: (i, 0)),
            pl.BlockSpec((RB, D), lambda i: (i, 0)),
            pl.BlockSpec((RB, D), lambda i: (i, 0)),
            pl.BlockSpec((D, OUT), lambda i: (0, 0)),
            pl.BlockSpec((D, OUT), lambda i: (0, 0)),
            pl.BlockSpec((D, OUT), lambda i: (0, 0)),
            pl.BlockSpec((1, OUT), lambda i: (0, 0)),
        ],
        out_specs=pl.BlockSpec((RB, OUT), lambda i: (i, 0)),
        out_shape=jax.ShapeDtypeStruct((B * M, OUT), jnp.float32),
    )(sv2, e0, e1, w1, w2a, w2b, b2)
    return out.reshape(B, M, OUT)

# --- scband reference (transcript-rebuilt; emitter-appended) ---
"""Pipeline reference for scband-concat-aggregator-1614907703745 (READ-ONLY COPY).

The authoritative reference and input builder live on the scoring server;
editing this copy changes nothing except your own understanding.
"""

import jax, jax.numpy as jnp
import numpy as np

BATCH = 1024
M = 8
K = 32
D = 128
OUT = 128

def setup_inputs(seed: int = 0) -> dict:
    key = jax.random.key(seed)
    k1, k2, k3, k4, k5 = jax.random.split(key, 5)
    self_vectors = jax.random.normal(k1, (BATCH, M, D), dtype=jnp.float32)
    neighbor_vectors = jax.random.normal(k2, (BATCH, M, 2, K, D), dtype=jnp.float32)
    masks = jax.random.uniform(k3, (BATCH, M, 2, K, 1), dtype=jnp.float32)
    # nn.Linear(3*D, OUT): weight [OUT, 3*D] xavier_uniform, bias [OUT]
    fan_in = 3 * D
    limit = float(np.sqrt(6.0 / (fan_in + OUT)))
    W = jax.random.uniform(k4, (OUT, 3 * D), dtype=jnp.float32, minval=-limit, maxval=limit)
    b = jax.random.uniform(k5, (OUT,), dtype=jnp.float32, minval=-1.0 / np.sqrt(fan_in), maxval=1.0 / np.sqrt(fan_in))
    return {"self_vectors": self_vectors, "neighbor_vectors": neighbor_vectors, "masks": masks, "W": W, "b": b}

def reference(self_vectors, neighbor_vectors, masks, W, b):
    # entity_vectors = mean over neighbor axis of (neighbor_vectors * masks)
    entity_vectors = jnp.mean(neighbor_vectors * masks, axis=-2)  # [B, M, 2, D]
    output = entity_vectors.reshape(-1, D * 2)
    sv = self_vectors.reshape(-1, D)
    output = jnp.concatenate([sv, output], axis=-1)  # [B*M, 3*D]
    output = output @ W.T + b
    output = output.reshape(BATCH, -1, OUT)
    return output  # act is identity

if __name__ == "__main__":
    import jax
    _d = setup_inputs()
    print(jax.jit(kernel)(*tuple(_d.values())))

</pallas_src>

<mosaic_0001>
#map = affine_map<(d0, d1) -> (0)>
module attributes {stable_mosaic.version = 14 : i64} {
  func.func @_sc_body(%arg0: i32, %arg1: i32, %arg2: memref<67108864xf32, #tpu.memory_space<hbm>>, %arg3: memref<524288xf32, #tpu.memory_space<hbm>>, %arg4: memref<1048576xf32, #tpu.memory_space<hbm>>, %arg5: memref<1048576xf32, #tpu.memory_space<hbm>>, %arg6: memref<16384xf32, #tpu.memory_space<vmem>>, %arg7: memref<16384xf32, #tpu.memory_space<vmem>>, %arg8: memref<16384xf32, #tpu.memory_space<vmem>>, %arg9: memref<65536xf32, #tpu.memory_space<vmem>>, %arg10: memref<!tpu.dma_semaphore, #tpu.memory_space<semaphore_mem>>, %arg11: memref<!tpu.dma_semaphore, #tpu.memory_space<semaphore_mem>>, %arg12: memref<!tpu.dma_semaphore, #tpu.memory_space<semaphore_mem>>) attributes {dimension_semantics = [#tpu.dimension_semantics<core_parallel>, #tpu.dimension_semantics<subcore_parallel>], iteration_bounds = array<i64: 2, 16>, scalar_prefetch = 0 : i64, scratch_operands = 7 : i64, tpu.core_type = #tpu.core_type<sc_vector_subcore>, window_params = [{transform_indices = #map}, {transform_indices = #map}, {transform_indices = #map}, {transform_indices = #map}]} {
    %mul3A = arith.constant 2 : i32
    %mul3A_0 = arith.muli %arg1, %mul3A : i32
    %add3A = arith.addi %mul3A_0, %arg0 : i32
    %mul3A_1 = arith.constant 512 : i32
    %mul3A_2 = arith.muli %add3A, %mul3A_1 : i32
    %scan3A = arith.constant 0 : i32
    %scan3A_3 = arith.constant 512 : i32
    %scan3A_4 = arith.addi %scan3A, %scan3A_3 : i32
    %scan3A_5 = arith.constant 1 : i32
    scf.for %scan3A_36 = %scan3A to %scan3A_4 step %scan3A_5  : i32 {
      %mul3A_37 = arith.constant 1 : i32
      %mul3A_38 = arith.muli %scan3A_36, %mul3A_37 : i32
      %add3A_39 = arith.constant 0 : i32
      %add3A_40 = arith.addi %add3A_39, %mul3A_38 : i32
      %mul3A_41 = arith.constant 1024 : i32
      %mul3A_42 = arith.muli %add3A_40, %mul3A_41 : i32
      %mul3A_43 = arith.constant 32 : i32
      %mul3A_44 = arith.muli %add3A, %mul3A_43 : i32
      %add3A_45 = arith.addi %mul3A_42, %mul3A_44 : i32
      %mul3A_46 = arith.constant 32 : i32
      %mul3A_47 = arith.muli %add3A_40, %mul3A_46 : i32
      %dma_start3A_48 = tpu.memref_slice %arg8[%mul3A_47] : memref<16384xf32, #tpu.memory_space<vmem>> -> memref<32xf32, #tpu.memory_space<vmem>>
      %dma_start3A_49 = tpu.memref_slice %arg3[%add3A_45] : memref<524288xf32, #tpu.memory_space<hbm>> -> memref<32xf32, #tpu.memory_space<hbm>>
      %dma_start3A_50 = tpu.memref_slice %arg8[%mul3A_47] : memref<16384xf32, #tpu.memory_space<vmem>> -> memref<32xf32, #tpu.memory_space<vmem>>
      %dma_start3A_51 = tpu.memref_slice %arg3[%add3A_45] : memref<524288xf32, #tpu.memory_space<hbm>> -> memref<32xf32, #tpu.memory_space<hbm>>
      tpu.enqueue_dma source(%dma_start3A_51 : memref<32xf32, #tpu.memory_space<hbm>>) target(%dma_start3A_50 : memref<32xf32, #tpu.memory_space<vmem>>) target_semaphore(%arg12 : memref<!tpu.dma_semaphore, #tpu.memory_space<semaphore_mem>>)
    }
    %scan3A_6 = arith.constant 512 : i32
    %mul3A_7 = arith.constant 32 : i32
    %mul3A_8 = arith.muli %mul3A_2, %mul3A_7 : i32
    %mul3A_9 = arith.constant 128 : i32
    %mul3A_10 = arith.muli %mul3A_8, %mul3A_9 : i32
    %dma_start3A = tpu.memref_slice %arg2[%mul3A_10] : memref<67108864xf32, #tpu.memory_space<hbm>> -> memref<16384xf32, #tpu.memory_space<hbm>>
    %dma_start3A_11 = tpu.memref_slice %arg2[%mul3A_10] : memref<67108864xf32, #tpu.memory_space<hbm>> -> memref<16384xf32, #tpu.memory_space<hbm>>
    tpu.enqueue_dma source(%dma_start3A_11 : memref<16384xf32, #tpu.memory_space<hbm>>) target(%arg6 : memref<16384xf32, #tpu.memory_space<vmem>>) target_semaphore(%arg10 : memref<!tpu.dma_semaphore, #tpu.memory_space<semaphore_mem>>)
    %mul3A_12 = arith.constant 32 : i32
    %mul3A_13 = arith.muli %mul3A_2, %mul3A_12 : i32
    %mul3A_14 = arith.constant 128 : i32
    %mul3A_15 = arith.muli %mul3A_13, %mul3A_14 : i32
    %add3A_16 = arith.constant 16384 : i32
    %add3A_17 = arith.addi %mul3A_15, %add3A_16 : i32
    %dma_start3A_18 = tpu.memref_slice %arg2[%add3A_17] : memref<67108864xf32, #tpu.memory_space<hbm>> -> memref<16384xf32, #tpu.memory_space<hbm>>
    %dma_start3A_19 = tpu.memref_slice %arg2[%add3A_17] : memref<67108864xf32, #tpu.memory_space<hbm>> -> memref<16384xf32, #tpu.memory_space<hbm>>
    tpu.enqueue_dma source(%dma_start3A_19 : memref<16384xf32, #tpu.memory_space<hbm>>) target(%arg7 : memref<16384xf32, #tpu.memory_space<vmem>>) target_semaphore(%arg11 : memref<!tpu.dma_semaphore, #tpu.memory_space<semaphore_mem>>)
    %dma_wait3A = arith.constant 0 : i32
    %dma_wait3A_20 = tpu.memref_slice %arg3[%dma_wait3A] : memref<524288xf32, #tpu.memory_space<hbm>> -> memref<16384xf32, #tpu.memory_space<hbm>>
    %dma_wait3A_21 = arith.constant 0 : i32
    %dma_wait3A_22 = tpu.memref_slice %arg3[%dma_wait3A_21] : memref<524288xf32, #tpu.memory_space<hbm>> -> memref<16384xf32, #tpu.memory_space<hbm>>
    tpu.wait_dma2 semaphore(%arg12 : memref<!tpu.dma_semaphore, #tpu.memory_space<semaphore_mem>>) src(%dma_wait3A_22 : memref<16384xf32, #tpu.memory_space<hbm>>) dst(%arg8 : memref<16384xf32, #tpu.memory_space<vmem>>)
    %scan3A_23 = arith.constant 0 : i32
    %scan3A_24 = arith.constant 64 : i32
    %scan3A_25 = arith.addi %scan3A_23, %scan3A_24 : i32
    %scan3A_26 = arith.constant 1 : i32
    scf.for %scan3A_36 = %scan3A_23 to %scan3A_25 step %scan3A_26  : i32 {
      %mul3A_37 = arith.constant 2 : i32
      %mul3A_38 = arith.muli %scan3A_36, %mul3A_37 : i32
      %add3A_39 = arith.constant 0 : i32
      %add3A_40 = arith.addi %add3A_39, %mul3A_38 : i32
      %add3A_41 = arith.constant 0 : i32
      %add3A_42 = arith.addi %add3A_40, %add3A_41 : i32
      %dma_wait3A_43 = arith.constant 0 : i32
      %dma_wait3A_44 = tpu.memref_slice %arg2[%dma_wait3A_43] : memref<67108864xf32, #tpu.memory_space<hbm>> -> memref<16384xf32, #tpu.memory_space<hbm>>
      %dma_wait3A_45 = arith.constant 0 : i32
      %dma_wait3A_46 = tpu.memref_slice %arg2[%dma_wait3A_45] : memref<67108864xf32, #tpu.memory_space<hbm>> -> memref<16384xf32, #tpu.memory_space<hbm>>
      tpu.wait_dma2 semaphore(%arg10 : memref<!tpu.dma_semaphore, #tpu.memory_space<semaphore_mem>>) src(%dma_wait3A_46 : memref<16384xf32, #tpu.memory_space<hbm>>) dst(%arg6 : memref<16384xf32, #tpu.memory_space<vmem>>)
      %scan3A_47 = arith.constant 0 : i32
      %scan3A_48 = arith.constant 4 : i32
      %scan3A_49 = arith.addi %scan3A_47, %scan3A_48 : i32
      %scan3A_50 = arith.constant 1 : i32
      scf.for %scan3A_74 = %scan3A_47 to %scan3A_49 step %scan3A_50  : i32 {
        %mul3A_75 = arith.constant 1 : i32
        %mul3A_76 = arith.muli %scan3A_74, %mul3A_75 : i32
        %add3A_77 = arith.constant 0 : i32
        %add3A_78 = arith.addi %add3A_77, %mul3A_76 : i32
        %mul3A_79 = arith.constant 4 : i32
        %mul3A_80 = arith.muli %add3A_42, %mul3A_79 : i32
        %add3A_81 = arith.addi %mul3A_80, %add3A_78 : i32
        %jit3A = arith.constant 16 : i32
        %div3A = arith.divsi %add3A_81, %jit3A : i32
        %sign3A = arith.constant 0 : i32
        %sign3A_82 = arith.cmpi sgt, %add3A_81, %sign3A : i32
        %sign3A_83 = arith.extui %sign3A_82 : i1 to i32
        %sign3A_84 = arith.constant 0 : i32
        %sign3A_85 = arith.cmpi slt, %add3A_81, %sign3A_84 : i32
        %sign3A_86 = arith.extui %sign3A_85 : i1 to i32
        %sign3A_87 = arith.subi %sign3A_83, %sign3A_86 : i32
        %sign3A_88 = arith.constant 0 : i32
        %sign3A_89 = arith.cmpi sgt, %jit3A, %sign3A_88 : i32
        %sign3A_90 = arith.extui %sign3A_89 : i1 to i32
        %sign3A_91 = arith.constant 0 : i32
        %sign3A_92 = arith.cmpi slt, %jit3A, %sign3A_91 : i32
        %sign3A_93 = arith.extui %sign3A_92 : i1 to i32
        %sign3A_94 = arith.subi %sign3A_90, %sign3A_93 : i32
        %ne3A = arith.cmpi ne, %sign3A_87, %sign3A_94 : i32
        %rem3A = arith.remsi %add3A_81, %jit3A : i32
        %ne3A_95 = arith.constant 0 : i32
        %ne3A_96 = arith.cmpi ne, %rem3A, %ne3A_95 : i32
        %and3A = arith.andi %ne3A, %ne3A_96 : i1
        %sub3A = arith.constant 1 : i32
        %sub3A_97 = arith.subi %div3A, %sub3A : i32
        %select_n3A = arith.select %and3A, %sub3A_97, %div3A : i32
        %jit3A_98 = arith.constant 16 : i32
        %eq3A = arith.constant 0 : i32
        %eq3A_99 = arith.cmpi eq, %jit3A_98, %eq3A : i32
        %jit3A_100 = arith.constant 1 : i32
        %select_n3A_101 = arith.select %eq3A_99, %jit3A_100, %jit3A_98 : i32
        %rem3A_102 = arith.remsi %add3A_81, %select_n3A_101 : i32
        %ne3A_103 = arith.constant 0 : i32
        %ne3A_104 = arith.cmpi ne, %rem3A_102, %ne3A_103 : i32
        %lt3A_105 = arith.constant 0 : i32
        %lt3A_106 = arith.cmpi slt, %rem3A_102, %lt3A_105 : i32
        %lt3A_107 = arith.constant 0 : i32
        %lt3A_108 = arith.cmpi slt, %select_n3A_101, %lt3A_107 : i32
        %ne3A_109 = arith.xori %lt3A_106, %lt3A_108 : i1
        %and3A_110 = arith.andi %ne3A_109, %ne3A_104 : i1
        %add3A_111 = arith.addi %rem3A_102, %select_n3A_101 : i32
        %select_n3A_112 = arith.select %and3A_110, %add3A_111, %rem3A_102 : i32
        %jit3A_113 = arith.constant 2 : i32
        %div3A_114 = arith.divsi %select_n3A_112, %jit3A_113 : i32
        %sign3A_115 = arith.constant 0 : i32
        %sign3A_116 = arith.cmpi sgt, %select_n3A_112, %sign3A_115 : i32
        %sign3A_117 = arith.extui %sign3A_116 : i1 to i32
        %sign3A_118 = arith.constant 0 : i32
        %sign3A_119 = arith.cmpi slt, %select_n3A_112, %sign3A_118 : i32
        %sign3A_120 = arith.extui %sign3A_119 : i1 to i32
        %sign3A_121 = arith.subi %sign3A_117, %sign3A_120 : i32
        %sign3A_122 = arith.constant 0 : i32
        %sign3A_123 = arith.cmpi sgt, %jit3A_113, %sign3A_122 : i32
        %sign3A_124 = arith.extui %sign3A_123 : i1 to i32
        %sign3A_125 = arith.constant 0 : i32
        %sign3A_126 = arith.cmpi slt, %jit3A_113, %sign3A_125 : i32
        %sign3A_127 = arith.extui %sign3A_126 : i1 to i32
        %sign3A_128 = arith.subi %sign3A_124, %sign3A_127 : i32
        %ne3A_129 = arith.cmpi ne, %sign3A_121, %sign3A_128 : i32
        %rem3A_130 = arith.remsi %select_n3A_112, %jit3A_113 : i32
        %ne3A_131 = arith.constant 0 : i32
        %ne3A_132 = arith.cmpi ne, %rem3A_130, %ne3A_131 : i32
        %and3A_133 = arith.andi %ne3A_129, %ne3A_132 : i1
        %sub3A_134 = arith.constant 1 : i32
        %sub3A_135 = arith.subi %div3A_114, %sub3A_134 : i32
        %select_n3A_136 = arith.select %and3A_133, %sub3A_135, %div3A_114 : i32
        %jit3A_137 = arith.constant 2 : i32
        %eq3A_138 = arith.constant 0 : i32
        %eq3A_139 = arith.cmpi eq, %jit3A_137, %eq3A_138 : i32
        %jit3A_140 = arith.constant 1 : i32
        %select_n3A_141 = arith.select %eq3A_139, %jit3A_140, %jit3A_137 : i32
        %rem3A_142 = arith.remsi %select_n3A_112, %select_n3A_141 : i32
        %ne3A_143 = arith.constant 0 : i32
        %ne3A_144 = arith.cmpi ne, %rem3A_142, %ne3A_143 : i32
        %lt3A_145 = arith.constant 0 : i32
        %lt3A_146 = arith.cmpi slt, %rem3A_142, %lt3A_145 : i32
        %lt3A_147 = arith.constant 0 : i32
        %lt3A_148 = arith.cmpi slt, %select_n3A_141, %lt3A_147 : i32
        %ne3A_149 = arith.xori %lt3A_146, %lt3A_148 : i1
        %and3A_150 = arith.andi %ne3A_149, %ne3A_144 : i1
        %add3A_151 = arith.addi %rem3A_142, %select_n3A_141 : i32
        %select_n3A_152 = arith.select %and3A_150, %add3A_151, %rem3A_142 : i32
        %broadcast_in_dim3A = arith.constant 0.000000e+00 : f32
        %broadcast_in_dim3A_153 = vector.broadcast %broadcast_in_dim3A : f32 to vector<16xf32>
        %broadcast_in_dim3A_154 = arith.constant 0.000000e+00 : f32
        %broadcast_in_dim3A_155 = vector.broadcast %broadcast_in_dim3A_154 : f32 to vector<16xf32>
        %broadcast_in_dim3A_156 = arith.constant 0.000000e+00 : f32
        %broadcast_in_dim3A_157 = vector.broadcast %broadcast_in_dim3A_156 : f32 to vector<16xf32>
        %broadcast_in_dim3A_158 = arith.constant 0.000000e+00 : f32
        %broadcast_in_dim3A_159 = vector.broadcast %broadcast_in_dim3A_158 : f32 to vector<16xf32>
        %broadcast_in_dim3A_160 = arith.constant 0.000000e+00 : f32
        %broadcast_in_dim3A_161 = vector.broadcast %broadcast_in_dim3A_160 : f32 to vector<16xf32>
        %broadcast_in_dim3A_162 = arith.constant 0.000000e+00 : f32
        %broadcast_in_dim3A_163 = vector.broadcast %broadcast_in_dim3A_162 : f32 to vector<16xf32>
        %broadcast_in_dim3A_164 = arith.constant 0.000000e+00 : f32
        %broadcast_in_dim3A_165 = vector.broadcast %broadcast_in_dim3A_164 : f32 to vector<16xf32>
        %broadcast_in_dim3A_166 = arith.constant 0.000000e+00 : f32
        %broadcast_in_dim3A_167 = vector.broadcast %broadcast_in_dim3A_166 : f32 to vector<16xf32>
        %broadcast_in_dim3A_168 = arith.constant 0 : i32
        %broadcast_in_dim3A_169 = vector.broadcast %broadcast_in_dim3A_168 : i32 to vector<16xi32>
        %mul3A_170 = arith.constant 32 : i32
        %mul3A_171 = arith.muli %select_n3A_112, %mul3A_170 : i32
        %add3A_172 = arith.constant 0 : i32
        %add3A_173 = arith.addi %mul3A_171, %add3A_172 : i32
        %mul3A_174 = arith.constant 32 : i32
        %mul3A_175 = arith.muli %add3A_173, %mul3A_174 : i32
        %add3A_176 = arith.addi %mul3A_175, %select_n3A : i32
        %add3A_177 = vector.broadcast %add3A_176 : i32 to vector<16xi32>
        %add3A_178 = arith.addi %broadcast_in_dim3A_169, %add3A_177 : vector<16xi32>
        %gather3A = tpu.vector_load_idx %arg8[%add3A_178] : memref<16384xf32, #tpu.memory_space<vmem>>[vector<16xi32>], vector<16xf32>,
        %mul3A_179 = arith.constant 32 : i32
        %mul3A_180 = arith.muli %add3A_78, %mul3A_179 : i32
        %add3A_181 = arith.constant 0 : i32
        %add3A_182 = arith.addi %mul3A_180, %add3A_181 : i32
        %mul3A_183 = arith.constant 128 : i32
        %mul3A_184 = arith.muli %add3A_182, %mul3A_183 : i32
        %add3A_185 = arith.constant 0 : i32
        %add3A_186 = arith.addi %mul3A_184, %add3A_185 : i32
        %get3A = arith.index_cast %add3A_186 : i32 to index
        %get3A_187 = tpu.vector_load %arg6[%get3A] {strides = array<i32>} : memref<16384xf32, #tpu.memory_space<vmem>>, vector<16xf32>,
        %mul3A_188 = arith.mulf %gather3A, %get3A_187 : vector<16xf32>
        %add3A_189 = arith.addf %broadcast_in_dim3A_153, %mul3A_188 : vector<16xf32>
        %add3A_190 = arith.constant 16 : i32
        %add3A_191 = arith.addi %mul3A_184, %add3A_190 : i32
        %get3A_192 = arith.index_cast %add3A_191 : i32 to index
        %get3A_193 = tpu.vector_load %arg6[%get3A_192] {strides = array<i32>} : memref<16384xf32, #tpu.memory_space<vmem>>, vector<16xf32>,
        %mul3A_194 = arith.mulf %gather3A, %get3A_193 : vector<16xf32>
        %add3A_195 = arith.addf %broadcast_in_dim3A_155, %mul3A_194 : vector<16xf32>
        %add3A_196 = arith.constant 32 : i32
        %add3A_197 = arith.addi %mul3A_184, %add3A_196 : i32
        %get3A_198 = arith.index_cast %add3A_197 : i32 to index
        %get3A_199 = tpu.vector_load %arg6[%get3A_198] {strides = array<i32>} : memref<16384xf32, #tpu.memory_space<vmem>>, vector<16xf32>,
        %mul3A_200 = arith.mulf %gather3A, %get3A_199 : vector<16xf32>
        %add3A_201 = arith.addf %broadcast_in_dim3A_157, %mul3A_200 : vector<16xf32>
        %add3A_202 = arith.constant 48 : i32
        %add3A_203 = arith.addi %mul3A_184, %add3A_202 : i32
        %get3A_204 = arith.index_cast %add3A_203 : i32 to index
        %get3A_205 = tpu.vector_load %arg6[%get3A_204] {strides = array<i32>} : memref<16384xf32, #tpu.memory_space<vmem>>, vector<16xf32>,
        %mul3A_206 = arith.mulf %gather3A, %get3A_205 : vector<16xf32>
        %add3A_207 = arith.addf %broadcast_in_dim3A_159, %mul3A_206 : vector<16xf32>
        %add3A_208 = arith.constant 64 : i32
        %add3A_209 = arith.addi %mul3A_184, %add3A_208 : i32
        %get3A_210 = arith.index_cast %add3A_209 : i32 to index
        %get3A_211 = tpu.vector_load %arg6[%get3A_210] {strides = array<i32>} : memref<16384xf32, #tpu.memory_space<vmem>>, vector<16xf32>,
        %mul3A_212 = arith.mulf %gather3A, %get3A_211 : vector<16xf32>
        %add3A_213 = arith.addf %broadcast_in_dim3A_161, %mul3A_212 : vector<16xf32>
        %add3A_214 = arith.constant 80 : i32
        %add3A_215 = arith.addi %mul3A_184, %add3A_214 : i32
        %get3A_216 = arith.index_cast %add3A_215 : i32 to index
        %get3A_217 = tpu.vector_load %arg6[%get3A_216] {strides = array<i32>} : memref<16384xf32, #tpu.memory_space<vmem>>, vector<16xf32>,
        %mul3A_218 = arith.mulf %gather3A, %get3A_217 : vector<16xf32>
        %add3A_219 = arith.addf %broadcast_in_dim3A_163, %mul3A_218 : vector<16xf32>
        %add3A_220 = arith.constant 96 : i32
        %add3A_221 = arith.addi %mul3A_184, %add3A_220 : i32
        %get3A_222 = arith.index_cast %add3A_221 : i32 to index
        %get3A_223 = tpu.vector_load %arg6[%get3A_222] {strides = array<i32>} : memref<16384xf32, #tpu.memory_space<vmem>>, vector<16xf32>,
        %mul3A_224 = arith.mulf %gather3A, %get3A_223 : vector<16xf32>
        %add3A_225 = arith.addf %broadcast_in_dim3A_165, %mul3A_224 : vector<16xf32>
        %add3A_226 = arith.constant 112 : i32
        %add3A_227 = arith.addi %mul3A_184, %add3A_226 : i32
        %get3A_228 = arith.index_cast %add3A_227 : i32 to index
        %get3A_229 = tpu.vector_load %arg6[%get3A_228] {strides = array<i32>} : memref<16384xf32, #tpu.memory_space<vmem>>, vector<16xf32>,
        %mul3A_230 = arith.mulf %gather3A, %get3A_229 : vector<16xf32>
        %add3A_231 = arith.addf %broadcast_in_dim3A_167, %mul3A_230 : vector<16xf32>
        %broadcast_in_dim3A_232 = arith.constant 0 : i32
        %broadcast_in_dim3A_233 = vector.broadcast %broadcast_in_dim3A_232 : i32 to vector<16xi32>
        %mul3A_234 = arith.constant 32 : i32
        %mul3A_235 = arith.muli %select_n3A_112, %mul3A_234 : i32
        %add3A_236 = arith.constant 1 : i32
        %add3A_237 = arith.addi %mul3A_235, %add3A_236 : i32
        %mul3A_238 = arith.constant 32 : i32
        %mul3A_239 = arith.muli %add3A_237, %mul3A_238 : i32
        %add3A_240 = arith.addi %mul3A_239, %select_n3A : i32
        %add3A_241 = vector.broadcast %add3A_240 : i32 to vector<16xi32>
        %add3A_242 = arith.addi %broadcast_in_dim3A_233, %add3A_241 : vector<16xi32>
        %gather3A_243 = tpu.vector_load_idx %arg8[%add3A_242] : memref<16384xf32, #tpu.memory_space<vmem>>[vector<16xi32>], vector<16xf32>,
        %mul3A_244 = arith.constant 32 : i32
        %mul3A_245 = arith.muli %add3A_78, %mul3A_244 : i32
        %add3A_246 = arith.constant 1 : i32
        %add3A_247 = arith.addi %mul3A_245, %add3A_246 : i32
        %mul3A_248 = arith.constant 128 : i32
        %mul3A_249 = arith.muli %add3A_247, %mul3A_248 : i32
        %add3A_250 = arith.constant 0 : i32
        %add3A_251 = arith.addi %mul3A_249, %add3A_250 : i32
        %get3A_252 = arith.index_cast %add3A_251 : i32 to index
        %get3A_253 = tpu.vector_load %arg6[%get3A_252] {strides = array<i32>} : memref<16384xf32, #tpu.memory_space<vmem>>, vector<16xf32>,
        %mul3A_254 = arith.mulf %gather3A_243, %get3A_253 : vector<16xf32>
        %add3A_255 = arith.addf %add3A_189, %mul3A_254 : vector<16xf32>
        %add3A_256 = arith.constant 16 : i32
        %add3A_257 = arith.addi %mul3A_249, %add3A_256 : i32
        %get3A_258 = arith.index_cast %add3A_257 : i32 to index
        %get3A_259 = tpu.vector_load %arg6[%get3A_258] {strides = array<i32>} : memref<16384xf32, #tpu.memory_space<vmem>>, vector<16xf32>,
        %mul3A_260 = arith.mulf %gather3A_243, %get3A_259 : vector<16xf32>
        %add3A_261 = arith.addf %add3A_195, %mul3A_260 : vector<16xf32>
        %add3A_262 = arith.constant 32 : i32
        %add3A_263 = arith.addi %mul3A_249, %add3A_262 : i32
        %get3A_264 = arith.index_cast %add3A_263 : i32 to index
        %get3A_265 = tpu.vector_load %arg6[%get3A_264] {strides = array<i32>} : memref<16384xf32, #tpu.memory_space<vmem>>, vector<16xf32>,
        %mul3A_266 = arith.mulf %gather3A_243, %get3A_265 : vector<16xf32>
        %add3A_267 = arith.addf %add3A_201, %mul3A_266 : vector<16xf32>
        %add3A_268 = arith.constant 48 : i32
        %add3A_269 = arith.addi %mul3A_249, %add3A_268 : i32
        %get3A_270 = arith.index_cast %add3A_269 : i32 to index
        %get3A_271 = tpu.vector_load %arg6[%get3A_270] {strides = array<i32>} : memref<16384xf32, #tpu.memory_space<vmem>>, vector<16xf32>,
        %mul3A_272 = arith.mulf %gather3A_243, %get3A_271 : vector<16xf32>
        %add3A_273 = arith.addf %add3A_207, %mul3A_272 : vector<16xf32>
        %add3A_274 = arith.constant 64 : i32
        %add3A_275 = arith.addi %mul3A_249, %add3A_274 : i32
        %get3A_276 = arith.index_cast %add3A_275 : i32 to index
        %get3A_277 = tpu.vector_load %arg6[%get3A_276] {strides = array<i32>} : memref<16384xf32, #tpu.memory_space<vmem>>, vector<16xf32>,
        %mul3A_278 = arith.mulf %gather3A_243, %get3A_277 : vector<16xf32>
        %add3A_279 = arith.addf %add3A_213, %mul3A_278 : vector<16xf32>
        %add3A_280 = arith.constant 80 : i32
        %add3A_281 = arith.addi %mul3A_249, %add3A_280 : i32
        %get3A_282 = arith.index_cast %add3A_281 : i32 to index
        %get3A_283 = tpu.vector_load %arg6[%get3A_282] {strides = array<i32>} : memref<16384xf32, #tpu.memory_space<vmem>>, vector<16xf32>,
        %mul3A_284 = arith.mulf %gather3A_243, %get3A_283 : vector<16xf32>
        %add3A_285 = arith.addf %add3A_219, %mul3A_284 : vector<16xf32>
        %add3A_286 = arith.constant 96 : i32
        %add3A_287 = arith.addi %mul3A_249, %add3A_286 : i32
        %get3A_288 = arith.index_cast %add3A_287 : i32 to index
        %get3A_289 = tpu.vector_load %arg6[%get3A_288] {strides = array<i32>} : memref<16384xf32, #tpu.memory_space<vmem>>, vector<16xf32>,
        %mul3A_290 = arith.mulf %gather3A_243, %get3A_289 : vector<16xf32>
        %add3A_291 = arith.addf %add3A_225, %mul3A_290 : vector<16xf32>
        %add3A_292 = arith.constant 112 : i32
        %add3A_293 = arith.addi %mul3A_249, %add3A_292 : i32
        %get3A_294 = arith.index_cast %add3A_293 : i32 to index
        %get3A_295 = tpu.vector_load %arg6[%get3A_294] {strides = array<i32>} : memref<16384xf32, #tpu.memory_space<vmem>>, vector<16xf32>,
        %mul3A_296 = arith.mulf %gather3A_243, %get3A_295 : vector<16xf32>
        %add3A_297 = arith.addf %add3A_231, %mul3A_296 : vector<16xf32>
        %broadcast_in_dim3A_298 = arith.constant 0 : i32
        %broadcast_in_dim3A_299 = vector.broadcast %broadcast_in_dim3A_298 : i32 to vector<16xi32>
        %mul3A_300 = arith.constant 32 : i32
        %mul3A_301 = arith.muli %select_n3A_112, %mul3A_300 : i32
        %add3A_302 = arith.constant 2 : i32
        %add3A_303 = arith.addi %mul3A_301, %add3A_302 : i32
        %mul3A_304 = arith.constant 32 : i32
        %mul3A_305 = arith.muli %add3A_303, %mul3A_304 : i32
        %add3A_306 = arith.addi %mul3A_305, %select_n3A : i32
        %add3A_307 = vector.broadcast %add3A_306 : i32 to vector<16xi32>
        %add3A_308 = arith.addi %broadcast_in_dim3A_299, %add3A_307 : vector<16xi32>
        %gather3A_309 = tpu.vector_load_idx %arg8[%add3A_308] : memref<16384xf32, #tpu.memory_space<vmem>>[vector<16xi32>], vector<16xf32>,
        %mul3A_310 = arith.constant 32 : i32
        %mul3A_311 = arith.muli %add3A_78, %mul3A_310 : i32
        %add3A_312 = arith.constant 2 : i32
        %add3A_313 = arith.addi %mul3A_311, %add3A_312 : i32
        %mul3A_314 = arith.constant 128 : i32
        %mul3A_315 = arith.muli %add3A_313, %mul3A_314 : i32
        %add3A_316 = arith.constant 0 : i32
        %add3A_317 = arith.addi %mul3A_315, %add3A_316 : i32
        %get3A_318 = arith.index_cast %add3A_317 : i32 to index
        %get3A_319 = tpu.vector_load %arg6[%get3A_318] {strides = array<i32>} : memref<16384xf32, #tpu.memory_space<vmem>>, vector<16xf32>,
        %mul3A_320 = arith.mulf %gather3A_309, %get3A_319 : vector<16xf32>
        %add3A_321 = arith.addf %add3A_255, %mul3A_320 : vector<16xf32>
        %add3A_322 = arith.constant 16 : i32
        %add3A_323 = arith.addi %mul3A_315, %add3A_322 : i32
        %get3A_324 = arith.index_cast %add3A_323 : i32 to index
        %get3A_325 = tpu.vector_load %arg6[%get3A_324] {strides = array<i32>} : memref<16384xf32, #tpu.memory_space<vmem>>, vector<16xf32>,
        %mul3A_326 = arith.mulf %gather3A_309, %get3A_325 : vector<16xf32>
        %add3A_327 = arith.addf %add3A_261, %mul3A_326 : vector<16xf32>
        %add3A_328 = arith.constant 32 : i32
        %add3A_329 = arith.addi %mul3A_315, %add3A_328 : i32
        %get3A_330 = arith.index_cast %add3A_329 : i32 to index
        %get3A_331 = tpu.vector_load %arg6[%get3A_330] {strides = array<i32>} : memref<16384xf32, #tpu.memory_space<vmem>>, vector<16xf32>,
        %mul3A_332 = arith.mulf %gather3A_309, %get3A_331 : vector<16xf32>
        %add3A_333 = arith.addf %add3A_267, %mul3A_332 : vector<16xf32>
        %add3A_334 = arith.constant 48 : i32
        %add3A_335 = arith.addi %mul3A_315, %add3A_334 : i32
        %get3A_336 = arith.index_cast %add3A_335 : i32 to index
        %get3A_337 = tpu.vector_load %arg6[%get3A_336] {strides = array<i32>} : memref<16384xf32, #tpu.memory_space<vmem>>, vector<16xf32>,
        %mul3A_338 = arith.mulf %gather3A_309, %get3A_337 : vector<16xf32>
        %add3A_339 = arith.addf %add3A_273, %mul3A_338 : vector<16xf32>
        %add3A_340 = arith.constant 64 : i32
        %add3A_341 = arith.addi %mul3A_315, %add3A_340 : i32
        %get3A_342 = arith.index_cast %add3A_341 : i32 to index
        %get3A_343 = tpu.vector_load %arg6[%get3A_342] {strides = array<i32>} : memref<16384xf32, #tpu.memory_space<vmem>>, vector<16xf32>,
        %mul3A_344 = arith.mulf %gather3A_309, %get3A_343 : vector<16xf32>
        %add3A_345 = arith.addf %add3A_279, %mul3A_344 : vector<16xf32>
        %add3A_346 = arith.constant 80 : i32
        %add3A_347 = arith.addi %mul3A_315, %add3A_346 : i32
        %get3A_348 = arith.index_cast %add3A_347 : i32 to index
        %get3A_349 = tpu.vector_load %arg6[%get3A_348] {strides = array<i32>} : memref<16384xf32, #tpu.memory_space<vmem>>, vector<16xf32>,
        %mul3A_350 = arith.mulf %gather3A_309, %get3A_349 : vector<16xf32>
        %add3A_351 = arith.addf %add3A_285, %mul3A_350 : vector<16xf32>
        %add3A_352 = arith.constant 96 : i32
        %add3A_353 = arith.addi %mul3A_315, %add3A_352 : i32
        %get3A_354 = arith.index_cast %add3A_353 : i32 to index
        %get3A_355 = tpu.vector_load %arg6[%get3A_354] {strides = array<i32>} : memref<16384xf32, #tpu.memory_space<vmem>>, vector<16xf32>,
        %mul3A_356 = arith.mulf %gather3A_309, %get3A_355 : vector<16xf32>
        %add3A_357 = arith.addf %add3A_291, %mul3A_356 : vector<16xf32>
        %add3A_358 = arith.constant 112 : i32
        %add3A_359 = arith.addi %mul3A_315, %add3A_358 : i32
        %get3A_360 = arith.index_cast %add3A_359 : i32 to index
        %get3A_361 = tpu.vector_load %arg6[%get3A_360] {strides = array<i32>} : memref<16384xf32, #tpu.memory_space<vmem>>, vector<16xf32>,
        %mul3A_362 = arith.mulf %gather3A_309, %get3A_361 : vector<16xf32>
        %add3A_363 = arith.addf %add3A_297, %mul3A_362 : vector<16xf32>
        %broadcast_in_dim3A_364 = arith.constant 0 : i32
        %broadcast_in_dim3A_365 = vector.broadcast %broadcast_in_dim3A_364 : i32 to vector<16xi32>
        %mul3A_366 = arith.constant 32 : i32
        %mul3A_367 = arith.muli %select_n3A_112, %mul3A_366 : i32
        %add3A_368 = arith.constant 3 : i32
        %add3A_369 = arith.addi %mul3A_367, %add3A_368 : i32
        %mul3A_370 = arith.constant 32 : i32
        %mul3A_371 = arith.muli %add3A_369, %mul3A_370 : i32
        %add3A_372 = arith.addi %mul3A_371, %select_n3A : i32
        %add3A_373 = vector.broadcast %add3A_372 : i32 to vector<16xi32>
        %add3A_374 = arith.addi %broadcast_in_dim3A_365, %add3A_373 : vector<16xi32>
        %gather3A_375 = tpu.vector_load_idx %arg8[%add3A_374] : memref<16384xf32, #tpu.memory_space<vmem>>[vector<16xi32>], vector<16xf32>,
        %mul3A_376 = arith.constant 32 : i32
        %mul3A_377 = arith.muli %add3A_78, %mul3A_376 : i32
        %add3A_378 = arith.constant 3 : i32
        %add3A_379 = arith.addi %mul3A_377, %add3A_378 : i32
        %mul3A_380 = arith.constant 128 : i32
        %mul3A_381 = arith.muli %add3A_379, %mul3A_380 : i32
        %add3A_382 = arith.constant 0 : i32
        %add3A_383 = arith.addi %mul3A_381, %add3A_382 : i32
        %get3A_384 = arith.index_cast %add3A_383 : i32 to index
        %get3A_385 = tpu.vector_load %arg6[%get3A_384] {strides = array<i32>} : memref<16384xf32, #tpu.memory_space<vmem>>, vector<16xf32>,
        %mul3A_386 = arith.mulf %gather3A_375, %get3A_385 : vector<16xf32>
        %add3A_387 = arith.addf %add3A_321, %mul3A_386 : vector<16xf32>
        %add3A_388 = arith.constant 16 : i32
        %add3A_389 = arith.addi %mul3A_381, %add3A_388 : i32
        %get3A_390 = arith.index_cast %add3A_389 : i32 to index
        %get3A_391 = tpu.vector_load %arg6[%get3A_390] {strides = array<i32>} : memref<16384xf32, #tpu.memory_space<vmem>>, vector<16xf32>,
        %mul3A_392 = arith.mulf %gather3A_375, %get3A_391 : vector<16xf32>
        %add3A_393 = arith.addf %add3A_327, %mul3A_392 : vector<16xf32>
        %add3A_394 = arith.constant 32 : i32
        %add3A_395 = arith.addi %mul3A_381, %add3A_394 : i32
        %get3A_396 = arith.index_cast %add3A_395 : i32 to index
        %get3A_397 = tpu.vector_load %arg6[%get3A_396] {strides = array<i32>} : memref<16384xf32, #tpu.memory_space<vmem>>, vector<16xf32>,
        %mul3A_398 = arith.mulf %gather3A_375, %get3A_397 : vector<16xf32>
        %add3A_399 = arith.addf %add3A_333, %mul3A_398 : vector<16xf32>
        %add3A_400 = arith.constant 48 : i32
        %add3A_401 = arith.addi %mul3A_381, %add3A_400 : i32
        %get3A_402 = arith.index_cast %add3A_401 : i32 to index
        %get3A_403 = tpu.vector_load %arg6[%get3A_402] {strides = array<i32>} : memref<16384xf32, #tpu.memory_space<vmem>>, vector<16xf32>,
        %mul3A_404 = arith.mulf %gather3A_375, %get3A_403 : vector<16xf32>
        %add3A_405 = arith.addf %add3A_339, %mul3A_404 : vector<16xf32>
        %add3A_406 = arith.constant 64 : i32
        %add3A_407 = arith.addi %mul3A_381, %add3A_406 : i32
        %get3A_408 = arith.index_cast %add3A_407 : i32 to index
        %get3A_409 = tpu.vector_load %arg6[%get3A_408] {strides = array<i32>} : memref<16384xf32, #tpu.memory_space<vmem>>, vector<16xf32>,
        %mul3A_410 = arith.mulf %gather3A_375, %get3A_409 : vector<16xf32>
        %add3A_411 = arith.addf %add3A_345, %mul3A_410 : vector<16xf32>
        %add3A_412 = arith.constant 80 : i32
        %add3A_413 = arith.addi %mul3A_381, %add3A_412 : i32
        %get3A_414 = arith.index_cast %add3A_413 : i32 to index
        %get3A_415 = tpu.vector_load %arg6[%get3A_414] {strides = array<i32>} : memref<16384xf32, #tpu.memory_space<vmem>>, vector<16xf32>,
        %mul3A_416 = arith.mulf %gather3A_375, %get3A_415 : vector<16xf32>
        %add3A_417 = arith.addf %add3A_351, %mul3A_416 : vector<16xf32>
        %add3A_418 = arith.constant 96 : i32
        %add3A_419 = arith.addi %mul3A_381, %add3A_418 : i32
        %get3A_420 = arith.index_cast %add3A_419 : i32 to index
        %get3A_421 = tpu.vector_load %arg6[%get3A_420] {strides = array<i32>} : memref<16384xf32, #tpu.memory_space<vmem>>, vector<16xf32>,
        %mul3A_422 = arith.mulf %gather3A_375, %get3A_421 : vector<16xf32>
        %add3A_423 = arith.addf %add3A_357, %mul3A_422 : vector<16xf32>
        %add3A_424 = arith.constant 112 : i32
        %add3A_425 = arith.addi %mul3A_381, %add3A_424 : i32
        %get3A_426 = arith.index_cast %add3A_425 : i32 to index
        %get3A_427 = tpu.vector_load %arg6[%get3A_426] {strides = array<i32>} : memref<16384xf32, #tpu.memory_space<vmem>>, vector<16xf32>,
        %mul3A_428 = arith.mulf %gather3A_375, %get3A_427 : vector<16xf32>
        %add3A_429 = arith.addf %add3A_363, %mul3A_428 : vector<16xf32>
        %broadcast_in_dim3A_430 = arith.constant 0 : i32
        %broadcast_in_dim3A_431 = vector.broadcast %broadcast_in_dim3A_430 : i32 to vector<16xi32>
        %mul3A_432 = arith.constant 32 : i32
        %mul3A_433 = arith.muli %select_n3A_112, %mul3A_432 : i32
        %add3A_434 = arith.constant 4 : i32
        %add3A_435 = arith.addi %mul3A_433, %add3A_434 : i32
        %mul3A_436 = arith.constant 32 : i32
        %mul3A_437 = arith.muli %add3A_435, %mul3A_436 : i32
        %add3A_438 = arith.addi %mul3A_437, %select_n3A : i32
        %add3A_439 = vector.broadcast %add3A_438 : i32 to vector<16xi32>
        %add3A_440 = arith.addi %broadcast_in_dim3A_431, %add3A_439 : vector<16xi32>
        %gather3A_441 = tpu.vector_load_idx %arg8[%add3A_440] : memref<16384xf32, #tpu.memory_space<vmem>>[vector<16xi32>], vector<16xf32>,
        %mul3A_442 = arith.constant 32 : i32
        %mul3A_443 = arith.muli %add3A_78, %mul3A_442 : i32
        %add3A_444 = arith.constant 4 : i32
        %add3A_445 = arith.addi %mul3A_443, %add3A_444 : i32
        %mul3A_446 = arith.constant 128 : i32
        %mul3A_447 = arith.muli %add3A_445, %mul3A_446 : i32
        %add3A_448 = arith.constant 0 : i32
        %add3A_449 = arith.addi %mul3A_447, %add3A_448 : i32
        %get3A_450 = arith.index_cast %add3A_449 : i32 to index
        %get3A_451 = tpu.vector_load %arg6[%get3A_450] {strides = array<i32>} : memref<16384xf32, #tpu.memory_space<vmem>>, vector<16xf32>,
        %mul3A_452 = arith.mulf %gather3A_441, %get3A_451 : vector<16xf32>
        %add3A_453 = arith.addf %add3A_387, %mul3A_452 : vector<16xf32>
        %add3A_454 = arith.constant 16 : i32
        %add3A_455 = arith.addi %mul3A_447, %add3A_454 : i32
        %get3A_456 = arith.index_cast %add3A_455 : i32 to index
        %get3A_457 = tpu.vector_load %arg6[%get3A_456] {strides = array<i32>} : memref<16384xf32, #tpu.memory_space<vmem>>, vector<16xf32>,
        %mul3A_458 = arith.mulf %gather3A_441, %get3A_457 : vector<16xf32>
        %add3A_459 = arith.addf %add3A_393, %mul3A_458 : vector<16xf32>
        %add3A_460 = arith.constant 32 : i32
        %add3A_461 = arith.addi %mul3A_447, %add3A_460 : i32
        %get3A_462 = arith.index_cast %add3A_461 : i32 to index
        %get3A_463 = tpu.vector_load %arg6[%get3A_462] {strides = array<i32>} : memref<16384xf32, #tpu.memory_space<vmem>>, vector<16xf32>,
        %mul3A_464 = arith.mulf %gather3A_441, %get3A_463 : vector<16xf32>
        %add3A_465 = arith.addf %add3A_399, %mul3A_464 : vector<16xf32>
        %add3A_466 = arith.constant 48 : i32
        %add3A_467 = arith.addi %mul3A_447, %add3A_466 : i32
        %get3A_468 = arith.index_cast %add3A_467 : i32 to index
        %get3A_469 = tpu.vector_load %arg6[%get3A_468] {strides = array<i32>} : memref<16384xf32, #tpu.memory_space<vmem>>, vector<16xf32>,
        %mul3A_470 = arith.mulf %gather3A_441, %get3A_469 : vector<16xf32>
        %add3A_471 = arith.addf %add3A_405, %mul3A_470 : vector<16xf32>
        %add3A_472 = arith.constant 64 : i32
        %add3A_473 = arith.addi %mul3A_447, %add3A_472 : i32
        %get3A_474 = arith.index_cast %add3A_473 : i32 to index
        %get3A_475 = tpu.vector_load %arg6[%get3A_474] {strides = array<i32>} : memref<16384xf32, #tpu.memory_space<vmem>>, vector<16xf32>,
        %mul3A_476 = arith.mulf %gather3A_441, %get3A_475 : vector<16xf32>
        %add3A_477 = arith.addf %add3A_411, %mul3A_476 : vector<16xf32>
        %add3A_478 = arith.constant 80 : i32
        %add3A_479 = arith.addi %mul3A_447, %add3A_478 : i32
        %get3A_480 = arith.index_cast %add3A_479 : i32 to index
        %get3A_481 = tpu.vector_load %arg6[%get3A_480] {strides = array<i32>} : memref<16384xf32, #tpu.memory_space<vmem>>, vector<16xf32>,
        %mul3A_482 = arith.mulf %gather3A_441, %get3A_481 : vector<16xf32>
        %add3A_483 = arith.addf %add3A_417, %mul3A_482 : vector<16xf32>
        %add3A_484 = arith.constant 96 : i32
        %add3A_485 = arith.addi %mul3A_447, %add3A_484 : i32
        %get3A_486 = arith.index_cast %add3A_485 : i32 to index
        %get3A_487 = tpu.vector_load %arg6[%get3A_486] {strides = array<i32>} : memref<16384xf32, #tpu.memory_space<vmem>>, vector<16xf32>,
        %mul3A_488 = arith.mulf %gather3A_441, %get3A_487 : vector<16xf32>
        %add3A_489 = arith.addf %add3A_423, %mul3A_488 : vector<16xf32>
        %add3A_490 = arith.constant 112 : i32
        %add3A_491 = arith.addi %mul3A_447, %add3A_490 : i32
        %get3A_492 = arith.index_cast %add3A_491 : i32 to index
        %get3A_493 = tpu.vector_load %arg6[%get3A_492] {strides = array<i32>} : memref<16384xf32, #tpu.memory_space<vmem>>, vector<16xf32>,
        %mul3A_494 = arith.mulf %gather3A_441, %get3A_493 : vector<16xf32>
        %add3A_495 = arith.addf %add3A_429, %mul3A_494 : vector<16xf32>
        %broadcast_in_dim3A_496 = arith.constant 0 : i32
        %broadcast_in_dim3A_497 = vector.broadcast %broadcast_in_dim3A_496 : i32 to vector<16xi32>
        %mul3A_498 = arith.constant 32 : i32
        %mul3A_499 = arith.muli %select_n3A_112, %mul3A_498 : i32
        %add3A_500 = arith.constant 5 : i32
        %add3A_501 = arith.addi %mul3A_499, %add3A_500 : i32
        %mul3A_502 = arith.constant 32 : i32
        %mul3A_503 = arith.muli %add3A_501, %mul3A_502 : i32
        %add3A_504 = arith.addi %mul3A_503, %select_n3A : i32
        %add3A_505 = vector.broadcast %add3A_504 : i32 to vector<16xi32>
        %add3A_506 = arith.addi %broadcast_in_dim3A_497, %add3A_505 : vector<16xi32>
        %gather3A_507 = tpu.vector_load_idx %arg8[%add3A_506] : memref<16384xf32, #tpu.memory_space<vmem>>[vector<16xi32>], vector<16xf32>,
        %mul3A_508 = arith.constant 32 : i32
        %mul3A_509 = arith.muli %add3A_78, %mul3A_508 : i32
        %add3A_510 = arith.constant 5 : i32
        %add3A_511 = arith.addi %mul3A_509, %add3A_510 : i32
        %mul3A_512 = arith.constant 128 : i32
        %mul3A_513 = arith.muli %add3A_511, %mul3A_512 : i32
        %add3A_514 = arith.constant 0 : i32
        %add3A_515 = arith.addi %mul3A_513, %add3A_514 : i32
        %get3A_516 = arith.index_cast %add3A_515 : i32 to index
        %get3A_517 = tpu.vector_load %arg6[%get3A_516] {strides = array<i32>} : memref<16384xf32, #tpu.memory_space<vmem>>, vector<16xf32>,
        %mul3A_518 = arith.mulf %gather3A_507, %get3A_517 : vector<16xf32>
        %add3A_519 = arith.addf %add3A_453, %mul3A_518 : vector<16xf32>
        %add3A_520 = arith.constant 16 : i32
        %add3A_521 = arith.addi %mul3A_513, %add3A_520 : i32
        %get3A_522 = arith.index_cast %add3A_521 : i32 to index
        %get3A_523 = tpu.vector_load %arg6[%get3A_522] {strides = array<i32>} : memref<16384xf32, #tpu.memory_space<vmem>>, vector<16xf32>,
        %mul3A_524 = arith.mulf %gather3A_507, %get3A_523 : vector<16xf32>
        %add3A_525 = arith.addf %add3A_459, %mul3A_524 : vector<16xf32>
        %add3A_526 = arith.constant 32 : i32
        %add3A_527 = arith.addi %mul3A_513, %add3A_526 : i32
        %get3A_528 = arith.index_cast %add3A_527 : i32 to index
        %get3A_529 = tpu.vector_load %arg6[%get3A_528] {strides = array<i32>} : memref<16384xf32, #tpu.memory_space<vmem>>, vector<16xf32>,
        %mul3A_530 = arith.mulf %gather3A_507, %get3A_529 : vector<16xf32>
        %add3A_531 = arith.addf %add3A_465, %mul3A_530 : vector<16xf32>
        %add3A_532 = arith.constant 48 : i32
        %add3A_533 = arith.addi %mul3A_513, %add3A_532 : i32
        %get3A_534 = arith.index_cast %add3A_533 : i32 to index
        %get3A_535 = tpu.vector_load %arg6[%get3A_534] {strides = array<i32>} : memref<16384xf32, #tpu.memory_space<vmem>>, vector<16xf32>,
        %mul3A_536 = arith.mulf %gather3A_507, %get3A_535 : vector<16xf32>
        %add3A_537 = arith.addf %add3A_471, %mul3A_536 : vector<16xf32>
        %add3A_538 = arith.constant 64 : i32
        %add3A_539 = arith.addi %mul3A_513, %add3A_538 : i32
        %get3A_540 = arith.index_cast %add3A_539 : i32 to index
        %get3A_541 = tpu.vector_load %arg6[%get3A_540] {strides = array<i32>} : memref<16384xf32, #tpu.memory_space<vmem>>, vector<16xf32>,
        %mul3A_542 = arith.mulf %gather3A_507, %get3A_541 : vector<16xf32>
        %add3A_543 = arith.addf %add3A_477, %mul3A_542 : vector<16xf32>
        %add3A_544 = arith.constant 80 : i32
        %add3A_545 = arith.addi %mul3A_513, %add3A_544 : i32
        %get3A_546 = arith.index_cast %add3A_545 : i32 to index
        %get3A_547 = tpu.vector_load %arg6[%get3A_546] {strides = array<i32>} : memref<16384xf32, #tpu.memory_space<vmem>>, vector<16xf32>,
        %mul3A_548 = arith.mulf %gather3A_507, %get3A_547 : vector<16xf32>
        %add3A_549 = arith.addf %add3A_483, %mul3A_548 : vector<16xf32>
        %add3A_550 = arith.constant 96 : i32
        %add3A_551 = arith.addi %mul3A_513, %add3A_550 : i32
        %get3A_552 = arith.index_cast %add3A_551 : i32 to index
        %get3A_553 = tpu.vector_load %arg6[%get3A_552] {strides = array<i32>} : memref<16384xf32, #tpu.memory_space<vmem>>, vector<16xf32>,
        %mul3A_554 = arith.mulf %gather3A_507, %get3A_553 : vector<16xf32>
        %add3A_555 = arith.addf %add3A_489, %mul3A_554 : vector<16xf32>
        %add3A_556 = arith.constant 112 : i32
        %add3A_557 = arith.addi %mul3A_513, %add3A_556 : i32
        %get3A_558 = arith.index_cast %add3A_557 : i32 to index
        %get3A_559 = tpu.vector_load %arg6[%get3A_558] {strides = array<i32>} : memref<16384xf32, #tpu.memory_space<vmem>>, vector<16xf32>,
        %mul3A_560 = arith.mulf %gather3A_507, %get3A_559 : vector<16xf32>
        %add3A_561 = arith.addf %add3A_495, %mul3A_560 : vector<16xf32>
        %broadcast_in_dim3A_562 = arith.constant 0 : i32
        %broadcast_in_dim3A_563 = vector.broadcast %broadcast_in_dim3A_562 : i32 to vector<16xi32>
        %mul3A_564 = arith.constant 32 : i32
        %mul3A_565 = arith.muli %select_n3A_112, %mul3A_564 : i32
        %add3A_566 = arith.constant 6 : i32
        %add3A_567 = arith.addi %mul3A_565, %add3A_566 : i32
        %mul3A_568 = arith.constant 32 : i32
        %mul3A_569 = arith.muli %add3A_567, %mul3A_568 : i32
        %add3A_570 = arith.addi %mul3A_569, %select_n3A : i32
        %add3A_571 = vector.broadcast %add3A_570 : i32 to vector<16xi32>
        %add3A_572 = arith.addi %broadcast_in_dim3A_563, %add3A_571 : vector<16xi32>
        %gather3A_573 = tpu.vector_load_idx %arg8[%add3A_572] : memref<16384xf32, #tpu.memory_space<vmem>>[vector<16xi32>], vector<16xf32>,
        %mul3A_574 = arith.constant 32 : i32
        %mul3A_575 = arith.muli %add3A_78, %mul3A_574 : i32
        %add3A_576 = arith.constant 6 : i32
        %add3A_577 = arith.addi %mul3A_575, %add3A_576 : i32
        %mul3A_578 = arith.constant 128 : i32
        %mul3A_579 = arith.muli %add3A_577, %mul3A_578 : i32
        %add3A_580 = arith.constant 0 : i32
        %add3A_581 = arith.addi %mul3A_579, %add3A_580 : i32
        %get3A_582 = arith.index_cast %add3A_581 : i32 to index
        %get3A_583 = tpu.vector_load %arg6[%get3A_582] {strides = array<i32>} : memref<16384xf32, #tpu.memory_space<vmem>>, vector<16xf32>,
        %mul3A_584 = arith.mulf %gather3A_573, %get3A_583 : vector<16xf32>
        %add3A_585 = arith.addf %add3A_519, %mul3A_584 : vector<16xf32>
        %add3A_586 = arith.constant 16 : i32
        %add3A_587 = arith.addi %mul3A_579, %add3A_586 : i32
        %get3A_588 = arith.index_cast %add3A_587 : i32 to index
        %get3A_589 = tpu.vector_load %arg6[%get3A_588] {strides = array<i32>} : memref<16384xf32, #tpu.memory_space<vmem>>, vector<16xf32>,
        %mul3A_590 = arith.mulf %gather3A_573, %get3A_589 : vector<16xf32>
        %add3A_591 = arith.addf %add3A_525, %mul3A_590 : vector<16xf32>
        %add3A_592 = arith.constant 32 : i32
        %add3A_593 = arith.addi %mul3A_579, %add3A_592 : i32
        %get3A_594 = arith.index_cast %add3A_593 : i32 to index
        %get3A_595 = tpu.vector_load %arg6[%get3A_594] {strides = array<i32>} : memref<16384xf32, #tpu.memory_space<vmem>>, vector<16xf32>,
        %mul3A_596 = arith.mulf %gather3A_573, %get3A_595 : vector<16xf32>
        %add3A_597 = arith.addf %add3A_531, %mul3A_596 : vector<16xf32>
        %add3A_598 = arith.constant 48 : i32
        %add3A_599 = arith.addi %mul3A_579, %add3A_598 : i32
        %get3A_600 = arith.index_cast %add3A_599 : i32 to index
        %get3A_601 = tpu.vector_load %arg6[%get3A_600] {strides = array<i32>} : memref<16384xf32, #tpu.memory_space<vmem>>, vector<16xf32>,
        %mul3A_602 = arith.mulf %gather3A_573, %get3A_601 : vector<16xf32>
        %add3A_603 = arith.addf %add3A_537, %mul3A_602 : vector<16xf32>
        %add3A_604 = arith.constant 64 : i32
        %add3A_605 = arith.addi %mul3A_579, %add3A_604 : i32
        %get3A_606 = arith.index_cast %add3A_605 : i32 to index
        %get3A_607 = tpu.vector_load %arg6[%get3A_606] {strides = array<i32>} : memref<16384xf32, #tpu.memory_space<vmem>>, vector<16xf32>,
        %mul3A_608 = arith.mulf %gather3A_573, %get3A_607 : vector<16xf32>
        %add3A_609 = arith.addf %add3A_543, %mul3A_608 : vector<16xf32>
        %add3A_610 = arith.constant 80 : i32
        %add3A_611 = arith.addi %mul3A_579, %add3A_610 : i32
        %get3A_612 = arith.index_cast %add3A_611 : i32 to index
        %get3A_613 = tpu.vector_load %arg6[%get3A_612] {strides = array<i32>} : memref<16384xf32, #tpu.memory_space<vmem>>, vector<16xf32>,
        %mul3A_614 = arith.mulf %gather3A_573, %get3A_613 : vector<16xf32>
        %add3A_615 = arith.addf %add3A_549, %mul3A_614 : vector<16xf32>
        %add3A_616 = arith.constant 96 : i32
        %add3A_617 = arith.addi %mul3A_579, %add3A_616 : i32
        %get3A_618 = arith.index_cast %add3A_617 : i32 to index
        %get3A_619 = tpu.vector_load %arg6[%get3A_618] {strides = array<i32>} : memref<16384xf32, #tpu.memory_space<vmem>>, vector<16xf32>,
        %mul3A_620 = arith.mulf %gather3A_573, %get3A_619 : vector<16xf32>
        %add3A_621 = arith.addf %add3A_555, %mul3A_620 : vector<16xf32>
        %add3A_622 = arith.constant 112 : i32
        %add3A_623 = arith.addi %mul3A_579, %add3A_622 : i32
        %get3A_624 = arith.index_cast %add3A_623 : i32 to index
        %get3A_625 = tpu.vector_load %arg6[%get3A_624] {strides = array<i32>} : memref<16384xf32, #tpu.memory_space<vmem>>, vector<16xf32>,
        %mul3A_626 = arith.mulf %gather3A_573, %get3A_625 : vector<16xf32>
        %add3A_627 = arith.addf %add3A_561, %mul3A_626 : vector<16xf32>
        %broadcast_in_dim3A_628 = arith.constant 0 : i32
        %broadcast_in_dim3A_629 = vector.broadcast %broadcast_in_dim3A_628 : i32 to vector<16xi32>
        %mul3A_630 = arith.constant 32 : i32
        %mul3A_631 = arith.muli %select_n3A_112, %mul3A_630 : i32
        %add3A_632 = arith.constant 7 : i32
        %add3A_633 = arith.addi %mul3A_631, %add3A_632 : i32
        %mul3A_634 = arith.constant 32 : i32
        %mul3A_635 = arith.muli %add3A_633, %mul3A_634 : i32
        %add3A_636 = arith.addi %mul3A_635, %select_n3A : i32
        %add3A_637 = vector.broadcast %add3A_636 : i32 to vector<16xi32>
        %add3A_638 = arith.addi %broadcast_in_dim3A_629, %add3A_637 : vector<16xi32>
        %gather3A_639 = tpu.vector_load_idx %arg8[%add3A_638] : memref<16384xf32, #tpu.memory_space<vmem>>[vector<16xi32>], vector<16xf32>,
        %mul3A_640 = arith.constant 32 : i32
        %mul3A_641 = arith.muli %add3A_78, %mul3A_640 : i32
        %add3A_642 = arith.constant 7 : i32
        %add3A_643 = arith.addi %mul3A_641, %add3A_642 : i32
        %mul3A_644 = arith.constant 128 : i32
        %mul3A_645 = arith.muli %add3A_643, %mul3A_644 : i32
        %add3A_646 = arith.constant 0 : i32
        %add3A_647 = arith.addi %mul3A_645, %add3A_646 : i32
        %get3A_648 = arith.index_cast %add3A_647 : i32 to index
        %get3A_649 = tpu.vector_load %arg6[%get3A_648] {strides = array<i32>} : memref<16384xf32, #tpu.memory_space<vmem>>, vector<16xf32>,
        %mul3A_650 = arith.mulf %gather3A_639, %get3A_649 : vector<16xf32>
        %add3A_651 = arith.addf %add3A_585, %mul3A_650 : vector<16xf32>
        %add3A_652 = arith.constant 16 : i32
        %add3A_653 = arith.addi %mul3A_645, %add3A_652 : i32
        %get3A_654 = arith.index_cast %add3A_653 : i32 to index
        %get3A_655 = tpu.vector_load %arg6[%get3A_654] {strides = array<i32>} : memref<16384xf32, #tpu.memory_space<vmem>>, vector<16xf32>,
        %mul3A_656 = arith.mulf %gather3A_639, %get3A_655 : vector<16xf32>
        %add3A_657 = arith.addf %add3A_591, %mul3A_656 : vector<16xf32>
        %add3A_658 = arith.constant 32 : i32
        %add3A_659 = arith.addi %mul3A_645, %add3A_658 : i32
        %get3A_660 = arith.index_cast %add3A_659 : i32 to index
        %get3A_661 = tpu.vector_load %arg6[%get3A_660] {strides = array<i32>} : memref<16384xf32, #tpu.memory_space<vmem>>, vector<16xf32>,
        %mul3A_662 = arith.mulf %gather3A_639, %get3A_661 : vector<16xf32>
        %add3A_663 = arith.addf %add3A_597, %mul3A_662 : vector<16xf32>
        %add3A_664 = arith.constant 48 : i32
        %add3A_665 = arith.addi %mul3A_645, %add3A_664 : i32
        %get3A_666 = arith.index_cast %add3A_665 : i32 to index
        %get3A_667 = tpu.vector_load %arg6[%get3A_666] {strides = array<i32>} : memref<16384xf32, #tpu.memory_space<vmem>>, vector<16xf32>,
        %mul3A_668 = arith.mulf %gather3A_639, %get3A_667 : vector<16xf32>
        %add3A_669 = arith.addf %add3A_603, %mul3A_668 : vector<16xf32>
        %add3A_670 = arith.constant 64 : i32
        %add3A_671 = arith.addi %mul3A_645, %add3A_670 : i32
        %get3A_672 = arith.index_cast %add3A_671 : i32 to index
        %get3A_673 = tpu.vector_load %arg6[%get3A_672] {strides = array<i32>} : memref<16384xf32, #tpu.memory_space<vmem>>, vector<16xf32>,
        %mul3A_674 = arith.mulf %gather3A_639, %get3A_673 : vector<16xf32>
        %add3A_675 = arith.addf %add3A_609, %mul3A_674 : vector<16xf32>
        %add3A_676 = arith.constant 80 : i32
        %add3A_677 = arith.addi %mul3A_645, %add3A_676 : i32
        %get3A_678 = arith.index_cast %add3A_677 : i32 to index
        %get3A_679 = tpu.vector_load %arg6[%get3A_678] {strides = array<i32>} : memref<16384xf32, #tpu.memory_space<vmem>>, vector<16xf32>,
        %mul3A_680 = arith.mulf %gather3A_639, %get3A_679 : vector<16xf32>
        %add3A_681 = arith.addf %add3A_615, %mul3A_680 : vector<16xf32>
        %add3A_682 = arith.constant 96 : i32
        %add3A_683 = arith.addi %mul3A_645, %add3A_682 : i32
        %get3A_684 = arith.index_cast %add3A_683 : i32 to index
        %get3A_685 = tpu.vector_load %arg6[%get3A_684] {strides = array<i32>} : memref<16384xf32, #tpu.memory_space<vmem>>, vector<16xf32>,
        %mul3A_686 = arith.mulf %gather3A_639, %get3A_685 : vector<16xf32>
        %add3A_687 = arith.addf %add3A_621, %mul3A_686 : vector<16xf32>
        %add3A_688 = arith.constant 112 : i32
        %add3A_689 = arith.addi %mul3A_645, %add3A_688 : i32
        %get3A_690 = arith.index_cast %add3A_689 : i32 to index
        %get3A_691 = tpu.vector_load %arg6[%get3A_690] {strides = array<i32>} : memref<16384xf32, #tpu.memory_space<vmem>>, vector<16xf32>,
        %mul3A_692 = arith.mulf %gather3A_639, %get3A_691 : vector<16xf32>
        %add3A_693 = arith.addf %add3A_627, %mul3A_692 : vector<16xf32>
        %broadcast_in_dim3A_694 = arith.constant 0 : i32
        %broadcast_in_dim3A_695 = vector.broadcast %broadcast_in_dim3A_694 : i32 to vector<16xi32>
        %mul3A_696 = arith.constant 32 : i32
        %mul3A_697 = arith.muli %select_n3A_112, %mul3A_696 : i32
        %add3A_698 = arith.constant 8 : i32
        %add3A_699 = arith.addi %mul3A_697, %add3A_698 : i32
        %mul3A_700 = arith.constant 32 : i32
        %mul3A_701 = arith.muli %add3A_699, %mul3A_700 : i32
        %add3A_702 = arith.addi %mul3A_701, %select_n3A : i32
        %add3A_703 = vector.broadcast %add3A_702 : i32 to vector<16xi32>
        %add3A_704 = arith.addi %broadcast_in_dim3A_695, %add3A_703 : vector<16xi32>
        %gather3A_705 = tpu.vector_load_idx %arg8[%add3A_704] : memref<16384xf32, #tpu.memory_space<vmem>>[vector<16xi32>], vector<16xf32>,
        %mul3A_706 = arith.constant 32 : i32
        %mul3A_707 = arith.muli %add3A_78, %mul3A_706 : i32
        %add3A_708 = arith.constant 8 : i32
        %add3A_709 = arith.addi %mul3A_707, %add3A_708 : i32
        %mul3A_710 = arith.constant 128 : i32
        %mul3A_711 = arith.muli %add3A_709, %mul3A_710 : i32
        %add3A_712 = arith.constant 0 : i32
        %add3A_713 = arith.addi %mul3A_711, %add3A_712 : i32
        %get3A_714 = arith.index_cast %add3A_713 : i32 to index
        %get3A_715 = tpu.vector_load %arg6[%get3A_714] {strides = array<i32>} : memref<16384xf32, #tpu.memory_space<vmem>>, vector<16xf32>,
        %mul3A_716 = arith.mulf %gather3A_705, %get3A_715 : vector<16xf32>
        %add3A_717 = arith.addf %add3A_651, %mul3A_716 : vector<16xf32>
        %add3A_718 = arith.constant 16 : i32
        %add3A_719 = arith.addi %mul3A_711, %add3A_718 : i32
        %get3A_720 = arith.index_cast %add3A_719 : i32 to index
        %get3A_721 = tpu.vector_load %arg6[%get3A_720] {strides = array<i32>} : memref<16384xf32, #tpu.memory_space<vmem>>, vector<16xf32>,
        %mul3A_722 = arith.mulf %gather3A_705, %get3A_721 : vector<16xf32>
        %add3A_723 = arith.addf %add3A_657, %mul3A_722 : vector<16xf32>
        %add3A_724 = arith.constant 32 : i32
        %add3A_725 = arith.addi %mul3A_711, %add3A_724 : i32
        %get3A_726 = arith.index_cast %add3A_725 : i32 to index
        %get3A_727 = tpu.vector_load %arg6[%get3A_726] {strides = array<i32>} : memref<16384xf32, #tpu.memory_space<vmem>>, vector<16xf32>,
        %mul3A_728 = arith.mulf %gather3A_705, %get3A_727 : vector<16xf32>
        %add3A_729 = arith.addf %add3A_663, %mul3A_728 : vector<16xf32>
        %add3A_730 = arith.constant 48 : i32
        %add3A_731 = arith.addi %mul3A_711, %add3A_730 : i32
        %get3A_732 = arith.index_cast %add3A_731 : i32 to index
        %get3A_733 = tpu.vector_load %arg6[%get3A_732] {strides = array<i32>} : memref<16384xf32, #tpu.memory_space<vmem>>, vector<16xf32>,
        %mul3A_734 = arith.mulf %gather3A_705, %get3A_733 : vector<16xf32>
        %add3A_735 = arith.addf %add3A_669, %mul3A_734 : vector<16xf32>
        %add3A_736 = arith.constant 64 : i32
        %add3A_737 = arith.addi %mul3A_711, %add3A_736 : i32
        %get3A_738 = arith.index_cast %add3A_737 : i32 to index
        %get3A_739 = tpu.vector_load %arg6[%get3A_738] {strides = array<i32>} : memref<16384xf32, #tpu.memory_space<vmem>>, vector<16xf32>,
        %mul3A_740 = arith.mulf %gather3A_705, %get3A_739 : vector<16xf32>
        %add3A_741 = arith.addf %add3A_675, %mul3A_740 : vector<16xf32>
        %add3A_742 = arith.constant 80 : i32
        %add3A_743 = arith.addi %mul3A_711, %add3A_742 : i32
        %get3A_744 = arith.index_cast %add3A_743 : i32 to index
        %get3A_745 = tpu.vector_load %arg6[%get3A_744] {strides = array<i32>} : memref<16384xf32, #tpu.memory_space<vmem>>, vector<16xf32>,
        %mul3A_746 = arith.mulf %gather3A_705, %get3A_745 : vector<16xf32>
        %add3A_747 = arith.addf %add3A_681, %mul3A_746 : vector<16xf32>
        %add3A_748 = arith.constant 96 : i32
        %add3A_749 = arith.addi %mul3A_711, %add3A_748 : i32
        %get3A_750 = arith.index_cast %add3A_749 : i32 to index
        %get3A_751 = tpu.vector_load %arg6[%get3A_750] {strides = array<i32>} : memref<16384xf32, #tpu.memory_space<vmem>>, vector<16xf32>,
        %mul3A_752 = arith.mulf %gather3A_705, %get3A_751 : vector<16xf32>
        %add3A_753 = arith.addf %add3A_687, %mul3A_752 : vector<16xf32>
        %add3A_754 = arith.constant 112 : i32
        %add3A_755 = arith.addi %mul3A_711, %add3A_754 : i32
        %get3A_756 = arith.index_cast %add3A_755 : i32 to index
        %get3A_757 = tpu.vector_load %arg6[%get3A_756] {strides = array<i32>} : memref<16384xf32, #tpu.memory_space<vmem>>, vector<16xf32>,
        %mul3A_758 = arith.mulf %gather3A_705, %get3A_757 : vector<16xf32>
        %add3A_759 = arith.addf %add3A_693, %mul3A_758 : vector<16xf32>
        %broadcast_in_dim3A_760 = arith.constant 0 : i32
        %broadcast_in_dim3A_761 = vector.broadcast %broadcast_in_dim3A_760 : i32 to vector<16xi32>
        %mul3A_762 = arith.constant 32 : i32
        %mul3A_763 = arith.muli %select_n3A_112, %mul3A_762 : i32
        %add3A_764 = arith.constant 9 : i32
        %add3A_765 = arith.addi %mul3A_763, %add3A_764 : i32
        %mul3A_766 = arith.constant 32 : i32
        %mul3A_767 = arith.muli %add3A_765, %mul3A_766 : i32
        %add3A_768 = arith.addi %mul3A_767, %select_n3A : i32
        %add3A_769 = vector.broadcast %add3A_768 : i32 to vector<16xi32>
        %add3A_770 = arith.addi %broadcast_in_dim3A_761, %add3A_769 : vector<16xi32>
        %gather3A_771 = tpu.vector_load_idx %arg8[%add3A_770] : memref<16384xf32, #tpu.memory_space<vmem>>[vector<16xi32>], vector<16xf32>,
        %mul3A_772 = arith.constant 32 : i32
        %mul3A_773 = arith.muli %add3A_78, %mul3A_772 : i32
        %add3A_774 = arith.constant 9 : i32
        %add3A_775 = arith.addi %mul3A_773, %add3A_774 : i32
        %mul3A_776 = arith.constant 128 : i32
        %mul3A_777 = arith.muli %add3A_775, %mul3A_776 : i32
        %add3A_778 = arith.constant 0 : i32
        %add3A_779 = arith.addi %mul3A_777, %add3A_778 : i32
        %get3A_780 = arith.index_cast %add3A_779 : i32 to index
        %get3A_781 = tpu.vector_load %arg6[%get3A_780] {strides = array<i32>} : memref<16384xf32, #tpu.memory_space<vmem>>, vector<16xf32>,
        %mul3A_782 = arith.mulf %gather3A_771, %get3A_781 : vector<16xf32>
        %add3A_783 = arith.addf %add3A_717, %mul3A_782 : vector<16xf32>
        %add3A_784 = arith.constant 16 : i32
        %add3A_785 = arith.addi %mul3A_777, %add3A_784 : i32
        %get3A_786 = arith.index_cast %add3A_785 : i32 to index
        %get3A_787 = tpu.vector_load %arg6[%get3A_786] {strides = array<i32>} : memref<16384xf32, #tpu.memory_space<vmem>>, vector<16xf32>,
        %mul3A_788 = arith.mulf %gather3A_771, %get3A_787 : vector<16xf32>
        %add3A_789 = arith.addf %add3A_723, %mul3A_788 : vector<16xf32>
        %add3A_790 = arith.constant 32 : i32
        %add3A_791 = arith.addi %mul3A_777, %add3A_790 : i32
        %get3A_792 = arith.index_cast %add3A_791 : i32 to index
        %get3A_793 = tpu.vector_load %arg6[%get3A_792] {strides = array<i32>} : memref<16384xf32, #tpu.memory_space<vmem>>, vector<16xf32>,
        %mul3A_794 = arith.mulf %gather3A_771, %get3A_793 : vector<16xf32>
        %add3A_795 = arith.addf %add3A_729, %mul3A_794 : vector<16xf32>
        %add3A_796 = arith.constant 48 : i32
        %add3A_797 = arith.addi %mul3A_777, %add3A_796 : i32
        %get3A_798 = arith.index_cast %add3A_797 : i32 to index
        %get3A_799 = tpu.vector_load %arg6[%get3A_798] {strides = array<i32>} : memref<16384xf32, #tpu.memory_space<vmem>>, vector<16xf32>,
        %mul3A_800 = arith.mulf %gather3A_771, %get3A_799 : vector<16xf32>
        %add3A_801 = arith.addf %add3A_735, %mul3A_800 : vector<16xf32>
        %add3A_802 = arith.constant 64 : i32
        %add3A_803 = arith.addi %mul3A_777, %add3A_802 : i32
        %get3A_804 = arith.index_cast %add3A_803 : i32 to index
        %get3A_805 = tpu.vector_load %arg6[%get3A_804] {strides = array<i32>} : memref<16384xf32, #tpu.memory_space<vmem>>, vector<16xf32>,
        %mul3A_806 = arith.mulf %gather3A_771, %get3A_805 : vector<16xf32>
        %add3A_807 = arith.addf %add3A_741, %mul3A_806 : vector<16xf32>
        %add3A_808 = arith.constant 80 : i32
        %add3A_809 = arith.addi %mul3A_777, %add3A_808 : i32
        %get3A_810 = arith.index_cast %add3A_809 : i32 to index
        %get3A_811 = tpu.vector_load %arg6[%get3A_810] {strides = array<i32>} : memref<16384xf32, #tpu.memory_space<vmem>>, vector<16xf32>,
        %mul3A_812 = arith.mulf %gather3A_771, %get3A_811 : vector<16xf32>
        %add3A_813 = arith.addf %add3A_747, %mul3A_812 : vector<16xf32>
        %add3A_814 = arith.constant 96 : i32
        %add3A_815 = arith.addi %mul3A_777, %add3A_814 : i32
        %get3A_816 = arith.index_cast %add3A_815 : i32 to index
        %get3A_817 = tpu.vector_load %arg6[%get3A_816] {strides = array<i32>} : memref<16384xf32, #tpu.memory_space<vmem>>, vector<16xf32>,
        %mul3A_818 = arith.mulf %gather3A_771, %get3A_817 : vector<16xf32>
        %add3A_819 = arith.addf %add3A_753, %mul3A_818 : vector<16xf32>
        %add3A_820 = arith.constant 112 : i32
        %add3A_821 = arith.addi %mul3A_777, %add3A_820 : i32
        %get3A_822 = arith.index_cast %add3A_821 : i32 to index
        %get3A_823 = tpu.vector_load %arg6[%get3A_822] {strides = array<i32>} : memref<16384xf32, #tpu.memory_space<vmem>>, vector<16xf32>,
        %mul3A_824 = arith.mulf %gather3A_771, %get3A_823 : vector<16xf32>
        %add3A_825 = arith.addf %add3A_759, %mul3A_824 : vector<16xf32>
        %broadcast_in_dim3A_826 = arith.constant 0 : i32
        %broadcast_in_dim3A_827 = vector.broadcast %broadcast_in_dim3A_826 : i32 to vector<16xi32>
        %mul3A_828 = arith.constant 32 : i32
        %mul3A_829 = arith.muli %select_n3A_112, %mul3A_828 : i32
        %add3A_830 = arith.constant 10 : i32
        %add3A_831 = arith.addi %mul3A_829, %add3A_830 : i32
        %mul3A_832 = arith.constant 32 : i32
        %mul3A_833 = arith.muli %add3A_831, %mul3A_832 : i32
        %add3A_834 = arith.addi %mul3A_833, %select_n3A : i32
        %add3A_835 = vector.broadcast %add3A_834 : i32 to vector<16xi32>
        %add3A_836 = arith.addi %broadcast_in_dim3A_827, %add3A_835 : vector<16xi32>
        %gather3A_837 = tpu.vector_load_idx %arg8[%add3A_836] : memref<16384xf32, #tpu.memory_space<vmem>>[vector<16xi32>], vector<16xf32>,
        %mul3A_838 = arith.constant 32 : i32
        %mul3A_839 = arith.muli %add3A_78, %mul3A_838 : i32
        %add3A_840 = arith.constant 10 : i32
        %add3A_841 = arith.addi %mul3A_839, %add3A_840 : i32
        %mul3A_842 = arith.constant 128 : i32
        %mul3A_843 = arith.muli %add3A_841, %mul3A_842 : i32
        %add3A_844 = arith.constant 0 : i32
        %add3A_845 = arith.addi %mul3A_843, %add3A_844 : i32
        %get3A_846 = arith.index_cast %add3A_845 : i32 to index
        %get3A_847 = tpu.vector_load %arg6[%get3A_846] {strides = array<i32>} : memref<16384xf32, #tpu.memory_space<vmem>>, vector<16xf32>,
        %mul3A_848 = arith.mulf %gather3A_837, %get3A_847 : vector<16xf32>
        %add3A_849 = arith.addf %add3A_783, %mul3A_848 : vector<16xf32>
        %add3A_850 = arith.constant 16 : i32
        %add3A_851 = arith.addi %mul3A_843, %add3A_850 : i32
        %get3A_852 = arith.index_cast %add3A_851 : i32 to index
        %get3A_853 = tpu.vector_load %arg6[%get3A_852] {strides = array<i32>} : memref<16384xf32, #tpu.memory_space<vmem>>, vector<16xf32>,
        %mul3A_854 = arith.mulf %gather3A_837, %get3A_853 : vector<16xf32>
        %add3A_855 = arith.addf %add3A_789, %mul3A_854 : vector<16xf32>
        %add3A_856 = arith.constant 32 : i32
        %add3A_857 = arith.addi %mul3A_843, %add3A_856 : i32
        %get3A_858 = arith.index_cast %add3A_857 : i32 to index
        %get3A_859 = tpu.vector_load %arg6[%get3A_858] {strides = array<i32>} : memref<16384xf32, #tpu.memory_space<vmem>>, vector<16xf32>,
        %mul3A_860 = arith.mulf %gather3A_837, %get3A_859 : vector<16xf32>
        %add3A_861 = arith.addf %add3A_795, %mul3A_860 : vector<16xf32>
        %add3A_862 = arith.constant 48 : i32
        %add3A_863 = arith.addi %mul3A_843, %add3A_862 : i32
        %get3A_864 = arith.index_cast %add3A_863 : i32 to index
        %get3A_865 = tpu.vector_load %arg6[%get3A_864] {strides = array<i32>} : memref<16384xf32, #tpu.memory_space<vmem>>, vector<16xf32>,
        %mul3A_866 = arith.mulf %gather3A_837, %get3A_865 : vector<16xf32>
        %add3A_867 = arith.addf %add3A_801, %mul3A_866 : vector<16xf32>
        %add3A_868 = arith.constant 64 : i32
        %add3A_869 = arith.addi %mul3A_843, %add3A_868 : i32
        %get3A_870 = arith.index_cast %add3A_869 : i32 to index
        %get3A_871 = tpu.vector_load %arg6[%get3A_870] {strides = array<i32>} : memref<16384xf32, #tpu.memory_space<vmem>>, vector<16xf32>,
        %mul3A_872 = arith.mulf %gather3A_837, %get3A_871 : vector<16xf32>
        %add3A_873 = arith.addf %add3A_807, %mul3A_872 : vector<16xf32>
        %add3A_874 = arith.constant 80 : i32
        %add3A_875 = arith.addi %mul3A_843, %add3A_874 : i32
        %get3A_876 = arith.index_cast %add3A_875 : i32 to index
        %get3A_877 = tpu.vector_load %arg6[%get3A_876] {strides = array<i32>} : memref<16384xf32, #tpu.memory_space<vmem>>, vector<16xf32>,
        %mul3A_878 = arith.mulf %gather3A_837, %get3A_877 : vector<16xf32>
        %add3A_879 = arith.addf %add3A_813, %mul3A_878 : vector<16xf32>
        %add3A_880 = arith.constant 96 : i32
        %add3A_881 = arith.addi %mul3A_843, %add3A_880 : i32
        %get3A_882 = arith.index_cast %add3A_881 : i32 to index
        %get3A_883 = tpu.vector_load %arg6[%get3A_882] {strides = array<i32>} : memref<16384xf32, #tpu.memory_space<vmem>>, vector<16xf32>,
        %mul3A_884 = arith.mulf %gather3A_837, %get3A_883 : vector<16xf32>
        %add3A_885 = arith.addf %add3A_819, %mul3A_884 : vector<16xf32>
        %add3A_886 = arith.constant 112 : i32
        %add3A_887 = arith.addi %mul3A_843, %add3A_886 : i32
        %get3A_888 = arith.index_cast %add3A_887 : i32 to index
        %get3A_889 = tpu.vector_load %arg6[%get3A_888] {strides = array<i32>} : memref<16384xf32, #tpu.memory_space<vmem>>, vector<16xf32>,
        %mul3A_890 = arith.mulf %gather3A_837, %get3A_889 : vector<16xf32>
        %add3A_891 = arith.addf %add3A_825, %mul3A_890 : vector<16xf32>
        %broadcast_in_dim3A_892 = arith.constant 0 : i32
        %broadcast_in_dim3A_893 = vector.broadcast %broadcast_in_dim3A_892 : i32 to vector<16xi32>
        %mul3A_894 = arith.constant 32 : i32
        %mul3A_895 = arith.muli %select_n3A_112, %mul3A_894 : i32
        %add3A_896 = arith.constant 11 : i32
        %add3A_897 = arith.addi %mul3A_895, %add3A_896 : i32
        %mul3A_898 = arith.constant 32 : i32
        %mul3A_899 = arith.muli %add3A_897, %mul3A_898 : i32
        %add3A_900 = arith.addi %mul3A_899, %select_n3A : i32
        %add3A_901 = vector.broadcast %add3A_900 : i32 to vector<16xi32>
        %add3A_902 = arith.addi %broadcast_in_dim3A_893, %add3A_901 : vector<16xi32>
        %gather3A_903 = tpu.vector_load_idx %arg8[%add3A_902] : memref<16384xf32, #tpu.memory_space<vmem>>[vector<16xi32>], vector<16xf32>,
        %mul3A_904 = arith.constant 32 : i32
        %mul3A_905 = arith.muli %add3A_78, %mul3A_904 : i32
        %add3A_906 = arith.constant 11 : i32
        %add3A_907 = arith.addi %mul3A_905, %add3A_906 : i32
        %mul3A_908 = arith.constant 128 : i32
        %mul3A_909 = arith.muli %add3A_907, %mul3A_908 : i32
        %add3A_910 = arith.constant 0 : i32
        %add3A_911 = arith.addi %mul3A_909, %add3A_910 : i32
        %get3A_912 = arith.index_cast %add3A_911 : i32 to index
        %get3A_913 = tpu.vector_load %arg6[%get3A_912] {strides = array<i32>} : memref<16384xf32, #tpu.memory_space<vmem>>, vector<16xf32>,
        %mul3A_914 = arith.mulf %gather3A_903, %get3A_913 : vector<16xf32>
        %add3A_915 = arith.addf %add3A_849, %mul3A_914 : vector<16xf32>
        %add3A_916 = arith.constant 16 : i32
        %add3A_917 = arith.addi %mul3A_909, %add3A_916 : i32
        %get3A_918 = arith.index_cast %add3A_917 : i32 to index
        %get3A_919 = tpu.vector_load %arg6[%get3A_918] {strides = array<i32>} : memref<16384xf32, #tpu.memory_space<vmem>>, vector<16xf32>,
        %mul3A_920 = arith.mulf %gather3A_903, %get3A_919 : vector<16xf32>
        %add3A_921 = arith.addf %add3A_855, %mul3A_920 : vector<16xf32>
        %add3A_922 = arith.constant 32 : i32
        %add3A_923 = arith.addi %mul3A_909, %add3A_922 : i32
        %get3A_924 = arith.index_cast %add3A_923 : i32 to index
        %get3A_925 = tpu.vector_load %arg6[%get3A_924] {strides = array<i32>} : memref<16384xf32, #tpu.memory_space<vmem>>, vector<16xf32>,
        %mul3A_926 = arith.mulf %gather3A_903, %get3A_925 : vector<16xf32>
        %add3A_927 = arith.addf %add3A_861, %mul3A_926 : vector<16xf32>
        %add3A_928 = arith.constant 48 : i32
        %add3A_929 = arith.addi %mul3A_909, %add3A_928 : i32
        %get3A_930 = arith.index_cast %add3A_929 : i32 to index
        %get3A_931 = tpu.vector_load %arg6[%get3A_930] {strides = array<i32>} : memref<16384xf32, #tpu.memory_space<vmem>>, vector<16xf32>,
        %mul3A_932 = arith.mulf %gather3A_903, %get3A_931 : vector<16xf32>
        %add3A_933 = arith.addf %add3A_867, %mul3A_932 : vector<16xf32>
        %add3A_934 = arith.constant 64 : i32
        %add3A_935 = arith.addi %mul3A_909, %add3A_934 : i32
        %get3A_936 = arith.index_cast %add3A_935 : i32 to index
        %get3A_937 = tpu.vector_load %arg6[%get3A_936] {strides = array<i32>} : memref<16384xf32, #tpu.memory_space<vmem>>, vector<16xf32>,
        %mul3A_938 = arith.mulf %gather3A_903, %get3A_937 : vector<16xf32>
        %add3A_939 = arith.addf %add3A_873, %mul3A_938 : vector<16xf32>
        %add3A_940 = arith.constant 80 : i32
        %add3A_941 = arith.addi %mul3A_909, %add3A_940 : i32
        %get3A_942 = arith.index_cast %add3A_941 : i32 to index
        %get3A_943 = tpu.vector_load %arg6[%get3A_942] {strides = array<i32>} : memref<16384xf32, #tpu.memory_space<vmem>>, vector<16xf32>,
        %mul3A_944 = arith.mulf %gather3A_903, %get3A_943 : vector<16xf32>
        %add3A_945 = arith.addf %add3A_879, %mul3A_944 : vector<16xf32>
        %add3A_946 = arith.constant 96 : i32
        %add3A_947 = arith.addi %mul3A_909, %add3A_946 : i32
        %get3A_948 = arith.index_cast %add3A_947 : i32 to index
        %get3A_949 = tpu.vector_load %arg6[%get3A_948] {strides = array<i32>} : memref<16384xf32, #tpu.memory_space<vmem>>, vector<16xf32>,
        %mul3A_950 = arith.mulf %gather3A_903, %get3A_949 : vector<16xf32>
        %add3A_951 = arith.addf %add3A_885, %mul3A_950 : vector<16xf32>
        %add3A_952 = arith.constant 112 : i32
        %add3A_953 = arith.addi %mul3A_909, %add3A_952 : i32
        %get3A_954 = arith.index_cast %add3A_953 : i32 to index
        %get3A_955 = tpu.vector_load %arg6[%get3A_954] {strides = array<i32>} : memref<16384xf32, #tpu.memory_space<vmem>>, vector<16xf32>,
        %mul3A_956 = arith.mulf %gather3A_903, %get3A_955 : vector<16xf32>
        %add3A_957 = arith.addf %add3A_891, %mul3A_956 : vector<16xf32>
        %broadcast_in_dim3A_958 = arith.constant 0 : i32
        %broadcast_in_dim3A_959 = vector.broadcast %broadcast_in_dim3A_958 : i32 to vector<16xi32>
        %mul3A_960 = arith.constant 32 : i32
        %mul3A_961 = arith.muli %select_n3A_112, %mul3A_960 : i32
        %add3A_962 = arith.constant 12 : i32
        %add3A_963 = arith.addi %mul3A_961, %add3A_962 : i32
        %mul3A_964 = arith.constant 32 : i32
        %mul3A_965 = arith.muli %add3A_963, %mul3A_964 : i32
        %add3A_966 = arith.addi %mul3A_965, %select_n3A : i32
        %add3A_967 = vector.broadcast %add3A_966 : i32 to vector<16xi32>
        %add3A_968 = arith.addi %broadcast_in_dim3A_959, %add3A_967 : vector<16xi32>
        %gather3A_969 = tpu.vector_load_idx %arg8[%add3A_968] : memref<16384xf32, #tpu.memory_space<vmem>>[vector<16xi32>], vector<16xf32>,
        %mul3A_970 = arith.constant 32 : i32
        %mul3A_971 = arith.muli %add3A_78, %mul3A_970 : i32
        %add3A_972 = arith.constant 12 : i32
        %add3A_973 = arith.addi %mul3A_971, %add3A_972 : i32
        %mul3A_974 = arith.constant 128 : i32
        %mul3A_975 = arith.muli %add3A_973, %mul3A_974 : i32
        %add3A_976 = arith.constant 0 : i32
        %add3A_977 = arith.addi %mul3A_975, %add3A_976 : i32
        %get3A_978 = arith.index_cast %add3A_977 : i32 to index
        %get3A_979 = tpu.vector_load %arg6[%get3A_978] {strides = array<i32>} : memref<16384xf32, #tpu.memory_space<vmem>>, vector<16xf32>,
        %mul3A_980 = arith.mulf %gather3A_969, %get3A_979 : vector<16xf32>
        %add3A_981 = arith.addf %add3A_915, %mul3A_980 : vector<16xf32>
        %add3A_982 = arith.constant 16 : i32
        %add3A_983 = arith.addi %mul3A_975, %add3A_982 : i32
        %get3A_984 = arith.index_cast %add3A_983 : i32 to index
        %get3A_985 = tpu.vector_load %arg6[%get3A_984] {strides = array<i32>} : memref<16384xf32, #tpu.memory_space<vmem>>, vector<16xf32>,
        %mul3A_986 = arith.mulf %gather3A_969, %get3A_985 : vector<16xf32>
        %add3A_987 = arith.addf %add3A_921, %mul3A_986 : vector<16xf32>
        %add3A_988 = arith.constant 32 : i32
        %add3A_989 = arith.addi %mul3A_975, %add3A_988 : i32
        %get3A_990 = arith.index_cast %add3A_989 : i32 to index
        %get3A_991 = tpu.vector_load %arg6[%get3A_990] {strides = array<i32>} : memref<16384xf32, #tpu.memory_space<vmem>>, vector<16xf32>,
        %mul3A_992 = arith.mulf %gather3A_969, %get3A_991 : vector<16xf32>
        %add3A_993 = arith.addf %add3A_927, %mul3A_992 : vector<16xf32>
        %add3A_994 = arith.constant 48 : i32
        %add3A_995 = arith.addi %mul3A_975, %add3A_994 : i32
        %get3A_996 = arith.index_cast %add3A_995 : i32 to index
        %get3A_997 = tpu.vector_load %arg6[%get3A_996] {strides = array<i32>} : memref<16384xf32, #tpu.memory_space<vmem>>, vector<16xf32>,
        %mul3A_998 = arith.mulf %gather3A_969, %get3A_997 : vector<16xf32>
        %add3A_999 = arith.addf %add3A_933, %mul3A_998 : vector<16xf32>
        %add3A_1000 = arith.constant 64 : i32
        %add3A_1001 = arith.addi %mul3A_975, %add3A_1000 : i32
        %get3A_1002 = arith.index_cast %add3A_1001 : i32 to index
        %get3A_1003 = tpu.vector_load %arg6[%get3A_1002] {strides = array<i32>} : memref<16384xf32, #tpu.memory_space<vmem>>, vector<16xf32>,
        %mul3A_1004 = arith.mulf %gather3A_969, %get3A_1003 : vector<16xf32>
        %add3A_1005 = arith.addf %add3A_939, %mul3A_1004 : vector<16xf32>
        %add3A_1006 = arith.constant 80 : i32
        %add3A_1007 = arith.addi %mul3A_975, %add3A_1006 : i32
        %get3A_1008 = arith.index_cast %add3A_1007 : i32 to index
        %get3A_1009 = tpu.vector_load %arg6[%get3A_1008] {strides = array<i32>} : memref<16384xf32, #tpu.memory_space<vmem>>, vector<16xf32>,
        %mul3A_1010 = arith.mulf %gather3A_969, %get3A_1009 : vector<16xf32>
        %add3A_1011 = arith.addf %add3A_945, %mul3A_1010 : vector<16xf32>
        %add3A_1012 = arith.constant 96 : i32
        %add3A_1013 = arith.addi %mul3A_975, %add3A_1012 : i32
        %get3A_1014 = arith.index_cast %add3A_1013 : i32 to index
        %get3A_1015 = tpu.vector_load %arg6[%get3A_1014] {strides = array<i32>} : memref<16384xf32, #tpu.memory_space<vmem>>, vector<16xf32>,
        %mul3A_1016 = arith.mulf %gather3A_969, %get3A_1015 : vector<16xf32>
        %add3A_1017 = arith.addf %add3A_951, %mul3A_1016 : vector<16xf32>
        %add3A_1018 = arith.constant 112 : i32
        %add3A_1019 = arith.addi %mul3A_975, %add3A_1018 : i32
        %get3A_1020 = arith.index_cast %add3A_1019 : i32 to index
        %get3A_1021 = tpu.vector_load %arg6[%get3A_1020] {strides = array<i32>} : memref<16384xf32, #tpu.memory_space<vmem>>, vector<16xf32>,
        %mul3A_1022 = arith.mulf %gather3A_969, %get3A_1021 : vector<16xf32>
        %add3A_1023 = arith.addf %add3A_957, %mul3A_1022 : vector<16xf32>
        %broadcast_in_dim3A_1024 = arith.constant 0 : i32
        %broadcast_in_dim3A_1025 = vector.broadcast %broadcast_in_dim3A_1024 : i32 to vector<16xi32>
        %mul3A_1026 = arith.constant 32 : i32
        %mul3A_1027 = arith.muli %select_n3A_112, %mul3A_1026 : i32
        %add3A_1028 = arith.constant 13 : i32
        %add3A_1029 = arith.addi %mul3A_1027, %add3A_1028 : i32
        %mul3A_1030 = arith.constant 32 : i32
        %mul3A_1031 = arith.muli %add3A_1029, %mul3A_1030 : i32
        %add3A_1032 = arith.addi %mul3A_1031, %select_n3A : i32
        %add3A_1033 = vector.broadcast %add3A_1032 : i32 to vector<16xi32>
        %add3A_1034 = arith.addi %broadcast_in_dim3A_1025, %add3A_1033 : vector<16xi32>
        %gather3A_1035 = tpu.vector_load_idx %arg8[%add3A_1034] : memref<16384xf32, #tpu.memory_space<vmem>>[vector<16xi32>], vector<16xf32>,
        %mul3A_1036 = arith.constant 32 : i32
        %mul3A_1037 = arith.muli %add3A_78, %mul3A_1036 : i32
        %add3A_1038 = arith.constant 13 : i32
        %add3A_1039 = arith.addi %mul3A_1037, %add3A_1038 : i32
        %mul3A_1040 = arith.constant 128 : i32
        %mul3A_1041 = arith.muli %add3A_1039, %mul3A_1040 : i32
        %add3A_1042 = arith.constant 0 : i32
        %add3A_1043 = arith.addi %mul3A_1041, %add3A_1042 : i32
        %get3A_1044 = arith.index_cast %add3A_1043 : i32 to index
        %get3A_1045 = tpu.vector_load %arg6[%get3A_1044] {strides = array<i32>} : memref<16384xf32, #tpu.memory_space<vmem>>, vector<16xf32>,
        %mul3A_1046 = arith.mulf %gather3A_1035, %get3A_1045 : vector<16xf32>
        %add3A_1047 = arith.addf %add3A_981, %mul3A_1046 : vector<16xf32>
        %add3A_1048 = arith.constant 16 : i32
        %add3A_1049 = arith.addi %mul3A_1041, %add3A_1048 : i32
        %get3A_1050 = arith.index_cast %add3A_1049 : i32 to index
        %get3A_1051 = tpu.vector_load %arg6[%get3A_1050] {strides = array<i32>} : memref<16384xf32, #tpu.memory_space<vmem>>, vector<16xf32>,
        %mul3A_1052 = arith.mulf %gather3A_1035, %get3A_1051 : vector<16xf32>
        %add3A_1053 = arith.addf %add3A_987, %mul3A_1052 : vector<16xf32>
        %add3A_1054 = arith.constant 32 : i32
        %add3A_1055 = arith.addi %mul3A_1041, %add3A_1054 : i32
        %get3A_1056 = arith.index_cast %add3A_1055 : i32 to index
        %get3A_1057 = tpu.vector_load %arg6[%get3A_1056] {strides = array<i32>} : memref<16384xf32, #tpu.memory_space<vmem>>, vector<16xf32>,
        %mul3A_1058 = arith.mulf %gather3A_1035, %get3A_1057 : vector<16xf32>
        %add3A_1059 = arith.addf %add3A_993, %mul3A_1058 : vector<16xf32>
        %add3A_1060 = arith.constant 48 : i32
        %add3A_1061 = arith.addi %mul3A_1041, %add3A_1060 : i32
        %get3A_1062 = arith.index_cast %add3A_1061 : i32 to index
        %get3A_1063 = tpu.vector_load %arg6[%get3A_1062] {strides = array<i32>} : memref<16384xf32, #tpu.memory_space<vmem>>, vector<16xf32>,
        %mul3A_1064 = arith.mulf %gather3A_1035, %get3A_1063 : vector<16xf32>
        %add3A_1065 = arith.addf %add3A_999, %mul3A_1064 : vector<16xf32>
        %add3A_1066 = arith.constant 64 : i32
        %add3A_1067 = arith.addi %mul3A_1041, %add3A_1066 : i32
        %get3A_1068 = arith.index_cast %add3A_1067 : i32 to index
        %get3A_1069 = tpu.vector_load %arg6[%get3A_1068] {strides = array<i32>} : memref<16384xf32, #tpu.memory_space<vmem>>, vector<16xf32>,
        %mul3A_1070 = arith.mulf %gather3A_1035, %get3A_1069 : vector<16xf32>
        %add3A_1071 = arith.addf %add3A_1005, %mul3A_1070 : vector<16xf32>
        %add3A_1072 = arith.constant 80 : i32
        %add3A_1073 = arith.addi %mul3A_1041, %add3A_1072 : i32
        %get3A_1074 = arith.index_cast %add3A_1073 : i32 to index
        %get3A_1075 = tpu.vector_load %arg6[%get3A_1074] {strides = array<i32>} : memref<16384xf32, #tpu.memory_space<vmem>>, vector<16xf32>,
        %mul3A_1076 = arith.mulf %gather3A_1035, %get3A_1075 : vector<16xf32>
        %add3A_1077 = arith.addf %add3A_1011, %mul3A_1076 : vector<16xf32>
        %add3A_1078 = arith.constant 96 : i32
        %add3A_1079 = arith.addi %mul3A_1041, %add3A_1078 : i32
        %get3A_1080 = arith.index_cast %add3A_1079 : i32 to index
        %get3A_1081 = tpu.vector_load %arg6[%get3A_1080] {strides = array<i32>} : memref<16384xf32, #tpu.memory_space<vmem>>, vector<16xf32>,
        %mul3A_1082 = arith.mulf %gather3A_1035, %get3A_1081 : vector<16xf32>
        %add3A_1083 = arith.addf %add3A_1017, %mul3A_1082 : vector<16xf32>
        %add3A_1084 = arith.constant 112 : i32
        %add3A_1085 = arith.addi %mul3A_1041, %add3A_1084 : i32
        %get3A_1086 = arith.index_cast %add3A_1085 : i32 to index
        %get3A_1087 = tpu.vector_load %arg6[%get3A_1086] {strides = array<i32>} : memref<16384xf32, #tpu.memory_space<vmem>>, vector<16xf32>,
        %mul3A_1088 = arith.mulf %gather3A_1035, %get3A_1087 : vector<16xf32>
        %add3A_1089 = arith.addf %add3A_1023, %mul3A_1088 : vector<16xf32>
        %broadcast_in_dim3A_1090 = arith.constant 0 : i32
        %broadcast_in_dim3A_1091 = vector.broadcast %broadcast_in_dim3A_1090 : i32 to vector<16xi32>
        %mul3A_1092 = arith.constant 32 : i32
        %mul3A_1093 = arith.muli %select_n3A_112, %mul3A_1092 : i32
        %add3A_1094 = arith.constant 14 : i32
        %add3A_1095 = arith.addi %mul3A_1093, %add3A_1094 : i32
        %mul3A_1096 = arith.constant 32 : i32
        %mul3A_1097 = arith.muli %add3A_1095, %mul3A_1096 : i32
        %add3A_1098 = arith.addi %mul3A_1097, %select_n3A : i32
        %add3A_1099 = vector.broadcast %add3A_1098 : i32 to vector<16xi32>
        %add3A_1100 = arith.addi %broadcast_in_dim3A_1091, %add3A_1099 : vector<16xi32>
        %gather3A_1101 = tpu.vector_load_idx %arg8[%add3A_1100] : memref<16384xf32, #tpu.memory_space<vmem>>[vector<16xi32>], vector<16xf32>,
        %mul3A_1102 = arith.constant 32 : i32
        %mul3A_1103 = arith.muli %add3A_78, %mul3A_1102 : i32
        %add3A_1104 = arith.constant 14 : i32
        %add3A_1105 = arith.addi %mul3A_1103, %add3A_1104 : i32
        %mul3A_1106 = arith.constant 128 : i32
        %mul3A_1107 = arith.muli %add3A_1105, %mul3A_1106 : i32
        %add3A_1108 = arith.constant 0 : i32
        %add3A_1109 = arith.addi %mul3A_1107, %add3A_1108 : i32
        %get3A_1110 = arith.index_cast %add3A_1109 : i32 to index
        %get3A_1111 = tpu.vector_load %arg6[%get3A_1110] {strides = array<i32>} : memref<16384xf32, #tpu.memory_space<vmem>>, vector<16xf32>,
        %mul3A_1112 = arith.mulf %gather3A_1101, %get3A_1111 : vector<16xf32>
        %add3A_1113 = arith.addf %add3A_1047, %mul3A_1112 : vector<16xf32>
        %add3A_1114 = arith.constant 16 : i32
        %add3A_1115 = arith.addi %mul3A_1107, %add3A_1114 : i32
        %get3A_1116 = arith.index_cast %add3A_1115 : i32 to index
        %get3A_1117 = tpu.vector_load %arg6[%get3A_1116] {strides = array<i32>} : memref<16384xf32, #tpu.memory_space<vmem>>, vector<16xf32>,
        %mul3A_1118 = arith.mulf %gather3A_1101, %get3A_1117 : vector<16xf32>
        %add3A_1119 = arith.addf %add3A_1053, %mul3A_1118 : vector<16xf32>
        %add3A_1120 = arith.constant 32 : i32
        %add3A_1121 = arith.addi %mul3A_1107, %add3A_1120 : i32
        %get3A_1122 = arith.index_cast %add3A_1121 : i32 to index
        %get3A_1123 = tpu.vector_load %arg6[%get3A_1122] {strides = array<i32>} : memref<16384xf32, #tpu.memory_space<vmem>>, vector<16xf32>,
        %mul3A_1124 = arith.mulf %gather3A_1101, %get3A_1123 : vector<16xf32>
        %add3A_1125 = arith.addf %add3A_1059, %mul3A_1124 : vector<16xf32>
        %add3A_1126 = arith.constant 48 : i32
        %add3A_1127 = arith.addi %mul3A_1107, %add3A_1126 : i32
        %get3A_1128 = arith.index_cast %add3A_1127 : i32 to index
        %get3A_1129 = tpu.vector_load %arg6[%get3A_1128] {strides = array<i32>} : memref<16384xf32, #tpu.memory_space<vmem>>, vector<16xf32>,
        %mul3A_1130 = arith.mulf %gather3A_1101, %get3A_1129 : vector<16xf32>
        %add3A_1131 = arith.addf %add3A_1065, %mul3A_1130 : vector<16xf32>
        %add3A_1132 = arith.constant 64 : i32
        %add3A_1133 = arith.addi %mul3A_1107, %add3A_1132 : i32
        %get3A_1134 = arith.index_cast %add3A_1133 : i32 to index
        %get3A_1135 = tpu.vector_load %arg6[%get3A_1134] {strides = array<i32>} : memref<16384xf32, #tpu.memory_space<vmem>>, vector<16xf32>,
        %mul3A_1136 = arith.mulf %gather3A_1101, %get3A_1135 : vector<16xf32>
        %add3A_1137 = arith.addf %add3A_1071, %mul3A_1136 : vector<16xf32>
        %add3A_1138 = arith.constant 80 : i32
        %add3A_1139 = arith.addi %mul3A_1107, %add3A_1138 : i32
        %get3A_1140 = arith.index_cast %add3A_1139 : i32 to index
        %get3A_1141 = tpu.vector_load %arg6[%get3A_1140] {strides = array<i32>} : memref<16384xf32, #tpu.memory_space<vmem>>, vector<16xf32>,
        %mul3A_1142 = arith.mulf %gather3A_1101, %get3A_1141 : vector<16xf32>
        %add3A_1143 = arith.addf %add3A_1077, %mul3A_1142 : vector<16xf32>
        %add3A_1144 = arith.constant 96 : i32
        %add3A_1145 = arith.addi %mul3A_1107, %add3A_1144 : i32
        %get3A_1146 = arith.index_cast %add3A_1145 : i32 to index
        %get3A_1147 = tpu.vector_load %arg6[%get3A_1146] {strides = array<i32>} : memref<16384xf32, #tpu.memory_space<vmem>>, vector<16xf32>,
        %mul3A_1148 = arith.mulf %gather3A_1101, %get3A_1147 : vector<16xf32>
        %add3A_1149 = arith.addf %add3A_1083, %mul3A_1148 : vector<16xf32>
        %add3A_1150 = arith.constant 112 : i32
        %add3A_1151 = arith.addi %mul3A_1107, %add3A_1150 : i32
        %get3A_1152 = arith.index_cast %add3A_1151 : i32 to index
        %get3A_1153 = tpu.vector_load %arg6[%get3A_1152] {strides = array<i32>} : memref<16384xf32, #tpu.memory_space<vmem>>, vector<16xf32>,
        %mul3A_1154 = arith.mulf %gather3A_1101, %get3A_1153 : vector<16xf32>
        %add3A_1155 = arith.addf %add3A_1089, %mul3A_1154 : vector<16xf32>
        %broadcast_in_dim3A_1156 = arith.constant 0 : i32
        %broadcast_in_dim3A_1157 = vector.broadcast %broadcast_in_dim3A_1156 : i32 to vector<16xi32>
        %mul3A_1158 = arith.constant 32 : i32
        %mul3A_1159 = arith.muli %select_n3A_112, %mul3A_1158 : i32
        %add3A_1160 = arith.constant 15 : i32
        %add3A_1161 = arith.addi %mul3A_1159, %add3A_1160 : i32
        %mul3A_1162 = arith.constant 32 : i32
        %mul3A_1163 = arith.muli %add3A_1161, %mul3A_1162 : i32
        %add3A_1164 = arith.addi %mul3A_1163, %select_n3A : i32
        %add3A_1165 = vector.broadcast %add3A_1164 : i32 to vector<16xi32>
        %add3A_1166 = arith.addi %broadcast_in_dim3A_1157, %add3A_1165 : vector<16xi32>
        %gather3A_1167 = tpu.vector_load_idx %arg8[%add3A_1166] : memref<16384xf32, #tpu.memory_space<vmem>>[vector<16xi32>], vector<16xf32>,
        %mul3A_1168 = arith.constant 32 : i32
        %mul3A_1169 = arith.muli %add3A_78, %mul3A_1168 : i32
        %add3A_1170 = arith.constant 15 : i32
        %add3A_1171 = arith.addi %mul3A_1169, %add3A_1170 : i32
        %mul3A_1172 = arith.constant 128 : i32
        %mul3A_1173 = arith.muli %add3A_1171, %mul3A_1172 : i32
        %add3A_1174 = arith.constant 0 : i32
        %add3A_1175 = arith.addi %mul3A_1173, %add3A_1174 : i32
        %get3A_1176 = arith.index_cast %add3A_1175 : i32 to index
        %get3A_1177 = tpu.vector_load %arg6[%get3A_1176] {strides = array<i32>} : memref<16384xf32, #tpu.memory_space<vmem>>, vector<16xf32>,
        %mul3A_1178 = arith.mulf %gather3A_1167, %get3A_1177 : vector<16xf32>
        %add3A_1179 = arith.addf %add3A_1113, %mul3A_1178 : vector<16xf32>
        %add3A_1180 = arith.constant 16 : i32
        %add3A_1181 = arith.addi %mul3A_1173, %add3A_1180 : i32
        %get3A_1182 = arith.index_cast %add3A_1181 : i32 to index
        %get3A_1183 = tpu.vector_load %arg6[%get3A_1182] {strides = array<i32>} : memref<16384xf32, #tpu.memory_space<vmem>>, vector<16xf32>,
        %mul3A_1184 = arith.mulf %gather3A_1167, %get3A_1183 : vector<16xf32>
        %add3A_1185 = arith.addf %add3A_1119, %mul3A_1184 : vector<16xf32>
        %add3A_1186 = arith.constant 32 : i32
        %add3A_1187 = arith.addi %mul3A_1173, %add3A_1186 : i32
        %get3A_1188 = arith.index_cast %add3A_1187 : i32 to index
        %get3A_1189 = tpu.vector_load %arg6[%get3A_1188] {strides = array<i32>} : memref<16384xf32, #tpu.memory_space<vmem>>, vector<16xf32>,
        %mul3A_1190 = arith.mulf %gather3A_1167, %get3A_1189 : vector<16xf32>
        %add3A_1191 = arith.addf %add3A_1125, %mul3A_1190 : vector<16xf32>
        %add3A_1192 = arith.constant 48 : i32
        %add3A_1193 = arith.addi %mul3A_1173, %add3A_1192 : i32
        %get3A_1194 = arith.index_cast %add3A_1193 : i32 to index
        %get3A_1195 = tpu.vector_load %arg6[%get3A_1194] {strides = array<i32>} : memref<16384xf32, #tpu.memory_space<vmem>>, vector<16xf32>,
        %mul3A_1196 = arith.mulf %gather3A_1167, %get3A_1195 : vector<16xf32>
        %add3A_1197 = arith.addf %add3A_1131, %mul3A_1196 : vector<16xf32>
        %add3A_1198 = arith.constant 64 : i32
        %add3A_1199 = arith.addi %mul3A_1173, %add3A_1198 : i32
        %get3A_1200 = arith.index_cast %add3A_1199 : i32 to index
        %get3A_1201 = tpu.vector_load %arg6[%get3A_1200] {strides = array<i32>} : memref<16384xf32, #tpu.memory_space<vmem>>, vector<16xf32>,
        %mul3A_1202 = arith.mulf %gather3A_1167, %get3A_1201 : vector<16xf32>
        %add3A_1203 = arith.addf %add3A_1137, %mul3A_1202 : vector<16xf32>
        %add3A_1204 = arith.constant 80 : i32
        %add3A_1205 = arith.addi %mul3A_1173, %add3A_1204 : i32
        %get3A_1206 = arith.index_cast %add3A_1205 : i32 to index
        %get3A_1207 = tpu.vector_load %arg6[%get3A_1206] {strides = array<i32>} : memref<16384xf32, #tpu.memory_space<vmem>>, vector<16xf32>,
        %mul3A_1208 = arith.mulf %gather3A_1167, %get3A_1207 : vector<16xf32>
        %add3A_1209 = arith.addf %add3A_1143, %mul3A_1208 : vector<16xf32>
        %add3A_1210 = arith.constant 96 : i32
        %add3A_1211 = arith.addi %mul3A_1173, %add3A_1210 : i32
        %get3A_1212 = arith.index_cast %add3A_1211 : i32 to index
        %get3A_1213 = tpu.vector_load %arg6[%get3A_1212] {strides = array<i32>} : memref<16384xf32, #tpu.memory_space<vmem>>, vector<16xf32>,
        %mul3A_1214 = arith.mulf %gather3A_1167, %get3A_1213 : vector<16xf32>
        %add3A_1215 = arith.addf %add3A_1149, %mul3A_1214 : vector<16xf32>
        %add3A_1216 = arith.constant 112 : i32
        %add3A_1217 = arith.addi %mul3A_1173, %add3A_1216 : i32
        %get3A_1218 = arith.index_cast %add3A_1217 : i32 to index
        %get3A_1219 = tpu.vector_load %arg6[%get3A_1218] {strides = array<i32>} : memref<16384xf32, #tpu.memory_space<vmem>>, vector<16xf32>,
        %mul3A_1220 = arith.mulf %gather3A_1167, %get3A_1219 : vector<16xf32>
        %add3A_1221 = arith.addf %add3A_1155, %mul3A_1220 : vector<16xf32>
        %broadcast_in_dim3A_1222 = arith.constant 0 : i32
        %broadcast_in_dim3A_1223 = vector.broadcast %broadcast_in_dim3A_1222 : i32 to vector<16xi32>
        %mul3A_1224 = arith.constant 32 : i32
        %mul3A_1225 = arith.muli %select_n3A_112, %mul3A_1224 : i32
        %add3A_1226 = arith.constant 16 : i32
        %add3A_1227 = arith.addi %mul3A_1225, %add3A_1226 : i32
        %mul3A_1228 = arith.constant 32 : i32
        %mul3A_1229 = arith.muli %add3A_1227, %mul3A_1228 : i32
        %add3A_1230 = arith.addi %mul3A_1229, %select_n3A : i32
        %add3A_1231 = vector.broadcast %add3A_1230 : i32 to vector<16xi32>
        %add3A_1232 = arith.addi %broadcast_in_dim3A_1223, %add3A_1231 : vector<16xi32>
        %gather3A_1233 = tpu.vector_load_idx %arg8[%add3A_1232] : memref<16384xf32, #tpu.memory_space<vmem>>[vector<16xi32>], vector<16xf32>,
        %mul3A_1234 = arith.constant 32 : i32
        %mul3A_1235 = arith.muli %add3A_78, %mul3A_1234 : i32
        %add3A_1236 = arith.constant 16 : i32
        %add3A_1237 = arith.addi %mul3A_1235, %add3A_1236 : i32
        %mul3A_1238 = arith.constant 128 : i32
        %mul3A_1239 = arith.muli %add3A_1237, %mul3A_1238 : i32
        %add3A_1240 = arith.constant 0 : i32
        %add3A_1241 = arith.addi %mul3A_1239, %add3A_1240 : i32
        %get3A_1242 = arith.index_cast %add3A_1241 : i32 to index
        %get3A_1243 = tpu.vector_load %arg6[%get3A_1242] {strides = array<i32>} : memref<16384xf32, #tpu.memory_space<vmem>>, vector<16xf32>,
        %mul3A_1244 = arith.mulf %gather3A_1233, %get3A_1243 : vector<16xf32>
        %add3A_1245 = arith.addf %add3A_1179, %mul3A_1244 : vector<16xf32>
        %add3A_1246 = arith.constant 16 : i32
        %add3A_1247 = arith.addi %mul3A_1239, %add3A_1246 : i32
        %get3A_1248 = arith.index_cast %add3A_1247 : i32 to index
        %get3A_1249 = tpu.vector_load %arg6[%get3A_1248] {strides = array<i32>} : memref<16384xf32, #tpu.memory_space<vmem>>, vector<16xf32>,
        %mul3A_1250 = arith.mulf %gather3A_1233, %get3A_1249 : vector<16xf32>
        %add3A_1251 = arith.addf %add3A_1185, %mul3A_1250 : vector<16xf32>
        %add3A_1252 = arith.constant 32 : i32
        %add3A_1253 = arith.addi %mul3A_1239, %add3A_1252 : i32
        %get3A_1254 = arith.index_cast %add3A_1253 : i32 to index
        %get3A_1255 = tpu.vector_load %arg6[%get3A_1254] {strides = array<i32>} : memref<16384xf32, #tpu.memory_space<vmem>>, vector<16xf32>,
        %mul3A_1256 = arith.mulf %gather3A_1233, %get3A_1255 : vector<16xf32>
        %add3A_1257 = arith.addf %add3A_1191, %mul3A_1256 : vector<16xf32>
        %add3A_1258 = arith.constant 48 : i32
        %add3A_1259 = arith.addi %mul3A_1239, %add3A_1258 : i32
        %get3A_1260 = arith.index_cast %add3A_1259 : i32 to index
        %get3A_1261 = tpu.vector_load %arg6[%get3A_1260] {strides = array<i32>} : memref<16384xf32, #tpu.memory_space<vmem>>, vector<16xf32>,
        %mul3A_1262 = arith.mulf %gather3A_1233, %get3A_1261 : vector<16xf32>
        %add3A_1263 = arith.addf %add3A_1197, %mul3A_1262 : vector<16xf32>
        %add3A_1264 = arith.constant 64 : i32
        %add3A_1265 = arith.addi %mul3A_1239, %add3A_1264 : i32
        %get3A_1266 = arith.index_cast %add3A_1265 : i32 to index
        %get3A_1267 = tpu.vector_load %arg6[%get3A_1266] {strides = array<i32>} : memref<16384xf32, #tpu.memory_space<vmem>>, vector<16xf32>,
        %mul3A_1268 = arith.mulf %gather3A_1233, %get3A_1267 : vector<16xf32>
        %add3A_1269 = arith.addf %add3A_1203, %mul3A_1268 : vector<16xf32>
        %add3A_1270 = arith.constant 80 : i32
        %add3A_1271 = arith.addi %mul3A_1239, %add3A_1270 : i32
        %get3A_1272 = arith.index_cast %add3A_1271 : i32 to index
        %get3A_1273 = tpu.vector_load %arg6[%get3A_1272] {strides = array<i32>} : memref<16384xf32, #tpu.memory_space<vmem>>, vector<16xf32>,
        %mul3A_1274 = arith.mulf %gather3A_1233, %get3A_1273 : vector<16xf32>
        %add3A_1275 = arith.addf %add3A_1209, %mul3A_1274 : vector<16xf32>
        %add3A_1276 = arith.constant 96 : i32
        %add3A_1277 = arith.addi %mul3A_1239, %add3A_1276 : i32
        %get3A_1278 = arith.index_cast %add3A_1277 : i32 to index
        %get3A_1279 = tpu.vector_load %arg6[%get3A_1278] {strides = array<i32>} : memref<16384xf32, #tpu.memory_space<vmem>>, vector<16xf32>,
        %mul3A_1280 = arith.mulf %gather3A_1233, %get3A_1279 : vector<16xf32>
        %add3A_1281 = arith.addf %add3A_1215, %mul3A_1280 : vector<16xf32>
        %add3A_1282 = arith.constant 112 : i32
        %add3A_1283 = arith.addi %mul3A_1239, %add3A_1282 : i32
        %get3A_1284 = arith.index_cast %add3A_1283 : i32 to index
        %get3A_1285 = tpu.vector_load %arg6[%get3A_1284] {strides = array<i32>} : memref<16384xf32, #tpu.memory_space<vmem>>, vector<16xf32>,
        %mul3A_1286 = arith.mulf %gather3A_1233, %get3A_1285 : vector<16xf32>
        %add3A_1287 = arith.addf %add3A_1221, %mul3A_1286 : vector<16xf32>
        %broadcast_in_dim3A_1288 = arith.constant 0 : i32
        %broadcast_in_dim3A_1289 = vector.broadcast %broadcast_in_dim3A_1288 : i32 to vector<16xi32>
        %mul3A_1290 = arith.constant 32 : i32
        %mul3A_1291 = arith.muli %select_n3A_112, %mul3A_1290 : i32
        %add3A_1292 = arith.constant 17 : i32
        %add3A_1293 = arith.addi %mul3A_1291, %add3A_1292 : i32
        %mul3A_1294 = arith.constant 32 : i32
        %mul3A_1295 = arith.muli %add3A_1293, %mul3A_1294 : i32
        %add3A_1296 = arith.addi %mul3A_1295, %select_n3A : i32
        %add3A_1297 = vector.broadcast %add3A_1296 : i32 to vector<16xi32>
        %add3A_1298 = arith.addi %broadcast_in_dim3A_1289, %add3A_1297 : vector<16xi32>
        %gather3A_1299 = tpu.vector_load_idx %arg8[%add3A_1298] : memref<16384xf32, #tpu.memory_space<vmem>>[vector<16xi32>], vector<16xf32>,
        %mul3A_1300 = arith.constant 32 : i32
        %mul3A_1301 = arith.muli %add3A_78, %mul3A_1300 : i32
        %add3A_1302 = arith.constant 17 : i32
        %add3A_1303 = arith.addi %mul3A_1301, %add3A_1302 : i32
        %mul3A_1304 = arith.constant 128 : i32
        %mul3A_1305 = arith.muli %add3A_1303, %mul3A_1304 : i32
        %add3A_1306 = arith.constant 0 : i32
        %add3A_1307 = arith.addi %mul3A_1305, %add3A_1306 : i32
        %get3A_1308 = arith.index_cast %add3A_1307 : i32 to index
        %get3A_1309 = tpu.vector_load %arg6[%get3A_1308] {strides = array<i32>} : memref<16384xf32, #tpu.memory_space<vmem>>, vector<16xf32>,
        %mul3A_1310 = arith.mulf %gather3A_1299, %get3A_1309 : vector<16xf32>
        %add3A_1311 = arith.addf %add3A_1245, %mul3A_1310 : vector<16xf32>
        %add3A_1312 = arith.constant 16 : i32
        %add3A_1313 = arith.addi %mul3A_1305, %add3A_1312 : i32
        %get3A_1314 = arith.index_cast %add3A_1313 : i32 to index
        %get3A_1315 = tpu.vector_load %arg6[%get3A_1314] {strides = array<i32>} : memref<16384xf32, #tpu.memory_space<vmem>>, vector<16xf32>,
        %mul3A_1316 = arith.mulf %gather3A_1299, %get3A_1315 : vector<16xf32>
        %add3A_1317 = arith.addf %add3A_1251, %mul3A_1316 : vector<16xf32>
        %add3A_1318 = arith.constant 32 : i32
        %add3A_1319 = arith.addi %mul3A_1305, %add3A_1318 : i32
        %get3A_1320 = arith.index_cast %add3A_1319 : i32 to index
        %get3A_1321 = tpu.vector_load %arg6[%get3A_1320] {strides = array<i32>} : memref<16384xf32, #tpu.memory_space<vmem>>, vector<16xf32>,
        %mul3A_1322 = arith.mulf %gather3A_1299, %get3A_1321 : vector<16xf32>
        %add3A_1323 = arith.addf %add3A_1257, %mul3A_1322 : vector<16xf32>
        %add3A_1324 = arith.constant 48 : i32
        %add3A_1325 = arith.addi %mul3A_1305, %add3A_1324 : i32
        %get3A_1326 = arith.index_cast %add3A_1325 : i32 to index
        %get3A_1327 = tpu.vector_load %arg6[%get3A_1326] {strides = array<i32>} : memref<16384xf32, #tpu.memory_space<vmem>>, vector<16xf32>,
        %mul3A_1328 = arith.mulf %gather3A_1299, %get3A_1327 : vector<16xf32>
        %add3A_1329 = arith.addf %add3A_1263, %mul3A_1328 : vector<16xf32>
        %add3A_1330 = arith.constant 64 : i32
        %add3A_1331 = arith.addi %mul3A_1305, %add3A_1330 : i32
        %get3A_1332 = arith.index_cast %add3A_1331 : i32 to index
        %get3A_1333 = tpu.vector_load %arg6[%get3A_1332] {strides = array<i32>} : memref<16384xf32, #tpu.memory_space<vmem>>, vector<16xf32>,
        %mul3A_1334 = arith.mulf %gather3A_1299, %get3A_1333 : vector<16xf32>
        %add3A_1335 = arith.addf %add3A_1269, %mul3A_1334 : vector<16xf32>
        %add3A_1336 = arith.constant 80 : i32
        %add3A_1337 = arith.addi %mul3A_1305, %add3A_1336 : i32
        %get3A_1338 = arith.index_cast %add3A_1337 : i32 to index
        %get3A_1339 = tpu.vector_load %arg6[%get3A_1338] {strides = array<i32>} : memref<16384xf32, #tpu.memory_space<vmem>>, vector<16xf32>,
        %mul3A_1340 = arith.mulf %gather3A_1299, %get3A_1339 : vector<16xf32>
        %add3A_1341 = arith.addf %add3A_1275, %mul3A_1340 : vector<16xf32>
        %add3A_1342 = arith.constant 96 : i32
        %add3A_1343 = arith.addi %mul3A_1305, %add3A_1342 : i32
        %get3A_1344 = arith.index_cast %add3A_1343 : i32 to index
        %get3A_1345 = tpu.vector_load %arg6[%get3A_1344] {strides = array<i32>} : memref<16384xf32, #tpu.memory_space<vmem>>, vector<16xf32>,
        %mul3A_1346 = arith.mulf %gather3A_1299, %get3A_1345 : vector<16xf32>
        %add3A_1347 = arith.addf %add3A_1281, %mul3A_1346 : vector<16xf32>
        %add3A_1348 = arith.constant 112 : i32
        %add3A_1349 = arith.addi %mul3A_1305, %add3A_1348 : i32
        %get3A_1350 = arith.index_cast %add3A_1349 : i32 to index
        %get3A_1351 = tpu.vector_load %arg6[%get3A_1350] {strides = array<i32>} : memref<16384xf32, #tpu.memory_space<vmem>>, vector<16xf32>,
        %mul3A_1352 = arith.mulf %gather3A_1299, %get3A_1351 : vector<16xf32>
        %add3A_1353 = arith.addf %add3A_1287, %mul3A_1352 : vector<16xf32>
        %broadcast_in_dim3A_1354 = arith.constant 0 : i32
        %broadcast_in_dim3A_1355 = vector.broadcast %broadcast_in_dim3A_1354 : i32 to vector<16xi32>
        %mul3A_1356 = arith.constant 32 : i32
        %mul3A_1357 = arith.muli %select_n3A_112, %mul3A_1356 : i32
        %add3A_1358 = arith.constant 18 : i32
        %add3A_1359 = arith.addi %mul3A_1357, %add3A_1358 : i32
        %mul3A_1360 = arith.constant 32 : i32
        %mul3A_1361 = arith.muli %add3A_1359, %mul3A_1360 : i32
        %add3A_1362 = arith.addi %mul3A_1361, %select_n3A : i32
        %add3A_1363 = vector.broadcast %add3A_1362 : i32 to vector<16xi32>
        %add3A_1364 = arith.addi %broadcast_in_dim3A_1355, %add3A_1363 : vector<16xi32>
        %gather3A_1365 = tpu.vector_load_idx %arg8[%add3A_1364] : memref<16384xf32, #tpu.memory_space<vmem>>[vector<16xi32>], vector<16xf32>,
        %mul3A_1366 = arith.constant 32 : i32
        %mul3A_1367 = arith.muli %add3A_78, %mul3A_1366 : i32
        %add3A_1368 = arith.constant 18 : i32
        %add3A_1369 = arith.addi %mul3A_1367, %add3A_1368 : i32
        %mul3A_1370 = arith.constant 128 : i32
        %mul3A_1371 = arith.muli %add3A_1369, %mul3A_1370 : i32
        %add3A_1372 = arith.constant 0 : i32
        %add3A_1373 = arith.addi %mul3A_1371, %add3A_1372 : i32
        %get3A_1374 = arith.index_cast %add3A_1373 : i32 to index
        %get3A_1375 = tpu.vector_load %arg6[%get3A_1374] {strides = array<i32>} : memref<16384xf32, #tpu.memory_space<vmem>>, vector<16xf32>,
        %mul3A_1376 = arith.mulf %gather3A_1365, %get3A_1375 : vector<16xf32>
        %add3A_1377 = arith.addf %add3A_1311, %mul3A_1376 : vector<16xf32>
        %add3A_1378 = arith.constant 16 : i32
        %add3A_1379 = arith.addi %mul3A_1371, %add3A_1378 : i32
        %get3A_1380 = arith.index_cast %add3A_1379 : i32 to index
        %get3A_1381 = tpu.vector_load %arg6[%get3A_1380] {strides = array<i32>} : memref<16384xf32, #tpu.memory_space<vmem>>, vector<16xf32>,
        %mul3A_1382 = arith.mulf %gather3A_1365, %get3A_1381 : vector<16xf32>
        %add3A_1383 = arith.addf %add3A_1317, %mul3A_1382 : vector<16xf32>
        %add3A_1384 = arith.constant 32 : i32
        %add3A_1385 = arith.addi %mul3A_1371, %add3A_1384 : i32
        %get3A_1386 = arith.index_cast %add3A_1385 : i32 to index
        %get3A_1387 = tpu.vector_load %arg6[%get3A_1386] {strides = array<i32>} : memref<16384xf32, #tpu.memory_space<vmem>>, vector<16xf32>,
        %mul3A_1388 = arith.mulf %gather3A_1365, %get3A_1387 : vector<16xf32>
        %add3A_1389 = arith.addf %add3A_1323, %mul3A_1388 : vector<16xf32>
        %add3A_1390 = arith.constant 48 : i32
        %add3A_1391 = arith.addi %mul3A_1371, %add3A_1390 : i32
        %get3A_1392 = arith.index_cast %add3A_1391 : i32 to index
        %get3A_1393 = tpu.vector_load %arg6[%get3A_1392] {strides = array<i32>} : memref<16384xf32, #tpu.memory_space<vmem>>, vector<16xf32>,
        %mul3A_1394 = arith.mulf %gather3A_1365, %get3A_1393 : vector<16xf32>
        %add3A_1395 = arith.addf %add3A_1329, %mul3A_1394 : vector<16xf32>
        %add3A_1396 = arith.constant 64 : i32
        %add3A_1397 = arith.addi %mul3A_1371, %add3A_1396 : i32
        %get3A_1398 = arith.index_cast %add3A_1397 : i32 to index
        %get3A_1399 = tpu.vector_load %arg6[%get3A_1398] {strides = array<i32>} : memref<16384xf32, #tpu.memory_space<vmem>>, vector<16xf32>,
        %mul3A_1400 = arith.mulf %gather3A_1365, %get3A_1399 : vector<16xf32>
        %add3A_1401 = arith.addf %add3A_1335, %mul3A_1400 : vector<16xf32>
        %add3A_1402 = arith.constant 80 : i32
        %add3A_1403 = arith.addi %mul3A_1371, %add3A_1402 : i32
        %get3A_1404 = arith.index_cast %add3A_1403 : i32 to index
        %get3A_1405 = tpu.vector_load %arg6[%get3A_1404] {strides = array<i32>} : memref<16384xf32, #tpu.memory_space<vmem>>, vector<16xf32>,
        %mul3A_1406 = arith.mulf %gather3A_1365, %get3A_1405 : vector<16xf32>
        %add3A_1407 = arith.addf %add3A_1341, %mul3A_1406 : vector<16xf32>
        %add3A_1408 = arith.constant 96 : i32
        %add3A_1409 = arith.addi %mul3A_1371, %add3A_1408 : i32
        %get3A_1410 = arith.index_cast %add3A_1409 : i32 to index
        %get3A_1411 = tpu.vector_load %arg6[%get3A_1410] {strides = array<i32>} : memref<16384xf32, #tpu.memory_space<vmem>>, vector<16xf32>,
        %mul3A_1412 = arith.mulf %gather3A_1365, %get3A_1411 : vector<16xf32>
        %add3A_1413 = arith.addf %add3A_1347, %mul3A_1412 : vector<16xf32>
        %add3A_1414 = arith.constant 112 : i32
        %add3A_1415 = arith.addi %mul3A_1371, %add3A_1414 : i32
        %get3A_1416 = arith.index_cast %add3A_1415 : i32 to index
        %get3A_1417 = tpu.vector_load %arg6[%get3A_1416] {strides = array<i32>} : memref<16384xf32, #tpu.memory_space<vmem>>, vector<16xf32>,
        %mul3A_1418 = arith.mulf %gather3A_1365, %get3A_1417 : vector<16xf32>
        %add3A_1419 = arith.addf %add3A_1353, %mul3A_1418 : vector<16xf32>
        %broadcast_in_dim3A_1420 = arith.constant 0 : i32
        %broadcast_in_dim3A_1421 = vector.broadcast %broadcast_in_dim3A_1420 : i32 to vector<16xi32>
        %mul3A_1422 = arith.constant 32 : i32
        %mul3A_1423 = arith.muli %select_n3A_112, %mul3A_1422 : i32
        %add3A_1424 = arith.constant 19 : i32
        %add3A_1425 = arith.addi %mul3A_1423, %add3A_1424 : i32
        %mul3A_1426 = arith.constant 32 : i32
        %mul3A_1427 = arith.muli %add3A_1425, %mul3A_1426 : i32
        %add3A_1428 = arith.addi %mul3A_1427, %select_n3A : i32
        %add3A_1429 = vector.broadcast %add3A_1428 : i32 to vector<16xi32>
        %add3A_1430 = arith.addi %broadcast_in_dim3A_1421, %add3A_1429 : vector<16xi32>
        %gather3A_1431 = tpu.vector_load_idx %arg8[%add3A_1430] : memref<16384xf32, #tpu.memory_space<vmem>>[vector<16xi32>], vector<16xf32>,
        %mul3A_1432 = arith.constant 32 : i32
        %mul3A_1433 = arith.muli %add3A_78, %mul3A_1432 : i32
        %add3A_1434 = arith.constant 19 : i32
        %add3A_1435 = arith.addi %mul3A_1433, %add3A_1434 : i32
        %mul3A_1436 = arith.constant 128 : i32
        %mul3A_1437 = arith.muli %add3A_1435, %mul3A_1436 : i32
        %add3A_1438 = arith.constant 0 : i32
        %add3A_1439 = arith.addi %mul3A_1437, %add3A_1438 : i32
        %get3A_1440 = arith.index_cast %add3A_1439 : i32 to index
        %get3A_1441 = tpu.vector_load %arg6[%get3A_1440] {strides = array<i32>} : memref<16384xf32, #tpu.memory_space<vmem>>, vector<16xf32>,
        %mul3A_1442 = arith.mulf %gather3A_1431, %get3A_1441 : vector<16xf32>
        %add3A_1443 = arith.addf %add3A_1377, %mul3A_1442 : vector<16xf32>
        %add3A_1444 = arith.constant 16 : i32
        %add3A_1445 = arith.addi %mul3A_1437, %add3A_1444 : i32
        %get3A_1446 = arith.index_cast %add3A_1445 : i32 to index
        %get3A_1447 = tpu.vector_load %arg6[%get3A_1446] {strides = array<i32>} : memref<16384xf32, #tpu.memory_space<vmem>>, vector<16xf32>,
        %mul3A_1448 = arith.mulf %gather3A_1431, %get3A_1447 : vector<16xf32>
        %add3A_1449 = arith.addf %add3A_1383, %mul3A_1448 : vector<16xf32>
        %add3A_1450 = arith.constant 32 : i32
        %add3A_1451 = arith.addi %mul3A_1437, %add3A_1450 : i32
        %get3A_1452 = arith.index_cast %add3A_1451 : i32 to index
        %get3A_1453 = tpu.vector_load %arg6[%get3A_1452] {strides = array<i32>} : memref<16384xf32, #tpu.memory_space<vmem>>, vector<16xf32>,
        %mul3A_1454 = arith.mulf %gather3A_1431, %get3A_1453 : vector<16xf32>
        %add3A_1455 = arith.addf %add3A_1389, %mul3A_1454 : vector<16xf32>
        %add3A_1456 = arith.constant 48 : i32
        %add3A_1457 = arith.addi %mul3A_1437, %add3A_1456 : i32
        %get3A_1458 = arith.index_cast %add3A_1457 : i32 to index
        %get3A_1459 = tpu.vector_load %arg6[%get3A_1458] {strides = array<i32>} : memref<16384xf32, #tpu.memory_space<vmem>>, vector<16xf32>,
        %mul3A_1460 = arith.mulf %gather3A_1431, %get3A_1459 : vector<16xf32>
        %add3A_1461 = arith.addf %add3A_1395, %mul3A_1460 : vector<16xf32>
        %add3A_1462 = arith.constant 64 : i32
        %add3A_1463 = arith.addi %mul3A_1437, %add3A_1462 : i32
        %get3A_1464 = arith.index_cast %add3A_1463 : i32 to index
        %get3A_1465 = tpu.vector_load %arg6[%get3A_1464] {strides = array<i32>} : memref<16384xf32, #tpu.memory_space<vmem>>, vector<16xf32>,
        %mul3A_1466 = arith.mulf %gather3A_1431, %get3A_1465 : vector<16xf32>
        %add3A_1467 = arith.addf %add3A_1401, %mul3A_1466 : vector<16xf32>
        %add3A_1468 = arith.constant 80 : i32
        %add3A_1469 = arith.addi %mul3A_1437, %add3A_1468 : i32
        %get3A_1470 = arith.index_cast %add3A_1469 : i32 to index
        %get3A_1471 = tpu.vector_load %arg6[%get3A_1470] {strides = array<i32>} : memref<16384xf32, #tpu.memory_space<vmem>>, vector<16xf32>,
        %mul3A_1472 = arith.mulf %gather3A_1431, %get3A_1471 : vector<16xf32>
        %add3A_1473 = arith.addf %add3A_1407, %mul3A_1472 : vector<16xf32>
        %add3A_1474 = arith.constant 96 : i32
        %add3A_1475 = arith.addi %mul3A_1437, %add3A_1474 : i32
        %get3A_1476 = arith.index_cast %add3A_1475 : i32 to index
        %get3A_1477 = tpu.vector_load %arg6[%get3A_1476] {strides = array<i32>} : memref<16384xf32, #tpu.memory_space<vmem>>, vector<16xf32>,
        %mul3A_1478 = arith.mulf %gather3A_1431, %get3A_1477 : vector<16xf32>
        %add3A_1479 = arith.addf %add3A_1413, %mul3A_1478 : vector<16xf32>
        %add3A_1480 = arith.constant 112 : i32
        %add3A_1481 = arith.addi %mul3A_1437, %add3A_1480 : i32
        %get3A_1482 = arith.index_cast %add3A_1481 : i32 to index
        %get3A_1483 = tpu.vector_load %arg6[%get3A_1482] {strides = array<i32>} : memref<16384xf32, #tpu.memory_space<vmem>>, vector<16xf32>,
        %mul3A_1484 = arith.mulf %gather3A_1431, %get3A_1483 : vector<16xf32>
        %add3A_1485 = arith.addf %add3A_1419, %mul3A_1484 : vector<16xf32>
        %broadcast_in_dim3A_1486 = arith.constant 0 : i32
        %broadcast_in_dim3A_1487 = vector.broadcast %broadcast_in_dim3A_1486 : i32 to vector<16xi32>
        %mul3A_1488 = arith.constant 32 : i32
        %mul3A_1489 = arith.muli %select_n3A_112, %mul3A_1488 : i32
        %add3A_1490 = arith.constant 20 : i32
        %add3A_1491 = arith.addi %mul3A_1489, %add3A_1490 : i32
        %mul3A_1492 = arith.constant 32 : i32
        %mul3A_1493 = arith.muli %add3A_1491, %mul3A_1492 : i32
        %add3A_1494 = arith.addi %mul3A_1493, %select_n3A : i32
        %add3A_1495 = vector.broadcast %add3A_1494 : i32 to vector<16xi32>
        %add3A_1496 = arith.addi %broadcast_in_dim3A_1487, %add3A_1495 : vector<16xi32>
        %gather3A_1497 = tpu.vector_load_idx %arg8[%add3A_1496] : memref<16384xf32, #tpu.memory_space<vmem>>[vector<16xi32>], vector<16xf32>,
        %mul3A_1498 = arith.constant 32 : i32
        %mul3A_1499 = arith.muli %add3A_78, %mul3A_1498 : i32
        %add3A_1500 = arith.constant 20 : i32
        %add3A_1501 = arith.addi %mul3A_1499, %add3A_1500 : i32
        %mul3A_1502 = arith.constant 128 : i32
        %mul3A_1503 = arith.muli %add3A_1501, %mul3A_1502 : i32
        %add3A_1504 = arith.constant 0 : i32
        %add3A_1505 = arith.addi %mul3A_1503, %add3A_1504 : i32
        %get3A_1506 = arith.index_cast %add3A_1505 : i32 to index
        %get3A_1507 = tpu.vector_load %arg6[%get3A_1506] {strides = array<i32>} : memref<16384xf32, #tpu.memory_space<vmem>>, vector<16xf32>,
        %mul3A_1508 = arith.mulf %gather3A_1497, %get3A_1507 : vector<16xf32>
        %add3A_1509 = arith.addf %add3A_1443, %mul3A_1508 : vector<16xf32>
        %add3A_1510 = arith.constant 16 : i32
        %add3A_1511 = arith.addi %mul3A_1503, %add3A_1510 : i32
        %get3A_1512 = arith.index_cast %add3A_1511 : i32 to index
        %get3A_1513 = tpu.vector_load %arg6[%get3A_1512] {strides = array<i32>} : memref<16384xf32, #tpu.memory_space<vmem>>, vector<16xf32>,
        %mul3A_1514 = arith.mulf %gather3A_1497, %get3A_1513 : vector<16xf32>
        %add3A_1515 = arith.addf %add3A_1449, %mul3A_1514 : vector<16xf32>
        %add3A_1516 = arith.constant 32 : i32
        %add3A_1517 = arith.addi %mul3A_1503, %add3A_1516 : i32
        %get3A_1518 = arith.index_cast %add3A_1517 : i32 to index
        %get3A_1519 = tpu.vector_load %arg6[%get3A_1518] {strides = array<i32>} : memref<16384xf32, #tpu.memory_space<vmem>>, vector<16xf32>,
        %mul3A_1520 = arith.mulf %gather3A_1497, %get3A_1519 : vector<16xf32>
        %add3A_1521 = arith.addf %add3A_1455, %mul3A_1520 : vector<16xf32>
        %add3A_1522 = arith.constant 48 : i32
        %add3A_1523 = arith.addi %mul3A_1503, %add3A_1522 : i32
        %get3A_1524 = arith.index_cast %add3A_1523 : i32 to index
        %get3A_1525 = tpu.vector_load %arg6[%get3A_1524] {strides = array<i32>} : memref<16384xf32, #tpu.memory_space<vmem>>, vector<16xf32>,
        %mul3A_1526 = arith.mulf %gather3A_1497, %get3A_1525 : vector<16xf32>
        %add3A_1527 = arith.addf %add3A_1461, %mul3A_1526 : vector<16xf32>
        %add3A_1528 = arith.constant 64 : i32
        %add3A_1529 = arith.addi %mul3A_1503, %add3A_1528 : i32
        %get3A_1530 = arith.index_cast %add3A_1529 : i32 to index
        %get3A_1531 = tpu.vector_load %arg6[%get3A_1530] {strides = array<i32>} : memref<16384xf32, #tpu.memory_space<vmem>>, vector<16xf32>,
        %mul3A_1532 = arith.mulf %gather3A_1497, %get3A_1531 : vector<16xf32>
        %add3A_1533 = arith.addf %add3A_1467, %mul3A_1532 : vector<16xf32>
        %add3A_1534 = arith.constant 80 : i32
        %add3A_1535 = arith.addi %mul3A_1503, %add3A_1534 : i32
        %get3A_1536 = arith.index_cast %add3A_1535 : i32 to index
        %get3A_1537 = tpu.vector_load %arg6[%get3A_1536] {strides = array<i32>} : memref<16384xf32, #tpu.memory_space<vmem>>, vector<16xf32>,
        %mul3A_1538 = arith.mulf %gather3A_1497, %get3A_1537 : vector<16xf32>
        %add3A_1539 = arith.addf %add3A_1473, %mul3A_1538 : vector<16xf32>
        %add3A_1540 = arith.constant 96 : i32
        %add3A_1541 = arith.addi %mul3A_1503, %add3A_1540 : i32
        %get3A_1542 = arith.index_cast %add3A_1541 : i32 to index
        %get3A_1543 = tpu.vector_load %arg6[%get3A_1542] {strides = array<i32>} : memref<16384xf32, #tpu.memory_space<vmem>>, vector<16xf32>,
        %mul3A_1544 = arith.mulf %gather3A_1497, %get3A_1543 : vector<16xf32>
        %add3A_1545 = arith.addf %add3A_1479, %mul3A_1544 : vector<16xf32>
        %add3A_1546 = arith.constant 112 : i32
        %add3A_1547 = arith.addi %mul3A_1503, %add3A_1546 : i32
        %get3A_1548 = arith.index_cast %add3A_1547 : i32 to index
        %get3A_1549 = tpu.vector_load %arg6[%get3A_1548] {strides = array<i32>} : memref<16384xf32, #tpu.memory_space<vmem>>, vector<16xf32>,
        %mul3A_1550 = arith.mulf %gather3A_1497, %get3A_1549 : vector<16xf32>
        %add3A_1551 = arith.addf %add3A_1485, %mul3A_1550 : vector<16xf32>
        %broadcast_in_dim3A_1552 = arith.constant 0 : i32
        %broadcast_in_dim3A_1553 = vector.broadcast %broadcast_in_dim3A_1552 : i32 to vector<16xi32>
        %mul3A_1554 = arith.constant 32 : i32
        %mul3A_1555 = arith.muli %select_n3A_112, %mul3A_1554 : i32
        %add3A_1556 = arith.constant 21 : i32
        %add3A_1557 = arith.addi %mul3A_1555, %add3A_1556 : i32
        %mul3A_1558 = arith.constant 32 : i32
        %mul3A_1559 = arith.muli %add3A_1557, %mul3A_1558 : i32
        %add3A_1560 = arith.addi %mul3A_1559, %select_n3A : i32
        %add3A_1561 = vector.broadcast %add3A_1560 : i32 to vector<16xi32>
        %add3A_1562 = arith.addi %broadcast_in_dim3A_1553, %add3A_1561 : vector<16xi32>
        %gather3A_1563 = tpu.vector_load_idx %arg8[%add3A_1562] : memref<16384xf32, #tpu.memory_space<vmem>>[vector<16xi32>], vector<16xf32>,
        %mul3A_1564 = arith.constant 32 : i32
        %mul3A_1565 = arith.muli %add3A_78, %mul3A_1564 : i32
        %add3A_1566 = arith.constant 21 : i32
        %add3A_1567 = arith.addi %mul3A_1565, %add3A_1566 : i32
        %mul3A_1568 = arith.constant 128 : i32
        %mul3A_1569 = arith.muli %add3A_1567, %mul3A_1568 : i32
        %add3A_1570 = arith.constant 0 : i32
        %add3A_1571 = arith.addi %mul3A_1569, %add3A_1570 : i32
        %get3A_1572 = arith.index_cast %add3A_1571 : i32 to index
        %get3A_1573 = tpu.vector_load %arg6[%get3A_1572] {strides = array<i32>} : memref<16384xf32, #tpu.memory_space<vmem>>, vector<16xf32>,
        %mul3A_1574 = arith.mulf %gather3A_1563, %get3A_1573 : vector<16xf32>
        %add3A_1575 = arith.addf %add3A_1509, %mul3A_1574 : vector<16xf32>
        %add3A_1576 = arith.constant 16 : i32
        %add3A_1577 = arith.addi %mul3A_1569, %add3A_1576 : i32
        %get3A_1578 = arith.index_cast %add3A_1577 : i32 to index
        %get3A_1579 = tpu.vector_load %arg6[%get3A_1578] {strides = array<i32>} : memref<16384xf32, #tpu.memory_space<vmem>>, vector<16xf32>,
        %mul3A_1580 = arith.mulf %gather3A_1563, %get3A_1579 : vector<16xf32>
        %add3A_1581 = arith.addf %add3A_1515, %mul3A_1580 : vector<16xf32>
        %add3A_1582 = arith.constant 32 : i32
        %add3A_1583 = arith.addi %mul3A_1569, %add3A_1582 : i32
        %get3A_1584 = arith.index_cast %add3A_1583 : i32 to index
        %get3A_1585 = tpu.vector_load %arg6[%get3A_1584] {strides = array<i32>} : memref<16384xf32, #tpu.memory_space<vmem>>, vector<16xf32>,
        %mul3A_1586 = arith.mulf %gather3A_1563, %get3A_1585 : vector<16xf32>
        %add3A_1587 = arith.addf %add3A_1521, %mul3A_1586 : vector<16xf32>
        %add3A_1588 = arith.constant 48 : i32
        %add3A_1589 = arith.addi %mul3A_1569, %add3A_1588 : i32
        %get3A_1590 = arith.index_cast %add3A_1589 : i32 to index
        %get3A_1591 = tpu.vector_load %arg6[%get3A_1590] {strides = array<i32>} : memref<16384xf32, #tpu.memory_space<vmem>>, vector<16xf32>,
        %mul3A_1592 = arith.mulf %gather3A_1563, %get3A_1591 : vector<16xf32>
        %add3A_1593 = arith.addf %add3A_1527, %mul3A_1592 : vector<16xf32>
        %add3A_1594 = arith.constant 64 : i32
        %add3A_1595 = arith.addi %mul3A_1569, %add3A_1594 : i32
        %get3A_1596 = arith.index_cast %add3A_1595 : i32 to index
        %get3A_1597 = tpu.vector_load %arg6[%get3A_1596] {strides = array<i32>} : memref<16384xf32, #tpu.memory_space<vmem>>, vector<16xf32>,
        %mul3A_1598 = arith.mulf %gather3A_1563, %get3A_1597 : vector<16xf32>
        %add3A_1599 = arith.addf %add3A_1533, %mul3A_1598 : vector<16xf32>
        %add3A_1600 = arith.constant 80 : i32
        %add3A_1601 = arith.addi %mul3A_1569, %add3A_1600 : i32
        %get3A_1602 = arith.index_cast %add3A_1601 : i32 to index
        %get3A_1603 = tpu.vector_load %arg6[%get3A_1602] {strides = array<i32>} : memref<16384xf32, #tpu.memory_space<vmem>>, vector<16xf32>,
        %mul3A_1604 = arith.mulf %gather3A_1563, %get3A_1603 : vector<16xf32>
        %add3A_1605 = arith.addf %add3A_1539, %mul3A_1604 : vector<16xf32>
        %add3A_1606 = arith.constant 96 : i32
        %add3A_1607 = arith.addi %mul3A_1569, %add3A_1606 : i32
        %get3A_1608 = arith.index_cast %add3A_1607 : i32 to index
        %get3A_1609 = tpu.vector_load %arg6[%get3A_1608] {strides = array<i32>} : memref<16384xf32, #tpu.memory_space<vmem>>, vector<16xf32>,
        %mul3A_1610 = arith.mulf %gather3A_1563, %get3A_1609 : vector<16xf32>
        %add3A_1611 = arith.addf %add3A_1545, %mul3A_1610 : vector<16xf32>
        %add3A_1612 = arith.constant 112 : i32
        %add3A_1613 = arith.addi %mul3A_1569, %add3A_1612 : i32
        %get3A_1614 = arith.index_cast %add3A_1613 : i32 to index
        %get3A_1615 = tpu.vector_load %arg6[%get3A_1614] {strides = array<i32>} : memref<16384xf32, #tpu.memory_space<vmem>>, vector<16xf32>,
        %mul3A_1616 = arith.mulf %gather3A_1563, %get3A_1615 : vector<16xf32>
        %add3A_1617 = arith.addf %add3A_1551, %mul3A_1616 : vector<16xf32>
        %broadcast_in_dim3A_1618 = arith.constant 0 : i32
        %broadcast_in_dim3A_1619 = vector.broadcast %broadcast_in_dim3A_1618 : i32 to vector<16xi32>
        %mul3A_1620 = arith.constant 32 : i32
        %mul3A_1621 = arith.muli %select_n3A_112, %mul3A_1620 : i32
        %add3A_1622 = arith.constant 22 : i32
        %add3A_1623 = arith.addi %mul3A_1621, %add3A_1622 : i32
        %mul3A_1624 = arith.constant 32 : i32
        %mul3A_1625 = arith.muli %add3A_1623, %mul3A_1624 : i32
        %add3A_1626 = arith.addi %mul3A_1625, %select_n3A : i32
        %add3A_1627 = vector.broadcast %add3A_1626 : i32 to vector<16xi32>
        %add3A_1628 = arith.addi %broadcast_in_dim3A_1619, %add3A_1627 : vector<16xi32>
        %gather3A_1629 = tpu.vector_load_idx %arg8[%add3A_1628] : memref<16384xf32, #tpu.memory_space<vmem>>[vector<16xi32>], vector<16xf32>,
        %mul3A_1630 = arith.constant 32 : i32
        %mul3A_1631 = arith.muli %add3A_78, %mul3A_1630 : i32
        %add3A_1632 = arith.constant 22 : i32
        %add3A_1633 = arith.addi %mul3A_1631, %add3A_1632 : i32
        %mul3A_1634 = arith.constant 128 : i32
        %mul3A_1635 = arith.muli %add3A_1633, %mul3A_1634 : i32
        %add3A_1636 = arith.constant 0 : i32
        %add3A_1637 = arith.addi %mul3A_1635, %add3A_1636 : i32
        %get3A_1638 = arith.index_cast %add3A_1637 : i32 to index
        %get3A_1639 = tpu.vector_load %arg6[%get3A_1638] {strides = array<i32>} : memref<16384xf32, #tpu.memory_space<vmem>>, vector<16xf32>,
        %mul3A_1640 = arith.mulf %gather3A_1629, %get3A_1639 : vector<16xf32>
        %add3A_1641 = arith.addf %add3A_1575, %mul3A_1640 : vector<16xf32>
        %add3A_1642 = arith.constant 16 : i32
        %add3A_1643 = arith.addi %mul3A_1635, %add3A_1642 : i32
        %get3A_1644 = arith.index_cast %add3A_1643 : i32 to index
        %get3A_1645 = tpu.vector_load %arg6[%get3A_1644] {strides = array<i32>} : memref<16384xf32, #tpu.memory_space<vmem>>, vector<16xf32>,
        %mul3A_1646 = arith.mulf %gather3A_1629, %get3A_1645 : vector<16xf32>
        %add3A_1647 = arith.addf %add3A_1581, %mul3A_1646 : vector<16xf32>
        %add3A_1648 = arith.constant 32 : i32
        %add3A_1649 = arith.addi %mul3A_1635, %add3A_1648 : i32
        %get3A_1650 = arith.index_cast %add3A_1649 : i32 to index
        %get3A_1651 = tpu.vector_load %arg6[%get3A_1650] {strides = array<i32>} : memref<16384xf32, #tpu.memory_space<vmem>>, vector<16xf32>,
        %mul3A_1652 = arith.mulf %gather3A_1629, %get3A_1651 : vector<16xf32>
        %add3A_1653 = arith.addf %add3A_1587, %mul3A_1652 : vector<16xf32>
        %add3A_1654 = arith.constant 48 : i32
        %add3A_1655 = arith.addi %mul3A_1635, %add3A_1654 : i32
        %get3A_1656 = arith.index_cast %add3A_1655 : i32 to index
        %get3A_1657 = tpu.vector_load %arg6[%get3A_1656] {strides = array<i32>} : memref<16384xf32, #tpu.memory_space<vmem>>, vector<16xf32>,
        %mul3A_1658 = arith.mulf %gather3A_1629, %get3A_1657 : vector<16xf32>
        %add3A_1659 = arith.addf %add3A_1593, %mul3A_1658 : vector<16xf32>
        %add3A_1660 = arith.constant 64 : i32
        %add3A_1661 = arith.addi %mul3A_1635, %add3A_1660 : i32
        %get3A_1662 = arith.index_cast %add3A_1661 : i32 to index
        %get3A_1663 = tpu.vector_load %arg6[%get3A_1662] {strides = array<i32>} : memref<16384xf32, #tpu.memory_space<vmem>>, vector<16xf32>,
        %mul3A_1664 = arith.mulf %gather3A_1629, %get3A_1663 : vector<16xf32>
        %add3A_1665 = arith.addf %add3A_1599, %mul3A_1664 : vector<16xf32>
        %add3A_1666 = arith.constant 80 : i32
        %add3A_1667 = arith.addi %mul3A_1635, %add3A_1666 : i32
        %get3A_1668 = arith.index_cast %add3A_1667 : i32 to index
        %get3A_1669 = tpu.vector_load %arg6[%get3A_1668] {strides = array<i32>} : memref<16384xf32, #tpu.memory_space<vmem>>, vector<16xf32>,
        %mul3A_1670 = arith.mulf %gather3A_1629, %get3A_1669 : vector<16xf32>
        %add3A_1671 = arith.addf %add3A_1605, %mul3A_1670 : vector<16xf32>
        %add3A_1672 = arith.constant 96 : i32
        %add3A_1673 = arith.addi %mul3A_1635, %add3A_1672 : i32
        %get3A_1674 = arith.index_cast %add3A_1673 : i32 to index
        %get3A_1675 = tpu.vector_load %arg6[%get3A_1674] {strides = array<i32>} : memref<16384xf32, #tpu.memory_space<vmem>>, vector<16xf32>,
        %mul3A_1676 = arith.mulf %gather3A_1629, %get3A_1675 : vector<16xf32>
        %add3A_1677 = arith.addf %add3A_1611, %mul3A_1676 : vector<16xf32>
        %add3A_1678 = arith.constant 112 : i32
        %add3A_1679 = arith.addi %mul3A_1635, %add3A_1678 : i32
        %get3A_1680 = arith.index_cast %add3A_1679 : i32 to index
        %get3A_1681 = tpu.vector_load %arg6[%get3A_1680] {strides = array<i32>} : memref<16384xf32, #tpu.memory_space<vmem>>, vector<16xf32>,
        %mul3A_1682 = arith.mulf %gather3A_1629, %get3A_1681 : vector<16xf32>
        %add3A_1683 = arith.addf %add3A_1617, %mul3A_1682 : vector<16xf32>
        %broadcast_in_dim3A_1684 = arith.constant 0 : i32
        %broadcast_in_dim3A_1685 = vector.broadcast %broadcast_in_dim3A_1684 : i32 to vector<16xi32>
        %mul3A_1686 = arith.constant 32 : i32
        %mul3A_1687 = arith.muli %select_n3A_112, %mul3A_1686 : i32
        %add3A_1688 = arith.constant 23 : i32
        %add3A_1689 = arith.addi %mul3A_1687, %add3A_1688 : i32
        %mul3A_1690 = arith.constant 32 : i32
        %mul3A_1691 = arith.muli %add3A_1689, %mul3A_1690 : i32
        %add3A_1692 = arith.addi %mul3A_1691, %select_n3A : i32
        %add3A_1693 = vector.broadcast %add3A_1692 : i32 to vector<16xi32>
        %add3A_1694 = arith.addi %broadcast_in_dim3A_1685, %add3A_1693 : vector<16xi32>
        %gather3A_1695 = tpu.vector_load_idx %arg8[%add3A_1694] : memref<16384xf32, #tpu.memory_space<vmem>>[vector<16xi32>], vector<16xf32>,
        %mul3A_1696 = arith.constant 32 : i32
        %mul3A_1697 = arith.muli %add3A_78, %mul3A_1696 : i32
        %add3A_1698 = arith.constant 23 : i32
        %add3A_1699 = arith.addi %mul3A_1697, %add3A_1698 : i32
        %mul3A_1700 = arith.constant 128 : i32
        %mul3A_1701 = arith.muli %add3A_1699, %mul3A_1700 : i32
        %add3A_1702 = arith.constant 0 : i32
        %add3A_1703 = arith.addi %mul3A_1701, %add3A_1702 : i32
        %get3A_1704 = arith.index_cast %add3A_1703 : i32 to index
        %get3A_1705 = tpu.vector_load %arg6[%get3A_1704] {strides = array<i32>} : memref<16384xf32, #tpu.memory_space<vmem>>, vector<16xf32>,
        %mul3A_1706 = arith.mulf %gather3A_1695, %get3A_1705 : vector<16xf32>
        %add3A_1707 = arith.addf %add3A_1641, %mul3A_1706 : vector<16xf32>
        %add3A_1708 = arith.constant 16 : i32
        %add3A_1709 = arith.addi %mul3A_1701, %add3A_1708 : i32
        %get3A_1710 = arith.index_cast %add3A_1709 : i32 to index
        %get3A_1711 = tpu.vector_load %arg6[%get3A_1710] {strides = array<i32>} : memref<16384xf32, #tpu.memory_space<vmem>>, vector<16xf32>,
        %mul3A_1712 = arith.mulf %gather3A_1695, %get3A_1711 : vector<16xf32>
        %add3A_1713 = arith.addf %add3A_1647, %mul3A_1712 : vector<16xf32>
        %add3A_1714 = arith.constant 32 : i32
        %add3A_1715 = arith.addi %mul3A_1701, %add3A_1714 : i32
        %get3A_1716 = arith.index_cast %add3A_1715 : i32 to index
        %get3A_1717 = tpu.vector_load %arg6[%get3A_1716] {strides = array<i32>} : memref<16384xf32, #tpu.memory_space<vmem>>, vector<16xf32>,
        %mul3A_1718 = arith.mulf %gather3A_1695, %get3A_1717 : vector<16xf32>
        %add3A_1719 = arith.addf %add3A_1653, %mul3A_1718 : vector<16xf32>
        %add3A_1720 = arith.constant 48 : i32
        %add3A_1721 = arith.addi %mul3A_1701, %add3A_1720 : i32
        %get3A_1722 = arith.index_cast %add3A_1721 : i32 to index
        %get3A_1723 = tpu.vector_load %arg6[%get3A_1722] {strides = array<i32>} : memref<16384xf32, #tpu.memory_space<vmem>>, vector<16xf32>,
        %mul3A_1724 = arith.mulf %gather3A_1695, %get3A_1723 : vector<16xf32>
        %add3A_1725 = arith.addf %add3A_1659, %mul3A_1724 : vector<16xf32>
        %add3A_1726 = arith.constant 64 : i32
        %add3A_1727 = arith.addi %mul3A_1701, %add3A_1726 : i32
        %get3A_1728 = arith.index_cast %add3A_1727 : i32 to index
        %get3A_1729 = tpu.vector_load %arg6[%get3A_1728] {strides = array<i32>} : memref<16384xf32, #tpu.memory_space<vmem>>, vector<16xf32>,
        %mul3A_1730 = arith.mulf %gather3A_1695, %get3A_1729 : vector<16xf32>
        %add3A_1731 = arith.addf %add3A_1665, %mul3A_1730 : vector<16xf32>
        %add3A_1732 = arith.constant 80 : i32
        %add3A_1733 = arith.addi %mul3A_1701, %add3A_1732 : i32
        %get3A_1734 = arith.index_cast %add3A_1733 : i32 to index
        %get3A_1735 = tpu.vector_load %arg6[%get3A_1734] {strides = array<i32>} : memref<16384xf32, #tpu.memory_space<vmem>>, vector<16xf32>,
        %mul3A_1736 = arith.mulf %gather3A_1695, %get3A_1735 : vector<16xf32>
        %add3A_1737 = arith.addf %add3A_1671, %mul3A_1736 : vector<16xf32>
        %add3A_1738 = arith.constant 96 : i32
        %add3A_1739 = arith.addi %mul3A_1701, %add3A_1738 : i32
        %get3A_1740 = arith.index_cast %add3A_1739 : i32 to index
        %get3A_1741 = tpu.vector_load %arg6[%get3A_1740] {strides = array<i32>} : memref<16384xf32, #tpu.memory_space<vmem>>, vector<16xf32>,
        %mul3A_1742 = arith.mulf %gather3A_1695, %get3A_1741 : vector<16xf32>
        %add3A_1743 = arith.addf %add3A_1677, %mul3A_1742 : vector<16xf32>
        %add3A_1744 = arith.constant 112 : i32
        %add3A_1745 = arith.addi %mul3A_1701, %add3A_1744 : i32
        %get3A_1746 = arith.index_cast %add3A_1745 : i32 to index
        %get3A_1747 = tpu.vector_load %arg6[%get3A_1746] {strides = array<i32>} : memref<16384xf32, #tpu.memory_space<vmem>>, vector<16xf32>,
        %mul3A_1748 = arith.mulf %gather3A_1695, %get3A_1747 : vector<16xf32>
        %add3A_1749 = arith.addf %add3A_1683, %mul3A_1748 : vector<16xf32>
        %broadcast_in_dim3A_1750 = arith.constant 0 : i32
        %broadcast_in_dim3A_1751 = vector.broadcast %broadcast_in_dim3A_1750 : i32 to vector<16xi32>
        %mul3A_1752 = arith.constant 32 : i32
        %mul3A_1753 = arith.muli %select_n3A_112, %mul3A_1752 : i32
        %add3A_1754 = arith.constant 24 : i32
        %add3A_1755 = arith.addi %mul3A_1753, %add3A_1754 : i32
        %mul3A_1756 = arith.constant 32 : i32
        %mul3A_1757 = arith.muli %add3A_1755, %mul3A_1756 : i32
        %add3A_1758 = arith.addi %mul3A_1757, %select_n3A : i32
        %add3A_1759 = vector.broadcast %add3A_1758 : i32 to vector<16xi32>
        %add3A_1760 = arith.addi %broadcast_in_dim3A_1751, %add3A_1759 : vector<16xi32>
        %gather3A_1761 = tpu.vector_load_idx %arg8[%add3A_1760] : memref<16384xf32, #tpu.memory_space<vmem>>[vector<16xi32>], vector<16xf32>,
        %mul3A_1762 = arith.constant 32 : i32
        %mul3A_1763 = arith.muli %add3A_78, %mul3A_1762 : i32
        %add3A_1764 = arith.constant 24 : i32
        %add3A_1765 = arith.addi %mul3A_1763, %add3A_1764 : i32
        %mul3A_1766 = arith.constant 128 : i32
        %mul3A_1767 = arith.muli %add3A_1765, %mul3A_1766 : i32
        %add3A_1768 = arith.constant 0 : i32
        %add3A_1769 = arith.addi %mul3A_1767, %add3A_1768 : i32
        %get3A_1770 = arith.index_cast %add3A_1769 : i32 to index
        %get3A_1771 = tpu.vector_load %arg6[%get3A_1770] {strides = array<i32>} : memref<16384xf32, #tpu.memory_space<vmem>>, vector<16xf32>,
        %mul3A_1772 = arith.mulf %gather3A_1761, %get3A_1771 : vector<16xf32>
        %add3A_1773 = arith.addf %add3A_1707, %mul3A_1772 : vector<16xf32>
        %add3A_1774 = arith.constant 16 : i32
        %add3A_1775 = arith.addi %mul3A_1767, %add3A_1774 : i32
        %get3A_1776 = arith.index_cast %add3A_1775 : i32 to index
        %get3A_1777 = tpu.vector_load %arg6[%get3A_1776] {strides = array<i32>} : memref<16384xf32, #tpu.memory_space<vmem>>, vector<16xf32>,
        %mul3A_1778 = arith.mulf %gather3A_1761, %get3A_1777 : vector<16xf32>
        %add3A_1779 = arith.addf %add3A_1713, %mul3A_1778 : vector<16xf32>
        %add3A_1780 = arith.constant 32 : i32
        %add3A_1781 = arith.addi %mul3A_1767, %add3A_1780 : i32
        %get3A_1782 = arith.index_cast %add3A_1781 : i32 to index
        %get3A_1783 = tpu.vector_load %arg6[%get3A_1782] {strides = array<i32>} : memref<16384xf32, #tpu.memory_space<vmem>>, vector<16xf32>,
        %mul3A_1784 = arith.mulf %gather3A_1761, %get3A_1783 : vector<16xf32>
        %add3A_1785 = arith.addf %add3A_1719, %mul3A_1784 : vector<16xf32>
        %add3A_1786 = arith.constant 48 : i32
        %add3A_1787 = arith.addi %mul3A_1767, %add3A_1786 : i32
        %get3A_1788 = arith.index_cast %add3A_1787 : i32 to index
        %get3A_1789 = tpu.vector_load %arg6[%get3A_1788] {strides = array<i32>} : memref<16384xf32, #tpu.memory_space<vmem>>, vector<16xf32>,
        %mul3A_1790 = arith.mulf %gather3A_1761, %get3A_1789 : vector<16xf32>
        %add3A_1791 = arith.addf %add3A_1725, %mul3A_1790 : vector<16xf32>
        %add3A_1792 = arith.constant 64 : i32
        %add3A_1793 = arith.addi %mul3A_1767, %add3A_1792 : i32
        %get3A_1794 = arith.index_cast %add3A_1793 : i32 to index
        %get3A_1795 = tpu.vector_load %arg6[%get3A_1794] {strides = array<i32>} : memref<16384xf32, #tpu.memory_space<vmem>>, vector<16xf32>,
        %mul3A_1796 = arith.mulf %gather3A_1761, %get3A_1795 : vector<16xf32>
        %add3A_1797 = arith.addf %add3A_1731, %mul3A_1796 : vector<16xf32>
        %add3A_1798 = arith.constant 80 : i32
        %add3A_1799 = arith.addi %mul3A_1767, %add3A_1798 : i32
        %get3A_1800 = arith.index_cast %add3A_1799 : i32 to index
        %get3A_1801 = tpu.vector_load %arg6[%get3A_1800] {strides = array<i32>} : memref<16384xf32, #tpu.memory_space<vmem>>, vector<16xf32>,
        %mul3A_1802 = arith.mulf %gather3A_1761, %get3A_1801 : vector<16xf32>
        %add3A_1803 = arith.addf %add3A_1737, %mul3A_1802 : vector<16xf32>
        %add3A_1804 = arith.constant 96 : i32
        %add3A_1805 = arith.addi %mul3A_1767, %add3A_1804 : i32
        %get3A_1806 = arith.index_cast %add3A_1805 : i32 to index
        %get3A_1807 = tpu.vector_load %arg6[%get3A_1806] {strides = array<i32>} : memref<16384xf32, #tpu.memory_space<vmem>>, vector<16xf32>,
        %mul3A_1808 = arith.mulf %gather3A_1761, %get3A_1807 : vector<16xf32>
        %add3A_1809 = arith.addf %add3A_1743, %mul3A_1808 : vector<16xf32>
        %add3A_1810 = arith.constant 112 : i32
        %add3A_1811 = arith.addi %mul3A_1767, %add3A_1810 : i32
        %get3A_1812 = arith.index_cast %add3A_1811 : i32 to index
        %get3A_1813 = tpu.vector_load %arg6[%get3A_1812] {strides = array<i32>} : memref<16384xf32, #tpu.memory_space<vmem>>, vector<16xf32>,
        %mul3A_1814 = arith.mulf %gather3A_1761, %get3A_1813 : vector<16xf32>
        %add3A_1815 = arith.addf %add3A_1749, %mul3A_1814 : vector<16xf32>
        %broadcast_in_dim3A_1816 = arith.constant 0 : i32
        %broadcast_in_dim3A_1817 = vector.broadcast %broadcast_in_dim3A_1816 : i32 to vector<16xi32>
        %mul3A_1818 = arith.constant 32 : i32
        %mul3A_1819 = arith.muli %select_n3A_112, %mul3A_1818 : i32
        %add3A_1820 = arith.constant 25 : i32
        %add3A_1821 = arith.addi %mul3A_1819, %add3A_1820 : i32
        %mul3A_1822 = arith.constant 32 : i32
        %mul3A_1823 = arith.muli %add3A_1821, %mul3A_1822 : i32
        %add3A_1824 = arith.addi %mul3A_1823, %select_n3A : i32
        %add3A_1825 = vector.broadcast %add3A_1824 : i32 to vector<16xi32>
        %add3A_1826 = arith.addi %broadcast_in_dim3A_1817, %add3A_1825 : vector<16xi32>
        %gather3A_1827 = tpu.vector_load_idx %arg8[%add3A_1826] : memref<16384xf32, #tpu.memory_space<vmem>>[vector<16xi32>], vector<16xf32>,
        %mul3A_1828 = arith.constant 32 : i32
        %mul3A_1829 = arith.muli %add3A_78, %mul3A_1828 : i32
        %add3A_1830 = arith.constant 25 : i32
        %add3A_1831 = arith.addi %mul3A_1829, %add3A_1830 : i32
        %mul3A_1832 = arith.constant 128 : i32
        %mul3A_1833 = arith.muli %add3A_1831, %mul3A_1832 : i32
        %add3A_1834 = arith.constant 0 : i32
        %add3A_1835 = arith.addi %mul3A_1833, %add3A_1834 : i32
        %get3A_1836 = arith.index_cast %add3A_1835 : i32 to index
        %get3A_1837 = tpu.vector_load %arg6[%get3A_1836] {strides = array<i32>} : memref<16384xf32, #tpu.memory_space<vmem>>, vector<16xf32>,
        %mul3A_1838 = arith.mulf %gather3A_1827, %get3A_1837 : vector<16xf32>
        %add3A_1839 = arith.addf %add3A_1773, %mul3A_1838 : vector<16xf32>
        %add3A_1840 = arith.constant 16 : i32
        %add3A_1841 = arith.addi %mul3A_1833, %add3A_1840 : i32
        %get3A_1842 = arith.index_cast %add3A_1841 : i32 to index
        %get3A_1843 = tpu.vector_load %arg6[%get3A_1842] {strides = array<i32>} : memref<16384xf32, #tpu.memory_space<vmem>>, vector<16xf32>,
        %mul3A_1844 = arith.mulf %gather3A_1827, %get3A_1843 : vector<16xf32>
        %add3A_1845 = arith.addf %add3A_1779, %mul3A_1844 : vector<16xf32>
        %add3A_1846 = arith.constant 32 : i32
        %add3A_1847 = arith.addi %mul3A_1833, %add3A_1846 : i32
        %get3A_1848 = arith.index_cast %add3A_1847 : i32 to index
        %get3A_1849 = tpu.vector_load %arg6[%get3A_1848] {strides = array<i32>} : memref<16384xf32, #tpu.memory_space<vmem>>, vector<16xf32>,
        %mul3A_1850 = arith.mulf %gather3A_1827, %get3A_1849 : vector<16xf32>
        %add3A_1851 = arith.addf %add3A_1785, %mul3A_1850 : vector<16xf32>
        %add3A_1852 = arith.constant 48 : i32
        %add3A_1853 = arith.addi %mul3A_1833, %add3A_1852 : i32
        %get3A_1854 = arith.index_cast %add3A_1853 : i32 to index
        %get3A_1855 = tpu.vector_load %arg6[%get3A_1854] {strides = array<i32>} : memref<16384xf32, #tpu.memory_space<vmem>>, vector<16xf32>,
        %mul3A_1856 = arith.mulf %gather3A_1827, %get3A_1855 : vector<16xf32>
        %add3A_1857 = arith.addf %add3A_1791, %mul3A_1856 : vector<16xf32>
        %add3A_1858 = arith.constant 64 : i32
        %add3A_1859 = arith.addi %mul3A_1833, %add3A_1858 : i32
        %get3A_1860 = arith.index_cast %add3A_1859 : i32 to index
        %get3A_1861 = tpu.vector_load %arg6[%get3A_1860] {strides = array<i32>} : memref<16384xf32, #tpu.memory_space<vmem>>, vector<16xf32>,
        %mul3A_1862 = arith.mulf %gather3A_1827, %get3A_1861 : vector<16xf32>
        %add3A_1863 = arith.addf %add3A_1797, %mul3A_1862 : vector<16xf32>
        %add3A_1864 = arith.constant 80 : i32
        %add3A_1865 = arith.addi %mul3A_1833, %add3A_1864 : i32
        %get3A_1866 = arith.index_cast %add3A_1865 : i32 to index
        %get3A_1867 = tpu.vector_load %arg6[%get3A_1866] {strides = array<i32>} : memref<16384xf32, #tpu.memory_space<vmem>>, vector<16xf32>,
        %mul3A_1868 = arith.mulf %gather3A_1827, %get3A_1867 : vector<16xf32>
        %add3A_1869 = arith.addf %add3A_1803, %mul3A_1868 : vector<16xf32>
        %add3A_1870 = arith.constant 96 : i32
        %add3A_1871 = arith.addi %mul3A_1833, %add3A_1870 : i32
        %get3A_1872 = arith.index_cast %add3A_1871 : i32 to index
        %get3A_1873 = tpu.vector_load %arg6[%get3A_1872] {strides = array<i32>} : memref<16384xf32, #tpu.memory_space<vmem>>, vector<16xf32>,
        %mul3A_1874 = arith.mulf %gather3A_1827, %get3A_1873 : vector<16xf32>
        %add3A_1875 = arith.addf %add3A_1809, %mul3A_1874 : vector<16xf32>
        %add3A_1876 = arith.constant 112 : i32
        %add3A_1877 = arith.addi %mul3A_1833, %add3A_1876 : i32
        %get3A_1878 = arith.index_cast %add3A_1877 : i32 to index
        %get3A_1879 = tpu.vector_load %arg6[%get3A_1878] {strides = array<i32>} : memref<16384xf32, #tpu.memory_space<vmem>>, vector<16xf32>,
        %mul3A_1880 = arith.mulf %gather3A_1827, %get3A_1879 : vector<16xf32>
        %add3A_1881 = arith.addf %add3A_1815, %mul3A_1880 : vector<16xf32>
        %broadcast_in_dim3A_1882 = arith.constant 0 : i32
        %broadcast_in_dim3A_1883 = vector.broadcast %broadcast_in_dim3A_1882 : i32 to vector<16xi32>
        %mul3A_1884 = arith.constant 32 : i32
        %mul3A_1885 = arith.muli %select_n3A_112, %mul3A_1884 : i32
        %add3A_1886 = arith.constant 26 : i32
        %add3A_1887 = arith.addi %mul3A_1885, %add3A_1886 : i32
        %mul3A_1888 = arith.constant 32 : i32
        %mul3A_1889 = arith.muli %add3A_1887, %mul3A_1888 : i32
        %add3A_1890 = arith.addi %mul3A_1889, %select_n3A : i32
        %add3A_1891 = vector.broadcast %add3A_1890 : i32 to vector<16xi32>
        %add3A_1892 = arith.addi %broadcast_in_dim3A_1883, %add3A_1891 : vector<16xi32>
        %gather3A_1893 = tpu.vector_load_idx %arg8[%add3A_1892] : memref<16384xf32, #tpu.memory_space<vmem>>[vector<16xi32>], vector<16xf32>,
        %mul3A_1894 = arith.constant 32 : i32
        %mul3A_1895 = arith.muli %add3A_78, %mul3A_1894 : i32
        %add3A_1896 = arith.constant 26 : i32
        %add3A_1897 = arith.addi %mul3A_1895, %add3A_1896 : i32
        %mul3A_1898 = arith.constant 128 : i32
        %mul3A_1899 = arith.muli %add3A_1897, %mul3A_1898 : i32
        %add3A_1900 = arith.constant 0 : i32
        %add3A_1901 = arith.addi %mul3A_1899, %add3A_1900 : i32
        %get3A_1902 = arith.index_cast %add3A_1901 : i32 to index
        %get3A_1903 = tpu.vector_load %arg6[%get3A_1902] {strides = array<i32>} : memref<16384xf32, #tpu.memory_space<vmem>>, vector<16xf32>,
        %mul3A_1904 = arith.mulf %gather3A_1893, %get3A_1903 : vector<16xf32>
        %add3A_1905 = arith.addf %add3A_1839, %mul3A_1904 : vector<16xf32>
        %add3A_1906 = arith.constant 16 : i32
        %add3A_1907 = arith.addi %mul3A_1899, %add3A_1906 : i32
        %get3A_1908 = arith.index_cast %add3A_1907 : i32 to index
        %get3A_1909 = tpu.vector_load %arg6[%get3A_1908] {strides = array<i32>} : memref<16384xf32, #tpu.memory_space<vmem>>, vector<16xf32>,
        %mul3A_1910 = arith.mulf %gather3A_1893, %get3A_1909 : vector<16xf32>
        %add3A_1911 = arith.addf %add3A_1845, %mul3A_1910 : vector<16xf32>
        %add3A_1912 = arith.constant 32 : i32
        %add3A_1913 = arith.addi %mul3A_1899, %add3A_1912 : i32
        %get3A_1914 = arith.index_cast %add3A_1913 : i32 to index
        %get3A_1915 = tpu.vector_load %arg6[%get3A_1914] {strides = array<i32>} : memref<16384xf32, #tpu.memory_space<vmem>>, vector<16xf32>,
        %mul3A_1916 = arith.mulf %gather3A_1893, %get3A_1915 : vector<16xf32>
        %add3A_1917 = arith.addf %add3A_1851, %mul3A_1916 : vector<16xf32>
        %add3A_1918 = arith.constant 48 : i32
        %add3A_1919 = arith.addi %mul3A_1899, %add3A_1918 : i32
        %get3A_1920 = arith.index_cast %add3A_1919 : i32 to index
        %get3A_1921 = tpu.vector_load %arg6[%get3A_1920] {strides = array<i32>} : memref<16384xf32, #tpu.memory_space<vmem>>, vector<16xf32>,
        %mul3A_1922 = arith.mulf %gather3A_1893, %get3A_1921 : vector<16xf32>
        %add3A_1923 = arith.addf %add3A_1857, %mul3A_1922 : vector<16xf32>
        %add3A_1924 = arith.constant 64 : i32
        %add3A_1925 = arith.addi %mul3A_1899, %add3A_1924 : i32
        %get3A_1926 = arith.index_cast %add3A_1925 : i32 to index
        %get3A_1927 = tpu.vector_load %arg6[%get3A_1926] {strides = array<i32>} : memref<16384xf32, #tpu.memory_space<vmem>>, vector<16xf32>,
        %mul3A_1928 = arith.mulf %gather3A_1893, %get3A_1927 : vector<16xf32>
        %add3A_1929 = arith.addf %add3A_1863, %mul3A_1928 : vector<16xf32>
        %add3A_1930 = arith.constant 80 : i32
        %add3A_1931 = arith.addi %mul3A_1899, %add3A_1930 : i32
        %get3A_1932 = arith.index_cast %add3A_1931 : i32 to index
        %get3A_1933 = tpu.vector_load %arg6[%get3A_1932] {strides = array<i32>} : memref<16384xf32, #tpu.memory_space<vmem>>, vector<16xf32>,
        %mul3A_1934 = arith.mulf %gather3A_1893, %get3A_1933 : vector<16xf32>
        %add3A_1935 = arith.addf %add3A_1869, %mul3A_1934 : vector<16xf32>
        %add3A_1936 = arith.constant 96 : i32
        %add3A_1937 = arith.addi %mul3A_1899, %add3A_1936 : i32
        %get3A_1938 = arith.index_cast %add3A_1937 : i32 to index
        %get3A_1939 = tpu.vector_load %arg6[%get3A_1938] {strides = array<i32>} : memref<16384xf32, #tpu.memory_space<vmem>>, vector<16xf32>,
        %mul3A_1940 = arith.mulf %gather3A_1893, %get3A_1939 : vector<16xf32>
        %add3A_1941 = arith.addf %add3A_1875, %mul3A_1940 : vector<16xf32>
        %add3A_1942 = arith.constant 112 : i32
        %add3A_1943 = arith.addi %mul3A_1899, %add3A_1942 : i32
        %get3A_1944 = arith.index_cast %add3A_1943 : i32 to index
        %get3A_1945 = tpu.vector_load %arg6[%get3A_1944] {strides = array<i32>} : memref<16384xf32, #tpu.memory_space<vmem>>, vector<16xf32>,
        %mul3A_1946 = arith.mulf %gather3A_1893, %get3A_1945 : vector<16xf32>
        %add3A_1947 = arith.addf %add3A_1881, %mul3A_1946 : vector<16xf32>
        %broadcast_in_dim3A_1948 = arith.constant 0 : i32
        %broadcast_in_dim3A_1949 = vector.broadcast %broadcast_in_dim3A_1948 : i32 to vector<16xi32>
        %mul3A_1950 = arith.constant 32 : i32
        %mul3A_1951 = arith.muli %select_n3A_112, %mul3A_1950 : i32
        %add3A_1952 = arith.constant 27 : i32
        %add3A_1953 = arith.addi %mul3A_1951, %add3A_1952 : i32
        %mul3A_1954 = arith.constant 32 : i32
        %mul3A_1955 = arith.muli %add3A_1953, %mul3A_1954 : i32
        %add3A_1956 = arith.addi %mul3A_1955, %select_n3A : i32
        %add3A_1957 = vector.broadcast %add3A_1956 : i32 to vector<16xi32>
        %add3A_1958 = arith.addi %broadcast_in_dim3A_1949, %add3A_1957 : vector<16xi32>
        %gather3A_1959 = tpu.vector_load_idx %arg8[%add3A_1958] : memref<16384xf32, #tpu.memory_space<vmem>>[vector<16xi32>], vector<16xf32>,
        %mul3A_1960 = arith.constant 32 : i32
        %mul3A_1961 = arith.muli %add3A_78, %mul3A_1960 : i32
        %add3A_1962 = arith.constant 27 : i32
        %add3A_1963 = arith.addi %mul3A_1961, %add3A_1962 : i32
        %mul3A_1964 = arith.constant 128 : i32
        %mul3A_1965 = arith.muli %add3A_1963, %mul3A_1964 : i32
        %add3A_1966 = arith.constant 0 : i32
        %add3A_1967 = arith.addi %mul3A_1965, %add3A_1966 : i32
        %get3A_1968 = arith.index_cast %add3A_1967 : i32 to index
        %get3A_1969 = tpu.vector_load %arg6[%get3A_1968] {strides = array<i32>} : memref<16384xf32, #tpu.memory_space<vmem>>, vector<16xf32>,
        %mul3A_1970 = arith.mulf %gather3A_1959, %get3A_1969 : vector<16xf32>
        %add3A_1971 = arith.addf %add3A_1905, %mul3A_1970 : vector<16xf32>
        %add3A_1972 = arith.constant 16 : i32
        %add3A_1973 = arith.addi %mul3A_1965, %add3A_1972 : i32
        %get3A_1974 = arith.index_cast %add3A_1973 : i32 to index
        %get3A_1975 = tpu.vector_load %arg6[%get3A_1974] {strides = array<i32>} : memref<16384xf32, #tpu.memory_space<vmem>>, vector<16xf32>,
        %mul3A_1976 = arith.mulf %gather3A_1959, %get3A_1975 : vector<16xf32>
        %add3A_1977 = arith.addf %add3A_1911, %mul3A_1976 : vector<16xf32>
        %add3A_1978 = arith.constant 32 : i32
        %add3A_1979 = arith.addi %mul3A_1965, %add3A_1978 : i32
        %get3A_1980 = arith.index_cast %add3A_1979 : i32 to index
        %get3A_1981 = tpu.vector_load %arg6[%get3A_1980] {strides = array<i32>} : memref<16384xf32, #tpu.memory_space<vmem>>, vector<16xf32>,
        %mul3A_1982 = arith.mulf %gather3A_1959, %get3A_1981 : vector<16xf32>
        %add3A_1983 = arith.addf %add3A_1917, %mul3A_1982 : vector<16xf32>
        %add3A_1984 = arith.constant 48 : i32
        %add3A_1985 = arith.addi %mul3A_1965, %add3A_1984 : i32
        %get3A_1986 = arith.index_cast %add3A_1985 : i32 to index
        %get3A_1987 = tpu.vector_load %arg6[%get3A_1986] {strides = array<i32>} : memref<16384xf32, #tpu.memory_space<vmem>>, vector<16xf32>,
        %mul3A_1988 = arith.mulf %gather3A_1959, %get3A_1987 : vector<16xf32>
        %add3A_1989 = arith.addf %add3A_1923, %mul3A_1988 : vector<16xf32>
        %add3A_1990 = arith.constant 64 : i32
        %add3A_1991 = arith.addi %mul3A_1965, %add3A_1990 : i32
        %get3A_1992 = arith.index_cast %add3A_1991 : i32 to index
        %get3A_1993 = tpu.vector_load %arg6[%get3A_1992] {strides = array<i32>} : memref<16384xf32, #tpu.memory_space<vmem>>, vector<16xf32>,
        %mul3A_1994 = arith.mulf %gather3A_1959, %get3A_1993 : vector<16xf32>
        %add3A_1995 = arith.addf %add3A_1929, %mul3A_1994 : vector<16xf32>
        %add3A_1996 = arith.constant 80 : i32
        %add3A_1997 = arith.addi %mul3A_1965, %add3A_1996 : i32
        %get3A_1998 = arith.index_cast %add3A_1997 : i32 to index
        %get3A_1999 = tpu.vector_load %arg6[%get3A_1998] {strides = array<i32>} : memref<16384xf32, #tpu.memory_space<vmem>>, vector<16xf32>,
        %mul3A_2000 = arith.mulf %gather3A_1959, %get3A_1999 : vector<16xf32>
        %add3A_2001 = arith.addf %add3A_1935, %mul3A_2000 : vector<16xf32>
        %add3A_2002 = arith.constant 96 : i32
        %add3A_2003 = arith.addi %mul3A_1965, %add3A_2002 : i32
        %get3A_2004 = arith.index_cast %add3A_2003 : i32 to index
        %get3A_2005 = tpu.vector_load %arg6[%get3A_2004] {strides = array<i32>} : memref<16384xf32, #tpu.memory_space<vmem>>, vector<16xf32>,
        %mul3A_2006 = arith.mulf %gather3A_1959, %get3A_2005 : vector<16xf32>
        %add3A_2007 = arith.addf %add3A_1941, %mul3A_2006 : vector<16xf32>
        %add3A_2008 = arith.constant 112 : i32
        %add3A_2009 = arith.addi %mul3A_1965, %add3A_2008 : i32
        %get3A_2010 = arith.index_cast %add3A_2009 : i32 to index
        %get3A_2011 = tpu.vector_load %arg6[%get3A_2010] {strides = array<i32>} : memref<16384xf32, #tpu.memory_space<vmem>>, vector<16xf32>,
        %mul3A_2012 = arith.mulf %gather3A_1959, %get3A_2011 : vector<16xf32>
        %add3A_2013 = arith.addf %add3A_1947, %mul3A_2012 : vector<16xf32>
        %broadcast_in_dim3A_2014 = arith.constant 0 : i32
        %broadcast_in_dim3A_2015 = vector.broadcast %broadcast_in_dim3A_2014 : i32 to vector<16xi32>
        %mul3A_2016 = arith.constant 32 : i32
        %mul3A_2017 = arith.muli %select_n3A_112, %mul3A_2016 : i32
        %add3A_2018 = arith.constant 28 : i32
        %add3A_2019 = arith.addi %mul3A_2017, %add3A_2018 : i32
        %mul3A_2020 = arith.constant 32 : i32
        %mul3A_2021 = arith.muli %add3A_2019, %mul3A_2020 : i32
        %add3A_2022 = arith.addi %mul3A_2021, %select_n3A : i32
        %add3A_2023 = vector.broadcast %add3A_2022 : i32 to vector<16xi32>
        %add3A_2024 = arith.addi %broadcast_in_dim3A_2015, %add3A_2023 : vector<16xi32>
        %gather3A_2025 = tpu.vector_load_idx %arg8[%add3A_2024] : memref<16384xf32, #tpu.memory_space<vmem>>[vector<16xi32>], vector<16xf32>,
        %mul3A_2026 = arith.constant 32 : i32
        %mul3A_2027 = arith.muli %add3A_78, %mul3A_2026 : i32
        %add3A_2028 = arith.constant 28 : i32
        %add3A_2029 = arith.addi %mul3A_2027, %add3A_2028 : i32
        %mul3A_2030 = arith.constant 128 : i32
        %mul3A_2031 = arith.muli %add3A_2029, %mul3A_2030 : i32
        %add3A_2032 = arith.constant 0 : i32
        %add3A_2033 = arith.addi %mul3A_2031, %add3A_2032 : i32
        %get3A_2034 = arith.index_cast %add3A_2033 : i32 to index
        %get3A_2035 = tpu.vector_load %arg6[%get3A_2034] {strides = array<i32>} : memref<16384xf32, #tpu.memory_space<vmem>>, vector<16xf32>,
        %mul3A_2036 = arith.mulf %gather3A_2025, %get3A_2035 : vector<16xf32>
        %add3A_2037 = arith.addf %add3A_1971, %mul3A_2036 : vector<16xf32>
        %add3A_2038 = arith.constant 16 : i32
        %add3A_2039 = arith.addi %mul3A_2031, %add3A_2038 : i32
        %get3A_2040 = arith.index_cast %add3A_2039 : i32 to index
        %get3A_2041 = tpu.vector_load %arg6[%get3A_2040] {strides = array<i32>} : memref<16384xf32, #tpu.memory_space<vmem>>, vector<16xf32>,
        %mul3A_2042 = arith.mulf %gather3A_2025, %get3A_2041 : vector<16xf32>
        %add3A_2043 = arith.addf %add3A_1977, %mul3A_2042 : vector<16xf32>
        %add3A_2044 = arith.constant 32 : i32
        %add3A_2045 = arith.addi %mul3A_2031, %add3A_2044 : i32
        %get3A_2046 = arith.index_cast %add3A_2045 : i32 to index
        %get3A_2047 = tpu.vector_load %arg6[%get3A_2046] {strides = array<i32>} : memref<16384xf32, #tpu.memory_space<vmem>>, vector<16xf32>,
        %mul3A_2048 = arith.mulf %gather3A_2025, %get3A_2047 : vector<16xf32>
        %add3A_2049 = arith.addf %add3A_1983, %mul3A_2048 : vector<16xf32>
        %add3A_2050 = arith.constant 48 : i32
        %add3A_2051 = arith.addi %mul3A_2031, %add3A_2050 : i32
        %get3A_2052 = arith.index_cast %add3A_2051 : i32 to index
        %get3A_2053 = tpu.vector_load %arg6[%get3A_2052] {strides = array<i32>} : memref<16384xf32, #tpu.memory_space<vmem>>, vector<16xf32>,
        %mul3A_2054 = arith.mulf %gather3A_2025, %get3A_2053 : vector<16xf32>
        %add3A_2055 = arith.addf %add3A_1989, %mul3A_2054 : vector<16xf32>
        %add3A_2056 = arith.constant 64 : i32
        %add3A_2057 = arith.addi %mul3A_2031, %add3A_2056 : i32
        %get3A_2058 = arith.index_cast %add3A_2057 : i32 to index
        %get3A_2059 = tpu.vector_load %arg6[%get3A_2058] {strides = array<i32>} : memref<16384xf32, #tpu.memory_space<vmem>>, vector<16xf32>,
        %mul3A_2060 = arith.mulf %gather3A_2025, %get3A_2059 : vector<16xf32>
        %add3A_2061 = arith.addf %add3A_1995, %mul3A_2060 : vector<16xf32>
        %add3A_2062 = arith.constant 80 : i32
        %add3A_2063 = arith.addi %mul3A_2031, %add3A_2062 : i32
        %get3A_2064 = arith.index_cast %add3A_2063 : i32 to index
        %get3A_2065 = tpu.vector_load %arg6[%get3A_2064] {strides = array<i32>} : memref<16384xf32, #tpu.memory_space<vmem>>, vector<16xf32>,
        %mul3A_2066 = arith.mulf %gather3A_2025, %get3A_2065 : vector<16xf32>
        %add3A_2067 = arith.addf %add3A_2001, %mul3A_2066 : vector<16xf32>
        %add3A_2068 = arith.constant 96 : i32
        %add3A_2069 = arith.addi %mul3A_2031, %add3A_2068 : i32
        %get3A_2070 = arith.index_cast %add3A_2069 : i32 to index
        %get3A_2071 = tpu.vector_load %arg6[%get3A_2070] {strides = array<i32>} : memref<16384xf32, #tpu.memory_space<vmem>>, vector<16xf32>,
        %mul3A_2072 = arith.mulf %gather3A_2025, %get3A_2071 : vector<16xf32>
        %add3A_2073 = arith.addf %add3A_2007, %mul3A_2072 : vector<16xf32>
        %add3A_2074 = arith.constant 112 : i32
        %add3A_2075 = arith.addi %mul3A_2031, %add3A_2074 : i32
        %get3A_2076 = arith.index_cast %add3A_2075 : i32 to index
        %get3A_2077 = tpu.vector_load %arg6[%get3A_2076] {strides = array<i32>} : memref<16384xf32, #tpu.memory_space<vmem>>, vector<16xf32>,
        %mul3A_2078 = arith.mulf %gather3A_2025, %get3A_2077 : vector<16xf32>
        %add3A_2079 = arith.addf %add3A_2013, %mul3A_2078 : vector<16xf32>
        %broadcast_in_dim3A_2080 = arith.constant 0 : i32
        %broadcast_in_dim3A_2081 = vector.broadcast %broadcast_in_dim3A_2080 : i32 to vector<16xi32>
        %mul3A_2082 = arith.constant 32 : i32
        %mul3A_2083 = arith.muli %select_n3A_112, %mul3A_2082 : i32
        %add3A_2084 = arith.constant 29 : i32
        %add3A_2085 = arith.addi %mul3A_2083, %add3A_2084 : i32
        %mul3A_2086 = arith.constant 32 : i32
        %mul3A_2087 = arith.muli %add3A_2085, %mul3A_2086 : i32
        %add3A_2088 = arith.addi %mul3A_2087, %select_n3A : i32
        %add3A_2089 = vector.broadcast %add3A_2088 : i32 to vector<16xi32>
        %add3A_2090 = arith.addi %broadcast_in_dim3A_2081, %add3A_2089 : vector<16xi32>
        %gather3A_2091 = tpu.vector_load_idx %arg8[%add3A_2090] : memref<16384xf32, #tpu.memory_space<vmem>>[vector<16xi32>], vector<16xf32>,
        %mul3A_2092 = arith.constant 32 : i32
        %mul3A_2093 = arith.muli %add3A_78, %mul3A_2092 : i32
        %add3A_2094 = arith.constant 29 : i32
        %add3A_2095 = arith.addi %mul3A_2093, %add3A_2094 : i32
        %mul3A_2096 = arith.constant 128 : i32
        %mul3A_2097 = arith.muli %add3A_2095, %mul3A_2096 : i32
        %add3A_2098 = arith.constant 0 : i32
        %add3A_2099 = arith.addi %mul3A_2097, %add3A_2098 : i32
        %get3A_2100 = arith.index_cast %add3A_2099 : i32 to index
        %get3A_2101 = tpu.vector_load %arg6[%get3A_2100] {strides = array<i32>} : memref<16384xf32, #tpu.memory_space<vmem>>, vector<16xf32>,
        %mul3A_2102 = arith.mulf %gather3A_2091, %get3A_2101 : vector<16xf32>
        %add3A_2103 = arith.addf %add3A_2037, %mul3A_2102 : vector<16xf32>
        %add3A_2104 = arith.constant 16 : i32
        %add3A_2105 = arith.addi %mul3A_2097, %add3A_2104 : i32
        %get3A_2106 = arith.index_cast %add3A_2105 : i32 to index
        %get3A_2107 = tpu.vector_load %arg6[%get3A_2106] {strides = array<i32>} : memref<16384xf32, #tpu.memory_space<vmem>>, vector<16xf32>,
        %mul3A_2108 = arith.mulf %gather3A_2091, %get3A_2107 : vector<16xf32>
        %add3A_2109 = arith.addf %add3A_2043, %mul3A_2108 : vector<16xf32>
        %add3A_2110 = arith.constant 32 : i32
        %add3A_2111 = arith.addi %mul3A_2097, %add3A_2110 : i32
        %get3A_2112 = arith.index_cast %add3A_2111 : i32 to index
        %get3A_2113 = tpu.vector_load %arg6[%get3A_2112] {strides = array<i32>} : memref<16384xf32, #tpu.memory_space<vmem>>, vector<16xf32>,
        %mul3A_2114 = arith.mulf %gather3A_2091, %get3A_2113 : vector<16xf32>
        %add3A_2115 = arith.addf %add3A_2049, %mul3A_2114 : vector<16xf32>
        %add3A_2116 = arith.constant 48 : i32
        %add3A_2117 = arith.addi %mul3A_2097, %add3A_2116 : i32
        %get3A_2118 = arith.index_cast %add3A_2117 : i32 to index
        %get3A_2119 = tpu.vector_load %arg6[%get3A_2118] {strides = array<i32>} : memref<16384xf32, #tpu.memory_space<vmem>>, vector<16xf32>,
        %mul3A_2120 = arith.mulf %gather3A_2091, %get3A_2119 : vector<16xf32>
        %add3A_2121 = arith.addf %add3A_2055, %mul3A_2120 : vector<16xf32>
        %add3A_2122 = arith.constant 64 : i32
        %add3A_2123 = arith.addi %mul3A_2097, %add3A_2122 : i32
        %get3A_2124 = arith.index_cast %add3A_2123 : i32 to index
        %get3A_2125 = tpu.vector_load %arg6[%get3A_2124] {strides = array<i32>} : memref<16384xf32, #tpu.memory_space<vmem>>, vector<16xf32>,
        %mul3A_2126 = arith.mulf %gather3A_2091, %get3A_2125 : vector<16xf32>
        %add3A_2127 = arith.addf %add3A_2061, %mul3A_2126 : vector<16xf32>
        %add3A_2128 = arith.constant 80 : i32
        %add3A_2129 = arith.addi %mul3A_2097, %add3A_2128 : i32
        %get3A_2130 = arith.index_cast %add3A_2129 : i32 to index
        %get3A_2131 = tpu.vector_load %arg6[%get3A_2130] {strides = array<i32>} : memref<16384xf32, #tpu.memory_space<vmem>>, vector<16xf32>,
        %mul3A_2132 = arith.mulf %gather3A_2091, %get3A_2131 : vector<16xf32>
        %add3A_2133 = arith.addf %add3A_2067, %mul3A_2132 : vector<16xf32>
        %add3A_2134 = arith.constant 96 : i32
        %add3A_2135 = arith.addi %mul3A_2097, %add3A_2134 : i32
        %get3A_2136 = arith.index_cast %add3A_2135 : i32 to index
        %get3A_2137 = tpu.vector_load %arg6[%get3A_2136] {strides = array<i32>} : memref<16384xf32, #tpu.memory_space<vmem>>, vector<16xf32>,
        %mul3A_2138 = arith.mulf %gather3A_2091, %get3A_2137 : vector<16xf32>
        %add3A_2139 = arith.addf %add3A_2073, %mul3A_2138 : vector<16xf32>
        %add3A_2140 = arith.constant 112 : i32
        %add3A_2141 = arith.addi %mul3A_2097, %add3A_2140 : i32
        %get3A_2142 = arith.index_cast %add3A_2141 : i32 to index
        %get3A_2143 = tpu.vector_load %arg6[%get3A_2142] {strides = array<i32>} : memref<16384xf32, #tpu.memory_space<vmem>>, vector<16xf32>,
        %mul3A_2144 = arith.mulf %gather3A_2091, %get3A_2143 : vector<16xf32>
        %add3A_2145 = arith.addf %add3A_2079, %mul3A_2144 : vector<16xf32>
        %broadcast_in_dim3A_2146 = arith.constant 0 : i32
        %broadcast_in_dim3A_2147 = vector.broadcast %broadcast_in_dim3A_2146 : i32 to vector<16xi32>
        %mul3A_2148 = arith.constant 32 : i32
        %mul3A_2149 = arith.muli %select_n3A_112, %mul3A_2148 : i32
        %add3A_2150 = arith.constant 30 : i32
        %add3A_2151 = arith.addi %mul3A_2149, %add3A_2150 : i32
        %mul3A_2152 = arith.constant 32 : i32
        %mul3A_2153 = arith.muli %add3A_2151, %mul3A_2152 : i32
        %add3A_2154 = arith.addi %mul3A_2153, %select_n3A : i32
        %add3A_2155 = vector.broadcast %add3A_2154 : i32 to vector<16xi32>
        %add3A_2156 = arith.addi %broadcast_in_dim3A_2147, %add3A_2155 : vector<16xi32>
        %gather3A_2157 = tpu.vector_load_idx %arg8[%add3A_2156] : memref<16384xf32, #tpu.memory_space<vmem>>[vector<16xi32>], vector<16xf32>,
        %mul3A_2158 = arith.constant 32 : i32
        %mul3A_2159 = arith.muli %add3A_78, %mul3A_2158 : i32
        %add3A_2160 = arith.constant 30 : i32
        %add3A_2161 = arith.addi %mul3A_2159, %add3A_2160 : i32
        %mul3A_2162 = arith.constant 128 : i32
        %mul3A_2163 = arith.muli %add3A_2161, %mul3A_2162 : i32
        %add3A_2164 = arith.constant 0 : i32
        %add3A_2165 = arith.addi %mul3A_2163, %add3A_2164 : i32
        %get3A_2166 = arith.index_cast %add3A_2165 : i32 to index
        %get3A_2167 = tpu.vector_load %arg6[%get3A_2166] {strides = array<i32>} : memref<16384xf32, #tpu.memory_space<vmem>>, vector<16xf32>,
        %mul3A_2168 = arith.mulf %gather3A_2157, %get3A_2167 : vector<16xf32>
        %add3A_2169 = arith.addf %add3A_2103, %mul3A_2168 : vector<16xf32>
        %add3A_2170 = arith.constant 16 : i32
        %add3A_2171 = arith.addi %mul3A_2163, %add3A_2170 : i32
        %get3A_2172 = arith.index_cast %add3A_2171 : i32 to index
        %get3A_2173 = tpu.vector_load %arg6[%get3A_2172] {strides = array<i32>} : memref<16384xf32, #tpu.memory_space<vmem>>, vector<16xf32>,
        %mul3A_2174 = arith.mulf %gather3A_2157, %get3A_2173 : vector<16xf32>
        %add3A_2175 = arith.addf %add3A_2109, %mul3A_2174 : vector<16xf32>
        %add3A_2176 = arith.constant 32 : i32
        %add3A_2177 = arith.addi %mul3A_2163, %add3A_2176 : i32
        %get3A_2178 = arith.index_cast %add3A_2177 : i32 to index
        %get3A_2179 = tpu.vector_load %arg6[%get3A_2178] {strides = array<i32>} : memref<16384xf32, #tpu.memory_space<vmem>>, vector<16xf32>,
        %mul3A_2180 = arith.mulf %gather3A_2157, %get3A_2179 : vector<16xf32>
        %add3A_2181 = arith.addf %add3A_2115, %mul3A_2180 : vector<16xf32>
        %add3A_2182 = arith.constant 48 : i32
        %add3A_2183 = arith.addi %mul3A_2163, %add3A_2182 : i32
        %get3A_2184 = arith.index_cast %add3A_2183 : i32 to index
        %get3A_2185 = tpu.vector_load %arg6[%get3A_2184] {strides = array<i32>} : memref<16384xf32, #tpu.memory_space<vmem>>, vector<16xf32>,
        %mul3A_2186 = arith.mulf %gather3A_2157, %get3A_2185 : vector<16xf32>
        %add3A_2187 = arith.addf %add3A_2121, %mul3A_2186 : vector<16xf32>
        %add3A_2188 = arith.constant 64 : i32
        %add3A_2189 = arith.addi %mul3A_2163, %add3A_2188 : i32
        %get3A_2190 = arith.index_cast %add3A_2189 : i32 to index
        %get3A_2191 = tpu.vector_load %arg6[%get3A_2190] {strides = array<i32>} : memref<16384xf32, #tpu.memory_space<vmem>>, vector<16xf32>,
        %mul3A_2192 = arith.mulf %gather3A_2157, %get3A_2191 : vector<16xf32>
        %add3A_2193 = arith.addf %add3A_2127, %mul3A_2192 : vector<16xf32>
        %add3A_2194 = arith.constant 80 : i32
        %add3A_2195 = arith.addi %mul3A_2163, %add3A_2194 : i32
        %get3A_2196 = arith.index_cast %add3A_2195 : i32 to index
        %get3A_2197 = tpu.vector_load %arg6[%get3A_2196] {strides = array<i32>} : memref<16384xf32, #tpu.memory_space<vmem>>, vector<16xf32>,
        %mul3A_2198 = arith.mulf %gather3A_2157, %get3A_2197 : vector<16xf32>
        %add3A_2199 = arith.addf %add3A_2133, %mul3A_2198 : vector<16xf32>
        %add3A_2200 = arith.constant 96 : i32
        %add3A_2201 = arith.addi %mul3A_2163, %add3A_2200 : i32
        %get3A_2202 = arith.index_cast %add3A_2201 : i32 to index
        %get3A_2203 = tpu.vector_load %arg6[%get3A_2202] {strides = array<i32>} : memref<16384xf32, #tpu.memory_space<vmem>>, vector<16xf32>,
        %mul3A_2204 = arith.mulf %gather3A_2157, %get3A_2203 : vector<16xf32>
        %add3A_2205 = arith.addf %add3A_2139, %mul3A_2204 : vector<16xf32>
        %add3A_2206 = arith.constant 112 : i32
        %add3A_2207 = arith.addi %mul3A_2163, %add3A_2206 : i32
        %get3A_2208 = arith.index_cast %add3A_2207 : i32 to index
        %get3A_2209 = tpu.vector_load %arg6[%get3A_2208] {strides = array<i32>} : memref<16384xf32, #tpu.memory_space<vmem>>, vector<16xf32>,
        %mul3A_2210 = arith.mulf %gather3A_2157, %get3A_2209 : vector<16xf32>
        %add3A_2211 = arith.addf %add3A_2145, %mul3A_2210 : vector<16xf32>
        %broadcast_in_dim3A_2212 = arith.constant 0 : i32
        %broadcast_in_dim3A_2213 = vector.broadcast %broadcast_in_dim3A_2212 : i32 to vector<16xi32>
        %mul3A_2214 = arith.constant 32 : i32
        %mul3A_2215 = arith.muli %select_n3A_112, %mul3A_2214 : i32
        %add3A_2216 = arith.constant 31 : i32
        %add3A_2217 = arith.addi %mul3A_2215, %add3A_2216 : i32
        %mul3A_2218 = arith.constant 32 : i32
        %mul3A_2219 = arith.muli %add3A_2217, %mul3A_2218 : i32
        %add3A_2220 = arith.addi %mul3A_2219, %select_n3A : i32
        %add3A_2221 = vector.broadcast %add3A_2220 : i32 to vector<16xi32>
        %add3A_2222 = arith.addi %broadcast_in_dim3A_2213, %add3A_2221 : vector<16xi32>
        %gather3A_2223 = tpu.vector_load_idx %arg8[%add3A_2222] : memref<16384xf32, #tpu.memory_space<vmem>>[vector<16xi32>], vector<16xf32>,
        %mul3A_2224 = arith.constant 32 : i32
        %mul3A_2225 = arith.muli %add3A_78, %mul3A_2224 : i32
        %add3A_2226 = arith.constant 31 : i32
        %add3A_2227 = arith.addi %mul3A_2225, %add3A_2226 : i32
        %mul3A_2228 = arith.constant 128 : i32
        %mul3A_2229 = arith.muli %add3A_2227, %mul3A_2228 : i32
        %add3A_2230 = arith.constant 0 : i32
        %add3A_2231 = arith.addi %mul3A_2229, %add3A_2230 : i32
        %get3A_2232 = arith.index_cast %add3A_2231 : i32 to index
        %get3A_2233 = tpu.vector_load %arg6[%get3A_2232] {strides = array<i32>} : memref<16384xf32, #tpu.memory_space<vmem>>, vector<16xf32>,
        %mul3A_2234 = arith.mulf %gather3A_2223, %get3A_2233 : vector<16xf32>
        %add3A_2235 = arith.addf %add3A_2169, %mul3A_2234 : vector<16xf32>
        %add3A_2236 = arith.constant 16 : i32
        %add3A_2237 = arith.addi %mul3A_2229, %add3A_2236 : i32
        %get3A_2238 = arith.index_cast %add3A_2237 : i32 to index
        %get3A_2239 = tpu.vector_load %arg6[%get3A_2238] {strides = array<i32>} : memref<16384xf32, #tpu.memory_space<vmem>>, vector<16xf32>,
        %mul3A_2240 = arith.mulf %gather3A_2223, %get3A_2239 : vector<16xf32>
        %add3A_2241 = arith.addf %add3A_2175, %mul3A_2240 : vector<16xf32>
        %add3A_2242 = arith.constant 32 : i32
        %add3A_2243 = arith.addi %mul3A_2229, %add3A_2242 : i32
        %get3A_2244 = arith.index_cast %add3A_2243 : i32 to index
        %get3A_2245 = tpu.vector_load %arg6[%get3A_2244] {strides = array<i32>} : memref<16384xf32, #tpu.memory_space<vmem>>, vector<16xf32>,
        %mul3A_2246 = arith.mulf %gather3A_2223, %get3A_2245 : vector<16xf32>
        %add3A_2247 = arith.addf %add3A_2181, %mul3A_2246 : vector<16xf32>
        %add3A_2248 = arith.constant 48 : i32
        %add3A_2249 = arith.addi %mul3A_2229, %add3A_2248 : i32
        %get3A_2250 = arith.index_cast %add3A_2249 : i32 to index
        %get3A_2251 = tpu.vector_load %arg6[%get3A_2250] {strides = array<i32>} : memref<16384xf32, #tpu.memory_space<vmem>>, vector<16xf32>,
        %mul3A_2252 = arith.mulf %gather3A_2223, %get3A_2251 : vector<16xf32>
        %add3A_2253 = arith.addf %add3A_2187, %mul3A_2252 : vector<16xf32>
        %add3A_2254 = arith.constant 64 : i32
        %add3A_2255 = arith.addi %mul3A_2229, %add3A_2254 : i32
        %get3A_2256 = arith.index_cast %add3A_2255 : i32 to index
        %get3A_2257 = tpu.vector_load %arg6[%get3A_2256] {strides = array<i32>} : memref<16384xf32, #tpu.memory_space<vmem>>, vector<16xf32>,
        %mul3A_2258 = arith.mulf %gather3A_2223, %get3A_2257 : vector<16xf32>
        %add3A_2259 = arith.addf %add3A_2193, %mul3A_2258 : vector<16xf32>
        %add3A_2260 = arith.constant 80 : i32
        %add3A_2261 = arith.addi %mul3A_2229, %add3A_2260 : i32
        %get3A_2262 = arith.index_cast %add3A_2261 : i32 to index
        %get3A_2263 = tpu.vector_load %arg6[%get3A_2262] {strides = array<i32>} : memref<16384xf32, #tpu.memory_space<vmem>>, vector<16xf32>,
        %mul3A_2264 = arith.mulf %gather3A_2223, %get3A_2263 : vector<16xf32>
        %add3A_2265 = arith.addf %add3A_2199, %mul3A_2264 : vector<16xf32>
        %add3A_2266 = arith.constant 96 : i32
        %add3A_2267 = arith.addi %mul3A_2229, %add3A_2266 : i32
        %get3A_2268 = arith.index_cast %add3A_2267 : i32 to index
        %get3A_2269 = tpu.vector_load %arg6[%get3A_2268] {strides = array<i32>} : memref<16384xf32, #tpu.memory_space<vmem>>, vector<16xf32>,
        %mul3A_2270 = arith.mulf %gather3A_2223, %get3A_2269 : vector<16xf32>
        %add3A_2271 = arith.addf %add3A_2205, %mul3A_2270 : vector<16xf32>
        %add3A_2272 = arith.constant 112 : i32
        %add3A_2273 = arith.addi %mul3A_2229, %add3A_2272 : i32
        %get3A_2274 = arith.index_cast %add3A_2273 : i32 to index
        %get3A_2275 = tpu.vector_load %arg6[%get3A_2274] {strides = array<i32>} : memref<16384xf32, #tpu.memory_space<vmem>>, vector<16xf32>,
        %mul3A_2276 = arith.mulf %gather3A_2223, %get3A_2275 : vector<16xf32>
        %add3A_2277 = arith.addf %add3A_2211, %mul3A_2276 : vector<16xf32>
        %mul3A_2278 = arith.constant 32768 : i32
        %mul3A_2279 = arith.muli %select_n3A_152, %mul3A_2278 : i32
        %mul3A_2280 = arith.constant 8 : i32
        %mul3A_2281 = arith.muli %select_n3A, %mul3A_2280 : i32
        %add3A_2282 = arith.addi %mul3A_2281, %select_n3A_136 : i32
        %mul3A_2283 = arith.constant 128 : i32
        %mul3A_2284 = arith.muli %add3A_2282, %mul3A_2283 : i32
        %add3A_2285 = arith.addi %mul3A_2279, %mul3A_2284 : i32
        %add3A_2286 = arith.constant 0 : i32
        %add3A_2287 = arith.addi %add3A_2285, %add3A_2286 : i32
        %swap3A = arith.index_cast %add3A_2287 : i32 to index
        %swap3A_2288 = tpu.vector_load %arg9[%swap3A] {strides = array<i32>} : memref<65536xf32, #tpu.memory_space<vmem>>, vector<16xf32>,
        tpu.vector_store %arg9[%swap3A], %add3A_2235 {strides = array<i32>} : memref<65536xf32, #tpu.memory_space<vmem>>, vector<16xf32>,
        %add3A_2289 = arith.constant 16 : i32
        %add3A_2290 = arith.addi %add3A_2285, %add3A_2289 : i32
        %swap3A_2291 = arith.index_cast %add3A_2290 : i32 to index
        %swap3A_2292 = tpu.vector_load %arg9[%swap3A_2291] {strides = array<i32>} : memref<65536xf32, #tpu.memory_space<vmem>>, vector<16xf32>,
        tpu.vector_store %arg9[%swap3A_2291], %add3A_2241 {strides = array<i32>} : memref<65536xf32, #tpu.memory_space<vmem>>, vector<16xf32>,
        %add3A_2293 = arith.constant 32 : i32
        %add3A_2294 = arith.addi %add3A_2285, %add3A_2293 : i32
        %swap3A_2295 = arith.index_cast %add3A_2294 : i32 to index
        %swap3A_2296 = tpu.vector_load %arg9[%swap3A_2295] {strides = array<i32>} : memref<65536xf32, #tpu.memory_space<vmem>>, vector<16xf32>,
        tpu.vector_store %arg9[%swap3A_2295], %add3A_2247 {strides = array<i32>} : memref<65536xf32, #tpu.memory_space<vmem>>, vector<16xf32>,
        %add3A_2297 = arith.constant 48 : i32
        %add3A_2298 = arith.addi %add3A_2285, %add3A_2297 : i32
        %swap3A_2299 = arith.index_cast %add3A_2298 : i32 to index
        %swap3A_2300 = tpu.vector_load %arg9[%swap3A_2299] {strides = array<i32>} : memref<65536xf32, #tpu.memory_space<vmem>>, vector<16xf32>,
        tpu.vector_store %arg9[%swap3A_2299], %add3A_2253 {strides = array<i32>} : memref<65536xf32, #tpu.memory_space<vmem>>, vector<16xf32>,
        %add3A_2301 = arith.constant 64 : i32
        %add3A_2302 = arith.addi %add3A_2285, %add3A_2301 : i32
        %swap3A_2303 = arith.index_cast %add3A_2302 : i32 to index
        %swap3A_2304 = tpu.vector_load %arg9[%swap3A_2303] {strides = array<i32>} : memref<65536xf32, #tpu.memory_space<vmem>>, vector<16xf32>,
        tpu.vector_store %arg9[%swap3A_2303], %add3A_2259 {strides = array<i32>} : memref<65536xf32, #tpu.memory_space<vmem>>, vector<16xf32>,
        %add3A_2305 = arith.constant 80 : i32
        %add3A_2306 = arith.addi %add3A_2285, %add3A_2305 : i32
        %swap3A_2307 = arith.index_cast %add3A_2306 : i32 to index
        %swap3A_2308 = tpu.vector_load %arg9[%swap3A_2307] {strides = array<i32>} : memref<65536xf32, #tpu.memory_space<vmem>>, vector<16xf32>,
        tpu.vector_store %arg9[%swap3A_2307], %add3A_2265 {strides = array<i32>} : memref<65536xf32, #tpu.memory_space<vmem>>, vector<16xf32>,
        %add3A_2309 = arith.constant 96 : i32
        %add3A_2310 = arith.addi %add3A_2285, %add3A_2309 : i32
        %swap3A_2311 = arith.index_cast %add3A_2310 : i32 to index
        %swap3A_2312 = tpu.vector_load %arg9[%swap3A_2311] {strides = array<i32>} : memref<65536xf32, #tpu.memory_space<vmem>>, vector<16xf32>,
        tpu.vector_store %arg9[%swap3A_2311], %add3A_2271 {strides = array<i32>} : memref<65536xf32, #tpu.memory_space<vmem>>, vector<16xf32>,
        %add3A_2313 = arith.constant 112 : i32
        %add3A_2314 = arith.addi %add3A_2285, %add3A_2313 : i32
        %swap3A_2315 = arith.index_cast %add3A_2314 : i32 to index
        %swap3A_2316 = tpu.vector_load %arg9[%swap3A_2315] {strides = array<i32>} : memref<65536xf32, #tpu.memory_space<vmem>>, vector<16xf32>,
        tpu.vector_store %arg9[%swap3A_2315], %add3A_2277 {strides = array<i32>} : memref<65536xf32, #tpu.memory_space<vmem>>, vector<16xf32>,
      }
      %scan3A_51 = arith.constant 4 : i32
      %add3A_52 = arith.constant 2 : i32
      %add3A_53 = arith.addi %add3A_42, %add3A_52 : i32
      %lt3A = arith.constant 128 : i32
      %lt3A_54 = arith.cmpi slt, %add3A_53, %lt3A : i32
      %convert_element_type3A = arith.extui %lt3A_54 : i1 to i32
      %cond3A = arith.constant 0 : i32
      %cond3A_55 = arith.cmpi ne, %convert_element_type3A, %cond3A : i32
      scf.if %cond3A_55 {
        %mul3A_74 = arith.constant 4 : i32
        %mul3A_75 = arith.muli %add3A_53, %mul3A_74 : i32
        %add3A_76 = arith.addi %mul3A_2, %mul3A_75 : i32
        %mul3A_77 = arith.constant 32 : i32
        %mul3A_78 = arith.muli %add3A_76, %mul3A_77 : i32
        %mul3A_79 = arith.constant 128 : i32
        %mul3A_80 = arith.muli %mul3A_78, %mul3A_79 : i32
        %dma_start3A_81 = tpu.memref_slice %arg2[%mul3A_80] : memref<67108864xf32, #tpu.memory_space<hbm>> -> memref<16384xf32, #tpu.memory_space<hbm>>
        %dma_start3A_82 = tpu.memref_slice %arg2[%mul3A_80] : memref<67108864xf32, #tpu.memory_space<hbm>> -> memref<16384xf32, #tpu.memory_space<hbm>>
        tpu.enqueue_dma source(%dma_start3A_82 : memref<16384xf32, #tpu.memory_space<hbm>>) target(%arg6 : memref<16384xf32, #tpu.memory_space<vmem>>) target_semaphore(%arg10 : memref<!tpu.dma_semaphore, #tpu.memory_space<semaphore_mem>>)
      } else {
      }
      %add3A_56 = arith.constant 1 : i32
      %add3A_57 = arith.addi %add3A_40, %add3A_56 : i32
      %dma_wait3A_58 = arith.constant 0 : i32
      %dma_wait3A_59 = tpu.memref_slice %arg2[%dma_wait3A_58] : memref<67108864xf32, #tpu.memory_space<hbm>> -> memref<16384xf32, #tpu.memory_space<hbm>>
      %dma_wait3A_60 = arith.constant 0 : i32
      %dma_wait3A_61 = tpu.memref_slice %arg2[%dma_wait3A_60] : memref<67108864xf32, #tpu.memory_space<hbm>> -> memref<16384xf32, #tpu.memory_space<hbm>>
      tpu.wait_dma2 semaphore(%arg11 : memref<!tpu.dma_semaphore, #tpu.memory_space<semaphore_mem>>) src(%dma_wait3A_61 : memref<16384xf32, #tpu.memory_space<hbm>>) dst(%arg7 : memref<16384xf32, #tpu.memory_space<vmem>>)
      %scan3A_62 = arith.constant 0 : i32
      %scan3A_63 = arith.constant 4 : i32
      %scan3A_64 = arith.addi %scan3A_62, %scan3A_63 : i32
      %scan3A_65 = arith.constant 1 : i32
      scf.for %scan3A_74 = %scan3A_62 to %scan3A_64 step %scan3A_65  : i32 {
        %mul3A_75 = arith.constant 1 : i32
        %mul3A_76 = arith.muli %scan3A_74, %mul3A_75 : i32
        %add3A_77 = arith.constant 0 : i32
        %add3A_78 = arith.addi %add3A_77, %mul3A_76 : i32
        %mul3A_79 = arith.constant 4 : i32
        %mul3A_80 = arith.muli %add3A_57, %mul3A_79 : i32
        %add3A_81 = arith.addi %mul3A_80, %add3A_78 : i32
        %jit3A = arith.constant 16 : i32
        %div3A = arith.divsi %add3A_81, %jit3A : i32
        %sign3A = arith.constant 0 : i32
        %sign3A_82 = arith.cmpi sgt, %add3A_81, %sign3A : i32
        %sign3A_83 = arith.extui %sign3A_82 : i1 to i32
        %sign3A_84 = arith.constant 0 : i32
        %sign3A_85 = arith.cmpi slt, %add3A_81, %sign3A_84 : i32
        %sign3A_86 = arith.extui %sign3A_85 : i1 to i32
        %sign3A_87 = arith.subi %sign3A_83, %sign3A_86 : i32
        %sign3A_88 = arith.constant 0 : i32
        %sign3A_89 = arith.cmpi sgt, %jit3A, %sign3A_88 : i32
        %sign3A_90 = arith.extui %sign3A_89 : i1 to i32
        %sign3A_91 = arith.constant 0 : i32
        %sign3A_92 = arith.cmpi slt, %jit3A, %sign3A_91 : i32
        %sign3A_93 = arith.extui %sign3A_92 : i1 to i32
        %sign3A_94 = arith.subi %sign3A_90, %sign3A_93 : i32
        %ne3A = arith.cmpi ne, %sign3A_87, %sign3A_94 : i32
        %rem3A = arith.remsi %add3A_81, %jit3A : i32
        %ne3A_95 = arith.constant 0 : i32
        %ne3A_96 = arith.cmpi ne, %rem3A, %ne3A_95 : i32
        %and3A = arith.andi %ne3A, %ne3A_96 : i1
        %sub3A = arith.constant 1 : i32
        %sub3A_97 = arith.subi %div3A, %sub3A : i32
        %select_n3A = arith.select %and3A, %sub3A_97, %div3A : i32
        %jit3A_98 = arith.constant 16 : i32
        %eq3A = arith.constant 0 : i32
        %eq3A_99 = arith.cmpi eq, %jit3A_98, %eq3A : i32
        %jit3A_100 = arith.constant 1 : i32
        %select_n3A_101 = arith.select %eq3A_99, %jit3A_100, %jit3A_98 : i32
        %rem3A_102 = arith.remsi %add3A_81, %select_n3A_101 : i32
        %ne3A_103 = arith.constant 0 : i32
        %ne3A_104 = arith.cmpi ne, %rem3A_102, %ne3A_103 : i32
        %lt3A_105 = arith.constant 0 : i32
        %lt3A_106 = arith.cmpi slt, %rem3A_102, %lt3A_105 : i32
        %lt3A_107 = arith.constant 0 : i32
        %lt3A_108 = arith.cmpi slt, %select_n3A_101, %lt3A_107 : i32
        %ne3A_109 = arith.xori %lt3A_106, %lt3A_108 : i1
        %and3A_110 = arith.andi %ne3A_109, %ne3A_104 : i1
        %add3A_111 = arith.addi %rem3A_102, %select_n3A_101 : i32
        %select_n3A_112 = arith.select %and3A_110, %add3A_111, %rem3A_102 : i32
        %jit3A_113 = arith.constant 2 : i32
        %div3A_114 = arith.divsi %select_n3A_112, %jit3A_113 : i32
        %sign3A_115 = arith.constant 0 : i32
        %sign3A_116 = arith.cmpi sgt, %select_n3A_112, %sign3A_115 : i32
        %sign3A_117 = arith.extui %sign3A_116 : i1 to i32
        %sign3A_118 = arith.constant 0 : i32
        %sign3A_119 = arith.cmpi slt, %select_n3A_112, %sign3A_118 : i32
        %sign3A_120 = arith.extui %sign3A_119 : i1 to i32
        %sign3A_121 = arith.subi %sign3A_117, %sign3A_120 : i32
        %sign3A_122 = arith.constant 0 : i32
        %sign3A_123 = arith.cmpi sgt, %jit3A_113, %sign3A_122 : i32
        %sign3A_124 = arith.extui %sign3A_123 : i1 to i32
        %sign3A_125 = arith.constant 0 : i32
        %sign3A_126 = arith.cmpi slt, %jit3A_113, %sign3A_125 : i32
        %sign3A_127 = arith.extui %sign3A_126 : i1 to i32
        %sign3A_128 = arith.subi %sign3A_124, %sign3A_127 : i32
        %ne3A_129 = arith.cmpi ne, %sign3A_121, %sign3A_128 : i32
        %rem3A_130 = arith.remsi %select_n3A_112, %jit3A_113 : i32
        %ne3A_131 = arith.constant 0 : i32
        %ne3A_132 = arith.cmpi ne, %rem3A_130, %ne3A_131 : i32
        %and3A_133 = arith.andi %ne3A_129, %ne3A_132 : i1
        %sub3A_134 = arith.constant 1 : i32
        %sub3A_135 = arith.subi %div3A_114, %sub3A_134 : i32
        %select_n3A_136 = arith.select %and3A_133, %sub3A_135, %div3A_114 : i32
        %jit3A_137 = arith.constant 2 : i32
        %eq3A_138 = arith.constant 0 : i32
        %eq3A_139 = arith.cmpi eq, %jit3A_137, %eq3A_138 : i32
        %jit3A_140 = arith.constant 1 : i32
        %select_n3A_141 = arith.select %eq3A_139, %jit3A_140, %jit3A_137 : i32
        %rem3A_142 = arith.remsi %select_n3A_112, %select_n3A_141 : i32
        %ne3A_143 = arith.constant 0 : i32
        %ne3A_144 = arith.cmpi ne, %rem3A_142, %ne3A_143 : i32
        %lt3A_145 = arith.constant 0 : i32
        %lt3A_146 = arith.cmpi slt, %rem3A_142, %lt3A_145 : i32
        %lt3A_147 = arith.constant 0 : i32
        %lt3A_148 = arith.cmpi slt, %select_n3A_141, %lt3A_147 : i32
        %ne3A_149 = arith.xori %lt3A_146, %lt3A_148 : i1
        %and3A_150 = arith.andi %ne3A_149, %ne3A_144 : i1
        %add3A_151 = arith.addi %rem3A_142, %select_n3A_141 : i32
        %select_n3A_152 = arith.select %and3A_150, %add3A_151, %rem3A_142 : i32
        %broadcast_in_dim3A = arith.constant 0.000000e+00 : f32
        %broadcast_in_dim3A_153 = vector.broadcast %broadcast_in_dim3A : f32 to vector<16xf32>
        %broadcast_in_dim3A_154 = arith.constant 0.000000e+00 : f32
        %broadcast_in_dim3A_155 = vector.broadcast %broadcast_in_dim3A_154 : f32 to vector<16xf32>
        %broadcast_in_dim3A_156 = arith.constant 0.000000e+00 : f32
        %broadcast_in_dim3A_157 = vector.broadcast %broadcast_in_dim3A_156 : f32 to vector<16xf32>
        %broadcast_in_dim3A_158 = arith.constant 0.000000e+00 : f32
        %broadcast_in_dim3A_159 = vector.broadcast %broadcast_in_dim3A_158 : f32 to vector<16xf32>
        %broadcast_in_dim3A_160 = arith.constant 0.000000e+00 : f32
        %broadcast_in_dim3A_161 = vector.broadcast %broadcast_in_dim3A_160 : f32 to vector<16xf32>
        %broadcast_in_dim3A_162 = arith.constant 0.000000e+00 : f32
        %broadcast_in_dim3A_163 = vector.broadcast %broadcast_in_dim3A_162 : f32 to vector<16xf32>
        %broadcast_in_dim3A_164 = arith.constant 0.000000e+00 : f32
        %broadcast_in_dim3A_165 = vector.broadcast %broadcast_in_dim3A_164 : f32 to vector<16xf32>
        %broadcast_in_dim3A_166 = arith.constant 0.000000e+00 : f32
        %broadcast_in_dim3A_167 = vector.broadcast %broadcast_in_dim3A_166 : f32 to vector<16xf32>
        %broadcast_in_dim3A_168 = arith.constant 0 : i32
        %broadcast_in_dim3A_169 = vector.broadcast %broadcast_in_dim3A_168 : i32 to vector<16xi32>
        %mul3A_170 = arith.constant 32 : i32
        %mul3A_171 = arith.muli %select_n3A_112, %mul3A_170 : i32
        %add3A_172 = arith.constant 0 : i32
        %add3A_173 = arith.addi %mul3A_171, %add3A_172 : i32
        %mul3A_174 = arith.constant 32 : i32
        %mul3A_175 = arith.muli %add3A_173, %mul3A_174 : i32
        %add3A_176 = arith.addi %mul3A_175, %select_n3A : i32
        %add3A_177 = vector.broadcast %add3A_176 : i32 to vector<16xi32>
        %add3A_178 = arith.addi %broadcast_in_dim3A_169, %add3A_177 : vector<16xi32>
        %gather3A = tpu.vector_load_idx %arg8[%add3A_178] : memref<16384xf32, #tpu.memory_space<vmem>>[vector<16xi32>], vector<16xf32>,
        %mul3A_179 = arith.constant 32 : i32
        %mul3A_180 = arith.muli %add3A_78, %mul3A_179 : i32
        %add3A_181 = arith.constant 0 : i32
        %add3A_182 = arith.addi %mul3A_180, %add3A_181 : i32
        %mul3A_183 = arith.constant 128 : i32
        %mul3A_184 = arith.muli %add3A_182, %mul3A_183 : i32
        %add3A_185 = arith.constant 0 : i32
        %add3A_186 = arith.addi %mul3A_184, %add3A_185 : i32
        %get3A = arith.index_cast %add3A_186 : i32 to index
        %get3A_187 = tpu.vector_load %arg7[%get3A] {strides = array<i32>} : memref<16384xf32, #tpu.memory_space<vmem>>, vector<16xf32>,
        %mul3A_188 = arith.mulf %gather3A, %get3A_187 : vector<16xf32>
        %add3A_189 = arith.addf %broadcast_in_dim3A_153, %mul3A_188 : vector<16xf32>
        %add3A_190 = arith.constant 16 : i32
        %add3A_191 = arith.addi %mul3A_184, %add3A_190 : i32
        %get3A_192 = arith.index_cast %add3A_191 : i32 to index
        %get3A_193 = tpu.vector_load %arg7[%get3A_192] {strides = array<i32>} : memref<16384xf32, #tpu.memory_space<vmem>>, vector<16xf32>,
        %mul3A_194 = arith.mulf %gather3A, %get3A_193 : vector<16xf32>
        %add3A_195 = arith.addf %broadcast_in_dim3A_155, %mul3A_194 : vector<16xf32>
        %add3A_196 = arith.constant 32 : i32
        %add3A_197 = arith.addi %mul3A_184, %add3A_196 : i32
        %get3A_198 = arith.index_cast %add3A_197 : i32 to index
        %get3A_199 = tpu.vector_load %arg7[%get3A_198] {strides = array<i32>} : memref<16384xf32, #tpu.memory_space<vmem>>, vector<16xf32>,
        %mul3A_200 = arith.mulf %gather3A, %get3A_199 : vector<16xf32>
        %add3A_201 = arith.addf %broadcast_in_dim3A_157, %mul3A_200 : vector<16xf32>
        %add3A_202 = arith.constant 48 : i32
        %add3A_203 = arith.addi %mul3A_184, %add3A_202 : i32
        %get3A_204 = arith.index_cast %add3A_203 : i32 to index
        %get3A_205 = tpu.vector_load %arg7[%get3A_204] {strides = array<i32>} : memref<16384xf32, #tpu.memory_space<vmem>>, vector<16xf32>,
        %mul3A_206 = arith.mulf %gather3A, %get3A_205 : vector<16xf32>
        %add3A_207 = arith.addf %broadcast_in_dim3A_159, %mul3A_206 : vector<16xf32>
        %add3A_208 = arith.constant 64 : i32
        %add3A_209 = arith.addi %mul3A_184, %add3A_208 : i32
        %get3A_210 = arith.index_cast %add3A_209 : i32 to index
        %get3A_211 = tpu.vector_load %arg7[%get3A_210] {strides = array<i32>} : memref<16384xf32, #tpu.memory_space<vmem>>, vector<16xf32>,
        %mul3A_212 = arith.mulf %gather3A, %get3A_211 : vector<16xf32>
        %add3A_213 = arith.addf %broadcast_in_dim3A_161, %mul3A_212 : vector<16xf32>
        %add3A_214 = arith.constant 80 : i32
        %add3A_215 = arith.addi %mul3A_184, %add3A_214 : i32
        %get3A_216 = arith.index_cast %add3A_215 : i32 to index
        %get3A_217 = tpu.vector_load %arg7[%get3A_216] {strides = array<i32>} : memref<16384xf32, #tpu.memory_space<vmem>>, vector<16xf32>,
        %mul3A_218 = arith.mulf %gather3A, %get3A_217 : vector<16xf32>
        %add3A_219 = arith.addf %broadcast_in_dim3A_163, %mul3A_218 : vector<16xf32>
        %add3A_220 = arith.constant 96 : i32
        %add3A_221 = arith.addi %mul3A_184, %add3A_220 : i32
        %get3A_222 = arith.index_cast %add3A_221 : i32 to index
        %get3A_223 = tpu.vector_load %arg7[%get3A_222] {strides = array<i32>} : memref<16384xf32, #tpu.memory_space<vmem>>, vector<16xf32>,
        %mul3A_224 = arith.mulf %gather3A, %get3A_223 : vector<16xf32>
        %add3A_225 = arith.addf %broadcast_in_dim3A_165, %mul3A_224 : vector<16xf32>
        %add3A_226 = arith.constant 112 : i32
        %add3A_227 = arith.addi %mul3A_184, %add3A_226 : i32
        %get3A_228 = arith.index_cast %add3A_227 : i32 to index
        %get3A_229 = tpu.vector_load %arg7[%get3A_228] {strides = array<i32>} : memref<16384xf32, #tpu.memory_space<vmem>>, vector<16xf32>,
        %mul3A_230 = arith.mulf %gather3A, %get3A_229 : vector<16xf32>
        %add3A_231 = arith.addf %broadcast_in_dim3A_167, %mul3A_230 : vector<16xf32>
        %broadcast_in_dim3A_232 = arith.constant 0 : i32
        %broadcast_in_dim3A_233 = vector.broadcast %broadcast_in_dim3A_232 : i32 to vector<16xi32>
        %mul3A_234 = arith.constant 32 : i32
        %mul3A_235 = arith.muli %select_n3A_112, %mul3A_234 : i32
        %add3A_236 = arith.constant 1 : i32
        %add3A_237 = arith.addi %mul3A_235, %add3A_236 : i32
        %mul3A_238 = arith.constant 32 : i32
        %mul3A_239 = arith.muli %add3A_237, %mul3A_238 : i32
        %add3A_240 = arith.addi %mul3A_239, %select_n3A : i32
        %add3A_241 = vector.broadcast %add3A_240 : i32 to vector<16xi32>
        %add3A_242 = arith.addi %broadcast_in_dim3A_233, %add3A_241 : vector<16xi32>
        %gather3A_243 = tpu.vector_load_idx %arg8[%add3A_242] : memref<16384xf32, #tpu.memory_space<vmem>>[vector<16xi32>], vector<16xf32>,
        %mul3A_244 = arith.constant 32 : i32
        %mul3A_245 = arith.muli %add3A_78, %mul3A_244 : i32
        %add3A_246 = arith.constant 1 : i32
        %add3A_247 = arith.addi %mul3A_245, %add3A_246 : i32
        %mul3A_248 = arith.constant 128 : i32
        %mul3A_249 = arith.muli %add3A_247, %mul3A_248 : i32
        %add3A_250 = arith.constant 0 : i32
        %add3A_251 = arith.addi %mul3A_249, %add3A_250 : i32
        %get3A_252 = arith.index_cast %add3A_251 : i32 to index
        %get3A_253 = tpu.vector_load %arg7[%get3A_252] {strides = array<i32>} : memref<16384xf32, #tpu.memory_space<vmem>>, vector<16xf32>,
        %mul3A_254 = arith.mulf %gather3A_243, %get3A_253 : vector<16xf32>
        %add3A_255 = arith.addf %add3A_189, %mul3A_254 : vector<16xf32>
        %add3A_256 = arith.constant 16 : i32
        %add3A_257 = arith.addi %mul3A_249, %add3A_256 : i32
        %get3A_258 = arith.index_cast %add3A_257 : i32 to index
        %get3A_259 = tpu.vector_load %arg7[%get3A_258] {strides = array<i32>} : memref<16384xf32, #tpu.memory_space<vmem>>, vector<16xf32>,
        %mul3A_260 = arith.mulf %gather3A_243, %get3A_259 : vector<16xf32>
        %add3A_261 = arith.addf %add3A_195, %mul3A_260 : vector<16xf32>
        %add3A_262 = arith.constant 32 : i32
        %add3A_263 = arith.addi %mul3A_249, %add3A_262 : i32
        %get3A_264 = arith.index_cast %add3A_263 : i32 to index
        %get3A_265 = tpu.vector_load %arg7[%get3A_264] {strides = array<i32>} : memref<16384xf32, #tpu.memory_space<vmem>>, vector<16xf32>,
        %mul3A_266 = arith.mulf %gather3A_243, %get3A_265 : vector<16xf32>
        %add3A_267 = arith.addf %add3A_201, %mul3A_266 : vector<16xf32>
        %add3A_268 = arith.constant 48 : i32
        %add3A_269 = arith.addi %mul3A_249, %add3A_268 : i32
        %get3A_270 = arith.index_cast %add3A_269 : i32 to index
        %get3A_271 = tpu.vector_load %arg7[%get3A_270] {strides = array<i32>} : memref<16384xf32, #tpu.memory_space<vmem>>, vector<16xf32>,
        %mul3A_272 = arith.mulf %gather3A_243, %get3A_271 : vector<16xf32>
        %add3A_273 = arith.addf %add3A_207, %mul3A_272 : vector<16xf32>
        %add3A_274 = arith.constant 64 : i32
        %add3A_275 = arith.addi %mul3A_249, %add3A_274 : i32
        %get3A_276 = arith.index_cast %add3A_275 : i32 to index
        %get3A_277 = tpu.vector_load %arg7[%get3A_276] {strides = array<i32>} : memref<16384xf32, #tpu.memory_space<vmem>>, vector<16xf32>,
        %mul3A_278 = arith.mulf %gather3A_243, %get3A_277 : vector<16xf32>
        %add3A_279 = arith.addf %add3A_213, %mul3A_278 : vector<16xf32>
        %add3A_280 = arith.constant 80 : i32
        %add3A_281 = arith.addi %mul3A_249, %add3A_280 : i32
        %get3A_282 = arith.index_cast %add3A_281 : i32 to index
        %get3A_283 = tpu.vector_load %arg7[%get3A_282] {strides = array<i32>} : memref<16384xf32, #tpu.memory_space<vmem>>, vector<16xf32>,
        %mul3A_284 = arith.mulf %gather3A_243, %get3A_283 : vector<16xf32>
        %add3A_285 = arith.addf %add3A_219, %mul3A_284 : vector<16xf32>
        %add3A_286 = arith.constant 96 : i32
        %add3A_287 = arith.addi %mul3A_249, %add3A_286 : i32
        %get3A_288 = arith.index_cast %add3A_287 : i32 to index
        %get3A_289 = tpu.vector_load %arg7[%get3A_288] {strides = array<i32>} : memref<16384xf32, #tpu.memory_space<vmem>>, vector<16xf32>,
        %mul3A_290 = arith.mulf %gather3A_243, %get3A_289 : vector<16xf32>
        %add3A_291 = arith.addf %add3A_225, %mul3A_290 : vector<16xf32>
        %add3A_292 = arith.constant 112 : i32
        %add3A_293 = arith.addi %mul3A_249, %add3A_292 : i32
        %get3A_294 = arith.index_cast %add3A_293 : i32 to index
        %get3A_295 = tpu.vector_load %arg7[%get3A_294] {strides = array<i32>} : memref<16384xf32, #tpu.memory_space<vmem>>, vector<16xf32>,
        %mul3A_296 = arith.mulf %gather3A_243, %get3A_295 : vector<16xf32>
        %add3A_297 = arith.addf %add3A_231, %mul3A_296 : vector<16xf32>
        %broadcast_in_dim3A_298 = arith.constant 0 : i32
        %broadcast_in_dim3A_299 = vector.broadcast %broadcast_in_dim3A_298 : i32 to vector<16xi32>
        %mul3A_300 = arith.constant 32 : i32
        %mul3A_301 = arith.muli %select_n3A_112, %mul3A_300 : i32
        %add3A_302 = arith.constant 2 : i32
        %add3A_303 = arith.addi %mul3A_301, %add3A_302 : i32
        %mul3A_304 = arith.constant 32 : i32
        %mul3A_305 = arith.muli %add3A_303, %mul3A_304 : i32
        %add3A_306 = arith.addi %mul3A_305, %select_n3A : i32
        %add3A_307 = vector.broadcast %add3A_306 : i32 to vector<16xi32>
        %add3A_308 = arith.addi %broadcast_in_dim3A_299, %add3A_307 : vector<16xi32>
        %gather3A_309 = tpu.vector_load_idx %arg8[%add3A_308] : memref<16384xf32, #tpu.memory_space<vmem>>[vector<16xi32>], vector<16xf32>,
        %mul3A_310 = arith.constant 32 : i32
        %mul3A_311 = arith.muli %add3A_78, %mul3A_310 : i32
        %add3A_312 = arith.constant 2 : i32
        %add3A_313 = arith.addi %mul3A_311, %add3A_312 : i32
        %mul3A_314 = arith.constant 128 : i32
        %mul3A_315 = arith.muli %add3A_313, %mul3A_314 : i32
        %add3A_316 = arith.constant 0 : i32
        %add3A_317 = arith.addi %mul3A_315, %add3A_316 : i32
        %get3A_318 = arith.index_cast %add3A_317 : i32 to index
        %get3A_319 = tpu.vector_load %arg7[%get3A_318] {strides = array<i32>} : memref<16384xf32, #tpu.memory_space<vmem>>, vector<16xf32>,
        %mul3A_320 = arith.mulf %gather3A_309, %get3A_319 : vector<16xf32>
        %add3A_321 = arith.addf %add3A_255, %mul3A_320 : vector<16xf32>
        %add3A_322 = arith.constant 16 : i32
        %add3A_323 = arith.addi %mul3A_315, %add3A_322 : i32
        %get3A_324 = arith.index_cast %add3A_323 : i32 to index
        %get3A_325 = tpu.vector_load %arg7[%get3A_324] {strides = array<i32>} : memref<16384xf32, #tpu.memory_space<vmem>>, vector<16xf32>,
        %mul3A_326 = arith.mulf %gather3A_309, %get3A_325 : vector<16xf32>
        %add3A_327 = arith.addf %add3A_261, %mul3A_326 : vector<16xf32>
        %add3A_328 = arith.constant 32 : i32
        %add3A_329 = arith.addi %mul3A_315, %add3A_328 : i32
        %get3A_330 = arith.index_cast %add3A_329 : i32 to index
        %get3A_331 = tpu.vector_load %arg7[%get3A_330] {strides = array<i32>} : memref<16384xf32, #tpu.memory_space<vmem>>, vector<16xf32>,
        %mul3A_332 = arith.mulf %gather3A_309, %get3A_331 : vector<16xf32>
        %add3A_333 = arith.addf %add3A_267, %mul3A_332 : vector<16xf32>
        %add3A_334 = arith.constant 48 : i32
        %add3A_335 = arith.addi %mul3A_315, %add3A_334 : i32
        %get3A_336 = arith.index_cast %add3A_335 : i32 to index
        %get3A_337 = tpu.vector_load %arg7[%get3A_336] {strides = array<i32>} : memref<16384xf32, #tpu.memory_space<vmem>>, vector<16xf32>,
        %mul3A_338 = arith.mulf %gather3A_309, %get3A_337 : vector<16xf32>
        %add3A_339 = arith.addf %add3A_273, %mul3A_338 : vector<16xf32>
        %add3A_340 = arith.constant 64 : i32
        %add3A_341 = arith.addi %mul3A_315, %add3A_340 : i32
        %get3A_342 = arith.index_cast %add3A_341 : i32 to index
        %get3A_343 = tpu.vector_load %arg7[%get3A_342] {strides = array<i32>} : memref<16384xf32, #tpu.memory_space<vmem>>, vector<16xf32>,
        %mul3A_344 = arith.mulf %gather3A_309, %get3A_343 : vector<16xf32>
        %add3A_345 = arith.addf %add3A_279, %mul3A_344 : vector<16xf32>
        %add3A_346 = arith.constant 80 : i32
        %add3A_347 = arith.addi %mul3A_315, %add3A_346 : i32
        %get3A_348 = arith.index_cast %add3A_347 : i32 to index
        %get3A_349 = tpu.vector_load %arg7[%get3A_348] {strides = array<i32>} : memref<16384xf32, #tpu.memory_space<vmem>>, vector<16xf32>,
        %mul3A_350 = arith.mulf %gather3A_309, %get3A_349 : vector<16xf32>
        %add3A_351 = arith.addf %add3A_285, %mul3A_350 : vector<16xf32>
        %add3A_352 = arith.constant 96 : i32
        %add3A_353 = arith.addi %mul3A_315, %add3A_352 : i32
        %get3A_354 = arith.index_cast %add3A_353 : i32 to index
        %get3A_355 = tpu.vector_load %arg7[%get3A_354] {strides = array<i32>} : memref<16384xf32, #tpu.memory_space<vmem>>, vector<16xf32>,
        %mul3A_356 = arith.mulf %gather3A_309, %get3A_355 : vector<16xf32>
        %add3A_357 = arith.addf %add3A_291, %mul3A_356 : vector<16xf32>
        %add3A_358 = arith.constant 112 : i32
        %add3A_359 = arith.addi %mul3A_315, %add3A_358 : i32
        %get3A_360 = arith.index_cast %add3A_359 : i32 to index
        %get3A_361 = tpu.vector_load %arg7[%get3A_360] {strides = array<i32>} : memref<16384xf32, #tpu.memory_space<vmem>>, vector<16xf32>,
        %mul3A_362 = arith.mulf %gather3A_309, %get3A_361 : vector<16xf32>
        %add3A_363 = arith.addf %add3A_297, %mul3A_362 : vector<16xf32>
        %broadcast_in_dim3A_364 = arith.constant 0 : i32
        %broadcast_in_dim3A_365 = vector.broadcast %broadcast_in_dim3A_364 : i32 to vector<16xi32>
        %mul3A_366 = arith.constant 32 : i32
        %mul3A_367 = arith.muli %select_n3A_112, %mul3A_366 : i32
        %add3A_368 = arith.constant 3 : i32
        %add3A_369 = arith.addi %mul3A_367, %add3A_368 : i32
        %mul3A_370 = arith.constant 32 : i32
        %mul3A_371 = arith.muli %add3A_369, %mul3A_370 : i32
        %add3A_372 = arith.addi %mul3A_371, %select_n3A : i32
        %add3A_373 = vector.broadcast %add3A_372 : i32 to vector<16xi32>
        %add3A_374 = arith.addi %broadcast_in_dim3A_365, %add3A_373 : vector<16xi32>
        %gather3A_375 = tpu.vector_load_idx %arg8[%add3A_374] : memref<16384xf32, #tpu.memory_space<vmem>>[vector<16xi32>], vector<16xf32>,
        %mul3A_376 = arith.constant 32 : i32
        %mul3A_377 = arith.muli %add3A_78, %mul3A_376 : i32
        %add3A_378 = arith.constant 3 : i32
        %add3A_379 = arith.addi %mul3A_377, %add3A_378 : i32
        %mul3A_380 = arith.constant 128 : i32
        %mul3A_381 = arith.muli %add3A_379, %mul3A_380 : i32
        %add3A_382 = arith.constant 0 : i32
        %add3A_383 = arith.addi %mul3A_381, %add3A_382 : i32
        %get3A_384 = arith.index_cast %add3A_383 : i32 to index
        %get3A_385 = tpu.vector_load %arg7[%get3A_384] {strides = array<i32>} : memref<16384xf32, #tpu.memory_space<vmem>>, vector<16xf32>,
        %mul3A_386 = arith.mulf %gather3A_375, %get3A_385 : vector<16xf32>
        %add3A_387 = arith.addf %add3A_321, %mul3A_386 : vector<16xf32>
        %add3A_388 = arith.constant 16 : i32
        %add3A_389 = arith.addi %mul3A_381, %add3A_388 : i32
        %get3A_390 = arith.index_cast %add3A_389 : i32 to index
        %get3A_391 = tpu.vector_load %arg7[%get3A_390] {strides = array<i32>} : memref<16384xf32, #tpu.memory_space<vmem>>, vector<16xf32>,
        %mul3A_392 = arith.mulf %gather3A_375, %get3A_391 : vector<16xf32>
        %add3A_393 = arith.addf %add3A_327, %mul3A_392 : vector<16xf32>
        %add3A_394 = arith.constant 32 : i32
        %add3A_395 = arith.addi %mul3A_381, %add3A_394 : i32
        %get3A_396 = arith.index_cast %add3A_395 : i32 to index
        %get3A_397 = tpu.vector_load %arg7[%get3A_396] {strides = array<i32>} : memref<16384xf32, #tpu.memory_space<vmem>>, vector<16xf32>,
        %mul3A_398 = arith.mulf %gather3A_375, %get3A_397 : vector<16xf32>
        %add3A_399 = arith.addf %add3A_333, %mul3A_398 : vector<16xf32>
        %add3A_400 = arith.constant 48 : i32
        %add3A_401 = arith.addi %mul3A_381, %add3A_400 : i32
        %get3A_402 = arith.index_cast %add3A_401 : i32 to index
        %get3A_403 = tpu.vector_load %arg7[%get3A_402] {strides = array<i32>} : memref<16384xf32, #tpu.memory_space<vmem>>, vector<16xf32>,
        %mul3A_404 = arith.mulf %gather3A_375, %get3A_403 : vector<16xf32>
        %add3A_405 = arith.addf %add3A_339, %mul3A_404 : vector<16xf32>
        %add3A_406 = arith.constant 64 : i32
        %add3A_407 = arith.addi %mul3A_381, %add3A_406 : i32
        %get3A_408 = arith.index_cast %add3A_407 : i32 to index
        %get3A_409 = tpu.vector_load %arg7[%get3A_408] {strides = array<i32>} : memref<16384xf32, #tpu.memory_space<vmem>>, vector<16xf32>,
        %mul3A_410 = arith.mulf %gather3A_375, %get3A_409 : vector<16xf32>
        %add3A_411 = arith.addf %add3A_345, %mul3A_410 : vector<16xf32>
        %add3A_412 = arith.constant 80 : i32
        %add3A_413 = arith.addi %mul3A_381, %add3A_412 : i32
        %get3A_414 = arith.index_cast %add3A_413 : i32 to index
        %get3A_415 = tpu.vector_load %arg7[%get3A_414] {strides = array<i32>} : memref<16384xf32, #tpu.memory_space<vmem>>, vector<16xf32>,
        %mul3A_416 = arith.mulf %gather3A_375, %get3A_415 : vector<16xf32>
        %add3A_417 = arith.addf %add3A_351, %mul3A_416 : vector<16xf32>
        %add3A_418 = arith.constant 96 : i32
        %add3A_419 = arith.addi %mul3A_381, %add3A_418 : i32
        %get3A_420 = arith.index_cast %add3A_419 : i32 to index
        %get3A_421 = tpu.vector_load %arg7[%get3A_420] {strides = array<i32>} : memref<16384xf32, #tpu.memory_space<vmem>>, vector<16xf32>,
        %mul3A_422 = arith.mulf %gather3A_375, %get3A_421 : vector<16xf32>
        %add3A_423 = arith.addf %add3A_357, %mul3A_422 : vector<16xf32>
        %add3A_424 = arith.constant 112 : i32
        %add3A_425 = arith.addi %mul3A_381, %add3A_424 : i32
        %get3A_426 = arith.index_cast %add3A_425 : i32 to index
        %get3A_427 = tpu.vector_load %arg7[%get3A_426] {strides = array<i32>} : memref<16384xf32, #tpu.memory_space<vmem>>, vector<16xf32>,
        %mul3A_428 = arith.mulf %gather3A_375, %get3A_427 : vector<16xf32>
        %add3A_429 = arith.addf %add3A_363, %mul3A_428 : vector<16xf32>
        %broadcast_in_dim3A_430 = arith.constant 0 : i32
        %broadcast_in_dim3A_431 = vector.broadcast %broadcast_in_dim3A_430 : i32 to vector<16xi32>
        %mul3A_432 = arith.constant 32 : i32
        %mul3A_433 = arith.muli %select_n3A_112, %mul3A_432 : i32
        %add3A_434 = arith.constant 4 : i32
        %add3A_435 = arith.addi %mul3A_433, %add3A_434 : i32
        %mul3A_436 = arith.constant 32 : i32
        %mul3A_437 = arith.muli %add3A_435, %mul3A_436 : i32
        %add3A_438 = arith.addi %mul3A_437, %select_n3A : i32
        %add3A_439 = vector.broadcast %add3A_438 : i32 to vector<16xi32>
        %add3A_440 = arith.addi %broadcast_in_dim3A_431, %add3A_439 : vector<16xi32>
        %gather3A_441 = tpu.vector_load_idx %arg8[%add3A_440] : memref<16384xf32, #tpu.memory_space<vmem>>[vector<16xi32>], vector<16xf32>,
        %mul3A_442 = arith.constant 32 : i32
        %mul3A_443 = arith.muli %add3A_78, %mul3A_442 : i32
        %add3A_444 = arith.constant 4 : i32
        %add3A_445 = arith.addi %mul3A_443, %add3A_444 : i32
        %mul3A_446 = arith.constant 128 : i32
        %mul3A_447 = arith.muli %add3A_445, %mul3A_446 : i32
        %add3A_448 = arith.constant 0 : i32
        %add3A_449 = arith.addi %mul3A_447, %add3A_448 : i32
        %get3A_450 = arith.index_cast %add3A_449 : i32 to index
        %get3A_451 = tpu.vector_load %arg7[%get3A_450] {strides = array<i32>} : memref<16384xf32, #tpu.memory_space<vmem>>, vector<16xf32>,
        %mul3A_452 = arith.mulf %gather3A_441, %get3A_451 : vector<16xf32>
        %add3A_453 = arith.addf %add3A_387, %mul3A_452 : vector<16xf32>
        %add3A_454 = arith.constant 16 : i32
        %add3A_455 = arith.addi %mul3A_447, %add3A_454 : i32
        %get3A_456 = arith.index_cast %add3A_455 : i32 to index
        %get3A_457 = tpu.vector_load %arg7[%get3A_456] {strides = array<i32>} : memref<16384xf32, #tpu.memory_space<vmem>>, vector<16xf32>,
        %mul3A_458 = arith.mulf %gather3A_441, %get3A_457 : vector<16xf32>
        %add3A_459 = arith.addf %add3A_393, %mul3A_458 : vector<16xf32>
        %add3A_460 = arith.constant 32 : i32
        %add3A_461 = arith.addi %mul3A_447, %add3A_460 : i32
        %get3A_462 = arith.index_cast %add3A_461 : i32 to index
        %get3A_463 = tpu.vector_load %arg7[%get3A_462] {strides = array<i32>} : memref<16384xf32, #tpu.memory_space<vmem>>, vector<16xf32>,
        %mul3A_464 = arith.mulf %gather3A_441, %get3A_463 : vector<16xf32>
        %add3A_465 = arith.addf %add3A_399, %mul3A_464 : vector<16xf32>
        %add3A_466 = arith.constant 48 : i32
        %add3A_467 = arith.addi %mul3A_447, %add3A_466 : i32
        %get3A_468 = arith.index_cast %add3A_467 : i32 to index
        %get3A_469 = tpu.vector_load %arg7[%get3A_468] {strides = array<i32>} : memref<16384xf32, #tpu.memory_space<vmem>>, vector<16xf32>,
        %mul3A_470 = arith.mulf %gather3A_441, %get3A_469 : vector<16xf32>
        %add3A_471 = arith.addf %add3A_405, %mul3A_470 : vector<16xf32>
        %add3A_472 = arith.constant 64 : i32
        %add3A_473 = arith.addi %mul3A_447, %add3A_472 : i32
        %get3A_474 = arith.index_cast %add3A_473 : i32 to index
        %get3A_475 = tpu.vector_load %arg7[%get3A_474] {strides = array<i32>} : memref<16384xf32, #tpu.memory_space<vmem>>, vector<16xf32>,
        %mul3A_476 = arith.mulf %gather3A_441, %get3A_475 : vector<16xf32>
        %add3A_477 = arith.addf %add3A_411, %mul3A_476 : vector<16xf32>
        %add3A_478 = arith.constant 80 : i32
        %add3A_479 = arith.addi %mul3A_447, %add3A_478 : i32
        %get3A_480 = arith.index_cast %add3A_479 : i32 to index
        %get3A_481 = tpu.vector_load %arg7[%get3A_480] {strides = array<i32>} : memref<16384xf32, #tpu.memory_space<vmem>>, vector<16xf32>,
        %mul3A_482 = arith.mulf %gather3A_441, %get3A_481 : vector<16xf32>
        %add3A_483 = arith.addf %add3A_417, %mul3A_482 : vector<16xf32>
        %add3A_484 = arith.constant 96 : i32
        %add3A_485 = arith.addi %mul3A_447, %add3A_484 : i32
        %get3A_486 = arith.index_cast %add3A_485 : i32 to index
        %get3A_487 = tpu.vector_load %arg7[%get3A_486] {strides = array<i32>} : memref<16384xf32, #tpu.memory_space<vmem>>, vector<16xf32>,
        %mul3A_488 = arith.mulf %gather3A_441, %get3A_487 : vector<16xf32>
        %add3A_489 = arith.addf %add3A_423, %mul3A_488 : vector<16xf32>
        %add3A_490 = arith.constant 112 : i32
        %add3A_491 = arith.addi %mul3A_447, %add3A_490 : i32
        %get3A_492 = arith.index_cast %add3A_491 : i32 to index
        %get3A_493 = tpu.vector_load %arg7[%get3A_492] {strides = array<i32>} : memref<16384xf32, #tpu.memory_space<vmem>>, vector<16xf32>,
        %mul3A_494 = arith.mulf %gather3A_441, %get3A_493 : vector<16xf32>
        %add3A_495 = arith.addf %add3A_429, %mul3A_494 : vector<16xf32>
        %broadcast_in_dim3A_496 = arith.constant 0 : i32
        %broadcast_in_dim3A_497 = vector.broadcast %broadcast_in_dim3A_496 : i32 to vector<16xi32>
        %mul3A_498 = arith.constant 32 : i32
        %mul3A_499 = arith.muli %select_n3A_112, %mul3A_498 : i32
        %add3A_500 = arith.constant 5 : i32
        %add3A_501 = arith.addi %mul3A_499, %add3A_500 : i32
        %mul3A_502 = arith.constant 32 : i32
        %mul3A_503 = arith.muli %add3A_501, %mul3A_502 : i32
        %add3A_504 = arith.addi %mul3A_503, %select_n3A : i32
        %add3A_505 = vector.broadcast %add3A_504 : i32 to vector<16xi32>
        %add3A_506 = arith.addi %broadcast_in_dim3A_497, %add3A_505 : vector<16xi32>
        %gather3A_507 = tpu.vector_load_idx %arg8[%add3A_506] : memref<16384xf32, #tpu.memory_space<vmem>>[vector<16xi32>], vector<16xf32>,
        %mul3A_508 = arith.constant 32 : i32
        %mul3A_509 = arith.muli %add3A_78, %mul3A_508 : i32
        %add3A_510 = arith.constant 5 : i32
        %add3A_511 = arith.addi %mul3A_509, %add3A_510 : i32
        %mul3A_512 = arith.constant 128 : i32
        %mul3A_513 = arith.muli %add3A_511, %mul3A_512 : i32
        %add3A_514 = arith.constant 0 : i32
        %add3A_515 = arith.addi %mul3A_513, %add3A_514 : i32
        %get3A_516 = arith.index_cast %add3A_515 : i32 to index
        %get3A_517 = tpu.vector_load %arg7[%get3A_516] {strides = array<i32>} : memref<16384xf32, #tpu.memory_space<vmem>>, vector<16xf32>,
        %mul3A_518 = arith.mulf %gather3A_507, %get3A_517 : vector<16xf32>
        %add3A_519 = arith.addf %add3A_453, %mul3A_518 : vector<16xf32>
        %add3A_520 = arith.constant 16 : i32
        %add3A_521 = arith.addi %mul3A_513, %add3A_520 : i32
        %get3A_522 = arith.index_cast %add3A_521 : i32 to index
        %get3A_523 = tpu.vector_load %arg7[%get3A_522] {strides = array<i32>} : memref<16384xf32, #tpu.memory_space<vmem>>, vector<16xf32>,
        %mul3A_524 = arith.mulf %gather3A_507, %get3A_523 : vector<16xf32>
        %add3A_525 = arith.addf %add3A_459, %mul3A_524 : vector<16xf32>
        %add3A_526 = arith.constant 32 : i32
        %add3A_527 = arith.addi %mul3A_513, %add3A_526 : i32
        %get3A_528 = arith.index_cast %add3A_527 : i32 to index
        %get3A_529 = tpu.vector_load %arg7[%get3A_528] {strides = array<i32>} : memref<16384xf32, #tpu.memory_space<vmem>>, vector<16xf32>,
        %mul3A_530 = arith.mulf %gather3A_507, %get3A_529 : vector<16xf32>
        %add3A_531 = arith.addf %add3A_465, %mul3A_530 : vector<16xf32>
        %add3A_532 = arith.constant 48 : i32
        %add3A_533 = arith.addi %mul3A_513, %add3A_532 : i32
        %get3A_534 = arith.index_cast %add3A_533 : i32 to index
        %get3A_535 = tpu.vector_load %arg7[%get3A_534] {strides = array<i32>} : memref<16384xf32, #tpu.memory_space<vmem>>, vector<16xf32>,
        %mul3A_536 = arith.mulf %gather3A_507, %get3A_535 : vector<16xf32>
        %add3A_537 = arith.addf %add3A_471, %mul3A_536 : vector<16xf32>
        %add3A_538 = arith.constant 64 : i32
        %add3A_539 = arith.addi %mul3A_513, %add3A_538 : i32
        %get3A_540 = arith.index_cast %add3A_539 : i32 to index
        %get3A_541 = tpu.vector_load %arg7[%get3A_540] {strides = array<i32>} : memref<16384xf32, #tpu.memory_space<vmem>>, vector<16xf32>,
        %mul3A_542 = arith.mulf %gather3A_507, %get3A_541 : vector<16xf32>
        %add3A_543 = arith.addf %add3A_477, %mul3A_542 : vector<16xf32>
        %add3A_544 = arith.constant 80 : i32
        %add3A_545 = arith.addi %mul3A_513, %add3A_544 : i32
        %get3A_546 = arith.index_cast %add3A_545 : i32 to index
        %get3A_547 = tpu.vector_load %arg7[%get3A_546] {strides = array<i32>} : memref<16384xf32, #tpu.memory_space<vmem>>, vector<16xf32>,
        %mul3A_548 = arith.mulf %gather3A_507, %get3A_547 : vector<16xf32>
        %add3A_549 = arith.addf %add3A_483, %mul3A_548 : vector<16xf32>
        %add3A_550 = arith.constant 96 : i32
        %add3A_551 = arith.addi %mul3A_513, %add3A_550 : i32
        %get3A_552 = arith.index_cast %add3A_551 : i32 to index
        %get3A_553 = tpu.vector_load %arg7[%get3A_552] {strides = array<i32>} : memref<16384xf32, #tpu.memory_space<vmem>>, vector<16xf32>,
        %mul3A_554 = arith.mulf %gather3A_507, %get3A_553 : vector<16xf32>
        %add3A_555 = arith.addf %add3A_489, %mul3A_554 : vector<16xf32>
        %add3A_556 = arith.constant 112 : i32
        %add3A_557 = arith.addi %mul3A_513, %add3A_556 : i32
        %get3A_558 = arith.index_cast %add3A_557 : i32 to index
        %get3A_559 = tpu.vector_load %arg7[%get3A_558] {strides = array<i32>} : memref<16384xf32, #tpu.memory_space<vmem>>, vector<16xf32>,
        %mul3A_560 = arith.mulf %gather3A_507, %get3A_559 : vector<16xf32>
        %add3A_561 = arith.addf %add3A_495, %mul3A_560 : vector<16xf32>
        %broadcast_in_dim3A_562 = arith.constant 0 : i32
        %broadcast_in_dim3A_563 = vector.broadcast %broadcast_in_dim3A_562 : i32 to vector<16xi32>
        %mul3A_564 = arith.constant 32 : i32
        %mul3A_565 = arith.muli %select_n3A_112, %mul3A_564 : i32
        %add3A_566 = arith.constant 6 : i32
        %add3A_567 = arith.addi %mul3A_565, %add3A_566 : i32
        %mul3A_568 = arith.constant 32 : i32
        %mul3A_569 = arith.muli %add3A_567, %mul3A_568 : i32
        %add3A_570 = arith.addi %mul3A_569, %select_n3A : i32
        %add3A_571 = vector.broadcast %add3A_570 : i32 to vector<16xi32>
        %add3A_572 = arith.addi %broadcast_in_dim3A_563, %add3A_571 : vector<16xi32>
        %gather3A_573 = tpu.vector_load_idx %arg8[%add3A_572] : memref<16384xf32, #tpu.memory_space<vmem>>[vector<16xi32>], vector<16xf32>,
        %mul3A_574 = arith.constant 32 : i32
        %mul3A_575 = arith.muli %add3A_78, %mul3A_574 : i32
        %add3A_576 = arith.constant 6 : i32
        %add3A_577 = arith.addi %mul3A_575, %add3A_576 : i32
        %mul3A_578 = arith.constant 128 : i32
        %mul3A_579 = arith.muli %add3A_577, %mul3A_578 : i32
        %add3A_580 = arith.constant 0 : i32
        %add3A_581 = arith.addi %mul3A_579, %add3A_580 : i32
        %get3A_582 = arith.index_cast %add3A_581 : i32 to index
        %get3A_583 = tpu.vector_load %arg7[%get3A_582] {strides = array<i32>} : memref<16384xf32, #tpu.memory_space<vmem>>, vector<16xf32>,
        %mul3A_584 = arith.mulf %gather3A_573, %get3A_583 : vector<16xf32>
        %add3A_585 = arith.addf %add3A_519, %mul3A_584 : vector<16xf32>
        %add3A_586 = arith.constant 16 : i32
        %add3A_587 = arith.addi %mul3A_579, %add3A_586 : i32
        %get3A_588 = arith.index_cast %add3A_587 : i32 to index
        %get3A_589 = tpu.vector_load %arg7[%get3A_588] {strides = array<i32>} : memref<16384xf32, #tpu.memory_space<vmem>>, vector<16xf32>,
        %mul3A_590 = arith.mulf %gather3A_573, %get3A_589 : vector<16xf32>
        %add3A_591 = arith.addf %add3A_525, %mul3A_590 : vector<16xf32>
        %add3A_592 = arith.constant 32 : i32
        %add3A_593 = arith.addi %mul3A_579, %add3A_592 : i32
        %get3A_594 = arith.index_cast %add3A_593 : i32 to index
        %get3A_595 = tpu.vector_load %arg7[%get3A_594] {strides = array<i32>} : memref<16384xf32, #tpu.memory_space<vmem>>, vector<16xf32>,
        %mul3A_596 = arith.mulf %gather3A_573, %get3A_595 : vector<16xf32>
        %add3A_597 = arith.addf %add3A_531, %mul3A_596 : vector<16xf32>
        %add3A_598 = arith.constant 48 : i32
        %add3A_599 = arith.addi %mul3A_579, %add3A_598 : i32
        %get3A_600 = arith.index_cast %add3A_599 : i32 to index
        %get3A_601 = tpu.vector_load %arg7[%get3A_600] {strides = array<i32>} : memref<16384xf32, #tpu.memory_space<vmem>>, vector<16xf32>,
        %mul3A_602 = arith.mulf %gather3A_573, %get3A_601 : vector<16xf32>
        %add3A_603 = arith.addf %add3A_537, %mul3A_602 : vector<16xf32>
        %add3A_604 = arith.constant 64 : i32
        %add3A_605 = arith.addi %mul3A_579, %add3A_604 : i32
        %get3A_606 = arith.index_cast %add3A_605 : i32 to index
        %get3A_607 = tpu.vector_load %arg7[%get3A_606] {strides = array<i32>} : memref<16384xf32, #tpu.memory_space<vmem>>, vector<16xf32>,
        %mul3A_608 = arith.mulf %gather3A_573, %get3A_607 : vector<16xf32>
        %add3A_609 = arith.addf %add3A_543, %mul3A_608 : vector<16xf32>
        %add3A_610 = arith.constant 80 : i32
        %add3A_611 = arith.addi %mul3A_579, %add3A_610 : i32
        %get3A_612 = arith.index_cast %add3A_611 : i32 to index
        %get3A_613 = tpu.vector_load %arg7[%get3A_612] {strides = array<i32>} : memref<16384xf32, #tpu.memory_space<vmem>>, vector<16xf32>,
        %mul3A_614 = arith.mulf %gather3A_573, %get3A_613 : vector<16xf32>
        %add3A_615 = arith.addf %add3A_549, %mul3A_614 : vector<16xf32>
        %add3A_616 = arith.constant 96 : i32
        %add3A_617 = arith.addi %mul3A_579, %add3A_616 : i32
        %get3A_618 = arith.index_cast %add3A_617 : i32 to index
        %get3A_619 = tpu.vector_load %arg7[%get3A_618] {strides = array<i32>} : memref<16384xf32, #tpu.memory_space<vmem>>, vector<16xf32>,
        %mul3A_620 = arith.mulf %gather3A_573, %get3A_619 : vector<16xf32>
        %add3A_621 = arith.addf %add3A_555, %mul3A_620 : vector<16xf32>
        %add3A_622 = arith.constant 112 : i32
        %add3A_623 = arith.addi %mul3A_579, %add3A_622 : i32
        %get3A_624 = arith.index_cast %add3A_623 : i32 to index
        %get3A_625 = tpu.vector_load %arg7[%get3A_624] {strides = array<i32>} : memref<16384xf32, #tpu.memory_space<vmem>>, vector<16xf32>,
        %mul3A_626 = arith.mulf %gather3A_573, %get3A_625 : vector<16xf32>
        %add3A_627 = arith.addf %add3A_561, %mul3A_626 : vector<16xf32>
        %broadcast_in_dim3A_628 = arith.constant 0 : i32
        %broadcast_in_dim3A_629 = vector.broadcast %broadcast_in_dim3A_628 : i32 to vector<16xi32>
        %mul3A_630 = arith.constant 32 : i32
        %mul3A_631 = arith.muli %select_n3A_112, %mul3A_630 : i32
        %add3A_632 = arith.constant 7 : i32
        %add3A_633 = arith.addi %mul3A_631, %add3A_632 : i32
        %mul3A_634 = arith.constant 32 : i32
        %mul3A_635 = arith.muli %add3A_633, %mul3A_634 : i32
        %add3A_636 = arith.addi %mul3A_635, %select_n3A : i32
        %add3A_637 = vector.broadcast %add3A_636 : i32 to vector<16xi32>
        %add3A_638 = arith.addi %broadcast_in_dim3A_629, %add3A_637 : vector<16xi32>
        %gather3A_639 = tpu.vector_load_idx %arg8[%add3A_638] : memref<16384xf32, #tpu.memory_space<vmem>>[vector<16xi32>], vector<16xf32>,
        %mul3A_640 = arith.constant 32 : i32
        %mul3A_641 = arith.muli %add3A_78, %mul3A_640 : i32
        %add3A_642 = arith.constant 7 : i32
        %add3A_643 = arith.addi %mul3A_641, %add3A_642 : i32
        %mul3A_644 = arith.constant 128 : i32
        %mul3A_645 = arith.muli %add3A_643, %mul3A_644 : i32
        %add3A_646 = arith.constant 0 : i32
        %add3A_647 = arith.addi %mul3A_645, %add3A_646 : i32
        %get3A_648 = arith.index_cast %add3A_647 : i32 to index
        %get3A_649 = tpu.vector_load %arg7[%get3A_648] {strides = array<i32>} : memref<16384xf32, #tpu.memory_space<vmem>>, vector<16xf32>,
        %mul3A_650 = arith.mulf %gather3A_639, %get3A_649 : vector<16xf32>
        %add3A_651 = arith.addf %add3A_585, %mul3A_650 : vector<16xf32>
        %add3A_652 = arith.constant 16 : i32
        %add3A_653 = arith.addi %mul3A_645, %add3A_652 : i32
        %get3A_654 = arith.index_cast %add3A_653 : i32 to index
        %get3A_655 = tpu.vector_load %arg7[%get3A_654] {strides = array<i32>} : memref<16384xf32, #tpu.memory_space<vmem>>, vector<16xf32>,
        %mul3A_656 = arith.mulf %gather3A_639, %get3A_655 : vector<16xf32>
        %add3A_657 = arith.addf %add3A_591, %mul3A_656 : vector<16xf32>
        %add3A_658 = arith.constant 32 : i32
        %add3A_659 = arith.addi %mul3A_645, %add3A_658 : i32
        %get3A_660 = arith.index_cast %add3A_659 : i32 to index
        %get3A_661 = tpu.vector_load %arg7[%get3A_660] {strides = array<i32>} : memref<16384xf32, #tpu.memory_space<vmem>>, vector<16xf32>,
        %mul3A_662 = arith.mulf %gather3A_639, %get3A_661 : vector<16xf32>
        %add3A_663 = arith.addf %add3A_597, %mul3A_662 : vector<16xf32>
        %add3A_664 = arith.constant 48 : i32
        %add3A_665 = arith.addi %mul3A_645, %add3A_664 : i32
        %get3A_666 = arith.index_cast %add3A_665 : i32 to index
        %get3A_667 = tpu.vector_load %arg7[%get3A_666] {strides = array<i32>} : memref<16384xf32, #tpu.memory_space<vmem>>, vector<16xf32>,
        %mul3A_668 = arith.mulf %gather3A_639, %get3A_667 : vector<16xf32>
        %add3A_669 = arith.addf %add3A_603, %mul3A_668 : vector<16xf32>
        %add3A_670 = arith.constant 64 : i32
        %add3A_671 = arith.addi %mul3A_645, %add3A_670 : i32
        %get3A_672 = arith.index_cast %add3A_671 : i32 to index
        %get3A_673 = tpu.vector_load %arg7[%get3A_672] {strides = array<i32>} : memref<16384xf32, #tpu.memory_space<vmem>>, vector<16xf32>,
        %mul3A_674 = arith.mulf %gather3A_639, %get3A_673 : vector<16xf32>
        %add3A_675 = arith.addf %add3A_609, %mul3A_674 : vector<16xf32>
        %add3A_676 = arith.constant 80 : i32
        %add3A_677 = arith.addi %mul3A_645, %add3A_676 : i32
        %get3A_678 = arith.index_cast %add3A_677 : i32 to index
        %get3A_679 = tpu.vector_load %arg7[%get3A_678] {strides = array<i32>} : memref<16384xf32, #tpu.memory_space<vmem>>, vector<16xf32>,
        %mul3A_680 = arith.mulf %gather3A_639, %get3A_679 : vector<16xf32>
        %add3A_681 = arith.addf %add3A_615, %mul3A_680 : vector<16xf32>
        %add3A_682 = arith.constant 96 : i32
        %add3A_683 = arith.addi %mul3A_645, %add3A_682 : i32
        %get3A_684 = arith.index_cast %add3A_683 : i32 to index
        %get3A_685 = tpu.vector_load %arg7[%get3A_684] {strides = array<i32>} : memref<16384xf32, #tpu.memory_space<vmem>>, vector<16xf32>,
        %mul3A_686 = arith.mulf %gather3A_639, %get3A_685 : vector<16xf32>
        %add3A_687 = arith.addf %add3A_621, %mul3A_686 : vector<16xf32>
        %add3A_688 = arith.constant 112 : i32
        %add3A_689 = arith.addi %mul3A_645, %add3A_688 : i32
        %get3A_690 = arith.index_cast %add3A_689 : i32 to index
        %get3A_691 = tpu.vector_load %arg7[%get3A_690] {strides = array<i32>} : memref<16384xf32, #tpu.memory_space<vmem>>, vector<16xf32>,
        %mul3A_692 = arith.mulf %gather3A_639, %get3A_691 : vector<16xf32>
        %add3A_693 = arith.addf %add3A_627, %mul3A_692 : vector<16xf32>
        %broadcast_in_dim3A_694 = arith.constant 0 : i32
        %broadcast_in_dim3A_695 = vector.broadcast %broadcast_in_dim3A_694 : i32 to vector<16xi32>
        %mul3A_696 = arith.constant 32 : i32
        %mul3A_697 = arith.muli %select_n3A_112, %mul3A_696 : i32
        %add3A_698 = arith.constant 8 : i32
        %add3A_699 = arith.addi %mul3A_697, %add3A_698 : i32
        %mul3A_700 = arith.constant 32 : i32
        %mul3A_701 = arith.muli %add3A_699, %mul3A_700 : i32
        %add3A_702 = arith.addi %mul3A_701, %select_n3A : i32
        %add3A_703 = vector.broadcast %add3A_702 : i32 to vector<16xi32>
        %add3A_704 = arith.addi %broadcast_in_dim3A_695, %add3A_703 : vector<16xi32>
        %gather3A_705 = tpu.vector_load_idx %arg8[%add3A_704] : memref<16384xf32, #tpu.memory_space<vmem>>[vector<16xi32>], vector<16xf32>,
        %mul3A_706 = arith.constant 32 : i32
        %mul3A_707 = arith.muli %add3A_78, %mul3A_706 : i32
        %add3A_708 = arith.constant 8 : i32
        %add3A_709 = arith.addi %mul3A_707, %add3A_708 : i32
        %mul3A_710 = arith.constant 128 : i32
        %mul3A_711 = arith.muli %add3A_709, %mul3A_710 : i32
        %add3A_712 = arith.constant 0 : i32
        %add3A_713 = arith.addi %mul3A_711, %add3A_712 : i32
        %get3A_714 = arith.index_cast %add3A_713 : i32 to index
        %get3A_715 = tpu.vector_load %arg7[%get3A_714] {strides = array<i32>} : memref<16384xf32, #tpu.memory_space<vmem>>, vector<16xf32>,
        %mul3A_716 = arith.mulf %gather3A_705, %get3A_715 : vector<16xf32>
        %add3A_717 = arith.addf %add3A_651, %mul3A_716 : vector<16xf32>
        %add3A_718 = arith.constant 16 : i32
        %add3A_719 = arith.addi %mul3A_711, %add3A_718 : i32
        %get3A_720 = arith.index_cast %add3A_719 : i32 to index
        %get3A_721 = tpu.vector_load %arg7[%get3A_720] {strides = array<i32>} : memref<16384xf32, #tpu.memory_space<vmem>>, vector<16xf32>,
        %mul3A_722 = arith.mulf %gather3A_705, %get3A_721 : vector<16xf32>
        %add3A_723 = arith.addf %add3A_657, %mul3A_722 : vector<16xf32>
        %add3A_724 = arith.constant 32 : i32
        %add3A_725 = arith.addi %mul3A_711, %add3A_724 : i32
        %get3A_726 = arith.index_cast %add3A_725 : i32 to index
        %get3A_727 = tpu.vector_load %arg7[%get3A_726] {strides = array<i32>} : memref<16384xf32, #tpu.memory_space<vmem>>, vector<16xf32>,
        %mul3A_728 = arith.mulf %gather3A_705, %get3A_727 : vector<16xf32>
        %add3A_729 = arith.addf %add3A_663, %mul3A_728 : vector<16xf32>
        %add3A_730 = arith.constant 48 : i32
        %add3A_731 = arith.addi %mul3A_711, %add3A_730 : i32
        %get3A_732 = arith.index_cast %add3A_731 : i32 to index
        %get3A_733 = tpu.vector_load %arg7[%get3A_732] {strides = array<i32>} : memref<16384xf32, #tpu.memory_space<vmem>>, vector<16xf32>,
        %mul3A_734 = arith.mulf %gather3A_705, %get3A_733 : vector<16xf32>
        %add3A_735 = arith.addf %add3A_669, %mul3A_734 : vector<16xf32>
        %add3A_736 = arith.constant 64 : i32
        %add3A_737 = arith.addi %mul3A_711, %add3A_736 : i32
        %get3A_738 = arith.index_cast %add3A_737 : i32 to index
        %get3A_739 = tpu.vector_load %arg7[%get3A_738] {strides = array<i32>} : memref<16384xf32, #tpu.memory_space<vmem>>, vector<16xf32>,
        %mul3A_740 = arith.mulf %gather3A_705, %get3A_739 : vector<16xf32>
        %add3A_741 = arith.addf %add3A_675, %mul3A_740 : vector<16xf32>
        %add3A_742 = arith.constant 80 : i32
        %add3A_743 = arith.addi %mul3A_711, %add3A_742 : i32
        %get3A_744 = arith.index_cast %add3A_743 : i32 to index
        %get3A_745 = tpu.vector_load %arg7[%get3A_744] {strides = array<i32>} : memref<16384xf32, #tpu.memory_space<vmem>>, vector<16xf32>,
        %mul3A_746 = arith.mulf %gather3A_705, %get3A_745 : vector<16xf32>
        %add3A_747 = arith.addf %add3A_681, %mul3A_746 : vector<16xf32>
        %add3A_748 = arith.constant 96 : i32
        %add3A_749 = arith.addi %mul3A_711, %add3A_748 : i32
        %get3A_750 = arith.index_cast %add3A_749 : i32 to index
        %get3A_751 = tpu.vector_load %arg7[%get3A_750] {strides = array<i32>} : memref<16384xf32, #tpu.memory_space<vmem>>, vector<16xf32>,
        %mul3A_752 = arith.mulf %gather3A_705, %get3A_751 : vector<16xf32>
        %add3A_753 = arith.addf %add3A_687, %mul3A_752 : vector<16xf32>
        %add3A_754 = arith.constant 112 : i32
        %add3A_755 = arith.addi %mul3A_711, %add3A_754 : i32
        %get3A_756 = arith.index_cast %add3A_755 : i32 to index
        %get3A_757 = tpu.vector_load %arg7[%get3A_756] {strides = array<i32>} : memref<16384xf32, #tpu.memory_space<vmem>>, vector<16xf32>,
        %mul3A_758 = arith.mulf %gather3A_705, %get3A_757 : vector<16xf32>
        %add3A_759 = arith.addf %add3A_693, %mul3A_758 : vector<16xf32>
        %broadcast_in_dim3A_760 = arith.constant 0 : i32
        %broadcast_in_dim3A_761 = vector.broadcast %broadcast_in_dim3A_760 : i32 to vector<16xi32>
        %mul3A_762 = arith.constant 32 : i32
        %mul3A_763 = arith.muli %select_n3A_112, %mul3A_762 : i32
        %add3A_764 = arith.constant 9 : i32
        %add3A_765 = arith.addi %mul3A_763, %add3A_764 : i32
        %mul3A_766 = arith.constant 32 : i32
        %mul3A_767 = arith.muli %add3A_765, %mul3A_766 : i32
        %add3A_768 = arith.addi %mul3A_767, %select_n3A : i32
        %add3A_769 = vector.broadcast %add3A_768 : i32 to vector<16xi32>
        %add3A_770 = arith.addi %broadcast_in_dim3A_761, %add3A_769 : vector<16xi32>
        %gather3A_771 = tpu.vector_load_idx %arg8[%add3A_770] : memref<16384xf32, #tpu.memory_space<vmem>>[vector<16xi32>], vector<16xf32>,
        %mul3A_772 = arith.constant 32 : i32
        %mul3A_773 = arith.muli %add3A_78, %mul3A_772 : i32
        %add3A_774 = arith.constant 9 : i32
        %add3A_775 = arith.addi %mul3A_773, %add3A_774 : i32
        %mul3A_776 = arith.constant 128 : i32
        %mul3A_777 = arith.muli %add3A_775, %mul3A_776 : i32
        %add3A_778 = arith.constant 0 : i32
        %add3A_779 = arith.addi %mul3A_777, %add3A_778 : i32
        %get3A_780 = arith.index_cast %add3A_779 : i32 to index
        %get3A_781 = tpu.vector_load %arg7[%get3A_780] {strides = array<i32>} : memref<16384xf32, #tpu.memory_space<vmem>>, vector<16xf32>,
        %mul3A_782 = arith.mulf %gather3A_771, %get3A_781 : vector<16xf32>
        %add3A_783 = arith.addf %add3A_717, %mul3A_782 : vector<16xf32>
        %add3A_784 = arith.constant 16 : i32
        %add3A_785 = arith.addi %mul3A_777, %add3A_784 : i32
        %get3A_786 = arith.index_cast %add3A_785 : i32 to index
        %get3A_787 = tpu.vector_load %arg7[%get3A_786] {strides = array<i32>} : memref<16384xf32, #tpu.memory_space<vmem>>, vector<16xf32>,
        %mul3A_788 = arith.mulf %gather3A_771, %get3A_787 : vector<16xf32>
        %add3A_789 = arith.addf %add3A_723, %mul3A_788 : vector<16xf32>
        %add3A_790 = arith.constant 32 : i32
        %add3A_791 = arith.addi %mul3A_777, %add3A_790 : i32
        %get3A_792 = arith.index_cast %add3A_791 : i32 to index
        %get3A_793 = tpu.vector_load %arg7[%get3A_792] {strides = array<i32>} : memref<16384xf32, #tpu.memory_space<vmem>>, vector<16xf32>,
        %mul3A_794 = arith.mulf %gather3A_771, %get3A_793 : vector<16xf32>
        %add3A_795 = arith.addf %add3A_729, %mul3A_794 : vector<16xf32>
        %add3A_796 = arith.constant 48 : i32
        %add3A_797 = arith.addi %mul3A_777, %add3A_796 : i32
        %get3A_798 = arith.index_cast %add3A_797 : i32 to index
        %get3A_799 = tpu.vector_load %arg7[%get3A_798] {strides = array<i32>} : memref<16384xf32, #tpu.memory_space<vmem>>, vector<16xf32>,
        %mul3A_800 = arith.mulf %gather3A_771, %get3A_799 : vector<16xf32>
        %add3A_801 = arith.addf %add3A_735, %mul3A_800 : vector<16xf32>
        %add3A_802 = arith.constant 64 : i32
        %add3A_803 = arith.addi %mul3A_777, %add3A_802 : i32
        %get3A_804 = arith.index_cast %add3A_803 : i32 to index
        %get3A_805 = tpu.vector_load %arg7[%get3A_804] {strides = array<i32>} : memref<16384xf32, #tpu.memory_space<vmem>>, vector<16xf32>,
        %mul3A_806 = arith.mulf %gather3A_771, %get3A_805 : vector<16xf32>
        %add3A_807 = arith.addf %add3A_741, %mul3A_806 : vector<16xf32>
        %add3A_808 = arith.constant 80 : i32
        %add3A_809 = arith.addi %mul3A_777, %add3A_808 : i32
        %get3A_810 = arith.index_cast %add3A_809 : i32 to index
        %get3A_811 = tpu.vector_load %arg7[%get3A_810] {strides = array<i32>} : memref<16384xf32, #tpu.memory_space<vmem>>, vector<16xf32>,
        %mul3A_812 = arith.mulf %gather3A_771, %get3A_811 : vector<16xf32>
        %add3A_813 = arith.addf %add3A_747, %mul3A_812 : vector<16xf32>
        %add3A_814 = arith.constant 96 : i32
        %add3A_815 = arith.addi %mul3A_777, %add3A_814 : i32
        %get3A_816 = arith.index_cast %add3A_815 : i32 to index
        %get3A_817 = tpu.vector_load %arg7[%get3A_816] {strides = array<i32>} : memref<16384xf32, #tpu.memory_space<vmem>>, vector<16xf32>,
        %mul3A_818 = arith.mulf %gather3A_771, %get3A_817 : vector<16xf32>
        %add3A_819 = arith.addf %add3A_753, %mul3A_818 : vector<16xf32>
        %add3A_820 = arith.constant 112 : i32
        %add3A_821 = arith.addi %mul3A_777, %add3A_820 : i32
        %get3A_822 = arith.index_cast %add3A_821 : i32 to index
        %get3A_823 = tpu.vector_load %arg7[%get3A_822] {strides = array<i32>} : memref<16384xf32, #tpu.memory_space<vmem>>, vector<16xf32>,
        %mul3A_824 = arith.mulf %gather3A_771, %get3A_823 : vector<16xf32>
        %add3A_825 = arith.addf %add3A_759, %mul3A_824 : vector<16xf32>
        %broadcast_in_dim3A_826 = arith.constant 0 : i32
        %broadcast_in_dim3A_827 = vector.broadcast %broadcast_in_dim3A_826 : i32 to vector<16xi32>
        %mul3A_828 = arith.constant 32 : i32
        %mul3A_829 = arith.muli %select_n3A_112, %mul3A_828 : i32
        %add3A_830 = arith.constant 10 : i32
        %add3A_831 = arith.addi %mul3A_829, %add3A_830 : i32
        %mul3A_832 = arith.constant 32 : i32
        %mul3A_833 = arith.muli %add3A_831, %mul3A_832 : i32
        %add3A_834 = arith.addi %mul3A_833, %select_n3A : i32
        %add3A_835 = vector.broadcast %add3A_834 : i32 to vector<16xi32>
        %add3A_836 = arith.addi %broadcast_in_dim3A_827, %add3A_835 : vector<16xi32>
        %gather3A_837 = tpu.vector_load_idx %arg8[%add3A_836] : memref<16384xf32, #tpu.memory_space<vmem>>[vector<16xi32>], vector<16xf32>,
        %mul3A_838 = arith.constant 32 : i32
        %mul3A_839 = arith.muli %add3A_78, %mul3A_838 : i32
        %add3A_840 = arith.constant 10 : i32
        %add3A_841 = arith.addi %mul3A_839, %add3A_840 : i32
        %mul3A_842 = arith.constant 128 : i32
        %mul3A_843 = arith.muli %add3A_841, %mul3A_842 : i32
        %add3A_844 = arith.constant 0 : i32
        %add3A_845 = arith.addi %mul3A_843, %add3A_844 : i32
        %get3A_846 = arith.index_cast %add3A_845 : i32 to index
        %get3A_847 = tpu.vector_load %arg7[%get3A_846] {strides = array<i32>} : memref<16384xf32, #tpu.memory_space<vmem>>, vector<16xf32>,
        %mul3A_848 = arith.mulf %gather3A_837, %get3A_847 : vector<16xf32>
        %add3A_849 = arith.addf %add3A_783, %mul3A_848 : vector<16xf32>
        %add3A_850 = arith.constant 16 : i32
        %add3A_851 = arith.addi %mul3A_843, %add3A_850 : i32
        %get3A_852 = arith.index_cast %add3A_851 : i32 to index
        %get3A_853 = tpu.vector_load %arg7[%get3A_852] {strides = array<i32>} : memref<16384xf32, #tpu.memory_space<vmem>>, vector<16xf32>,
        %mul3A_854 = arith.mulf %gather3A_837, %get3A_853 : vector<16xf32>
        %add3A_855 = arith.addf %add3A_789, %mul3A_854 : vector<16xf32>
        %add3A_856 = arith.constant 32 : i32
        %add3A_857 = arith.addi %mul3A_843, %add3A_856 : i32
        %get3A_858 = arith.index_cast %add3A_857 : i32 to index
        %get3A_859 = tpu.vector_load %arg7[%get3A_858] {strides = array<i32>} : memref<16384xf32, #tpu.memory_space<vmem>>, vector<16xf32>,
        %mul3A_860 = arith.mulf %gather3A_837, %get3A_859 : vector<16xf32>
        %add3A_861 = arith.addf %add3A_795, %mul3A_860 : vector<16xf32>
        %add3A_862 = arith.constant 48 : i32
        %add3A_863 = arith.addi %mul3A_843, %add3A_862 : i32
        %get3A_864 = arith.index_cast %add3A_863 : i32 to index
        %get3A_865 = tpu.vector_load %arg7[%get3A_864] {strides = array<i32>} : memref<16384xf32, #tpu.memory_space<vmem>>, vector<16xf32>,
        %mul3A_866 = arith.mulf %gather3A_837, %get3A_865 : vector<16xf32>
        %add3A_867 = arith.addf %add3A_801, %mul3A_866 : vector<16xf32>
        %add3A_868 = arith.constant 64 : i32
        %add3A_869 = arith.addi %mul3A_843, %add3A_868 : i32
        %get3A_870 = arith.index_cast %add3A_869 : i32 to index
        %get3A_871 = tpu.vector_load %arg7[%get3A_870] {strides = array<i32>} : memref<16384xf32, #tpu.memory_space<vmem>>, vector<16xf32>,
        %mul3A_872 = arith.mulf %gather3A_837, %get3A_871 : vector<16xf32>
        %add3A_873 = arith.addf %add3A_807, %mul3A_872 : vector<16xf32>
        %add3A_874 = arith.constant 80 : i32
        %add3A_875 = arith.addi %mul3A_843, %add3A_874 : i32
        %get3A_876 = arith.index_cast %add3A_875 : i32 to index
        %get3A_877 = tpu.vector_load %arg7[%get3A_876] {strides = array<i32>} : memref<16384xf32, #tpu.memory_space<vmem>>, vector<16xf32>,
        %mul3A_878 = arith.mulf %gather3A_837, %get3A_877 : vector<16xf32>
        %add3A_879 = arith.addf %add3A_813, %mul3A_878 : vector<16xf32>
        %add3A_880 = arith.constant 96 : i32
        %add3A_881 = arith.addi %mul3A_843, %add3A_880 : i32
        %get3A_882 = arith.index_cast %add3A_881 : i32 to index
        %get3A_883 = tpu.vector_load %arg7[%get3A_882] {strides = array<i32>} : memref<16384xf32, #tpu.memory_space<vmem>>, vector<16xf32>,
        %mul3A_884 = arith.mulf %gather3A_837, %get3A_883 : vector<16xf32>
        %add3A_885 = arith.addf %add3A_819, %mul3A_884 : vector<16xf32>
        %add3A_886 = arith.constant 112 : i32
        %add3A_887 = arith.addi %mul3A_843, %add3A_886 : i32
        %get3A_888 = arith.index_cast %add3A_887 : i32 to index
        %get3A_889 = tpu.vector_load %arg7[%get3A_888] {strides = array<i32>} : memref<16384xf32, #tpu.memory_space<vmem>>, vector<16xf32>,
        %mul3A_890 = arith.mulf %gather3A_837, %get3A_889 : vector<16xf32>
        %add3A_891 = arith.addf %add3A_825, %mul3A_890 : vector<16xf32>
        %broadcast_in_dim3A_892 = arith.constant 0 : i32
        %broadcast_in_dim3A_893 = vector.broadcast %broadcast_in_dim3A_892 : i32 to vector<16xi32>
        %mul3A_894 = arith.constant 32 : i32
        %mul3A_895 = arith.muli %select_n3A_112, %mul3A_894 : i32
        %add3A_896 = arith.constant 11 : i32
        %add3A_897 = arith.addi %mul3A_895, %add3A_896 : i32
        %mul3A_898 = arith.constant 32 : i32
        %mul3A_899 = arith.muli %add3A_897, %mul3A_898 : i32
        %add3A_900 = arith.addi %mul3A_899, %select_n3A : i32
        %add3A_901 = vector.broadcast %add3A_900 : i32 to vector<16xi32>
        %add3A_902 = arith.addi %broadcast_in_dim3A_893, %add3A_901 : vector<16xi32>
        %gather3A_903 = tpu.vector_load_idx %arg8[%add3A_902] : memref<16384xf32, #tpu.memory_space<vmem>>[vector<16xi32>], vector<16xf32>,
        %mul3A_904 = arith.constant 32 : i32
        %mul3A_905 = arith.muli %add3A_78, %mul3A_904 : i32
        %add3A_906 = arith.constant 11 : i32
        %add3A_907 = arith.addi %mul3A_905, %add3A_906 : i32
        %mul3A_908 = arith.constant 128 : i32
        %mul3A_909 = arith.muli %add3A_907, %mul3A_908 : i32
        %add3A_910 = arith.constant 0 : i32
        %add3A_911 = arith.addi %mul3A_909, %add3A_910 : i32
        %get3A_912 = arith.index_cast %add3A_911 : i32 to index
        %get3A_913 = tpu.vector_load %arg7[%get3A_912] {strides = array<i32>} : memref<16384xf32, #tpu.memory_space<vmem>>, vector<16xf32>,
        %mul3A_914 = arith.mulf %gather3A_903, %get3A_913 : vector<16xf32>
        %add3A_915 = arith.addf %add3A_849, %mul3A_914 : vector<16xf32>
        %add3A_916 = arith.constant 16 : i32
        %add3A_917 = arith.addi %mul3A_909, %add3A_916 : i32
        %get3A_918 = arith.index_cast %add3A_917 : i32 to index
        %get3A_919 = tpu.vector_load %arg7[%get3A_918] {strides = array<i32>} : memref<16384xf32, #tpu.memory_space<vmem>>, vector<16xf32>,
        %mul3A_920 = arith.mulf %gather3A_903, %get3A_919 : vector<16xf32>
        %add3A_921 = arith.addf %add3A_855, %mul3A_920 : vector<16xf32>
        %add3A_922 = arith.constant 32 : i32
        %add3A_923 = arith.addi %mul3A_909, %add3A_922 : i32
        %get3A_924 = arith.index_cast %add3A_923 : i32 to index
        %get3A_925 = tpu.vector_load %arg7[%get3A_924] {strides = array<i32>} : memref<16384xf32, #tpu.memory_space<vmem>>, vector<16xf32>,
        %mul3A_926 = arith.mulf %gather3A_903, %get3A_925 : vector<16xf32>
        %add3A_927 = arith.addf %add3A_861, %mul3A_926 : vector<16xf32>
        %add3A_928 = arith.constant 48 : i32
        %add3A_929 = arith.addi %mul3A_909, %add3A_928 : i32
        %get3A_930 = arith.index_cast %add3A_929 : i32 to index
        %get3A_931 = tpu.vector_load %arg7[%get3A_930] {strides = array<i32>} : memref<16384xf32, #tpu.memory_space<vmem>>, vector<16xf32>,
        %mul3A_932 = arith.mulf %gather3A_903, %get3A_931 : vector<16xf32>
        %add3A_933 = arith.addf %add3A_867, %mul3A_932 : vector<16xf32>
        %add3A_934 = arith.constant 64 : i32
        %add3A_935 = arith.addi %mul3A_909, %add3A_934 : i32
        %get3A_936 = arith.index_cast %add3A_935 : i32 to index
        %get3A_937 = tpu.vector_load %arg7[%get3A_936] {strides = array<i32>} : memref<16384xf32, #tpu.memory_space<vmem>>, vector<16xf32>,
        %mul3A_938 = arith.mulf %gather3A_903, %get3A_937 : vector<16xf32>
        %add3A_939 = arith.addf %add3A_873, %mul3A_938 : vector<16xf32>
        %add3A_940 = arith.constant 80 : i32
        %add3A_941 = arith.addi %mul3A_909, %add3A_940 : i32
        %get3A_942 = arith.index_cast %add3A_941 : i32 to index
        %get3A_943 = tpu.vector_load %arg7[%get3A_942] {strides = array<i32>} : memref<16384xf32, #tpu.memory_space<vmem>>, vector<16xf32>,
        %mul3A_944 = arith.mulf %gather3A_903, %get3A_943 : vector<16xf32>
        %add3A_945 = arith.addf %add3A_879, %mul3A_944 : vector<16xf32>
        %add3A_946 = arith.constant 96 : i32
        %add3A_947 = arith.addi %mul3A_909, %add3A_946 : i32
        %get3A_948 = arith.index_cast %add3A_947 : i32 to index
        %get3A_949 = tpu.vector_load %arg7[%get3A_948] {strides = array<i32>} : memref<16384xf32, #tpu.memory_space<vmem>>, vector<16xf32>,
        %mul3A_950 = arith.mulf %gather3A_903, %get3A_949 : vector<16xf32>
        %add3A_951 = arith.addf %add3A_885, %mul3A_950 : vector<16xf32>
        %add3A_952 = arith.constant 112 : i32
        %add3A_953 = arith.addi %mul3A_909, %add3A_952 : i32
        %get3A_954 = arith.index_cast %add3A_953 : i32 to index
        %get3A_955 = tpu.vector_load %arg7[%get3A_954] {strides = array<i32>} : memref<16384xf32, #tpu.memory_space<vmem>>, vector<16xf32>,
        %mul3A_956 = arith.mulf %gather3A_903, %get3A_955 : vector<16xf32>
        %add3A_957 = arith.addf %add3A_891, %mul3A_956 : vector<16xf32>
        %broadcast_in_dim3A_958 = arith.constant 0 : i32
        %broadcast_in_dim3A_959 = vector.broadcast %broadcast_in_dim3A_958 : i32 to vector<16xi32>
        %mul3A_960 = arith.constant 32 : i32
        %mul3A_961 = arith.muli %select_n3A_112, %mul3A_960 : i32
        %add3A_962 = arith.constant 12 : i32
        %add3A_963 = arith.addi %mul3A_961, %add3A_962 : i32
        %mul3A_964 = arith.constant 32 : i32
        %mul3A_965 = arith.muli %add3A_963, %mul3A_964 : i32
        %add3A_966 = arith.addi %mul3A_965, %select_n3A : i32
        %add3A_967 = vector.broadcast %add3A_966 : i32 to vector<16xi32>
        %add3A_968 = arith.addi %broadcast_in_dim3A_959, %add3A_967 : vector<16xi32>
        %gather3A_969 = tpu.vector_load_idx %arg8[%add3A_968] : memref<16384xf32, #tpu.memory_space<vmem>>[vector<16xi32>], vector<16xf32>,
        %mul3A_970 = arith.constant 32 : i32
        %mul3A_971 = arith.muli %add3A_78, %mul3A_970 : i32
        %add3A_972 = arith.constant 12 : i32
        %add3A_973 = arith.addi %mul3A_971, %add3A_972 : i32
        %mul3A_974 = arith.constant 128 : i32
        %mul3A_975 = arith.muli %add3A_973, %mul3A_974 : i32
        %add3A_976 = arith.constant 0 : i32
        %add3A_977 = arith.addi %mul3A_975, %add3A_976 : i32
        %get3A_978 = arith.index_cast %add3A_977 : i32 to index
        %get3A_979 = tpu.vector_load %arg7[%get3A_978] {strides = array<i32>} : memref<16384xf32, #tpu.memory_space<vmem>>, vector<16xf32>,
        %mul3A_980 = arith.mulf %gather3A_969, %get3A_979 : vector<16xf32>
        %add3A_981 = arith.addf %add3A_915, %mul3A_980 : vector<16xf32>
        %add3A_982 = arith.constant 16 : i32
        %add3A_983 = arith.addi %mul3A_975, %add3A_982 : i32
        %get3A_984 = arith.index_cast %add3A_983 : i32 to index
        %get3A_985 = tpu.vector_load %arg7[%get3A_984] {strides = array<i32>} : memref<16384xf32, #tpu.memory_space<vmem>>, vector<16xf32>,
        %mul3A_986 = arith.mulf %gather3A_969, %get3A_985 : vector<16xf32>
        %add3A_987 = arith.addf %add3A_921, %mul3A_986 : vector<16xf32>
        %add3A_988 = arith.constant 32 : i32
        %add3A_989 = arith.addi %mul3A_975, %add3A_988 : i32
        %get3A_990 = arith.index_cast %add3A_989 : i32 to index
        %get3A_991 = tpu.vector_load %arg7[%get3A_990] {strides = array<i32>} : memref<16384xf32, #tpu.memory_space<vmem>>, vector<16xf32>,
        %mul3A_992 = arith.mulf %gather3A_969, %get3A_991 : vector<16xf32>
        %add3A_993 = arith.addf %add3A_927, %mul3A_992 : vector<16xf32>
        %add3A_994 = arith.constant 48 : i32
        %add3A_995 = arith.addi %mul3A_975, %add3A_994 : i32
        %get3A_996 = arith.index_cast %add3A_995 : i32 to index
        %get3A_997 = tpu.vector_load %arg7[%get3A_996] {strides = array<i32>} : memref<16384xf32, #tpu.memory_space<vmem>>, vector<16xf32>,
        %mul3A_998 = arith.mulf %gather3A_969, %get3A_997 : vector<16xf32>
        %add3A_999 = arith.addf %add3A_933, %mul3A_998 : vector<16xf32>
        %add3A_1000 = arith.constant 64 : i32
        %add3A_1001 = arith.addi %mul3A_975, %add3A_1000 : i32
        %get3A_1002 = arith.index_cast %add3A_1001 : i32 to index
        %get3A_1003 = tpu.vector_load %arg7[%get3A_1002] {strides = array<i32>} : memref<16384xf32, #tpu.memory_space<vmem>>, vector<16xf32>,
        %mul3A_1004 = arith.mulf %gather3A_969, %get3A_1003 : vector<16xf32>
        %add3A_1005 = arith.addf %add3A_939, %mul3A_1004 : vector<16xf32>
        %add3A_1006 = arith.constant 80 : i32
        %add3A_1007 = arith.addi %mul3A_975, %add3A_1006 : i32
        %get3A_1008 = arith.index_cast %add3A_1007 : i32 to index
        %get3A_1009 = tpu.vector_load %arg7[%get3A_1008] {strides = array<i32>} : memref<16384xf32, #tpu.memory_space<vmem>>, vector<16xf32>,
        %mul3A_1010 = arith.mulf %gather3A_969, %get3A_1009 : vector<16xf32>
        %add3A_1011 = arith.addf %add3A_945, %mul3A_1010 : vector<16xf32>
        %add3A_1012 = arith.constant 96 : i32
        %add3A_1013 = arith.addi %mul3A_975, %add3A_1012 : i32
        %get3A_1014 = arith.index_cast %add3A_1013 : i32 to index
        %get3A_1015 = tpu.vector_load %arg7[%get3A_1014] {strides = array<i32>} : memref<16384xf32, #tpu.memory_space<vmem>>, vector<16xf32>,
        %mul3A_1016 = arith.mulf %gather3A_969, %get3A_1015 : vector<16xf32>
        %add3A_1017 = arith.addf %add3A_951, %mul3A_1016 : vector<16xf32>
        %add3A_1018 = arith.constant 112 : i32
        %add3A_1019 = arith.addi %mul3A_975, %add3A_1018 : i32
        %get3A_1020 = arith.index_cast %add3A_1019 : i32 to index
        %get3A_1021 = tpu.vector_load %arg7[%get3A_1020] {strides = array<i32>} : memref<16384xf32, #tpu.memory_space<vmem>>, vector<16xf32>,
        %mul3A_1022 = arith.mulf %gather3A_969, %get3A_1021 : vector<16xf32>
        %add3A_1023 = arith.addf %add3A_957, %mul3A_1022 : vector<16xf32>
        %broadcast_in_dim3A_1024 = arith.constant 0 : i32
        %broadcast_in_dim3A_1025 = vector.broadcast %broadcast_in_dim3A_1024 : i32 to vector<16xi32>
        %mul3A_1026 = arith.constant 32 : i32
        %mul3A_1027 = arith.muli %select_n3A_112, %mul3A_1026 : i32
        %add3A_1028 = arith.constant 13 : i32
        %add3A_1029 = arith.addi %mul3A_1027, %add3A_1028 : i32
        %mul3A_1030 = arith.constant 32 : i32
        %mul3A_1031 = arith.muli %add3A_1029, %mul3A_1030 : i32
        %add3A_1032 = arith.addi %mul3A_1031, %select_n3A : i32
        %add3A_1033 = vector.broadcast %add3A_1032 : i32 to vector<16xi32>
        %add3A_1034 = arith.addi %broadcast_in_dim3A_1025, %add3A_1033 : vector<16xi32>
        %gather3A_1035 = tpu.vector_load_idx %arg8[%add3A_1034] : memref<16384xf32, #tpu.memory_space<vmem>>[vector<16xi32>], vector<16xf32>,
        %mul3A_1036 = arith.constant 32 : i32
        %mul3A_1037 = arith.muli %add3A_78, %mul3A_1036 : i32
        %add3A_1038 = arith.constant 13 : i32
        %add3A_1039 = arith.addi %mul3A_1037, %add3A_1038 : i32
        %mul3A_1040 = arith.constant 128 : i32
        %mul3A_1041 = arith.muli %add3A_1039, %mul3A_1040 : i32
        %add3A_1042 = arith.constant 0 : i32
        %add3A_1043 = arith.addi %mul3A_1041, %add3A_1042 : i32
        %get3A_1044 = arith.index_cast %add3A_1043 : i32 to index
        %get3A_1045 = tpu.vector_load %arg7[%get3A_1044] {strides = array<i32>} : memref<16384xf32, #tpu.memory_space<vmem>>, vector<16xf32>,
        %mul3A_1046 = arith.mulf %gather3A_1035, %get3A_1045 : vector<16xf32>
        %add3A_1047 = arith.addf %add3A_981, %mul3A_1046 : vector<16xf32>
        %add3A_1048 = arith.constant 16 : i32
        %add3A_1049 = arith.addi %mul3A_1041, %add3A_1048 : i32
        %get3A_1050 = arith.index_cast %add3A_1049 : i32 to index
        %get3A_1051 = tpu.vector_load %arg7[%get3A_1050] {strides = array<i32>} : memref<16384xf32, #tpu.memory_space<vmem>>, vector<16xf32>,
        %mul3A_1052 = arith.mulf %gather3A_1035, %get3A_1051 : vector<16xf32>
        %add3A_1053 = arith.addf %add3A_987, %mul3A_1052 : vector<16xf32>
        %add3A_1054 = arith.constant 32 : i32
        %add3A_1055 = arith.addi %mul3A_1041, %add3A_1054 : i32
        %get3A_1056 = arith.index_cast %add3A_1055 : i32 to index
        %get3A_1057 = tpu.vector_load %arg7[%get3A_1056] {strides = array<i32>} : memref<16384xf32, #tpu.memory_space<vmem>>, vector<16xf32>,
        %mul3A_1058 = arith.mulf %gather3A_1035, %get3A_1057 : vector<16xf32>
        %add3A_1059 = arith.addf %add3A_993, %mul3A_1058 : vector<16xf32>
        %add3A_1060 = arith.constant 48 : i32
        %add3A_1061 = arith.addi %mul3A_1041, %add3A_1060 : i32
        %get3A_1062 = arith.index_cast %add3A_1061 : i32 to index
        %get3A_1063 = tpu.vector_load %arg7[%get3A_1062] {strides = array<i32>} : memref<16384xf32, #tpu.memory_space<vmem>>, vector<16xf32>,
        %mul3A_1064 = arith.mulf %gather3A_1035, %get3A_1063 : vector<16xf32>
        %add3A_1065 = arith.addf %add3A_999, %mul3A_1064 : vector<16xf32>
        %add3A_1066 = arith.constant 64 : i32
        %add3A_1067 = arith.addi %mul3A_1041, %add3A_1066 : i32
        %get3A_1068 = arith.index_cast %add3A_1067 : i32 to index
        %get3A_1069 = tpu.vector_load %arg7[%get3A_1068] {strides = array<i32>} : memref<16384xf32, #tpu.memory_space<vmem>>, vector<16xf32>,
        %mul3A_1070 = arith.mulf %gather3A_1035, %get3A_1069 : vector<16xf32>
        %add3A_1071 = arith.addf %add3A_1005, %mul3A_1070 : vector<16xf32>
        %add3A_1072 = arith.constant 80 : i32
        %add3A_1073 = arith.addi %mul3A_1041, %add3A_1072 : i32
        %get3A_1074 = arith.index_cast %add3A_1073 : i32 to index
        %get3A_1075 = tpu.vector_load %arg7[%get3A_1074] {strides = array<i32>} : memref<16384xf32, #tpu.memory_space<vmem>>, vector<16xf32>,
        %mul3A_1076 = arith.mulf %gather3A_1035, %get3A_1075 : vector<16xf32>
        %add3A_1077 = arith.addf %add3A_1011, %mul3A_1076 : vector<16xf32>
        %add3A_1078 = arith.constant 96 : i32
        %add3A_1079 = arith.addi %mul3A_1041, %add3A_1078 : i32
        %get3A_1080 = arith.index_cast %add3A_1079 : i32 to index
        %get3A_1081 = tpu.vector_load %arg7[%get3A_1080] {strides = array<i32>} : memref<16384xf32, #tpu.memory_space<vmem>>, vector<16xf32>,
        %mul3A_1082 = arith.mulf %gather3A_1035, %get3A_1081 : vector<16xf32>
        %add3A_1083 = arith.addf %add3A_1017, %mul3A_1082 : vector<16xf32>
        %add3A_1084 = arith.constant 112 : i32
        %add3A_1085 = arith.addi %mul3A_1041, %add3A_1084 : i32
        %get3A_1086 = arith.index_cast %add3A_1085 : i32 to index
        %get3A_1087 = tpu.vector_load %arg7[%get3A_1086] {strides = array<i32>} : memref<16384xf32, #tpu.memory_space<vmem>>, vector<16xf32>,
        %mul3A_1088 = arith.mulf %gather3A_1035, %get3A_1087 : vector<16xf32>
        %add3A_1089 = arith.addf %add3A_1023, %mul3A_1088 : vector<16xf32>
        %broadcast_in_dim3A_1090 = arith.constant 0 : i32
        %broadcast_in_dim3A_1091 = vector.broadcast %broadcast_in_dim3A_1090 : i32 to vector<16xi32>
        %mul3A_1092 = arith.constant 32 : i32
        %mul3A_1093 = arith.muli %select_n3A_112, %mul3A_1092 : i32
        %add3A_1094 = arith.constant 14 : i32
        %add3A_1095 = arith.addi %mul3A_1093, %add3A_1094 : i32
        %mul3A_1096 = arith.constant 32 : i32
        %mul3A_1097 = arith.muli %add3A_1095, %mul3A_1096 : i32
        %add3A_1098 = arith.addi %mul3A_1097, %select_n3A : i32
        %add3A_1099 = vector.broadcast %add3A_1098 : i32 to vector<16xi32>
        %add3A_1100 = arith.addi %broadcast_in_dim3A_1091, %add3A_1099 : vector<16xi32>
        %gather3A_1101 = tpu.vector_load_idx %arg8[%add3A_1100] : memref<16384xf32, #tpu.memory_space<vmem>>[vector<16xi32>], vector<16xf32>,
        %mul3A_1102 = arith.constant 32 : i32
        %mul3A_1103 = arith.muli %add3A_78, %mul3A_1102 : i32
        %add3A_1104 = arith.constant 14 : i32
        %add3A_1105 = arith.addi %mul3A_1103, %add3A_1104 : i32
        %mul3A_1106 = arith.constant 128 : i32
        %mul3A_1107 = arith.muli %add3A_1105, %mul3A_1106 : i32
        %add3A_1108 = arith.constant 0 : i32
        %add3A_1109 = arith.addi %mul3A_1107, %add3A_1108 : i32
        %get3A_1110 = arith.index_cast %add3A_1109 : i32 to index
        %get3A_1111 = tpu.vector_load %arg7[%get3A_1110] {strides = array<i32>} : memref<16384xf32, #tpu.memory_space<vmem>>, vector<16xf32>,
        %mul3A_1112 = arith.mulf %gather3A_1101, %get3A_1111 : vector<16xf32>
        %add3A_1113 = arith.addf %add3A_1047, %mul3A_1112 : vector<16xf32>
        %add3A_1114 = arith.constant 16 : i32
        %add3A_1115 = arith.addi %mul3A_1107, %add3A_1114 : i32
        %get3A_1116 = arith.index_cast %add3A_1115 : i32 to index
        %get3A_1117 = tpu.vector_load %arg7[%get3A_1116] {strides = array<i32>} : memref<16384xf32, #tpu.memory_space<vmem>>, vector<16xf32>,
        %mul3A_1118 = arith.mulf %gather3A_1101, %get3A_1117 : vector<16xf32>
        %add3A_1119 = arith.addf %add3A_1053, %mul3A_1118 : vector<16xf32>
        %add3A_1120 = arith.constant 32 : i32
        %add3A_1121 = arith.addi %mul3A_1107, %add3A_1120 : i32
        %get3A_1122 = arith.index_cast %add3A_1121 : i32 to index
        %get3A_1123 = tpu.vector_load %arg7[%get3A_1122] {strides = array<i32>} : memref<16384xf32, #tpu.memory_space<vmem>>, vector<16xf32>,
        %mul3A_1124 = arith.mulf %gather3A_1101, %get3A_1123 : vector<16xf32>
        %add3A_1125 = arith.addf %add3A_1059, %mul3A_1124 : vector<16xf32>
        %add3A_1126 = arith.constant 48 : i32
        %add3A_1127 = arith.addi %mul3A_1107, %add3A_1126 : i32
        %get3A_1128 = arith.index_cast %add3A_1127 : i32 to index
        %get3A_1129 = tpu.vector_load %arg7[%get3A_1128] {strides = array<i32>} : memref<16384xf32, #tpu.memory_space<vmem>>, vector<16xf32>,
        %mul3A_1130 = arith.mulf %gather3A_1101, %get3A_1129 : vector<16xf32>
        %add3A_1131 = arith.addf %add3A_1065, %mul3A_1130 : vector<16xf32>
        %add3A_1132 = arith.constant 64 : i32
        %add3A_1133 = arith.addi %mul3A_1107, %add3A_1132 : i32
        %get3A_1134 = arith.index_cast %add3A_1133 : i32 to index
        %get3A_1135 = tpu.vector_load %arg7[%get3A_1134] {strides = array<i32>} : memref<16384xf32, #tpu.memory_space<vmem>>, vector<16xf32>,
        %mul3A_1136 = arith.mulf %gather3A_1101, %get3A_1135 : vector<16xf32>
        %add3A_1137 = arith.addf %add3A_1071, %mul3A_1136 : vector<16xf32>
        %add3A_1138 = arith.constant 80 : i32
        %add3A_1139 = arith.addi %mul3A_1107, %add3A_1138 : i32
        %get3A_1140 = arith.index_cast %add3A_1139 : i32 to index
        %get3A_1141 = tpu.vector_load %arg7[%get3A_1140] {strides = array<i32>} : memref<16384xf32, #tpu.memory_space<vmem>>, vector<16xf32>,
        %mul3A_1142 = arith.mulf %gather3A_1101, %get3A_1141 : vector<16xf32>
        %add3A_1143 = arith.addf %add3A_1077, %mul3A_1142 : vector<16xf32>
        %add3A_1144 = arith.constant 96 : i32
        %add3A_1145 = arith.addi %mul3A_1107, %add3A_1144 : i32
        %get3A_1146 = arith.index_cast %add3A_1145 : i32 to index
        %get3A_1147 = tpu.vector_load %arg7[%get3A_1146] {strides = array<i32>} : memref<16384xf32, #tpu.memory_space<vmem>>, vector<16xf32>,
        %mul3A_1148 = arith.mulf %gather3A_1101, %get3A_1147 : vector<16xf32>
        %add3A_1149 = arith.addf %add3A_1083, %mul3A_1148 : vector<16xf32>
        %add3A_1150 = arith.constant 112 : i32
        %add3A_1151 = arith.addi %mul3A_1107, %add3A_1150 : i32
        %get3A_1152 = arith.index_cast %add3A_1151 : i32 to index
        %get3A_1153 = tpu.vector_load %arg7[%get3A_1152] {strides = array<i32>} : memref<16384xf32, #tpu.memory_space<vmem>>, vector<16xf32>,
        %mul3A_1154 = arith.mulf %gather3A_1101, %get3A_1153 : vector<16xf32>
        %add3A_1155 = arith.addf %add3A_1089, %mul3A_1154 : vector<16xf32>
        %broadcast_in_dim3A_1156 = arith.constant 0 : i32
        %broadcast_in_dim3A_1157 = vector.broadcast %broadcast_in_dim3A_1156 : i32 to vector<16xi32>
        %mul3A_1158 = arith.constant 32 : i32
        %mul3A_1159 = arith.muli %select_n3A_112, %mul3A_1158 : i32
        %add3A_1160 = arith.constant 15 : i32
        %add3A_1161 = arith.addi %mul3A_1159, %add3A_1160 : i32
        %mul3A_1162 = arith.constant 32 : i32
        %mul3A_1163 = arith.muli %add3A_1161, %mul3A_1162 : i32
        %add3A_1164 = arith.addi %mul3A_1163, %select_n3A : i32
        %add3A_1165 = vector.broadcast %add3A_1164 : i32 to vector<16xi32>
        %add3A_1166 = arith.addi %broadcast_in_dim3A_1157, %add3A_1165 : vector<16xi32>
        %gather3A_1167 = tpu.vector_load_idx %arg8[%add3A_1166] : memref<16384xf32, #tpu.memory_space<vmem>>[vector<16xi32>], vector<16xf32>,
        %mul3A_1168 = arith.constant 32 : i32
        %mul3A_1169 = arith.muli %add3A_78, %mul3A_1168 : i32
        %add3A_1170 = arith.constant 15 : i32
        %add3A_1171 = arith.addi %mul3A_1169, %add3A_1170 : i32
        %mul3A_1172 = arith.constant 128 : i32
        %mul3A_1173 = arith.muli %add3A_1171, %mul3A_1172 : i32
        %add3A_1174 = arith.constant 0 : i32
        %add3A_1175 = arith.addi %mul3A_1173, %add3A_1174 : i32
        %get3A_1176 = arith.index_cast %add3A_1175 : i32 to index
        %get3A_1177 = tpu.vector_load %arg7[%get3A_1176] {strides = array<i32>} : memref<16384xf32, #tpu.memory_space<vmem>>, vector<16xf32>,
        %mul3A_1178 = arith.mulf %gather3A_1167, %get3A_1177 : vector<16xf32>
        %add3A_1179 = arith.addf %add3A_1113, %mul3A_1178 : vector<16xf32>
        %add3A_1180 = arith.constant 16 : i32
        %add3A_1181 = arith.addi %mul3A_1173, %add3A_1180 : i32
        %get3A_1182 = arith.index_cast %add3A_1181 : i32 to index
        %get3A_1183 = tpu.vector_load %arg7[%get3A_1182] {strides = array<i32>} : memref<16384xf32, #tpu.memory_space<vmem>>, vector<16xf32>,
        %mul3A_1184 = arith.mulf %gather3A_1167, %get3A_1183 : vector<16xf32>
        %add3A_1185 = arith.addf %add3A_1119, %mul3A_1184 : vector<16xf32>
        %add3A_1186 = arith.constant 32 : i32
        %add3A_1187 = arith.addi %mul3A_1173, %add3A_1186 : i32
        %get3A_1188 = arith.index_cast %add3A_1187 : i32 to index
        %get3A_1189 = tpu.vector_load %arg7[%get3A_1188] {strides = array<i32>} : memref<16384xf32, #tpu.memory_space<vmem>>, vector<16xf32>,
        %mul3A_1190 = arith.mulf %gather3A_1167, %get3A_1189 : vector<16xf32>
        %add3A_1191 = arith.addf %add3A_1125, %mul3A_1190 : vector<16xf32>
        %add3A_1192 = arith.constant 48 : i32
        %add3A_1193 = arith.addi %mul3A_1173, %add3A_1192 : i32
        %get3A_1194 = arith.index_cast %add3A_1193 : i32 to index
        %get3A_1195 = tpu.vector_load %arg7[%get3A_1194] {strides = array<i32>} : memref<16384xf32, #tpu.memory_space<vmem>>, vector<16xf32>,
        %mul3A_1196 = arith.mulf %gather3A_1167, %get3A_1195 : vector<16xf32>
        %add3A_1197 = arith.addf %add3A_1131, %mul3A_1196 : vector<16xf32>
        %add3A_1198 = arith.constant 64 : i32
        %add3A_1199 = arith.addi %mul3A_1173, %add3A_1198 : i32
        %get3A_1200 = arith.index_cast %add3A_1199 : i32 to index
        %get3A_1201 = tpu.vector_load %arg7[%get3A_1200] {strides = array<i32>} : memref<16384xf32, #tpu.memory_space<vmem>>, vector<16xf32>,
        %mul3A_1202 = arith.mulf %gather3A_1167, %get3A_1201 : vector<16xf32>
        %add3A_1203 = arith.addf %add3A_1137, %mul3A_1202 : vector<16xf32>
        %add3A_1204 = arith.constant 80 : i32
        %add3A_1205 = arith.addi %mul3A_1173, %add3A_1204 : i32
        %get3A_1206 = arith.index_cast %add3A_1205 : i32 to index
        %get3A_1207 = tpu.vector_load %arg7[%get3A_1206] {strides = array<i32>} : memref<16384xf32, #tpu.memory_space<vmem>>, vector<16xf32>,
        %mul3A_1208 = arith.mulf %gather3A_1167, %get3A_1207 : vector<16xf32>
        %add3A_1209 = arith.addf %add3A_1143, %mul3A_1208 : vector<16xf32>
        %add3A_1210 = arith.constant 96 : i32
        %add3A_1211 = arith.addi %mul3A_1173, %add3A_1210 : i32
        %get3A_1212 = arith.index_cast %add3A_1211 : i32 to index
        %get3A_1213 = tpu.vector_load %arg7[%get3A_1212] {strides = array<i32>} : memref<16384xf32, #tpu.memory_space<vmem>>, vector<16xf32>,
        %mul3A_1214 = arith.mulf %gather3A_1167, %get3A_1213 : vector<16xf32>
        %add3A_1215 = arith.addf %add3A_1149, %mul3A_1214 : vector<16xf32>
        %add3A_1216 = arith.constant 112 : i32
        %add3A_1217 = arith.addi %mul3A_1173, %add3A_1216 : i32
        %get3A_1218 = arith.index_cast %add3A_1217 : i32 to index
        %get3A_1219 = tpu.vector_load %arg7[%get3A_1218] {strides = array<i32>} : memref<16384xf32, #tpu.memory_space<vmem>>, vector<16xf32>,
        %mul3A_1220 = arith.mulf %gather3A_1167, %get3A_1219 : vector<16xf32>
        %add3A_1221 = arith.addf %add3A_1155, %mul3A_1220 : vector<16xf32>
        %broadcast_in_dim3A_1222 = arith.constant 0 : i32
        %broadcast_in_dim3A_1223 = vector.broadcast %broadcast_in_dim3A_1222 : i32 to vector<16xi32>
        %mul3A_1224 = arith.constant 32 : i32
        %mul3A_1225 = arith.muli %select_n3A_112, %mul3A_1224 : i32
        %add3A_1226 = arith.constant 16 : i32
        %add3A_1227 = arith.addi %mul3A_1225, %add3A_1226 : i32
        %mul3A_1228 = arith.constant 32 : i32
        %mul3A_1229 = arith.muli %add3A_1227, %mul3A_1228 : i32
        %add3A_1230 = arith.addi %mul3A_1229, %select_n3A : i32
        %add3A_1231 = vector.broadcast %add3A_1230 : i32 to vector<16xi32>
        %add3A_1232 = arith.addi %broadcast_in_dim3A_1223, %add3A_1231 : vector<16xi32>
        %gather3A_1233 = tpu.vector_load_idx %arg8[%add3A_1232] : memref<16384xf32, #tpu.memory_space<vmem>>[vector<16xi32>], vector<16xf32>,
        %mul3A_1234 = arith.constant 32 : i32
        %mul3A_1235 = arith.muli %add3A_78, %mul3A_1234 : i32
        %add3A_1236 = arith.constant 16 : i32
        %add3A_1237 = arith.addi %mul3A_1235, %add3A_1236 : i32
        %mul3A_1238 = arith.constant 128 : i32
        %mul3A_1239 = arith.muli %add3A_1237, %mul3A_1238 : i32
        %add3A_1240 = arith.constant 0 : i32
        %add3A_1241 = arith.addi %mul3A_1239, %add3A_1240 : i32
        %get3A_1242 = arith.index_cast %add3A_1241 : i32 to index
        %get3A_1243 = tpu.vector_load %arg7[%get3A_1242] {strides = array<i32>} : memref<16384xf32, #tpu.memory_space<vmem>>, vector<16xf32>,
        %mul3A_1244 = arith.mulf %gather3A_1233, %get3A_1243 : vector<16xf32>
        %add3A_1245 = arith.addf %add3A_1179, %mul3A_1244 : vector<16xf32>
        %add3A_1246 = arith.constant 16 : i32
        %add3A_1247 = arith.addi %mul3A_1239, %add3A_1246 : i32
        %get3A_1248 = arith.index_cast %add3A_1247 : i32 to index
        %get3A_1249 = tpu.vector_load %arg7[%get3A_1248] {strides = array<i32>} : memref<16384xf32, #tpu.memory_space<vmem>>, vector<16xf32>,
        %mul3A_1250 = arith.mulf %gather3A_1233, %get3A_1249 : vector<16xf32>
        %add3A_1251 = arith.addf %add3A_1185, %mul3A_1250 : vector<16xf32>
        %add3A_1252 = arith.constant 32 : i32
        %add3A_1253 = arith.addi %mul3A_1239, %add3A_1252 : i32
        %get3A_1254 = arith.index_cast %add3A_1253 : i32 to index
        %get3A_1255 = tpu.vector_load %arg7[%get3A_1254] {strides = array<i32>} : memref<16384xf32, #tpu.memory_space<vmem>>, vector<16xf32>,
        %mul3A_1256 = arith.mulf %gather3A_1233, %get3A_1255 : vector<16xf32>
        %add3A_1257 = arith.addf %add3A_1191, %mul3A_1256 : vector<16xf32>
        %add3A_1258 = arith.constant 48 : i32
        %add3A_1259 = arith.addi %mul3A_1239, %add3A_1258 : i32
        %get3A_1260 = arith.index_cast %add3A_1259 : i32 to index
        %get3A_1261 = tpu.vector_load %arg7[%get3A_1260] {strides = array<i32>} : memref<16384xf32, #tpu.memory_space<vmem>>, vector<16xf32>,
        %mul3A_1262 = arith.mulf %gather3A_1233, %get3A_1261 : vector<16xf32>
        %add3A_1263 = arith.addf %add3A_1197, %mul3A_1262 : vector<16xf32>
        %add3A_1264 = arith.constant 64 : i32
        %add3A_1265 = arith.addi %mul3A_1239, %add3A_1264 : i32
        %get3A_1266 = arith.index_cast %add3A_1265 : i32 to index
        %get3A_1267 = tpu.vector_load %arg7[%get3A_1266] {strides = array<i32>} : memref<16384xf32, #tpu.memory_space<vmem>>, vector<16xf32>,
        %mul3A_1268 = arith.mulf %gather3A_1233, %get3A_1267 : vector<16xf32>
        %add3A_1269 = arith.addf %add3A_1203, %mul3A_1268 : vector<16xf32>
        %add3A_1270 = arith.constant 80 : i32
        %add3A_1271 = arith.addi %mul3A_1239, %add3A_1270 : i32
        %get3A_1272 = arith.index_cast %add3A_1271 : i32 to index
        %get3A_1273 = tpu.vector_load %arg7[%get3A_1272] {strides = array<i32>} : memref<16384xf32, #tpu.memory_space<vmem>>, vector<16xf32>,
        %mul3A_1274 = arith.mulf %gather3A_1233, %get3A_1273 : vector<16xf32>
        %add3A_1275 = arith.addf %add3A_1209, %mul3A_1274 : vector<16xf32>
        %add3A_1276 = arith.constant 96 : i32
        %add3A_1277 = arith.addi %mul3A_1239, %add3A_1276 : i32
        %get3A_1278 = arith.index_cast %add3A_1277 : i32 to index
        %get3A_1279 = tpu.vector_load %arg7[%get3A_1278] {strides = array<i32>} : memref<16384xf32, #tpu.memory_space<vmem>>, vector<16xf32>,
        %mul3A_1280 = arith.mulf %gather3A_1233, %get3A_1279 : vector<16xf32>
        %add3A_1281 = arith.addf %add3A_1215, %mul3A_1280 : vector<16xf32>
        %add3A_1282 = arith.constant 112 : i32
        %add3A_1283 = arith.addi %mul3A_1239, %add3A_1282 : i32
        %get3A_1284 = arith.index_cast %add3A_1283 : i32 to index
        %get3A_1285 = tpu.vector_load %arg7[%get3A_1284] {strides = array<i32>} : memref<16384xf32, #tpu.memory_space<vmem>>, vector<16xf32>,
        %mul3A_1286 = arith.mulf %gather3A_1233, %get3A_1285 : vector<16xf32>
        %add3A_1287 = arith.addf %add3A_1221, %mul3A_1286 : vector<16xf32>
        %broadcast_in_dim3A_1288 = arith.constant 0 : i32
        %broadcast_in_dim3A_1289 = vector.broadcast %broadcast_in_dim3A_1288 : i32 to vector<16xi32>
        %mul3A_1290 = arith.constant 32 : i32
        %mul3A_1291 = arith.muli %select_n3A_112, %mul3A_1290 : i32
        %add3A_1292 = arith.constant 17 : i32
        %add3A_1293 = arith.addi %mul3A_1291, %add3A_1292 : i32
        %mul3A_1294 = arith.constant 32 : i32
        %mul3A_1295 = arith.muli %add3A_1293, %mul3A_1294 : i32
        %add3A_1296 = arith.addi %mul3A_1295, %select_n3A : i32
        %add3A_1297 = vector.broadcast %add3A_1296 : i32 to vector<16xi32>
        %add3A_1298 = arith.addi %broadcast_in_dim3A_1289, %add3A_1297 : vector<16xi32>
        %gather3A_1299 = tpu.vector_load_idx %arg8[%add3A_1298] : memref<16384xf32, #tpu.memory_space<vmem>>[vector<16xi32>], vector<16xf32>,
        %mul3A_1300 = arith.constant 32 : i32
        %mul3A_1301 = arith.muli %add3A_78, %mul3A_1300 : i32
        %add3A_1302 = arith.constant 17 : i32
        %add3A_1303 = arith.addi %mul3A_1301, %add3A_1302 : i32
        %mul3A_1304 = arith.constant 128 : i32
        %mul3A_1305 = arith.muli %add3A_1303, %mul3A_1304 : i32
        %add3A_1306 = arith.constant 0 : i32
        %add3A_1307 = arith.addi %mul3A_1305, %add3A_1306 : i32
        %get3A_1308 = arith.index_cast %add3A_1307 : i32 to index
        %get3A_1309 = tpu.vector_load %arg7[%get3A_1308] {strides = array<i32>} : memref<16384xf32, #tpu.memory_space<vmem>>, vector<16xf32>,
        %mul3A_1310 = arith.mulf %gather3A_1299, %get3A_1309 : vector<16xf32>
        %add3A_1311 = arith.addf %add3A_1245, %mul3A_1310 : vector<16xf32>
        %add3A_1312 = arith.constant 16 : i32
        %add3A_1313 = arith.addi %mul3A_1305, %add3A_1312 : i32
        %get3A_1314 = arith.index_cast %add3A_1313 : i32 to index
        %get3A_1315 = tpu.vector_load %arg7[%get3A_1314] {strides = array<i32>} : memref<16384xf32, #tpu.memory_space<vmem>>, vector<16xf32>,
        %mul3A_1316 = arith.mulf %gather3A_1299, %get3A_1315 : vector<16xf32>
        %add3A_1317 = arith.addf %add3A_1251, %mul3A_1316 : vector<16xf32>
        %add3A_1318 = arith.constant 32 : i32
        %add3A_1319 = arith.addi %mul3A_1305, %add3A_1318 : i32
        %get3A_1320 = arith.index_cast %add3A_1319 : i32 to index
        %get3A_1321 = tpu.vector_load %arg7[%get3A_1320] {strides = array<i32>} : memref<16384xf32, #tpu.memory_space<vmem>>, vector<16xf32>,
        %mul3A_1322 = arith.mulf %gather3A_1299, %get3A_1321 : vector<16xf32>
        %add3A_1323 = arith.addf %add3A_1257, %mul3A_1322 : vector<16xf32>
        %add3A_1324 = arith.constant 48 : i32
        %add3A_1325 = arith.addi %mul3A_1305, %add3A_1324 : i32
        %get3A_1326 = arith.index_cast %add3A_1325 : i32 to index
        %get3A_1327 = tpu.vector_load %arg7[%get3A_1326] {strides = array<i32>} : memref<16384xf32, #tpu.memory_space<vmem>>, vector<16xf32>,
        %mul3A_1328 = arith.mulf %gather3A_1299, %get3A_1327 : vector<16xf32>
        %add3A_1329 = arith.addf %add3A_1263, %mul3A_1328 : vector<16xf32>
        %add3A_1330 = arith.constant 64 : i32
        %add3A_1331 = arith.addi %mul3A_1305, %add3A_1330 : i32
        %get3A_1332 = arith.index_cast %add3A_1331 : i32 to index
        %get3A_1333 = tpu.vector_load %arg7[%get3A_1332] {strides = array<i32>} : memref<16384xf32, #tpu.memory_space<vmem>>, vector<16xf32>,
        %mul3A_1334 = arith.mulf %gather3A_1299, %get3A_1333 : vector<16xf32>
        %add3A_1335 = arith.addf %add3A_1269, %mul3A_1334 : vector<16xf32>
        %add3A_1336 = arith.constant 80 : i32
        %add3A_1337 = arith.addi %mul3A_1305, %add3A_1336 : i32
        %get3A_1338 = arith.index_cast %add3A_1337 : i32 to index
        %get3A_1339 = tpu.vector_load %arg7[%get3A_1338] {strides = array<i32>} : memref<16384xf32, #tpu.memory_space<vmem>>, vector<16xf32>,
        %mul3A_1340 = arith.mulf %gather3A_1299, %get3A_1339 : vector<16xf32>
        %add3A_1341 = arith.addf %add3A_1275, %mul3A_1340 : vector<16xf32>
        %add3A_1342 = arith.constant 96 : i32
        %add3A_1343 = arith.addi %mul3A_1305, %add3A_1342 : i32
        %get3A_1344 = arith.index_cast %add3A_1343 : i32 to index
        %get3A_1345 = tpu.vector_load %arg7[%get3A_1344] {strides = array<i32>} : memref<16384xf32, #tpu.memory_space<vmem>>, vector<16xf32>,
        %mul3A_1346 = arith.mulf %gather3A_1299, %get3A_1345 : vector<16xf32>
        %add3A_1347 = arith.addf %add3A_1281, %mul3A_1346 : vector<16xf32>
        %add3A_1348 = arith.constant 112 : i32
        %add3A_1349 = arith.addi %mul3A_1305, %add3A_1348 : i32
        %get3A_1350 = arith.index_cast %add3A_1349 : i32 to index
        %get3A_1351 = tpu.vector_load %arg7[%get3A_1350] {strides = array<i32>} : memref<16384xf32, #tpu.memory_space<vmem>>, vector<16xf32>,
        %mul3A_1352 = arith.mulf %gather3A_1299, %get3A_1351 : vector<16xf32>
        %add3A_1353 = arith.addf %add3A_1287, %mul3A_1352 : vector<16xf32>
        %broadcast_in_dim3A_1354 = arith.constant 0 : i32
        %broadcast_in_dim3A_1355 = vector.broadcast %broadcast_in_dim3A_1354 : i32 to vector<16xi32>
        %mul3A_1356 = arith.constant 32 : i32
        %mul3A_1357 = arith.muli %select_n3A_112, %mul3A_1356 : i32
        %add3A_1358 = arith.constant 18 : i32
        %add3A_1359 = arith.addi %mul3A_1357, %add3A_1358 : i32
        %mul3A_1360 = arith.constant 32 : i32
        %mul3A_1361 = arith.muli %add3A_1359, %mul3A_1360 : i32
        %add3A_1362 = arith.addi %mul3A_1361, %select_n3A : i32
        %add3A_1363 = vector.broadcast %add3A_1362 : i32 to vector<16xi32>
        %add3A_1364 = arith.addi %broadcast_in_dim3A_1355, %add3A_1363 : vector<16xi32>
        %gather3A_1365 = tpu.vector_load_idx %arg8[%add3A_1364] : memref<16384xf32, #tpu.memory_space<vmem>>[vector<16xi32>], vector<16xf32>,
        %mul3A_1366 = arith.constant 32 : i32
        %mul3A_1367 = arith.muli %add3A_78, %mul3A_1366 : i32
        %add3A_1368 = arith.constant 18 : i32
        %add3A_1369 = arith.addi %mul3A_1367, %add3A_1368 : i32
        %mul3A_1370 = arith.constant 128 : i32
        %mul3A_1371 = arith.muli %add3A_1369, %mul3A_1370 : i32
        %add3A_1372 = arith.constant 0 : i32
        %add3A_1373 = arith.addi %mul3A_1371, %add3A_1372 : i32
        %get3A_1374 = arith.index_cast %add3A_1373 : i32 to index
        %get3A_1375 = tpu.vector_load %arg7[%get3A_1374] {strides = array<i32>} : memref<16384xf32, #tpu.memory_space<vmem>>, vector<16xf32>,
        %mul3A_1376 = arith.mulf %gather3A_1365, %get3A_1375 : vector<16xf32>
        %add3A_1377 = arith.addf %add3A_1311, %mul3A_1376 : vector<16xf32>
        %add3A_1378 = arith.constant 16 : i32
        %add3A_1379 = arith.addi %mul3A_1371, %add3A_1378 : i32
        %get3A_1380 = arith.index_cast %add3A_1379 : i32 to index
        %get3A_1381 = tpu.vector_load %arg7[%get3A_1380] {strides = array<i32>} : memref<16384xf32, #tpu.memory_space<vmem>>, vector<16xf32>,
        %mul3A_1382 = arith.mulf %gather3A_1365, %get3A_1381 : vector<16xf32>
        %add3A_1383 = arith.addf %add3A_1317, %mul3A_1382 : vector<16xf32>
        %add3A_1384 = arith.constant 32 : i32
        %add3A_1385 = arith.addi %mul3A_1371, %add3A_1384 : i32
        %get3A_1386 = arith.index_cast %add3A_1385 : i32 to index
        %get3A_1387 = tpu.vector_load %arg7[%get3A_1386] {strides = array<i32>} : memref<16384xf32, #tpu.memory_space<vmem>>, vector<16xf32>,
        %mul3A_1388 = arith.mulf %gather3A_1365, %get3A_1387 : vector<16xf32>
        %add3A_1389 = arith.addf %add3A_1323, %mul3A_1388 : vector<16xf32>
        %add3A_1390 = arith.constant 48 : i32
        %add3A_1391 = arith.addi %mul3A_1371, %add3A_1390 : i32
        %get3A_1392 = arith.index_cast %add3A_1391 : i32 to index
        %get3A_1393 = tpu.vector_load %arg7[%get3A_1392] {strides = array<i32>} : memref<16384xf32, #tpu.memory_space<vmem>>, vector<16xf32>,
        %mul3A_1394 = arith.mulf %gather3A_1365, %get3A_1393 : vector<16xf32>
        %add3A_1395 = arith.addf %add3A_1329, %mul3A_1394 : vector<16xf32>
        %add3A_1396 = arith.constant 64 : i32
        %add3A_1397 = arith.addi %mul3A_1371, %add3A_1396 : i32
        %get3A_1398 = arith.index_cast %add3A_1397 : i32 to index
        %get3A_1399 = tpu.vector_load %arg7[%get3A_1398] {strides = array<i32>} : memref<16384xf32, #tpu.memory_space<vmem>>, vector<16xf32>,
        %mul3A_1400 = arith.mulf %gather3A_1365, %get3A_1399 : vector<16xf32>
        %add3A_1401 = arith.addf %add3A_1335, %mul3A_1400 : vector<16xf32>
        %add3A_1402 = arith.constant 80 : i32
        %add3A_1403 = arith.addi %mul3A_1371, %add3A_1402 : i32
        %get3A_1404 = arith.index_cast %add3A_1403 : i32 to index
        %get3A_1405 = tpu.vector_load %arg7[%get3A_1404] {strides = array<i32>} : memref<16384xf32, #tpu.memory_space<vmem>>, vector<16xf32>,
        %mul3A_1406 = arith.mulf %gather3A_1365, %get3A_1405 : vector<16xf32>
        %add3A_1407 = arith.addf %add3A_1341, %mul3A_1406 : vector<16xf32>
        %add3A_1408 = arith.constant 96 : i32
        %add3A_1409 = arith.addi %mul3A_1371, %add3A_1408 : i32
        %get3A_1410 = arith.index_cast %add3A_1409 : i32 to index
        %get3A_1411 = tpu.vector_load %arg7[%get3A_1410] {strides = array<i32>} : memref<16384xf32, #tpu.memory_space<vmem>>, vector<16xf32>,
        %mul3A_1412 = arith.mulf %gather3A_1365, %get3A_1411 : vector<16xf32>
        %add3A_1413 = arith.addf %add3A_1347, %mul3A_1412 : vector<16xf32>
        %add3A_1414 = arith.constant 112 : i32
        %add3A_1415 = arith.addi %mul3A_1371, %add3A_1414 : i32
        %get3A_1416 = arith.index_cast %add3A_1415 : i32 to index
        %get3A_1417 = tpu.vector_load %arg7[%get3A_1416] {strides = array<i32>} : memref<16384xf32, #tpu.memory_space<vmem>>, vector<16xf32>,
        %mul3A_1418 = arith.mulf %gather3A_1365, %get3A_1417 : vector<16xf32>
        %add3A_1419 = arith.addf %add3A_1353, %mul3A_1418 : vector<16xf32>
        %broadcast_in_dim3A_1420 = arith.constant 0 : i32
        %broadcast_in_dim3A_1421 = vector.broadcast %broadcast_in_dim3A_1420 : i32 to vector<16xi32>
        %mul3A_1422 = arith.constant 32 : i32
        %mul3A_1423 = arith.muli %select_n3A_112, %mul3A_1422 : i32
        %add3A_1424 = arith.constant 19 : i32
        %add3A_1425 = arith.addi %mul3A_1423, %add3A_1424 : i32
        %mul3A_1426 = arith.constant 32 : i32
        %mul3A_1427 = arith.muli %add3A_1425, %mul3A_1426 : i32
        %add3A_1428 = arith.addi %mul3A_1427, %select_n3A : i32
        %add3A_1429 = vector.broadcast %add3A_1428 : i32 to vector<16xi32>
        %add3A_1430 = arith.addi %broadcast_in_dim3A_1421, %add3A_1429 : vector<16xi32>
        %gather3A_1431 = tpu.vector_load_idx %arg8[%add3A_1430] : memref<16384xf32, #tpu.memory_space<vmem>>[vector<16xi32>], vector<16xf32>,
        %mul3A_1432 = arith.constant 32 : i32
        %mul3A_1433 = arith.muli %add3A_78, %mul3A_1432 : i32
        %add3A_1434 = arith.constant 19 : i32
        %add3A_1435 = arith.addi %mul3A_1433, %add3A_1434 : i32
        %mul3A_1436 = arith.constant 128 : i32
        %mul3A_1437 = arith.muli %add3A_1435, %mul3A_1436 : i32
        %add3A_1438 = arith.constant 0 : i32
        %add3A_1439 = arith.addi %mul3A_1437, %add3A_1438 : i32
        %get3A_1440 = arith.index_cast %add3A_1439 : i32 to index
        %get3A_1441 = tpu.vector_load %arg7[%get3A_1440] {strides = array<i32>} : memref<16384xf32, #tpu.memory_space<vmem>>, vector<16xf32>,
        %mul3A_1442 = arith.mulf %gather3A_1431, %get3A_1441 : vector<16xf32>
        %add3A_1443 = arith.addf %add3A_1377, %mul3A_1442 : vector<16xf32>
        %add3A_1444 = arith.constant 16 : i32
        %add3A_1445 = arith.addi %mul3A_1437, %add3A_1444 : i32
        %get3A_1446 = arith.index_cast %add3A_1445 : i32 to index
        %get3A_1447 = tpu.vector_load %arg7[%get3A_1446] {strides = array<i32>} : memref<16384xf32, #tpu.memory_space<vmem>>, vector<16xf32>,
        %mul3A_1448 = arith.mulf %gather3A_1431, %get3A_1447 : vector<16xf32>
        %add3A_1449 = arith.addf %add3A_1383, %mul3A_1448 : vector<16xf32>
        %add3A_1450 = arith.constant 32 : i32
        %add3A_1451 = arith.addi %mul3A_1437, %add3A_1450 : i32
        %get3A_1452 = arith.index_cast %add3A_1451 : i32 to index
        %get3A_1453 = tpu.vector_load %arg7[%get3A_1452] {strides = array<i32>} : memref<16384xf32, #tpu.memory_space<vmem>>, vector<16xf32>,
        %mul3A_1454 = arith.mulf %gather3A_1431, %get3A_1453 : vector<16xf32>
        %add3A_1455 = arith.addf %add3A_1389, %mul3A_1454 : vector<16xf32>
        %add3A_1456 = arith.constant 48 : i32
        %add3A_1457 = arith.addi %mul3A_1437, %add3A_1456 : i32
        %get3A_1458 = arith.index_cast %add3A_1457 : i32 to index
        %get3A_1459 = tpu.vector_load %arg7[%get3A_1458] {strides = array<i32>} : memref<16384xf32, #tpu.memory_space<vmem>>, vector<16xf32>,
        %mul3A_1460 = arith.mulf %gather3A_1431, %get3A_1459 : vector<16xf32>
        %add3A_1461 = arith.addf %add3A_1395, %mul3A_1460 : vector<16xf32>
        %add3A_1462 = arith.constant 64 : i32
        %add3A_1463 = arith.addi %mul3A_1437, %add3A_1462 : i32
        %get3A_1464 = arith.index_cast %add3A_1463 : i32 to index
        %get3A_1465 = tpu.vector_load %arg7[%get3A_1464] {strides = array<i32>} : memref<16384xf32, #tpu.memory_space<vmem>>, vector<16xf32>,
        %mul3A_1466 = arith.mulf %gather3A_1431, %get3A_1465 : vector<16xf32>
        %add3A_1467 = arith.addf %add3A_1401, %mul3A_1466 : vector<16xf32>
        %add3A_1468 = arith.constant 80 : i32
        %add3A_1469 = arith.addi %mul3A_1437, %add3A_1468 : i32
        %get3A_1470 = arith.index_cast %add3A_1469 : i32 to index
        %get3A_1471 = tpu.vector_load %arg7[%get3A_1470] {strides = array<i32>} : memref<16384xf32, #tpu.memory_space<vmem>>, vector<16xf32>,
        %mul3A_1472 = arith.mulf %gather3A_1431, %get3A_1471 : vector<16xf32>
        %add3A_1473 = arith.addf %add3A_1407, %mul3A_1472 : vector<16xf32>
        %add3A_1474 = arith.constant 96 : i32
        %add3A_1475 = arith.addi %mul3A_1437, %add3A_1474 : i32
        %get3A_1476 = arith.index_cast %add3A_1475 : i32 to index
        %get3A_1477 = tpu.vector_load %arg7[%get3A_1476] {strides = array<i32>} : memref<16384xf32, #tpu.memory_space<vmem>>, vector<16xf32>,
        %mul3A_1478 = arith.mulf %gather3A_1431, %get3A_1477 : vector<16xf32>
        %add3A_1479 = arith.addf %add3A_1413, %mul3A_1478 : vector<16xf32>
        %add3A_1480 = arith.constant 112 : i32
        %add3A_1481 = arith.addi %mul3A_1437, %add3A_1480 : i32
        %get3A_1482 = arith.index_cast %add3A_1481 : i32 to index
        %get3A_1483 = tpu.vector_load %arg7[%get3A_1482] {strides = array<i32>} : memref<16384xf32, #tpu.memory_space<vmem>>, vector<16xf32>,
        %mul3A_1484 = arith.mulf %gather3A_1431, %get3A_1483 : vector<16xf32>
        %add3A_1485 = arith.addf %add3A_1419, %mul3A_1484 : vector<16xf32>
        %broadcast_in_dim3A_1486 = arith.constant 0 : i32
        %broadcast_in_dim3A_1487 = vector.broadcast %broadcast_in_dim3A_1486 : i32 to vector<16xi32>
        %mul3A_1488 = arith.constant 32 : i32
        %mul3A_1489 = arith.muli %select_n3A_112, %mul3A_1488 : i32
        %add3A_1490 = arith.constant 20 : i32
        %add3A_1491 = arith.addi %mul3A_1489, %add3A_1490 : i32
        %mul3A_1492 = arith.constant 32 : i32
        %mul3A_1493 = arith.muli %add3A_1491, %mul3A_1492 : i32
        %add3A_1494 = arith.addi %mul3A_1493, %select_n3A : i32
        %add3A_1495 = vector.broadcast %add3A_1494 : i32 to vector<16xi32>
        %add3A_1496 = arith.addi %broadcast_in_dim3A_1487, %add3A_1495 : vector<16xi32>
        %gather3A_1497 = tpu.vector_load_idx %arg8[%add3A_1496] : memref<16384xf32, #tpu.memory_space<vmem>>[vector<16xi32>], vector<16xf32>,
        %mul3A_1498 = arith.constant 32 : i32
        %mul3A_1499 = arith.muli %add3A_78, %mul3A_1498 : i32
        %add3A_1500 = arith.constant 20 : i32
        %add3A_1501 = arith.addi %mul3A_1499, %add3A_1500 : i32
        %mul3A_1502 = arith.constant 128 : i32
        %mul3A_1503 = arith.muli %add3A_1501, %mul3A_1502 : i32
        %add3A_1504 = arith.constant 0 : i32
        %add3A_1505 = arith.addi %mul3A_1503, %add3A_1504 : i32
        %get3A_1506 = arith.index_cast %add3A_1505 : i32 to index
        %get3A_1507 = tpu.vector_load %arg7[%get3A_1506] {strides = array<i32>} : memref<16384xf32, #tpu.memory_space<vmem>>, vector<16xf32>,
        %mul3A_1508 = arith.mulf %gather3A_1497, %get3A_1507 : vector<16xf32>
        %add3A_1509 = arith.addf %add3A_1443, %mul3A_1508 : vector<16xf32>
        %add3A_1510 = arith.constant 16 : i32
        %add3A_1511 = arith.addi %mul3A_1503, %add3A_1510 : i32
        %get3A_1512 = arith.index_cast %add3A_1511 : i32 to index
        %get3A_1513 = tpu.vector_load %arg7[%get3A_1512] {strides = array<i32>} : memref<16384xf32, #tpu.memory_space<vmem>>, vector<16xf32>,
        %mul3A_1514 = arith.mulf %gather3A_1497, %get3A_1513 : vector<16xf32>
        %add3A_1515 = arith.addf %add3A_1449, %mul3A_1514 : vector<16xf32>
        %add3A_1516 = arith.constant 32 : i32
        %add3A_1517 = arith.addi %mul3A_1503, %add3A_1516 : i32
        %get3A_1518 = arith.index_cast %add3A_1517 : i32 to index
        %get3A_1519 = tpu.vector_load %arg7[%get3A_1518] {strides = array<i32>} : memref<16384xf32, #tpu.memory_space<vmem>>, vector<16xf32>,
        %mul3A_1520 = arith.mulf %gather3A_1497, %get3A_1519 : vector<16xf32>
        %add3A_1521 = arith.addf %add3A_1455, %mul3A_1520 : vector<16xf32>
        %add3A_1522 = arith.constant 48 : i32
        %add3A_1523 = arith.addi %mul3A_1503, %add3A_1522 : i32
        %get3A_1524 = arith.index_cast %add3A_1523 : i32 to index
        %get3A_1525 = tpu.vector_load %arg7[%get3A_1524] {strides = array<i32>} : memref<16384xf32, #tpu.memory_space<vmem>>, vector<16xf32>,
        %mul3A_1526 = arith.mulf %gather3A_1497, %get3A_1525 : vector<16xf32>
        %add3A_1527 = arith.addf %add3A_1461, %mul3A_1526 : vector<16xf32>
        %add3A_1528 = arith.constant 64 : i32
        %add3A_1529 = arith.addi %mul3A_1503, %add3A_1528 : i32
        %get3A_1530 = arith.index_cast %add3A_1529 : i32 to index
        %get3A_1531 = tpu.vector_load %arg7[%get3A_1530] {strides = array<i32>} : memref<16384xf32, #tpu.memory_space<vmem>>, vector<16xf32>,
        %mul3A_1532 = arith.mulf %gather3A_1497, %get3A_1531 : vector<16xf32>
        %add3A_1533 = arith.addf %add3A_1467, %mul3A_1532 : vector<16xf32>
        %add3A_1534 = arith.constant 80 : i32
        %add3A_1535 = arith.addi %mul3A_1503, %add3A_1534 : i32
        %get3A_1536 = arith.index_cast %add3A_1535 : i32 to index
        %get3A_1537 = tpu.vector_load %arg7[%get3A_1536] {strides = array<i32>} : memref<16384xf32, #tpu.memory_space<vmem>>, vector<16xf32>,
        %mul3A_1538 = arith.mulf %gather3A_1497, %get3A_1537 : vector<16xf32>
        %add3A_1539 = arith.addf %add3A_1473, %mul3A_1538 : vector<16xf32>
        %add3A_1540 = arith.constant 96 : i32
        %add3A_1541 = arith.addi %mul3A_1503, %add3A_1540 : i32
        %get3A_1542 = arith.index_cast %add3A_1541 : i32 to index
        %get3A_1543 = tpu.vector_load %arg7[%get3A_1542] {strides = array<i32>} : memref<16384xf32, #tpu.memory_space<vmem>>, vector<16xf32>,
        %mul3A_1544 = arith.mulf %gather3A_1497, %get3A_1543 : vector<16xf32>
        %add3A_1545 = arith.addf %add3A_1479, %mul3A_1544 : vector<16xf32>
        %add3A_1546 = arith.constant 112 : i32
        %add3A_1547 = arith.addi %mul3A_1503, %add3A_1546 : i32
        %get3A_1548 = arith.index_cast %add3A_1547 : i32 to index
        %get3A_1549 = tpu.vector_load %arg7[%get3A_1548] {strides = array<i32>} : memref<16384xf32, #tpu.memory_space<vmem>>, vector<16xf32>,
        %mul3A_1550 = arith.mulf %gather3A_1497, %get3A_1549 : vector<16xf32>
        %add3A_1551 = arith.addf %add3A_1485, %mul3A_1550 : vector<16xf32>
        %broadcast_in_dim3A_1552 = arith.constant 0 : i32
        %broadcast_in_dim3A_1553 = vector.broadcast %broadcast_in_dim3A_1552 : i32 to vector<16xi32>
        %mul3A_1554 = arith.constant 32 : i32
        %mul3A_1555 = arith.muli %select_n3A_112, %mul3A_1554 : i32
        %add3A_1556 = arith.constant 21 : i32
        %add3A_1557 = arith.addi %mul3A_1555, %add3A_1556 : i32
        %mul3A_1558 = arith.constant 32 : i32
        %mul3A_1559 = arith.muli %add3A_1557, %mul3A_1558 : i32
        %add3A_1560 = arith.addi %mul3A_1559, %select_n3A : i32
        %add3A_1561 = vector.broadcast %add3A_1560 : i32 to vector<16xi32>
        %add3A_1562 = arith.addi %broadcast_in_dim3A_1553, %add3A_1561 : vector<16xi32>
        %gather3A_1563 = tpu.vector_load_idx %arg8[%add3A_1562] : memref<16384xf32, #tpu.memory_space<vmem>>[vector<16xi32>], vector<16xf32>,
        %mul3A_1564 = arith.constant 32 : i32
        %mul3A_1565 = arith.muli %add3A_78, %mul3A_1564 : i32
        %add3A_1566 = arith.constant 21 : i32
        %add3A_1567 = arith.addi %mul3A_1565, %add3A_1566 : i32
        %mul3A_1568 = arith.constant 128 : i32
        %mul3A_1569 = arith.muli %add3A_1567, %mul3A_1568 : i32
        %add3A_1570 = arith.constant 0 : i32
        %add3A_1571 = arith.addi %mul3A_1569, %add3A_1570 : i32
        %get3A_1572 = arith.index_cast %add3A_1571 : i32 to index
        %get3A_1573 = tpu.vector_load %arg7[%get3A_1572] {strides = array<i32>} : memref<16384xf32, #tpu.memory_space<vmem>>, vector<16xf32>,
        %mul3A_1574 = arith.mulf %gather3A_1563, %get3A_1573 : vector<16xf32>
        %add3A_1575 = arith.addf %add3A_1509, %mul3A_1574 : vector<16xf32>
        %add3A_1576 = arith.constant 16 : i32
        %add3A_1577 = arith.addi %mul3A_1569, %add3A_1576 : i32
        %get3A_1578 = arith.index_cast %add3A_1577 : i32 to index
        %get3A_1579 = tpu.vector_load %arg7[%get3A_1578] {strides = array<i32>} : memref<16384xf32, #tpu.memory_space<vmem>>, vector<16xf32>,
        %mul3A_1580 = arith.mulf %gather3A_1563, %get3A_1579 : vector<16xf32>
        %add3A_1581 = arith.addf %add3A_1515, %mul3A_1580 : vector<16xf32>
        %add3A_1582 = arith.constant 32 : i32
        %add3A_1583 = arith.addi %mul3A_1569, %add3A_1582 : i32
        %get3A_1584 = arith.index_cast %add3A_1583 : i32 to index
        %get3A_1585 = tpu.vector_load %arg7[%get3A_1584] {strides = array<i32>} : memref<16384xf32, #tpu.memory_space<vmem>>, vector<16xf32>,
        %mul3A_1586 = arith.mulf %gather3A_1563, %get3A_1585 : vector<16xf32>
        %add3A_1587 = arith.addf %add3A_1521, %mul3A_1586 : vector<16xf32>
        %add3A_1588 = arith.constant 48 : i32
        %add3A_1589 = arith.addi %mul3A_1569, %add3A_1588 : i32
        %get3A_1590 = arith.index_cast %add3A_1589 : i32 to index
        %get3A_1591 = tpu.vector_load %arg7[%get3A_1590] {strides = array<i32>} : memref<16384xf32, #tpu.memory_space<vmem>>, vector<16xf32>,
        %mul3A_1592 = arith.mulf %gather3A_1563, %get3A_1591 : vector<16xf32>
        %add3A_1593 = arith.addf %add3A_1527, %mul3A_1592 : vector<16xf32>
        %add3A_1594 = arith.constant 64 : i32
        %add3A_1595 = arith.addi %mul3A_1569, %add3A_1594 : i32
        %get3A_1596 = arith.index_cast %add3A_1595 : i32 to index
        %get3A_1597 = tpu.vector_load %arg7[%get3A_1596] {strides = array<i32>} : memref<16384xf32, #tpu.memory_space<vmem>>, vector<16xf32>,
        %mul3A_1598 = arith.mulf %gather3A_1563, %get3A_1597 : vector<16xf32>
        %add3A_1599 = arith.addf %add3A_1533, %mul3A_1598 : vector<16xf32>
        %add3A_1600 = arith.constant 80 : i32
        %add3A_1601 = arith.addi %mul3A_1569, %add3A_1600 : i32
        %get3A_1602 = arith.index_cast %add3A_1601 : i32 to index
        %get3A_1603 = tpu.vector_load %arg7[%get3A_1602] {strides = array<i32>} : memref<16384xf32, #tpu.memory_space<vmem>>, vector<16xf32>,
        %mul3A_1604 = arith.mulf %gather3A_1563, %get3A_1603 : vector<16xf32>
        %add3A_1605 = arith.addf %add3A_1539, %mul3A_1604 : vector<16xf32>
        %add3A_1606 = arith.constant 96 : i32
        %add3A_1607 = arith.addi %mul3A_1569, %add3A_1606 : i32
        %get3A_1608 = arith.index_cast %add3A_1607 : i32 to index
        %get3A_1609 = tpu.vector_load %arg7[%get3A_1608] {strides = array<i32>} : memref<16384xf32, #tpu.memory_space<vmem>>, vector<16xf32>,
        %mul3A_1610 = arith.mulf %gather3A_1563, %get3A_1609 : vector<16xf32>
        %add3A_1611 = arith.addf %add3A_1545, %mul3A_1610 : vector<16xf32>
        %add3A_1612 = arith.constant 112 : i32
        %add3A_1613 = arith.addi %mul3A_1569, %add3A_1612 : i32
        %get3A_1614 = arith.index_cast %add3A_1613 : i32 to index
        %get3A_1615 = tpu.vector_load %arg7[%get3A_1614] {strides = array<i32>} : memref<16384xf32, #tpu.memory_space<vmem>>, vector<16xf32>,
        %mul3A_1616 = arith.mulf %gather3A_1563, %get3A_1615 : vector<16xf32>
        %add3A_1617 = arith.addf %add3A_1551, %mul3A_1616 : vector<16xf32>
        %broadcast_in_dim3A_1618 = arith.constant 0 : i32
        %broadcast_in_dim3A_1619 = vector.broadcast %broadcast_in_dim3A_1618 : i32 to vector<16xi32>
        %mul3A_1620 = arith.constant 32 : i32
        %mul3A_1621 = arith.muli %select_n3A_112, %mul3A_1620 : i32
        %add3A_1622 = arith.constant 22 : i32
        %add3A_1623 = arith.addi %mul3A_1621, %add3A_1622 : i32
        %mul3A_1624 = arith.constant 32 : i32
        %mul3A_1625 = arith.muli %add3A_1623, %mul3A_1624 : i32
        %add3A_1626 = arith.addi %mul3A_1625, %select_n3A : i32
        %add3A_1627 = vector.broadcast %add3A_1626 : i32 to vector<16xi32>
        %add3A_1628 = arith.addi %broadcast_in_dim3A_1619, %add3A_1627 : vector<16xi32>
        %gather3A_1629 = tpu.vector_load_idx %arg8[%add3A_1628] : memref<16384xf32, #tpu.memory_space<vmem>>[vector<16xi32>], vector<16xf32>,
        %mul3A_1630 = arith.constant 32 : i32
        %mul3A_1631 = arith.muli %add3A_78, %mul3A_1630 : i32
        %add3A_1632 = arith.constant 22 : i32
        %add3A_1633 = arith.addi %mul3A_1631, %add3A_1632 : i32
        %mul3A_1634 = arith.constant 128 : i32
        %mul3A_1635 = arith.muli %add3A_1633, %mul3A_1634 : i32
        %add3A_1636 = arith.constant 0 : i32
        %add3A_1637 = arith.addi %mul3A_1635, %add3A_1636 : i32
        %get3A_1638 = arith.index_cast %add3A_1637 : i32 to index
        %get3A_1639 = tpu.vector_load %arg7[%get3A_1638] {strides = array<i32>} : memref<16384xf32, #tpu.memory_space<vmem>>, vector<16xf32>,
        %mul3A_1640 = arith.mulf %gather3A_1629, %get3A_1639 : vector<16xf32>
        %add3A_1641 = arith.addf %add3A_1575, %mul3A_1640 : vector<16xf32>
        %add3A_1642 = arith.constant 16 : i32
        %add3A_1643 = arith.addi %mul3A_1635, %add3A_1642 : i32
        %get3A_1644 = arith.index_cast %add3A_1643 : i32 to index
        %get3A_1645 = tpu.vector_load %arg7[%get3A_1644] {strides = array<i32>} : memref<16384xf32, #tpu.memory_space<vmem>>, vector<16xf32>,
        %mul3A_1646 = arith.mulf %gather3A_1629, %get3A_1645 : vector<16xf32>
        %add3A_1647 = arith.addf %add3A_1581, %mul3A_1646 : vector<16xf32>
        %add3A_1648 = arith.constant 32 : i32
        %add3A_1649 = arith.addi %mul3A_1635, %add3A_1648 : i32
        %get3A_1650 = arith.index_cast %add3A_1649 : i32 to index
        %get3A_1651 = tpu.vector_load %arg7[%get3A_1650] {strides = array<i32>} : memref<16384xf32, #tpu.memory_space<vmem>>, vector<16xf32>,
        %mul3A_1652 = arith.mulf %gather3A_1629, %get3A_1651 : vector<16xf32>
        %add3A_1653 = arith.addf %add3A_1587, %mul3A_1652 : vector<16xf32>
        %add3A_1654 = arith.constant 48 : i32
        %add3A_1655 = arith.addi %mul3A_1635, %add3A_1654 : i32
        %get3A_1656 = arith.index_cast %add3A_1655 : i32 to index
        %get3A_1657 = tpu.vector_load %arg7[%get3A_1656] {strides = array<i32>} : memref<16384xf32, #tpu.memory_space<vmem>>, vector<16xf32>,
        %mul3A_1658 = arith.mulf %gather3A_1629, %get3A_1657 : vector<16xf32>
        %add3A_1659 = arith.addf %add3A_1593, %mul3A_1658 : vector<16xf32>
        %add3A_1660 = arith.constant 64 : i32
        %add3A_1661 = arith.addi %mul3A_1635, %add3A_1660 : i32
        %get3A_1662 = arith.index_cast %add3A_1661 : i32 to index
        %get3A_1663 = tpu.vector_load %arg7[%get3A_1662] {strides = array<i32>} : memref<16384xf32, #tpu.memory_space<vmem>>, vector<16xf32>,
        %mul3A_1664 = arith.mulf %gather3A_1629, %get3A_1663 : vector<16xf32>
        %add3A_1665 = arith.addf %add3A_1599, %mul3A_1664 : vector<16xf32>
        %add3A_1666 = arith.constant 80 : i32
        %add3A_1667 = arith.addi %mul3A_1635, %add3A_1666 : i32
        %get3A_1668 = arith.index_cast %add3A_1667 : i32 to index
        %get3A_1669 = tpu.vector_load %arg7[%get3A_1668] {strides = array<i32>} : memref<16384xf32, #tpu.memory_space<vmem>>, vector<16xf32>,
        %mul3A_1670 = arith.mulf %gather3A_1629, %get3A_1669 : vector<16xf32>
        %add3A_1671 = arith.addf %add3A_1605, %mul3A_1670 : vector<16xf32>
        %add3A_1672 = arith.constant 96 : i32
        %add3A_1673 = arith.addi %mul3A_1635, %add3A_1672 : i32
        %get3A_1674 = arith.index_cast %add3A_1673 : i32 to index
        %get3A_1675 = tpu.vector_load %arg7[%get3A_1674] {strides = array<i32>} : memref<16384xf32, #tpu.memory_space<vmem>>, vector<16xf32>,
        %mul3A_1676 = arith.mulf %gather3A_1629, %get3A_1675 : vector<16xf32>
        %add3A_1677 = arith.addf %add3A_1611, %mul3A_1676 : vector<16xf32>
        %add3A_1678 = arith.constant 112 : i32
        %add3A_1679 = arith.addi %mul3A_1635, %add3A_1678 : i32
        %get3A_1680 = arith.index_cast %add3A_1679 : i32 to index
        %get3A_1681 = tpu.vector_load %arg7[%get3A_1680] {strides = array<i32>} : memref<16384xf32, #tpu.memory_space<vmem>>, vector<16xf32>,
        %mul3A_1682 = arith.mulf %gather3A_1629, %get3A_1681 : vector<16xf32>
        %add3A_1683 = arith.addf %add3A_1617, %mul3A_1682 : vector<16xf32>
        %broadcast_in_dim3A_1684 = arith.constant 0 : i32
        %broadcast_in_dim3A_1685 = vector.broadcast %broadcast_in_dim3A_1684 : i32 to vector<16xi32>
        %mul3A_1686 = arith.constant 32 : i32
        %mul3A_1687 = arith.muli %select_n3A_112, %mul3A_1686 : i32
        %add3A_1688 = arith.constant 23 : i32
        %add3A_1689 = arith.addi %mul3A_1687, %add3A_1688 : i32
        %mul3A_1690 = arith.constant 32 : i32
        %mul3A_1691 = arith.muli %add3A_1689, %mul3A_1690 : i32
        %add3A_1692 = arith.addi %mul3A_1691, %select_n3A : i32
        %add3A_1693 = vector.broadcast %add3A_1692 : i32 to vector<16xi32>
        %add3A_1694 = arith.addi %broadcast_in_dim3A_1685, %add3A_1693 : vector<16xi32>
        %gather3A_1695 = tpu.vector_load_idx %arg8[%add3A_1694] : memref<16384xf32, #tpu.memory_space<vmem>>[vector<16xi32>], vector<16xf32>,
        %mul3A_1696 = arith.constant 32 : i32
        %mul3A_1697 = arith.muli %add3A_78, %mul3A_1696 : i32
        %add3A_1698 = arith.constant 23 : i32
        %add3A_1699 = arith.addi %mul3A_1697, %add3A_1698 : i32
        %mul3A_1700 = arith.constant 128 : i32
        %mul3A_1701 = arith.muli %add3A_1699, %mul3A_1700 : i32
        %add3A_1702 = arith.constant 0 : i32
        %add3A_1703 = arith.addi %mul3A_1701, %add3A_1702 : i32
        %get3A_1704 = arith.index_cast %add3A_1703 : i32 to index
        %get3A_1705 = tpu.vector_load %arg7[%get3A_1704] {strides = array<i32>} : memref<16384xf32, #tpu.memory_space<vmem>>, vector<16xf32>,
        %mul3A_1706 = arith.mulf %gather3A_1695, %get3A_1705 : vector<16xf32>
        %add3A_1707 = arith.addf %add3A_1641, %mul3A_1706 : vector<16xf32>
        %add3A_1708 = arith.constant 16 : i32
        %add3A_1709 = arith.addi %mul3A_1701, %add3A_1708 : i32
        %get3A_1710 = arith.index_cast %add3A_1709 : i32 to index
        %get3A_1711 = tpu.vector_load %arg7[%get3A_1710] {strides = array<i32>} : memref<16384xf32, #tpu.memory_space<vmem>>, vector<16xf32>,
        %mul3A_1712 = arith.mulf %gather3A_1695, %get3A_1711 : vector<16xf32>
        %add3A_1713 = arith.addf %add3A_1647, %mul3A_1712 : vector<16xf32>
        %add3A_1714 = arith.constant 32 : i32
        %add3A_1715 = arith.addi %mul3A_1701, %add3A_1714 : i32
        %get3A_1716 = arith.index_cast %add3A_1715 : i32 to index
        %get3A_1717 = tpu.vector_load %arg7[%get3A_1716] {strides = array<i32>} : memref<16384xf32, #tpu.memory_space<vmem>>, vector<16xf32>,
        %mul3A_1718 = arith.mulf %gather3A_1695, %get3A_1717 : vector<16xf32>
        %add3A_1719 = arith.addf %add3A_1653, %mul3A_1718 : vector<16xf32>
        %add3A_1720 = arith.constant 48 : i32
        %add3A_1721 = arith.addi %mul3A_1701, %add3A_1720 : i32
        %get3A_1722 = arith.index_cast %add3A_1721 : i32 to index
        %get3A_1723 = tpu.vector_load %arg7[%get3A_1722] {strides = array<i32>} : memref<16384xf32, #tpu.memory_space<vmem>>, vector<16xf32>,
        %mul3A_1724 = arith.mulf %gather3A_1695, %get3A_1723 : vector<16xf32>
        %add3A_1725 = arith.addf %add3A_1659, %mul3A_1724 : vector<16xf32>
        %add3A_1726 = arith.constant 64 : i32
        %add3A_1727 = arith.addi %mul3A_1701, %add3A_1726 : i32
        %get3A_1728 = arith.index_cast %add3A_1727 : i32 to index
        %get3A_1729 = tpu.vector_load %arg7[%get3A_1728] {strides = array<i32>} : memref<16384xf32, #tpu.memory_space<vmem>>, vector<16xf32>,
        %mul3A_1730 = arith.mulf %gather3A_1695, %get3A_1729 : vector<16xf32>
        %add3A_1731 = arith.addf %add3A_1665, %mul3A_1730 : vector<16xf32>
        %add3A_1732 = arith.constant 80 : i32
        %add3A_1733 = arith.addi %mul3A_1701, %add3A_1732 : i32
        %get3A_1734 = arith.index_cast %add3A_1733 : i32 to index
        %get3A_1735 = tpu.vector_load %arg7[%get3A_1734] {strides = array<i32>} : memref<16384xf32, #tpu.memory_space<vmem>>, vector<16xf32>,
        %mul3A_1736 = arith.mulf %gather3A_1695, %get3A_1735 : vector<16xf32>
        %add3A_1737 = arith.addf %add3A_1671, %mul3A_1736 : vector<16xf32>
        %add3A_1738 = arith.constant 96 : i32
        %add3A_1739 = arith.addi %mul3A_1701, %add3A_1738 : i32
        %get3A_1740 = arith.index_cast %add3A_1739 : i32 to index
        %get3A_1741 = tpu.vector_load %arg7[%get3A_1740] {strides = array<i32>} : memref<16384xf32, #tpu.memory_space<vmem>>, vector<16xf32>,
        %mul3A_1742 = arith.mulf %gather3A_1695, %get3A_1741 : vector<16xf32>
        %add3A_1743 = arith.addf %add3A_1677, %mul3A_1742 : vector<16xf32>
        %add3A_1744 = arith.constant 112 : i32
        %add3A_1745 = arith.addi %mul3A_1701, %add3A_1744 : i32
        %get3A_1746 = arith.index_cast %add3A_1745 : i32 to index
        %get3A_1747 = tpu.vector_load %arg7[%get3A_1746] {strides = array<i32>} : memref<16384xf32, #tpu.memory_space<vmem>>, vector<16xf32>,
        %mul3A_1748 = arith.mulf %gather3A_1695, %get3A_1747 : vector<16xf32>
        %add3A_1749 = arith.addf %add3A_1683, %mul3A_1748 : vector<16xf32>
        %broadcast_in_dim3A_1750 = arith.constant 0 : i32
        %broadcast_in_dim3A_1751 = vector.broadcast %broadcast_in_dim3A_1750 : i32 to vector<16xi32>
        %mul3A_1752 = arith.constant 32 : i32
        %mul3A_1753 = arith.muli %select_n3A_112, %mul3A_1752 : i32
        %add3A_1754 = arith.constant 24 : i32
        %add3A_1755 = arith.addi %mul3A_1753, %add3A_1754 : i32
        %mul3A_1756 = arith.constant 32 : i32
        %mul3A_1757 = arith.muli %add3A_1755, %mul3A_1756 : i32
        %add3A_1758 = arith.addi %mul3A_1757, %select_n3A : i32
        %add3A_1759 = vector.broadcast %add3A_1758 : i32 to vector<16xi32>
        %add3A_1760 = arith.addi %broadcast_in_dim3A_1751, %add3A_1759 : vector<16xi32>
        %gather3A_1761 = tpu.vector_load_idx %arg8[%add3A_1760] : memref<16384xf32, #tpu.memory_space<vmem>>[vector<16xi32>], vector<16xf32>,
        %mul3A_1762 = arith.constant 32 : i32
        %mul3A_1763 = arith.muli %add3A_78, %mul3A_1762 : i32
        %add3A_1764 = arith.constant 24 : i32
        %add3A_1765 = arith.addi %mul3A_1763, %add3A_1764 : i32
        %mul3A_1766 = arith.constant 128 : i32
        %mul3A_1767 = arith.muli %add3A_1765, %mul3A_1766 : i32
        %add3A_1768 = arith.constant 0 : i32
        %add3A_1769 = arith.addi %mul3A_1767, %add3A_1768 : i32
        %get3A_1770 = arith.index_cast %add3A_1769 : i32 to index
        %get3A_1771 = tpu.vector_load %arg7[%get3A_1770] {strides = array<i32>} : memref<16384xf32, #tpu.memory_space<vmem>>, vector<16xf32>,
        %mul3A_1772 = arith.mulf %gather3A_1761, %get3A_1771 : vector<16xf32>
        %add3A_1773 = arith.addf %add3A_1707, %mul3A_1772 : vector<16xf32>
        %add3A_1774 = arith.constant 16 : i32
        %add3A_1775 = arith.addi %mul3A_1767, %add3A_1774 : i32
        %get3A_1776 = arith.index_cast %add3A_1775 : i32 to index
        %get3A_1777 = tpu.vector_load %arg7[%get3A_1776] {strides = array<i32>} : memref<16384xf32, #tpu.memory_space<vmem>>, vector<16xf32>,
        %mul3A_1778 = arith.mulf %gather3A_1761, %get3A_1777 : vector<16xf32>
        %add3A_1779 = arith.addf %add3A_1713, %mul3A_1778 : vector<16xf32>
        %add3A_1780 = arith.constant 32 : i32
        %add3A_1781 = arith.addi %mul3A_1767, %add3A_1780 : i32
        %get3A_1782 = arith.index_cast %add3A_1781 : i32 to index
        %get3A_1783 = tpu.vector_load %arg7[%get3A_1782] {strides = array<i32>} : memref<16384xf32, #tpu.memory_space<vmem>>, vector<16xf32>,
        %mul3A_1784 = arith.mulf %gather3A_1761, %get3A_1783 : vector<16xf32>
        %add3A_1785 = arith.addf %add3A_1719, %mul3A_1784 : vector<16xf32>
        %add3A_1786 = arith.constant 48 : i32
        %add3A_1787 = arith.addi %mul3A_1767, %add3A_1786 : i32
        %get3A_1788 = arith.index_cast %add3A_1787 : i32 to index
        %get3A_1789 = tpu.vector_load %arg7[%get3A_1788] {strides = array<i32>} : memref<16384xf32, #tpu.memory_space<vmem>>, vector<16xf32>,
        %mul3A_1790 = arith.mulf %gather3A_1761, %get3A_1789 : vector<16xf32>
        %add3A_1791 = arith.addf %add3A_1725, %mul3A_1790 : vector<16xf32>
        %add3A_1792 = arith.constant 64 : i32
        %add3A_1793 = arith.addi %mul3A_1767, %add3A_1792 : i32
        %get3A_1794 = arith.index_cast %add3A_1793 : i32 to index
        %get3A_1795 = tpu.vector_load %arg7[%get3A_1794] {strides = array<i32>} : memref<16384xf32, #tpu.memory_space<vmem>>, vector<16xf32>,
        %mul3A_1796 = arith.mulf %gather3A_1761, %get3A_1795 : vector<16xf32>
        %add3A_1797 = arith.addf %add3A_1731, %mul3A_1796 : vector<16xf32>
        %add3A_1798 = arith.constant 80 : i32
        %add3A_1799 = arith.addi %mul3A_1767, %add3A_1798 : i32
        %get3A_1800 = arith.index_cast %add3A_1799 : i32 to index
        %get3A_1801 = tpu.vector_load %arg7[%get3A_1800] {strides = array<i32>} : memref<16384xf32, #tpu.memory_space<vmem>>, vector<16xf32>,
        %mul3A_1802 = arith.mulf %gather3A_1761, %get3A_1801 : vector<16xf32>
        %add3A_1803 = arith.addf %add3A_1737, %mul3A_1802 : vector<16xf32>
        %add3A_1804 = arith.constant 96 : i32
        %add3A_1805 = arith.addi %mul3A_1767, %add3A_1804 : i32
        %get3A_1806 = arith.index_cast %add3A_1805 : i32 to index
        %get3A_1807 = tpu.vector_load %arg7[%get3A_1806] {strides = array<i32>} : memref<16384xf32, #tpu.memory_space<vmem>>, vector<16xf32>,
        %mul3A_1808 = arith.mulf %gather3A_1761, %get3A_1807 : vector<16xf32>
        %add3A_1809 = arith.addf %add3A_1743, %mul3A_1808 : vector<16xf32>
        %add3A_1810 = arith.constant 112 : i32
        %add3A_1811 = arith.addi %mul3A_1767, %add3A_1810 : i32
        %get3A_1812 = arith.index_cast %add3A_1811 : i32 to index
        %get3A_1813 = tpu.vector_load %arg7[%get3A_1812] {strides = array<i32>} : memref<16384xf32, #tpu.memory_space<vmem>>, vector<16xf32>,
        %mul3A_1814 = arith.mulf %gather3A_1761, %get3A_1813 : vector<16xf32>
        %add3A_1815 = arith.addf %add3A_1749, %mul3A_1814 : vector<16xf32>
        %broadcast_in_dim3A_1816 = arith.constant 0 : i32
        %broadcast_in_dim3A_1817 = vector.broadcast %broadcast_in_dim3A_1816 : i32 to vector<16xi32>
        %mul3A_1818 = arith.constant 32 : i32
        %mul3A_1819 = arith.muli %select_n3A_112, %mul3A_1818 : i32
        %add3A_1820 = arith.constant 25 : i32
        %add3A_1821 = arith.addi %mul3A_1819, %add3A_1820 : i32
        %mul3A_1822 = arith.constant 32 : i32
        %mul3A_1823 = arith.muli %add3A_1821, %mul3A_1822 : i32
        %add3A_1824 = arith.addi %mul3A_1823, %select_n3A : i32
        %add3A_1825 = vector.broadcast %add3A_1824 : i32 to vector<16xi32>
        %add3A_1826 = arith.addi %broadcast_in_dim3A_1817, %add3A_1825 : vector<16xi32>
        %gather3A_1827 = tpu.vector_load_idx %arg8[%add3A_1826] : memref<16384xf32, #tpu.memory_space<vmem>>[vector<16xi32>], vector<16xf32>,
        %mul3A_1828 = arith.constant 32 : i32
        %mul3A_1829 = arith.muli %add3A_78, %mul3A_1828 : i32
        %add3A_1830 = arith.constant 25 : i32
        %add3A_1831 = arith.addi %mul3A_1829, %add3A_1830 : i32
        %mul3A_1832 = arith.constant 128 : i32
        %mul3A_1833 = arith.muli %add3A_1831, %mul3A_1832 : i32
        %add3A_1834 = arith.constant 0 : i32
        %add3A_1835 = arith.addi %mul3A_1833, %add3A_1834 : i32
        %get3A_1836 = arith.index_cast %add3A_1835 : i32 to index
        %get3A_1837 = tpu.vector_load %arg7[%get3A_1836] {strides = array<i32>} : memref<16384xf32, #tpu.memory_space<vmem>>, vector<16xf32>,
        %mul3A_1838 = arith.mulf %gather3A_1827, %get3A_1837 : vector<16xf32>
        %add3A_1839 = arith.addf %add3A_1773, %mul3A_1838 : vector<16xf32>
        %add3A_1840 = arith.constant 16 : i32
        %add3A_1841 = arith.addi %mul3A_1833, %add3A_1840 : i32
        %get3A_1842 = arith.index_cast %add3A_1841 : i32 to index
        %get3A_1843 = tpu.vector_load %arg7[%get3A_1842] {strides = array<i32>} : memref<16384xf32, #tpu.memory_space<vmem>>, vector<16xf32>,
        %mul3A_1844 = arith.mulf %gather3A_1827, %get3A_1843 : vector<16xf32>
        %add3A_1845 = arith.addf %add3A_1779, %mul3A_1844 : vector<16xf32>
        %add3A_1846 = arith.constant 32 : i32
        %add3A_1847 = arith.addi %mul3A_1833, %add3A_1846 : i32
        %get3A_1848 = arith.index_cast %add3A_1847 : i32 to index
        %get3A_1849 = tpu.vector_load %arg7[%get3A_1848] {strides = array<i32>} : memref<16384xf32, #tpu.memory_space<vmem>>, vector<16xf32>,
        %mul3A_1850 = arith.mulf %gather3A_1827, %get3A_1849 : vector<16xf32>
        %add3A_1851 = arith.addf %add3A_1785, %mul3A_1850 : vector<16xf32>
        %add3A_1852 = arith.constant 48 : i32
        %add3A_1853 = arith.addi %mul3A_1833, %add3A_1852 : i32
        %get3A_1854 = arith.index_cast %add3A_1853 : i32 to index
        %get3A_1855 = tpu.vector_load %arg7[%get3A_1854] {strides = array<i32>} : memref<16384xf32, #tpu.memory_space<vmem>>, vector<16xf32>,
        %mul3A_1856 = arith.mulf %gather3A_1827, %get3A_1855 : vector<16xf32>
        %add3A_1857 = arith.addf %add3A_1791, %mul3A_1856 : vector<16xf32>
        %add3A_1858 = arith.constant 64 : i32
        %add3A_1859 = arith.addi %mul3A_1833, %add3A_1858 : i32
        %get3A_1860 = arith.index_cast %add3A_1859 : i32 to index
        %get3A_1861 = tpu.vector_load %arg7[%get3A_1860] {strides = array<i32>} : memref<16384xf32, #tpu.memory_space<vmem>>, vector<16xf32>,
        %mul3A_1862 = arith.mulf %gather3A_1827, %get3A_1861 : vector<16xf32>
        %add3A_1863 = arith.addf %add3A_1797, %mul3A_1862 : vector<16xf32>
        %add3A_1864 = arith.constant 80 : i32
        %add3A_1865 = arith.addi %mul3A_1833, %add3A_1864 : i32
        %get3A_1866 = arith.index_cast %add3A_1865 : i32 to index
        %get3A_1867 = tpu.vector_load %arg7[%get3A_1866] {strides = array<i32>} : memref<16384xf32, #tpu.memory_space<vmem>>, vector<16xf32>,
        %mul3A_1868 = arith.mulf %gather3A_1827, %get3A_1867 : vector<16xf32>
        %add3A_1869 = arith.addf %add3A_1803, %mul3A_1868 : vector<16xf32>
        %add3A_1870 = arith.constant 96 : i32
        %add3A_1871 = arith.addi %mul3A_1833, %add3A_1870 : i32
        %get3A_1872 = arith.index_cast %add3A_1871 : i32 to index
        %get3A_1873 = tpu.vector_load %arg7[%get3A_1872] {strides = array<i32>} : memref<16384xf32, #tpu.memory_space<vmem>>, vector<16xf32>,
        %mul3A_1874 = arith.mulf %gather3A_1827, %get3A_1873 : vector<16xf32>
        %add3A_1875 = arith.addf %add3A_1809, %mul3A_1874 : vector<16xf32>
        %add3A_1876 = arith.constant 112 : i32
        %add3A_1877 = arith.addi %mul3A_1833, %add3A_1876 : i32
        %get3A_1878 = arith.index_cast %add3A_1877 : i32 to index
        %get3A_1879 = tpu.vector_load %arg7[%get3A_1878] {strides = array<i32>} : memref<16384xf32, #tpu.memory_space<vmem>>, vector<16xf32>,
        %mul3A_1880 = arith.mulf %gather3A_1827, %get3A_1879 : vector<16xf32>
        %add3A_1881 = arith.addf %add3A_1815, %mul3A_1880 : vector<16xf32>
        %broadcast_in_dim3A_1882 = arith.constant 0 : i32
        %broadcast_in_dim3A_1883 = vector.broadcast %broadcast_in_dim3A_1882 : i32 to vector<16xi32>
        %mul3A_1884 = arith.constant 32 : i32
        %mul3A_1885 = arith.muli %select_n3A_112, %mul3A_1884 : i32
        %add3A_1886 = arith.constant 26 : i32
        %add3A_1887 = arith.addi %mul3A_1885, %add3A_1886 : i32
        %mul3A_1888 = arith.constant 32 : i32
        %mul3A_1889 = arith.muli %add3A_1887, %mul3A_1888 : i32
        %add3A_1890 = arith.addi %mul3A_1889, %select_n3A : i32
        %add3A_1891 = vector.broadcast %add3A_1890 : i32 to vector<16xi32>
        %add3A_1892 = arith.addi %broadcast_in_dim3A_1883, %add3A_1891 : vector<16xi32>
        %gather3A_1893 = tpu.vector_load_idx %arg8[%add3A_1892] : memref<16384xf32, #tpu.memory_space<vmem>>[vector<16xi32>], vector<16xf32>,
        %mul3A_1894 = arith.constant 32 : i32
        %mul3A_1895 = arith.muli %add3A_78, %mul3A_1894 : i32
        %add3A_1896 = arith.constant 26 : i32
        %add3A_1897 = arith.addi %mul3A_1895, %add3A_1896 : i32
        %mul3A_1898 = arith.constant 128 : i32
        %mul3A_1899 = arith.muli %add3A_1897, %mul3A_1898 : i32
        %add3A_1900 = arith.constant 0 : i32
        %add3A_1901 = arith.addi %mul3A_1899, %add3A_1900 : i32
        %get3A_1902 = arith.index_cast %add3A_1901 : i32 to index
        %get3A_1903 = tpu.vector_load %arg7[%get3A_1902] {strides = array<i32>} : memref<16384xf32, #tpu.memory_space<vmem>>, vector<16xf32>,
        %mul3A_1904 = arith.mulf %gather3A_1893, %get3A_1903 : vector<16xf32>
        %add3A_1905 = arith.addf %add3A_1839, %mul3A_1904 : vector<16xf32>
        %add3A_1906 = arith.constant 16 : i32
        %add3A_1907 = arith.addi %mul3A_1899, %add3A_1906 : i32
        %get3A_1908 = arith.index_cast %add3A_1907 : i32 to index
        %get3A_1909 = tpu.vector_load %arg7[%get3A_1908] {strides = array<i32>} : memref<16384xf32, #tpu.memory_space<vmem>>, vector<16xf32>,
        %mul3A_1910 = arith.mulf %gather3A_1893, %get3A_1909 : vector<16xf32>
        %add3A_1911 = arith.addf %add3A_1845, %mul3A_1910 : vector<16xf32>
        %add3A_1912 = arith.constant 32 : i32
        %add3A_1913 = arith.addi %mul3A_1899, %add3A_1912 : i32
        %get3A_1914 = arith.index_cast %add3A_1913 : i32 to index
        %get3A_1915 = tpu.vector_load %arg7[%get3A_1914] {strides = array<i32>} : memref<16384xf32, #tpu.memory_space<vmem>>, vector<16xf32>,
        %mul3A_1916 = arith.mulf %gather3A_1893, %get3A_1915 : vector<16xf32>
        %add3A_1917 = arith.addf %add3A_1851, %mul3A_1916 : vector<16xf32>
        %add3A_1918 = arith.constant 48 : i32
        %add3A_1919 = arith.addi %mul3A_1899, %add3A_1918 : i32
        %get3A_1920 = arith.index_cast %add3A_1919 : i32 to index
        %get3A_1921 = tpu.vector_load %arg7[%get3A_1920] {strides = array<i32>} : memref<16384xf32, #tpu.memory_space<vmem>>, vector<16xf32>,
        %mul3A_1922 = arith.mulf %gather3A_1893, %get3A_1921 : vector<16xf32>
        %add3A_1923 = arith.addf %add3A_1857, %mul3A_1922 : vector<16xf32>
        %add3A_1924 = arith.constant 64 : i32
        %add3A_1925 = arith.addi %mul3A_1899, %add3A_1924 : i32
        %get3A_1926 = arith.index_cast %add3A_1925 : i32 to index
        %get3A_1927 = tpu.vector_load %arg7[%get3A_1926] {strides = array<i32>} : memref<16384xf32, #tpu.memory_space<vmem>>, vector<16xf32>,
        %mul3A_1928 = arith.mulf %gather3A_1893, %get3A_1927 : vector<16xf32>
        %add3A_1929 = arith.addf %add3A_1863, %mul3A_1928 : vector<16xf32>
        %add3A_1930 = arith.constant 80 : i32
        %add3A_1931 = arith.addi %mul3A_1899, %add3A_1930 : i32
        %get3A_1932 = arith.index_cast %add3A_1931 : i32 to index
        %get3A_1933 = tpu.vector_load %arg7[%get3A_1932] {strides = array<i32>} : memref<16384xf32, #tpu.memory_space<vmem>>, vector<16xf32>,
        %mul3A_1934 = arith.mulf %gather3A_1893, %get3A_1933 : vector<16xf32>
        %add3A_1935 = arith.addf %add3A_1869, %mul3A_1934 : vector<16xf32>
        %add3A_1936 = arith.constant 96 : i32
        %add3A_1937 = arith.addi %mul3A_1899, %add3A_1936 : i32
        %get3A_1938 = arith.index_cast %add3A_1937 : i32 to index
        %get3A_1939 = tpu.vector_load %arg7[%get3A_1938] {strides = array<i32>} : memref<16384xf32, #tpu.memory_space<vmem>>, vector<16xf32>,
        %mul3A_1940 = arith.mulf %gather3A_1893, %get3A_1939 : vector<16xf32>
        %add3A_1941 = arith.addf %add3A_1875, %mul3A_1940 : vector<16xf32>
        %add3A_1942 = arith.constant 112 : i32
        %add3A_1943 = arith.addi %mul3A_1899, %add3A_1942 : i32
        %get3A_1944 = arith.index_cast %add3A_1943 : i32 to index
        %get3A_1945 = tpu.vector_load %arg7[%get3A_1944] {strides = array<i32>} : memref<16384xf32, #tpu.memory_space<vmem>>, vector<16xf32>,
        %mul3A_1946 = arith.mulf %gather3A_1893, %get3A_1945 : vector<16xf32>
        %add3A_1947 = arith.addf %add3A_1881, %mul3A_1946 : vector<16xf32>
        %broadcast_in_dim3A_1948 = arith.constant 0 : i32
        %broadcast_in_dim3A_1949 = vector.broadcast %broadcast_in_dim3A_1948 : i32 to vector<16xi32>
        %mul3A_1950 = arith.constant 32 : i32
        %mul3A_1951 = arith.muli %select_n3A_112, %mul3A_1950 : i32
        %add3A_1952 = arith.constant 27 : i32
        %add3A_1953 = arith.addi %mul3A_1951, %add3A_1952 : i32
        %mul3A_1954 = arith.constant 32 : i32
        %mul3A_1955 = arith.muli %add3A_1953, %mul3A_1954 : i32
        %add3A_1956 = arith.addi %mul3A_1955, %select_n3A : i32
        %add3A_1957 = vector.broadcast %add3A_1956 : i32 to vector<16xi32>
        %add3A_1958 = arith.addi %broadcast_in_dim3A_1949, %add3A_1957 : vector<16xi32>
        %gather3A_1959 = tpu.vector_load_idx %arg8[%add3A_1958] : memref<16384xf32, #tpu.memory_space<vmem>>[vector<16xi32>], vector<16xf32>,
        %mul3A_1960 = arith.constant 32 : i32
        %mul3A_1961 = arith.muli %add3A_78, %mul3A_1960 : i32
        %add3A_1962 = arith.constant 27 : i32
        %add3A_1963 = arith.addi %mul3A_1961, %add3A_1962 : i32
        %mul3A_1964 = arith.constant 128 : i32
        %mul3A_1965 = arith.muli %add3A_1963, %mul3A_1964 : i32
        %add3A_1966 = arith.constant 0 : i32
        %add3A_1967 = arith.addi %mul3A_1965, %add3A_1966 : i32
        %get3A_1968 = arith.index_cast %add3A_1967 : i32 to index
        %get3A_1969 = tpu.vector_load %arg7[%get3A_1968] {strides = array<i32>} : memref<16384xf32, #tpu.memory_space<vmem>>, vector<16xf32>,
        %mul3A_1970 = arith.mulf %gather3A_1959, %get3A_1969 : vector<16xf32>
        %add3A_1971 = arith.addf %add3A_1905, %mul3A_1970 : vector<16xf32>
        %add3A_1972 = arith.constant 16 : i32
        %add3A_1973 = arith.addi %mul3A_1965, %add3A_1972 : i32
        %get3A_1974 = arith.index_cast %add3A_1973 : i32 to index
        %get3A_1975 = tpu.vector_load %arg7[%get3A_1974] {strides = array<i32>} : memref<16384xf32, #tpu.memory_space<vmem>>, vector<16xf32>,
        %mul3A_1976 = arith.mulf %gather3A_1959, %get3A_1975 : vector<16xf32>
        %add3A_1977 = arith.addf %add3A_1911, %mul3A_1976 : vector<16xf32>
        %add3A_1978 = arith.constant 32 : i32
        %add3A_1979 = arith.addi %mul3A_1965, %add3A_1978 : i32
        %get3A_1980 = arith.index_cast %add3A_1979 : i32 to index
        %get3A_1981 = tpu.vector_load %arg7[%get3A_1980] {strides = array<i32>} : memref<16384xf32, #tpu.memory_space<vmem>>, vector<16xf32>,
        %mul3A_1982 = arith.mulf %gather3A_1959, %get3A_1981 : vector<16xf32>
        %add3A_1983 = arith.addf %add3A_1917, %mul3A_1982 : vector<16xf32>
        %add3A_1984 = arith.constant 48 : i32
        %add3A_1985 = arith.addi %mul3A_1965, %add3A_1984 : i32
        %get3A_1986 = arith.index_cast %add3A_1985 : i32 to index
        %get3A_1987 = tpu.vector_load %arg7[%get3A_1986] {strides = array<i32>} : memref<16384xf32, #tpu.memory_space<vmem>>, vector<16xf32>,
        %mul3A_1988 = arith.mulf %gather3A_1959, %get3A_1987 : vector<16xf32>
        %add3A_1989 = arith.addf %add3A_1923, %mul3A_1988 : vector<16xf32>
        %add3A_1990 = arith.constant 64 : i32
        %add3A_1991 = arith.addi %mul3A_1965, %add3A_1990 : i32
        %get3A_1992 = arith.index_cast %add3A_1991 : i32 to index
        %get3A_1993 = tpu.vector_load %arg7[%get3A_1992] {strides = array<i32>} : memref<16384xf32, #tpu.memory_space<vmem>>, vector<16xf32>,
        %mul3A_1994 = arith.mulf %gather3A_1959, %get3A_1993 : vector<16xf32>
        %add3A_1995 = arith.addf %add3A_1929, %mul3A_1994 : vector<16xf32>
        %add3A_1996 = arith.constant 80 : i32
        %add3A_1997 = arith.addi %mul3A_1965, %add3A_1996 : i32
        %get3A_1998 = arith.index_cast %add3A_1997 : i32 to index
        %get3A_1999 = tpu.vector_load %arg7[%get3A_1998] {strides = array<i32>} : memref<16384xf32, #tpu.memory_space<vmem>>, vector<16xf32>,
        %mul3A_2000 = arith.mulf %gather3A_1959, %get3A_1999 : vector<16xf32>
        %add3A_2001 = arith.addf %add3A_1935, %mul3A_2000 : vector<16xf32>
        %add3A_2002 = arith.constant 96 : i32
        %add3A_2003 = arith.addi %mul3A_1965, %add3A_2002 : i32
        %get3A_2004 = arith.index_cast %add3A_2003 : i32 to index
        %get3A_2005 = tpu.vector_load %arg7[%get3A_2004] {strides = array<i32>} : memref<16384xf32, #tpu.memory_space<vmem>>, vector<16xf32>,
        %mul3A_2006 = arith.mulf %gather3A_1959, %get3A_2005 : vector<16xf32>
        %add3A_2007 = arith.addf %add3A_1941, %mul3A_2006 : vector<16xf32>
        %add3A_2008 = arith.constant 112 : i32
        %add3A_2009 = arith.addi %mul3A_1965, %add3A_2008 : i32
        %get3A_2010 = arith.index_cast %add3A_2009 : i32 to index
        %get3A_2011 = tpu.vector_load %arg7[%get3A_2010] {strides = array<i32>} : memref<16384xf32, #tpu.memory_space<vmem>>, vector<16xf32>,
        %mul3A_2012 = arith.mulf %gather3A_1959, %get3A_2011 : vector<16xf32>
        %add3A_2013 = arith.addf %add3A_1947, %mul3A_2012 : vector<16xf32>
        %broadcast_in_dim3A_2014 = arith.constant 0 : i32
        %broadcast_in_dim3A_2015 = vector.broadcast %broadcast_in_dim3A_2014 : i32 to vector<16xi32>
        %mul3A_2016 = arith.constant 32 : i32
        %mul3A_2017 = arith.muli %select_n3A_112, %mul3A_2016 : i32
        %add3A_2018 = arith.constant 28 : i32
        %add3A_2019 = arith.addi %mul3A_2017, %add3A_2018 : i32
        %mul3A_2020 = arith.constant 32 : i32
        %mul3A_2021 = arith.muli %add3A_2019, %mul3A_2020 : i32
        %add3A_2022 = arith.addi %mul3A_2021, %select_n3A : i32
        %add3A_2023 = vector.broadcast %add3A_2022 : i32 to vector<16xi32>
        %add3A_2024 = arith.addi %broadcast_in_dim3A_2015, %add3A_2023 : vector<16xi32>
        %gather3A_2025 = tpu.vector_load_idx %arg8[%add3A_2024] : memref<16384xf32, #tpu.memory_space<vmem>>[vector<16xi32>], vector<16xf32>,
        %mul3A_2026 = arith.constant 32 : i32
        %mul3A_2027 = arith.muli %add3A_78, %mul3A_2026 : i32
        %add3A_2028 = arith.constant 28 : i32
        %add3A_2029 = arith.addi %mul3A_2027, %add3A_2028 : i32
        %mul3A_2030 = arith.constant 128 : i32
        %mul3A_2031 = arith.muli %add3A_2029, %mul3A_2030 : i32
        %add3A_2032 = arith.constant 0 : i32
        %add3A_2033 = arith.addi %mul3A_2031, %add3A_2032 : i32
        %get3A_2034 = arith.index_cast %add3A_2033 : i32 to index
        %get3A_2035 = tpu.vector_load %arg7[%get3A_2034] {strides = array<i32>} : memref<16384xf32, #tpu.memory_space<vmem>>, vector<16xf32>,
        %mul3A_2036 = arith.mulf %gather3A_2025, %get3A_2035 : vector<16xf32>
        %add3A_2037 = arith.addf %add3A_1971, %mul3A_2036 : vector<16xf32>
        %add3A_2038 = arith.constant 16 : i32
        %add3A_2039 = arith.addi %mul3A_2031, %add3A_2038 : i32
        %get3A_2040 = arith.index_cast %add3A_2039 : i32 to index
        %get3A_2041 = tpu.vector_load %arg7[%get3A_2040] {strides = array<i32>} : memref<16384xf32, #tpu.memory_space<vmem>>, vector<16xf32>,
        %mul3A_2042 = arith.mulf %gather3A_2025, %get3A_2041 : vector<16xf32>
        %add3A_2043 = arith.addf %add3A_1977, %mul3A_2042 : vector<16xf32>
        %add3A_2044 = arith.constant 32 : i32
        %add3A_2045 = arith.addi %mul3A_2031, %add3A_2044 : i32
        %get3A_2046 = arith.index_cast %add3A_2045 : i32 to index
        %get3A_2047 = tpu.vector_load %arg7[%get3A_2046] {strides = array<i32>} : memref<16384xf32, #tpu.memory_space<vmem>>, vector<16xf32>,
        %mul3A_2048 = arith.mulf %gather3A_2025, %get3A_2047 : vector<16xf32>
        %add3A_2049 = arith.addf %add3A_1983, %mul3A_2048 : vector<16xf32>
        %add3A_2050 = arith.constant 48 : i32
        %add3A_2051 = arith.addi %mul3A_2031, %add3A_2050 : i32
        %get3A_2052 = arith.index_cast %add3A_2051 : i32 to index
        %get3A_2053 = tpu.vector_load %arg7[%get3A_2052] {strides = array<i32>} : memref<16384xf32, #tpu.memory_space<vmem>>, vector<16xf32>,
        %mul3A_2054 = arith.mulf %gather3A_2025, %get3A_2053 : vector<16xf32>
        %add3A_2055 = arith.addf %add3A_1989, %mul3A_2054 : vector<16xf32>
        %add3A_2056 = arith.constant 64 : i32
        %add3A_2057 = arith.addi %mul3A_2031, %add3A_2056 : i32
        %get3A_2058 = arith.index_cast %add3A_2057 : i32 to index
        %get3A_2059 = tpu.vector_load %arg7[%get3A_2058] {strides = array<i32>} : memref<16384xf32, #tpu.memory_space<vmem>>, vector<16xf32>,
        %mul3A_2060 = arith.mulf %gather3A_2025, %get3A_2059 : vector<16xf32>
        %add3A_2061 = arith.addf %add3A_1995, %mul3A_2060 : vector<16xf32>
        %add3A_2062 = arith.constant 80 : i32
        %add3A_2063 = arith.addi %mul3A_2031, %add3A_2062 : i32
        %get3A_2064 = arith.index_cast %add3A_2063 : i32 to index
        %get3A_2065 = tpu.vector_load %arg7[%get3A_2064] {strides = array<i32>} : memref<16384xf32, #tpu.memory_space<vmem>>, vector<16xf32>,
        %mul3A_2066 = arith.mulf %gather3A_2025, %get3A_2065 : vector<16xf32>
        %add3A_2067 = arith.addf %add3A_2001, %mul3A_2066 : vector<16xf32>
        %add3A_2068 = arith.constant 96 : i32
        %add3A_2069 = arith.addi %mul3A_2031, %add3A_2068 : i32
        %get3A_2070 = arith.index_cast %add3A_2069 : i32 to index
        %get3A_2071 = tpu.vector_load %arg7[%get3A_2070] {strides = array<i32>} : memref<16384xf32, #tpu.memory_space<vmem>>, vector<16xf32>,
        %mul3A_2072 = arith.mulf %gather3A_2025, %get3A_2071 : vector<16xf32>
        %add3A_2073 = arith.addf %add3A_2007, %mul3A_2072 : vector<16xf32>
        %add3A_2074 = arith.constant 112 : i32
        %add3A_2075 = arith.addi %mul3A_2031, %add3A_2074 : i32
        %get3A_2076 = arith.index_cast %add3A_2075 : i32 to index
        %get3A_2077 = tpu.vector_load %arg7[%get3A_2076] {strides = array<i32>} : memref<16384xf32, #tpu.memory_space<vmem>>, vector<16xf32>,
        %mul3A_2078 = arith.mulf %gather3A_2025, %get3A_2077 : vector<16xf32>
        %add3A_2079 = arith.addf %add3A_2013, %mul3A_2078 : vector<16xf32>
        %broadcast_in_dim3A_2080 = arith.constant 0 : i32
        %broadcast_in_dim3A_2081 = vector.broadcast %broadcast_in_dim3A_2080 : i32 to vector<16xi32>
        %mul3A_2082 = arith.constant 32 : i32
        %mul3A_2083 = arith.muli %select_n3A_112, %mul3A_2082 : i32
        %add3A_2084 = arith.constant 29 : i32
        %add3A_2085 = arith.addi %mul3A_2083, %add3A_2084 : i32
        %mul3A_2086 = arith.constant 32 : i32
        %mul3A_2087 = arith.muli %add3A_2085, %mul3A_2086 : i32
        %add3A_2088 = arith.addi %mul3A_2087, %select_n3A : i32
        %add3A_2089 = vector.broadcast %add3A_2088 : i32 to vector<16xi32>
        %add3A_2090 = arith.addi %broadcast_in_dim3A_2081, %add3A_2089 : vector<16xi32>
        %gather3A_2091 = tpu.vector_load_idx %arg8[%add3A_2090] : memref<16384xf32, #tpu.memory_space<vmem>>[vector<16xi32>], vector<16xf32>,
        %mul3A_2092 = arith.constant 32 : i32
        %mul3A_2093 = arith.muli %add3A_78, %mul3A_2092 : i32
        %add3A_2094 = arith.constant 29 : i32
        %add3A_2095 = arith.addi %mul3A_2093, %add3A_2094 : i32
        %mul3A_2096 = arith.constant 128 : i32
        %mul3A_2097 = arith.muli %add3A_2095, %mul3A_2096 : i32
        %add3A_2098 = arith.constant 0 : i32
        %add3A_2099 = arith.addi %mul3A_2097, %add3A_2098 : i32
        %get3A_2100 = arith.index_cast %add3A_2099 : i32 to index
        %get3A_2101 = tpu.vector_load %arg7[%get3A_2100] {strides = array<i32>} : memref<16384xf32, #tpu.memory_space<vmem>>, vector<16xf32>,
        %mul3A_2102 = arith.mulf %gather3A_2091, %get3A_2101 : vector<16xf32>
        %add3A_2103 = arith.addf %add3A_2037, %mul3A_2102 : vector<16xf32>
        %add3A_2104 = arith.constant 16 : i32
        %add3A_2105 = arith.addi %mul3A_2097, %add3A_2104 : i32
        %get3A_2106 = arith.index_cast %add3A_2105 : i32 to index
        %get3A_2107 = tpu.vector_load %arg7[%get3A_2106] {strides = array<i32>} : memref<16384xf32, #tpu.memory_space<vmem>>, vector<16xf32>,
        %mul3A_2108 = arith.mulf %gather3A_2091, %get3A_2107 : vector<16xf32>
        %add3A_2109 = arith.addf %add3A_2043, %mul3A_2108 : vector<16xf32>
        %add3A_2110 = arith.constant 32 : i32
        %add3A_2111 = arith.addi %mul3A_2097, %add3A_2110 : i32
        %get3A_2112 = arith.index_cast %add3A_2111 : i32 to index
        %get3A_2113 = tpu.vector_load %arg7[%get3A_2112] {strides = array<i32>} : memref<16384xf32, #tpu.memory_space<vmem>>, vector<16xf32>,
        %mul3A_2114 = arith.mulf %gather3A_2091, %get3A_2113 : vector<16xf32>
        %add3A_2115 = arith.addf %add3A_2049, %mul3A_2114 : vector<16xf32>
        %add3A_2116 = arith.constant 48 : i32
        %add3A_2117 = arith.addi %mul3A_2097, %add3A_2116 : i32
        %get3A_2118 = arith.index_cast %add3A_2117 : i32 to index
        %get3A_2119 = tpu.vector_load %arg7[%get3A_2118] {strides = array<i32>} : memref<16384xf32, #tpu.memory_space<vmem>>, vector<16xf32>,
        %mul3A_2120 = arith.mulf %gather3A_2091, %get3A_2119 : vector<16xf32>
        %add3A_2121 = arith.addf %add3A_2055, %mul3A_2120 : vector<16xf32>
        %add3A_2122 = arith.constant 64 : i32
        %add3A_2123 = arith.addi %mul3A_2097, %add3A_2122 : i32
        %get3A_2124 = arith.index_cast %add3A_2123 : i32 to index
        %get3A_2125 = tpu.vector_load %arg7[%get3A_2124] {strides = array<i32>} : memref<16384xf32, #tpu.memory_space<vmem>>, vector<16xf32>,
        %mul3A_2126 = arith.mulf %gather3A_2091, %get3A_2125 : vector<16xf32>
        %add3A_2127 = arith.addf %add3A_2061, %mul3A_2126 : vector<16xf32>
        %add3A_2128 = arith.constant 80 : i32
        %add3A_2129 = arith.addi %mul3A_2097, %add3A_2128 : i32
        %get3A_2130 = arith.index_cast %add3A_2129 : i32 to index
        %get3A_2131 = tpu.vector_load %arg7[%get3A_2130] {strides = array<i32>} : memref<16384xf32, #tpu.memory_space<vmem>>, vector<16xf32>,
        %mul3A_2132 = arith.mulf %gather3A_2091, %get3A_2131 : vector<16xf32>
        %add3A_2133 = arith.addf %add3A_2067, %mul3A_2132 : vector<16xf32>
        %add3A_2134 = arith.constant 96 : i32
        %add3A_2135 = arith.addi %mul3A_2097, %add3A_2134 : i32
        %get3A_2136 = arith.index_cast %add3A_2135 : i32 to index
        %get3A_2137 = tpu.vector_load %arg7[%get3A_2136] {strides = array<i32>} : memref<16384xf32, #tpu.memory_space<vmem>>, vector<16xf32>,
        %mul3A_2138 = arith.mulf %gather3A_2091, %get3A_2137 : vector<16xf32>
        %add3A_2139 = arith.addf %add3A_2073, %mul3A_2138 : vector<16xf32>
        %add3A_2140 = arith.constant 112 : i32
        %add3A_2141 = arith.addi %mul3A_2097, %add3A_2140 : i32
        %get3A_2142 = arith.index_cast %add3A_2141 : i32 to index
        %get3A_2143 = tpu.vector_load %arg7[%get3A_2142] {strides = array<i32>} : memref<16384xf32, #tpu.memory_space<vmem>>, vector<16xf32>,
        %mul3A_2144 = arith.mulf %gather3A_2091, %get3A_2143 : vector<16xf32>
        %add3A_2145 = arith.addf %add3A_2079, %mul3A_2144 : vector<16xf32>
        %broadcast_in_dim3A_2146 = arith.constant 0 : i32
        %broadcast_in_dim3A_2147 = vector.broadcast %broadcast_in_dim3A_2146 : i32 to vector<16xi32>
        %mul3A_2148 = arith.constant 32 : i32
        %mul3A_2149 = arith.muli %select_n3A_112, %mul3A_2148 : i32
        %add3A_2150 = arith.constant 30 : i32
        %add3A_2151 = arith.addi %mul3A_2149, %add3A_2150 : i32
        %mul3A_2152 = arith.constant 32 : i32
        %mul3A_2153 = arith.muli %add3A_2151, %mul3A_2152 : i32
        %add3A_2154 = arith.addi %mul3A_2153, %select_n3A : i32
        %add3A_2155 = vector.broadcast %add3A_2154 : i32 to vector<16xi32>
        %add3A_2156 = arith.addi %broadcast_in_dim3A_2147, %add3A_2155 : vector<16xi32>
        %gather3A_2157 = tpu.vector_load_idx %arg8[%add3A_2156] : memref<16384xf32, #tpu.memory_space<vmem>>[vector<16xi32>], vector<16xf32>,
        %mul3A_2158 = arith.constant 32 : i32
        %mul3A_2159 = arith.muli %add3A_78, %mul3A_2158 : i32
        %add3A_2160 = arith.constant 30 : i32
        %add3A_2161 = arith.addi %mul3A_2159, %add3A_2160 : i32
        %mul3A_2162 = arith.constant 128 : i32
        %mul3A_2163 = arith.muli %add3A_2161, %mul3A_2162 : i32
        %add3A_2164 = arith.constant 0 : i32
        %add3A_2165 = arith.addi %mul3A_2163, %add3A_2164 : i32
        %get3A_2166 = arith.index_cast %add3A_2165 : i32 to index
        %get3A_2167 = tpu.vector_load %arg7[%get3A_2166] {strides = array<i32>} : memref<16384xf32, #tpu.memory_space<vmem>>, vector<16xf32>,
        %mul3A_2168 = arith.mulf %gather3A_2157, %get3A_2167 : vector<16xf32>
        %add3A_2169 = arith.addf %add3A_2103, %mul3A_2168 : vector<16xf32>
        %add3A_2170 = arith.constant 16 : i32
        %add3A_2171 = arith.addi %mul3A_2163, %add3A_2170 : i32
        %get3A_2172 = arith.index_cast %add3A_2171 : i32 to index
        %get3A_2173 = tpu.vector_load %arg7[%get3A_2172] {strides = array<i32>} : memref<16384xf32, #tpu.memory_space<vmem>>, vector<16xf32>,
        %mul3A_2174 = arith.mulf %gather3A_2157, %get3A_2173 : vector<16xf32>
        %add3A_2175 = arith.addf %add3A_2109, %mul3A_2174 : vector<16xf32>
        %add3A_2176 = arith.constant 32 : i32
        %add3A_2177 = arith.addi %mul3A_2163, %add3A_2176 : i32
        %get3A_2178 = arith.index_cast %add3A_2177 : i32 to index
        %get3A_2179 = tpu.vector_load %arg7[%get3A_2178] {strides = array<i32>} : memref<16384xf32, #tpu.memory_space<vmem>>, vector<16xf32>,
        %mul3A_2180 = arith.mulf %gather3A_2157, %get3A_2179 : vector<16xf32>
        %add3A_2181 = arith.addf %add3A_2115, %mul3A_2180 : vector<16xf32>
        %add3A_2182 = arith.constant 48 : i32
        %add3A_2183 = arith.addi %mul3A_2163, %add3A_2182 : i32
        %get3A_2184 = arith.index_cast %add3A_2183 : i32 to index
        %get3A_2185 = tpu.vector_load %arg7[%get3A_2184] {strides = array<i32>} : memref<16384xf32, #tpu.memory_space<vmem>>, vector<16xf32>,
        %mul3A_2186 = arith.mulf %gather3A_2157, %get3A_2185 : vector<16xf32>
        %add3A_2187 = arith.addf %add3A_2121, %mul3A_2186 : vector<16xf32>
        %add3A_2188 = arith.constant 64 : i32
        %add3A_2189 = arith.addi %mul3A_2163, %add3A_2188 : i32
        %get3A_2190 = arith.index_cast %add3A_2189 : i32 to index
        %get3A_2191 = tpu.vector_load %arg7[%get3A_2190] {strides = array<i32>} : memref<16384xf32, #tpu.memory_space<vmem>>, vector<16xf32>,
        %mul3A_2192 = arith.mulf %gather3A_2157, %get3A_2191 : vector<16xf32>
        %add3A_2193 = arith.addf %add3A_2127, %mul3A_2192 : vector<16xf32>
        %add3A_2194 = arith.constant 80 : i32
        %add3A_2195 = arith.addi %mul3A_2163, %add3A_2194 : i32
        %get3A_2196 = arith.index_cast %add3A_2195 : i32 to index
        %get3A_2197 = tpu.vector_load %arg7[%get3A_2196] {strides = array<i32>} : memref<16384xf32, #tpu.memory_space<vmem>>, vector<16xf32>,
        %mul3A_2198 = arith.mulf %gather3A_2157, %get3A_2197 : vector<16xf32>
        %add3A_2199 = arith.addf %add3A_2133, %mul3A_2198 : vector<16xf32>
        %add3A_2200 = arith.constant 96 : i32
        %add3A_2201 = arith.addi %mul3A_2163, %add3A_2200 : i32
        %get3A_2202 = arith.index_cast %add3A_2201 : i32 to index
        %get3A_2203 = tpu.vector_load %arg7[%get3A_2202] {strides = array<i32>} : memref<16384xf32, #tpu.memory_space<vmem>>, vector<16xf32>,
        %mul3A_2204 = arith.mulf %gather3A_2157, %get3A_2203 : vector<16xf32>
        %add3A_2205 = arith.addf %add3A_2139, %mul3A_2204 : vector<16xf32>
        %add3A_2206 = arith.constant 112 : i32
        %add3A_2207 = arith.addi %mul3A_2163, %add3A_2206 : i32
        %get3A_2208 = arith.index_cast %add3A_2207 : i32 to index
        %get3A_2209 = tpu.vector_load %arg7[%get3A_2208] {strides = array<i32>} : memref<16384xf32, #tpu.memory_space<vmem>>, vector<16xf32>,
        %mul3A_2210 = arith.mulf %gather3A_2157, %get3A_2209 : vector<16xf32>
        %add3A_2211 = arith.addf %add3A_2145, %mul3A_2210 : vector<16xf32>
        %broadcast_in_dim3A_2212 = arith.constant 0 : i32
        %broadcast_in_dim3A_2213 = vector.broadcast %broadcast_in_dim3A_2212 : i32 to vector<16xi32>
        %mul3A_2214 = arith.constant 32 : i32
        %mul3A_2215 = arith.muli %select_n3A_112, %mul3A_2214 : i32
        %add3A_2216 = arith.constant 31 : i32
        %add3A_2217 = arith.addi %mul3A_2215, %add3A_2216 : i32
        %mul3A_2218 = arith.constant 32 : i32
        %mul3A_2219 = arith.muli %add3A_2217, %mul3A_2218 : i32
        %add3A_2220 = arith.addi %mul3A_2219, %select_n3A : i32
        %add3A_2221 = vector.broadcast %add3A_2220 : i32 to vector<16xi32>
        %add3A_2222 = arith.addi %broadcast_in_dim3A_2213, %add3A_2221 : vector<16xi32>
        %gather3A_2223 = tpu.vector_load_idx %arg8[%add3A_2222] : memref<16384xf32, #tpu.memory_space<vmem>>[vector<16xi32>], vector<16xf32>,
        %mul3A_2224 = arith.constant 32 : i32
        %mul3A_2225 = arith.muli %add3A_78, %mul3A_2224 : i32
        %add3A_2226 = arith.constant 31 : i32
        %add3A_2227 = arith.addi %mul3A_2225, %add3A_2226 : i32
        %mul3A_2228 = arith.constant 128 : i32
        %mul3A_2229 = arith.muli %add3A_2227, %mul3A_2228 : i32
        %add3A_2230 = arith.constant 0 : i32
        %add3A_2231 = arith.addi %mul3A_2229, %add3A_2230 : i32
        %get3A_2232 = arith.index_cast %add3A_2231 : i32 to index
        %get3A_2233 = tpu.vector_load %arg7[%get3A_2232] {strides = array<i32>} : memref<16384xf32, #tpu.memory_space<vmem>>, vector<16xf32>,
        %mul3A_2234 = arith.mulf %gather3A_2223, %get3A_2233 : vector<16xf32>
        %add3A_2235 = arith.addf %add3A_2169, %mul3A_2234 : vector<16xf32>
        %add3A_2236 = arith.constant 16 : i32
        %add3A_2237 = arith.addi %mul3A_2229, %add3A_2236 : i32
        %get3A_2238 = arith.index_cast %add3A_2237 : i32 to index
        %get3A_2239 = tpu.vector_load %arg7[%get3A_2238] {strides = array<i32>} : memref<16384xf32, #tpu.memory_space<vmem>>, vector<16xf32>,
        %mul3A_2240 = arith.mulf %gather3A_2223, %get3A_2239 : vector<16xf32>
        %add3A_2241 = arith.addf %add3A_2175, %mul3A_2240 : vector<16xf32>
        %add3A_2242 = arith.constant 32 : i32
        %add3A_2243 = arith.addi %mul3A_2229, %add3A_2242 : i32
        %get3A_2244 = arith.index_cast %add3A_2243 : i32 to index
        %get3A_2245 = tpu.vector_load %arg7[%get3A_2244] {strides = array<i32>} : memref<16384xf32, #tpu.memory_space<vmem>>, vector<16xf32>,
        %mul3A_2246 = arith.mulf %gather3A_2223, %get3A_2245 : vector<16xf32>
        %add3A_2247 = arith.addf %add3A_2181, %mul3A_2246 : vector<16xf32>
        %add3A_2248 = arith.constant 48 : i32
        %add3A_2249 = arith.addi %mul3A_2229, %add3A_2248 : i32
        %get3A_2250 = arith.index_cast %add3A_2249 : i32 to index
        %get3A_2251 = tpu.vector_load %arg7[%get3A_2250] {strides = array<i32>} : memref<16384xf32, #tpu.memory_space<vmem>>, vector<16xf32>,
        %mul3A_2252 = arith.mulf %gather3A_2223, %get3A_2251 : vector<16xf32>
        %add3A_2253 = arith.addf %add3A_2187, %mul3A_2252 : vector<16xf32>
        %add3A_2254 = arith.constant 64 : i32
        %add3A_2255 = arith.addi %mul3A_2229, %add3A_2254 : i32
        %get3A_2256 = arith.index_cast %add3A_2255 : i32 to index
        %get3A_2257 = tpu.vector_load %arg7[%get3A_2256] {strides = array<i32>} : memref<16384xf32, #tpu.memory_space<vmem>>, vector<16xf32>,
        %mul3A_2258 = arith.mulf %gather3A_2223, %get3A_2257 : vector<16xf32>
        %add3A_2259 = arith.addf %add3A_2193, %mul3A_2258 : vector<16xf32>
        %add3A_2260 = arith.constant 80 : i32
        %add3A_2261 = arith.addi %mul3A_2229, %add3A_2260 : i32
        %get3A_2262 = arith.index_cast %add3A_2261 : i32 to index
        %get3A_2263 = tpu.vector_load %arg7[%get3A_2262] {strides = array<i32>} : memref<16384xf32, #tpu.memory_space<vmem>>, vector<16xf32>,
        %mul3A_2264 = arith.mulf %gather3A_2223, %get3A_2263 : vector<16xf32>
        %add3A_2265 = arith.addf %add3A_2199, %mul3A_2264 : vector<16xf32>
        %add3A_2266 = arith.constant 96 : i32
        %add3A_2267 = arith.addi %mul3A_2229, %add3A_2266 : i32
        %get3A_2268 = arith.index_cast %add3A_2267 : i32 to index
        %get3A_2269 = tpu.vector_load %arg7[%get3A_2268] {strides = array<i32>} : memref<16384xf32, #tpu.memory_space<vmem>>, vector<16xf32>,
        %mul3A_2270 = arith.mulf %gather3A_2223, %get3A_2269 : vector<16xf32>
        %add3A_2271 = arith.addf %add3A_2205, %mul3A_2270 : vector<16xf32>
        %add3A_2272 = arith.constant 112 : i32
        %add3A_2273 = arith.addi %mul3A_2229, %add3A_2272 : i32
        %get3A_2274 = arith.index_cast %add3A_2273 : i32 to index
        %get3A_2275 = tpu.vector_load %arg7[%get3A_2274] {strides = array<i32>} : memref<16384xf32, #tpu.memory_space<vmem>>, vector<16xf32>,
        %mul3A_2276 = arith.mulf %gather3A_2223, %get3A_2275 : vector<16xf32>
        %add3A_2277 = arith.addf %add3A_2211, %mul3A_2276 : vector<16xf32>
        %mul3A_2278 = arith.constant 32768 : i32
        %mul3A_2279 = arith.muli %select_n3A_152, %mul3A_2278 : i32
        %mul3A_2280 = arith.constant 8 : i32
        %mul3A_2281 = arith.muli %select_n3A, %mul3A_2280 : i32
        %add3A_2282 = arith.addi %mul3A_2281, %select_n3A_136 : i32
        %mul3A_2283 = arith.constant 128 : i32
        %mul3A_2284 = arith.muli %add3A_2282, %mul3A_2283 : i32
        %add3A_2285 = arith.addi %mul3A_2279, %mul3A_2284 : i32
        %add3A_2286 = arith.constant 0 : i32
        %add3A_2287 = arith.addi %add3A_2285, %add3A_2286 : i32
        %swap3A = arith.index_cast %add3A_2287 : i32 to index
        %swap3A_2288 = tpu.vector_load %arg9[%swap3A] {strides = array<i32>} : memref<65536xf32, #tpu.memory_space<vmem>>, vector<16xf32>,
        tpu.vector_store %arg9[%swap3A], %add3A_2235 {strides = array<i32>} : memref<65536xf32, #tpu.memory_space<vmem>>, vector<16xf32>,
        %add3A_2289 = arith.constant 16 : i32
        %add3A_2290 = arith.addi %add3A_2285, %add3A_2289 : i32
        %swap3A_2291 = arith.index_cast %add3A_2290 : i32 to index
        %swap3A_2292 = tpu.vector_load %arg9[%swap3A_2291] {strides = array<i32>} : memref<65536xf32, #tpu.memory_space<vmem>>, vector<16xf32>,
        tpu.vector_store %arg9[%swap3A_2291], %add3A_2241 {strides = array<i32>} : memref<65536xf32, #tpu.memory_space<vmem>>, vector<16xf32>,
        %add3A_2293 = arith.constant 32 : i32
        %add3A_2294 = arith.addi %add3A_2285, %add3A_2293 : i32
        %swap3A_2295 = arith.index_cast %add3A_2294 : i32 to index
        %swap3A_2296 = tpu.vector_load %arg9[%swap3A_2295] {strides = array<i32>} : memref<65536xf32, #tpu.memory_space<vmem>>, vector<16xf32>,
        tpu.vector_store %arg9[%swap3A_2295], %add3A_2247 {strides = array<i32>} : memref<65536xf32, #tpu.memory_space<vmem>>, vector<16xf32>,
        %add3A_2297 = arith.constant 48 : i32
        %add3A_2298 = arith.addi %add3A_2285, %add3A_2297 : i32
        %swap3A_2299 = arith.index_cast %add3A_2298 : i32 to index
        %swap3A_2300 = tpu.vector_load %arg9[%swap3A_2299] {strides = array<i32>} : memref<65536xf32, #tpu.memory_space<vmem>>, vector<16xf32>,
        tpu.vector_store %arg9[%swap3A_2299], %add3A_2253 {strides = array<i32>} : memref<65536xf32, #tpu.memory_space<vmem>>, vector<16xf32>,
        %add3A_2301 = arith.constant 64 : i32
        %add3A_2302 = arith.addi %add3A_2285, %add3A_2301 : i32
        %swap3A_2303 = arith.index_cast %add3A_2302 : i32 to index
        %swap3A_2304 = tpu.vector_load %arg9[%swap3A_2303] {strides = array<i32>} : memref<65536xf32, #tpu.memory_space<vmem>>, vector<16xf32>,
        tpu.vector_store %arg9[%swap3A_2303], %add3A_2259 {strides = array<i32>} : memref<65536xf32, #tpu.memory_space<vmem>>, vector<16xf32>,
        %add3A_2305 = arith.constant 80 : i32
        %add3A_2306 = arith.addi %add3A_2285, %add3A_2305 : i32
        %swap3A_2307 = arith.index_cast %add3A_2306 : i32 to index
        %swap3A_2308 = tpu.vector_load %arg9[%swap3A_2307] {strides = array<i32>} : memref<65536xf32, #tpu.memory_space<vmem>>, vector<16xf32>,
        tpu.vector_store %arg9[%swap3A_2307], %add3A_2265 {strides = array<i32>} : memref<65536xf32, #tpu.memory_space<vmem>>, vector<16xf32>,
        %add3A_2309 = arith.constant 96 : i32
        %add3A_2310 = arith.addi %add3A_2285, %add3A_2309 : i32
        %swap3A_2311 = arith.index_cast %add3A_2310 : i32 to index
        %swap3A_2312 = tpu.vector_load %arg9[%swap3A_2311] {strides = array<i32>} : memref<65536xf32, #tpu.memory_space<vmem>>, vector<16xf32>,
        tpu.vector_store %arg9[%swap3A_2311], %add3A_2271 {strides = array<i32>} : memref<65536xf32, #tpu.memory_space<vmem>>, vector<16xf32>,
        %add3A_2313 = arith.constant 112 : i32
        %add3A_2314 = arith.addi %add3A_2285, %add3A_2313 : i32
        %swap3A_2315 = arith.index_cast %add3A_2314 : i32 to index
        %swap3A_2316 = tpu.vector_load %arg9[%swap3A_2315] {strides = array<i32>} : memref<65536xf32, #tpu.memory_space<vmem>>, vector<16xf32>,
        tpu.vector_store %arg9[%swap3A_2315], %add3A_2277 {strides = array<i32>} : memref<65536xf32, #tpu.memory_space<vmem>>, vector<16xf32>,
      }
      %scan3A_66 = arith.constant 4 : i32
      %add3A_67 = arith.constant 2 : i32
      %add3A_68 = arith.addi %add3A_57, %add3A_67 : i32
      %lt3A_69 = arith.constant 128 : i32
      %lt3A_70 = arith.cmpi slt, %add3A_68, %lt3A_69 : i32
      %convert_element_type3A_71 = arith.extui %lt3A_70 : i1 to i32
      %cond3A_72 = arith.constant 0 : i32
      %cond3A_73 = arith.cmpi ne, %convert_element_type3A_71, %cond3A_72 : i32
      scf.if %cond3A_73 {
        %mul3A_74 = arith.constant 4 : i32
        %mul3A_75 = arith.muli %add3A_68, %mul3A_74 : i32
        %add3A_76 = arith.addi %mul3A_2, %mul3A_75 : i32
        %mul3A_77 = arith.constant 32 : i32
        %mul3A_78 = arith.muli %add3A_76, %mul3A_77 : i32
        %mul3A_79 = arith.constant 128 : i32
        %mul3A_80 = arith.muli %mul3A_78, %mul3A_79 : i32
        %dma_start3A_81 = tpu.memref_slice %arg2[%mul3A_80] : memref<67108864xf32, #tpu.memory_space<hbm>> -> memref<16384xf32, #tpu.memory_space<hbm>>
        %dma_start3A_82 = tpu.memref_slice %arg2[%mul3A_80] : memref<67108864xf32, #tpu.memory_space<hbm>> -> memref<16384xf32, #tpu.memory_space<hbm>>
        tpu.enqueue_dma source(%dma_start3A_82 : memref<16384xf32, #tpu.memory_space<hbm>>) target(%arg7 : memref<16384xf32, #tpu.memory_space<vmem>>) target_semaphore(%arg11 : memref<!tpu.dma_semaphore, #tpu.memory_space<semaphore_mem>>)
      } else {
      }
    }
    %scan3A_27 = arith.constant 64 : i32
    %mul3A_28 = arith.constant 256 : i32
    %mul3A_29 = arith.muli %add3A, %mul3A_28 : i32
    %mul3A_30 = arith.constant 128 : i32
    %mul3A_31 = arith.muli %mul3A_29, %mul3A_30 : i32
    "tpu.region"() ({
      %run_scoped3A = tpu.sem_alloc : memref<!tpu.dma_semaphore, #tpu.memory_space<semaphore_mem>>
      %dma_start3A_36 = arith.constant 0 : i32
      %dma_start3A_37 = tpu.memref_slice %arg9[%dma_start3A_36] : memref<65536xf32, #tpu.memory_space<vmem>> -> memref<32768xf32, #tpu.memory_space<vmem>>
      %dma_start3A_38 = tpu.memref_slice %arg4[%mul3A_31] : memref<1048576xf32, #tpu.memory_space<hbm>> -> memref<32768xf32, #tpu.memory_space<hbm>>
      %dma_start3A_39 = tpu.memref_slice %arg4[%mul3A_31] : memref<1048576xf32, #tpu.memory_space<hbm>> -> memref<32768xf32, #tpu.memory_space<hbm>>
      %dma_start3A_40 = arith.constant 0 : i32
      %dma_start3A_41 = tpu.memref_slice %arg9[%dma_start3A_40] : memref<65536xf32, #tpu.memory_space<vmem>> -> memref<32768xf32, #tpu.memory_space<vmem>>
      tpu.enqueue_dma source(%dma_start3A_41 : memref<32768xf32, #tpu.memory_space<vmem>>) target(%dma_start3A_39 : memref<32768xf32, #tpu.memory_space<hbm>>) target_semaphore(%run_scoped3A : memref<!tpu.dma_semaphore, #tpu.memory_space<semaphore_mem>>)
      %dma_wait3A_42 = arith.constant 0 : i32
      %dma_wait3A_43 = tpu.memref_slice %arg9[%dma_wait3A_42] : memref<65536xf32, #tpu.memory_space<vmem>> -> memref<32768xf32, #tpu.memory_space<vmem>>
      %dma_wait3A_44 = tpu.memref_slice %arg4[%mul3A_31] : memref<1048576xf32, #tpu.memory_space<hbm>> -> memref<32768xf32, #tpu.memory_space<hbm>>
      %dma_wait3A_45 = tpu.memref_slice %arg4[%mul3A_31] : memref<1048576xf32, #tpu.memory_space<hbm>> -> memref<32768xf32, #tpu.memory_space<hbm>>
      %dma_wait3A_46 = arith.constant 0 : i32
      %dma_wait3A_47 = tpu.memref_slice %arg9[%dma_wait3A_46] : memref<65536xf32, #tpu.memory_space<vmem>> -> memref<32768xf32, #tpu.memory_space<vmem>>
      tpu.wait_dma2 semaphore(%run_scoped3A : memref<!tpu.dma_semaphore, #tpu.memory_space<semaphore_mem>>) src(%dma_wait3A_47 : memref<32768xf32, #tpu.memory_space<vmem>>) dst(%dma_wait3A_45 : memref<32768xf32, #tpu.memory_space<hbm>>)
      tpu.yield
    }) : () -> ()
    %mul3A_32 = arith.constant 256 : i32
    %mul3A_33 = arith.muli %add3A, %mul3A_32 : i32
    %mul3A_34 = arith.constant 128 : i32
    %mul3A_35 = arith.muli %mul3A_33, %mul3A_34 : i32
    "tpu.region"() ({
      %run_scoped3A = tpu.sem_alloc : memref<!tpu.dma_semaphore, #tpu.memory_space<semaphore_mem>>
      %dma_start3A_36 = arith.constant 32768 : i32
      %dma_start3A_37 = tpu.memref_slice %arg9[%dma_start3A_36] : memref<65536xf32, #tpu.memory_space<vmem>> -> memref<32768xf32, #tpu.memory_space<vmem>>
      %dma_start3A_38 = tpu.memref_slice %arg5[%mul3A_35] : memref<1048576xf32, #tpu.memory_space<hbm>> -> memref<32768xf32, #tpu.memory_space<hbm>>
      %dma_start3A_39 = tpu.memref_slice %arg5[%mul3A_35] : memref<1048576xf32, #tpu.memory_space<hbm>> -> memref<32768xf32, #tpu.memory_space<hbm>>
      %dma_start3A_40 = arith.constant 32768 : i32
      %dma_start3A_41 = tpu.memref_slice %arg9[%dma_start3A_40] : memref<65536xf32, #tpu.memory_space<vmem>> -> memref<32768xf32, #tpu.memory_space<vmem>>
      tpu.enqueue_dma source(%dma_start3A_41 : memref<32768xf32, #tpu.memory_space<vmem>>) target(%dma_start3A_39 : memref<32768xf32, #tpu.memory_space<hbm>>) target_semaphore(%run_scoped3A : memref<!tpu.dma_semaphore, #tpu.memory_space<semaphore_mem>>)
      %dma_wait3A_42 = arith.constant 32768 : i32
      %dma_wait3A_43 = tpu.memref_slice %arg9[%dma_wait3A_42] : memref<65536xf32, #tpu.memory_space<vmem>> -> memref<32768xf32, #tpu.memory_space<vmem>>
      %dma_wait3A_44 = tpu.memref_slice %arg5[%mul3A_35] : memref<1048576xf32, #tpu.memory_space<hbm>> -> memref<32768xf32, #tpu.memory_space<hbm>>
      %dma_wait3A_45 = tpu.memref_slice %arg5[%mul3A_35] : memref<1048576xf32, #tpu.memory_space<hbm>> -> memref<32768xf32, #tpu.memory_space<hbm>>
      %dma_wait3A_46 = arith.constant 32768 : i32
      %dma_wait3A_47 = tpu.memref_slice %arg9[%dma_wait3A_46] : memref<65536xf32, #tpu.memory_space<vmem>> -> memref<32768xf32, #tpu.memory_space<vmem>>
      tpu.wait_dma2 semaphore(%run_scoped3A : memref<!tpu.dma_semaphore, #tpu.memory_space<semaphore_mem>>) src(%dma_wait3A_47 : memref<32768xf32, #tpu.memory_space<vmem>>) dst(%dma_wait3A_45 : memref<32768xf32, #tpu.memory_space<hbm>>)
      tpu.yield
    }) : () -> ()
    return
  }
}

module attributes {stable_mosaic.version = 14 : i64} {
  func.func @_tc_body(%arg0: i32, %arg1: memref<2048x128xf32, #tpu.memory_space<vmem>>, %arg2: memref<2048x128xf32, #tpu.memory_space<vmem>>, %arg3: memref<2048x128xf32, #tpu.memory_space<vmem>>, %arg4: memref<128x128xf32, #tpu.memory_space<vmem>>, %arg5: memref<128x128xf32, #tpu.memory_space<vmem>>, %arg6: memref<128x128xf32, #tpu.memory_space<vmem>>, %arg7: memref<1x128xf32, #tpu.memory_space<vmem>>, %arg8: memref<2048x128xf32, #tpu.memory_space<vmem>>) attributes {dimension_semantics = [#tpu.dimension_semantics<arbitrary>], iteration_bounds = array<i64: 4>, scalar_prefetch = 0 : i64, scratch_operands = 0 : i64, tpu.core_type = #tpu.core_type<tc>, window_params = [{transform_indices = @transform_0, window_bounds = array<i64: 2048, 128>}, {transform_indices = @transform_1, window_bounds = array<i64: 2048, 128>}, {transform_indices = @transform_2, window_bounds = array<i64: 2048, 128>}, {pipeline_mode = #tpu.pipeline_mode<synchronous>, transform_indices = @transform_3, window_bounds = array<i64: 128, 128>}, {pipeline_mode = #tpu.pipeline_mode<synchronous>, transform_indices = @transform_4, window_bounds = array<i64: 128, 128>}, {pipeline_mode = #tpu.pipeline_mode<synchronous>, transform_indices = @transform_5, window_bounds = array<i64: 128, 128>}, {pipeline_mode = #tpu.pipeline_mode<synchronous>, transform_indices = @transform_6, window_bounds = array<i64: 1, 128>}, {transform_indices = @transform_7, window_bounds = array<i64: 2048, 128>}]} {
    %get3A = arith.constant 0 : index
    %get3A_0 = arith.constant 0 : index
    %get3A_1 = vector.load %arg1[%get3A, %get3A_0] : memref<2048x128xf32, #tpu.memory_space<vmem>>, vector<2048x128xf32>
    %get3A_2 = arith.constant 0 : index
    %get3A_3 = arith.constant 0 : index
    %get3A_4 = vector.load %arg4[%get3A_2, %get3A_3] : memref<128x128xf32, #tpu.memory_space<vmem>>, vector<128x128xf32>
    %dot_general3A = arith.constant dense<0.000000e+00> : vector<2048x128xf32>
    %dot_general3A_5 = tpu.matmul %get3A_1, %get3A_4, %dot_general3A {dimension_numbers = #tpu.dot_dimension_numbers<[1], [0], [0], [1], [0, 0, 1, 1], [], []>, transpose_lhs_hint = false} : vector<2048x128xf32>, vector<128x128xf32>, vector<2048x128xf32> -> vector<2048x128xf32>
    %get3A_6 = arith.constant 0 : index
    %get3A_7 = arith.constant 0 : index
    %get3A_8 = vector.load %arg2[%get3A_6, %get3A_7] : memref<2048x128xf32, #tpu.memory_space<vmem>>, vector<2048x128xf32>
    %get3A_9 = arith.constant 0 : index
    %get3A_10 = arith.constant 0 : index
    %get3A_11 = vector.load %arg5[%get3A_9, %get3A_10] : memref<128x128xf32, #tpu.memory_space<vmem>>, vector<128x128xf32>
    %dot_general3A_12 = arith.constant dense<0.000000e+00> : vector<2048x128xf32>
    %dot_general3A_13 = tpu.matmul %get3A_8, %get3A_11, %dot_general3A_12 {dimension_numbers = #tpu.dot_dimension_numbers<[1], [0], [0], [1], [0, 0, 1, 1], [], []>, transpose_lhs_hint = false} : vector<2048x128xf32>, vector<128x128xf32>, vector<2048x128xf32> -> vector<2048x128xf32>
    %add3A = arith.addf %dot_general3A_5, %dot_general3A_13 : vector<2048x128xf32>
    %get3A_14 = arith.constant 0 : index
    %get3A_15 = arith.constant 0 : index
    %get3A_16 = vector.load %arg3[%get3A_14, %get3A_15] : memref<2048x128xf32, #tpu.memory_space<vmem>>, vector<2048x128xf32>
    %get3A_17 = arith.constant 0 : index
    %get3A_18 = arith.constant 0 : index
    %get3A_19 = vector.load %arg6[%get3A_17, %get3A_18] : memref<128x128xf32, #tpu.memory_space<vmem>>, vector<128x128xf32>
    %dot_general3A_20 = arith.constant dense<0.000000e+00> : vector<2048x128xf32>
    %dot_general3A_21 = tpu.matmul %get3A_16, %get3A_19, %dot_general3A_20 {dimension_numbers = #tpu.dot_dimension_numbers<[1], [0], [0], [1], [0, 0, 1, 1], [], []>, transpose_lhs_hint = false} : vector<2048x128xf32>, vector<128x128xf32>, vector<2048x128xf32> -> vector<2048x128xf32>
    %add3A_22 = arith.addf %add3A, %dot_general3A_21 : vector<2048x128xf32>
    %get3A_23 = arith.constant 0 : index
    %get3A_24 = arith.constant 0 : index
    %get3A_25 = vector.load %arg7[%get3A_23, %get3A_24] : memref<1x128xf32, #tpu.memory_space<vmem>>, vector<1x128xf32>
    %add3A_26 = vector.broadcast %get3A_25 : vector<1x128xf32> to vector<2048x128xf32>
    %add3A_27 = arith.addf %add3A_22, %add3A_26 : vector<2048x128xf32>
    %swap3A = arith.constant 0 : index
    %swap3A_28 = arith.constant 0 : index
    %swap3A_29 = vector.load %arg8[%swap3A, %swap3A_28] : memref<2048x128xf32, #tpu.memory_space<vmem>>, vector<2048x128xf32>
    tpu.vector_store %arg8[%swap3A, %swap3A_28], %add3A_27 {strides = array<i32>} : memref<2048x128xf32, #tpu.memory_space<vmem>>, vector<2048x128xf32>,
    return
  }
  func.func @transform_0(%arg0: i32) -> (i32, i32) {
    %c0_i32 = arith.constant 0 : i32
    %c0_i32_0 = arith.constant 0 : i32
    return %arg0, %c0_i32 : i32, i32
  }
  func.func @transform_1(%arg0: i32) -> (i32, i32) {
    %c0_i32 = arith.constant 0 : i32
    %c0_i32_0 = arith.constant 0 : i32
    return %arg0, %c0_i32 : i32, i32
  }
  func.func @transform_2(%arg0: i32) -> (i32, i32) {
    %c0_i32 = arith.constant 0 : i32
    %c0_i32_0 = arith.constant 0 : i32
    return %arg0, %c0_i32 : i32, i32
  }
  func.func @transform_3(%arg0: i32) -> (i32, i32) {
    %c0_i32 = arith.constant 0 : i32
    %c0_i32_0 = arith.constant 0 : i32
    %c0_i32_1 = arith.constant 0 : i32
    return %c0_i32, %c0_i32_0 : i32, i32
  }
  func.func @transform_4(%arg0: i32) -> (i32, i32) {
    %c0_i32 = arith.constant 0 : i32
    %c0_i32_0 = arith.constant 0 : i32
    %c0_i32_1 = arith.constant 0 : i32
    return %c0_i32, %c0_i32_0 : i32, i32
  }
  func.func @transform_5(%arg0: i32) -> (i32, i32) {
    %c0_i32 = arith.constant 0 : i32
    %c0_i32_0 = arith.constant 0 : i32
    %c0_i32_1 = arith.constant 0 : i32
    return %c0_i32, %c0_i32_0 : i32, i32
  }
  func.func @transform_6(%arg0: i32) -> (i32, i32) {
    %c0_i32 = arith.constant 0 : i32
    %c0_i32_0 = arith.constant 0 : i32
    %c0_i32_1 = arith.constant 0 : i32
    return %c0_i32, %c0_i32_0 : i32, i32
  }
  func.func @transform_7(%arg0: i32) -> (i32, i32) {
    %c0_i32 = arith.constant 0 : i32
    %c0_i32_0 = arith.constant 0 : i32
    return %arg0, %c0_i32 : i32, i32
  }
}

</mosaic_0001>

<sc_bundles>
// kernel: kernel.4.cloned.1.call-start
scs
__scs_entry_jumppad:
0x0: {  	(pc) =	sbr.rel $0x88, $3  }
0x1: {  	(tag) =	ssettag $0x0;
	lr =	simm.s32 $0x1  }
0x2: {  	[smem:$0x3F9C] =	sst lr;
	_ =	strace $0xD0000000  }
0x3: {  	_ = 	snop  }
0x4: {  	_ = 	snop  }
0x5: {  	_ = 	snop  }
0x6: {  	_ = 	snop  }
0x7: {  	_ = 	snop  }
__scs_overlays_trampoline_lowered:
0x8: {  	[smem:$0x3FAB] =	sst s0  }
0x9: {  	[smem:$0x3FAC] =	sst s1  }
0xa: {  	[smem:$0x3FAD] =	sst s2  }
0xb: {  	[smem:$0x3FAE] =	sst s3  }
0xc: {  	[smem:$0x3FAF] =	sst s4  }
0xd: {  	[smem:$0x3FB0] =	sst s5  }
0xe: {  	[smem:$0x3FB1] =	sst s6  }
0xf: {  	[smem:$0x3FB2] =	sst s7  }
0x10: {  	[smem:$0x3FB3] =	sst s8  }
0x11: {  	[smem:$0x3FB4] =	sst s9;
	s0 =	simm.s32 @!p0 $0x0  }
0x12: {  	s1 =	sld [smem:$0x3F9A];
	s0 =	simm.s32 @p0 $0x1  }
0x13: {  	[smem:$0x3FB5] =	sst s0;
	s0 =	simm.s32 @!p1 $0x0  }
0x14: {  	s2 =	sld [smem:$0x3F99];
	s0 =	simm.s32 @p1 $0x1  }
0x15: {  	[smem:$0x3FB6] =	sst s0;
	s0 =	simm.s32 @!p2 $0x0  }
0x16: {  	s3 =	sld [smem:$0x3FDB];
	s0 =	simm.s32 @p2 $0x1  }
0x17: {  	s4 =	simm.s32 $0x1BF5;
	[smem:$0x3FB8] =	sst s0  }
0x18: {  	s0 =	sld [smem:$0x3F9B];
	_ =	swait.ge [sflag:s4], $0x0  }
0x19: {  	s7 =	sld [smem:$0x3F9C]  }
0x1a: {  	s8 =	sadd.s32 $0xFFFFE003, lr  }
0x1b: {  	s9 =	sadd.s32 $0xFFFFFEF7, lr;
	s5 =	simm.s32 $0xFFFFFFFF;
	p2 =	slt.u32 s8, $0xFFFFF086  }
0x1c: {  	p1 =	slt.u32 s9, $0xF7A;
	s5 =	simm.s32 @!p2 $0x0  }
0x1d: {  	s5 =	simm.s32 @p1 $0x1;
	p0 =	seq.s32 s7, s2  }
0x1e: {  	s7 =	smul.u32 @!p0 $0xF7A, s2;
	p2 =	seq.s32 @!p0 s5, $0x0  }
0x1f: {  	s9 =	smul.u32 $0xF7A, s1;
	s8 =	simm.s32 @!p0 $0x1BF5;
	p2 =	por !p2, p0  }
0x20: {  	[sflag:s8] =	ssyncset.s32 @!p0 $0xFFFFF086;
	s6 =	sadd.s32 @!p0 s3, s7;
	s7 =	simm.s32 @!p0 $0x108  }
0x21: {  	s3 =	sadd.s32 s3, s9;
	s6 =	sadd.s32 @!p0 $0x88, s6;
	s7 =	simm.s32 @p2 $0x1082  }
0x22: {  	[simem:s7], [sflag:s8] =	dma.local @!p0 [hbm:s6], $0xF7A  }
0x23: {  	s9 =	sor.u32 $0xD0000000, s2;
	s6 =	simm.s32 $0x108;
	_ =	swait.ge @!p0 [sflag:s8], $0x0  }
0x24: {  	s3 =	sadd.s32 $0x88, s3;
	s6 =	simm.s32 @!p1 $0x1082;
	[sflag:s4] =	ssyncset.s32 $0xFFFFF086  }
0x25: {  	[simem:s6], [sflag:s4] =	dma.local [hbm:s3], $0xF7A  }
0x26: {  	[smem:$0x3F9C] =	sst s1;
	(tag) =	ssettag s2;
	_ =	strace s9  }
0x27: {  	s1 =	sld [smem:$0x3FAC]  }
0x28: {  	s2 =	sld [smem:$0x3FAD]  }
0x29: {  	s4 =	sld [smem:$0x3FAF]  }
0x2a: {  	p0 =	seq.s32 s5, $0x0;
	s5 =	sld [smem:$0x3FB0]  }
0x2b: {  	s6 =	sld [smem:$0x3FB1]  }
0x2c: {  	s7 =	sld [smem:$0x3FB2]  }
0x2d: {  	s3 =	simm.s32 $0x108;
	s8 =	sld [smem:$0x3FB3]  }
0x2e: {  	s3 =	simm.s32 @!p0 $0x1082;
	s9 =	sld [smem:$0x3FB4]  }
0x2f: {  	lr =	sadd.s32 s0, s3;
	s0 =	sld [smem:$0x3FAB]  }
0x30: {  	s3 =	sld [smem:$0x3FAE]  }
0x31: {  	[smem:$0x3FB7] =	sst s10  }
0x32: {  	s10 =	sld [smem:$0x3FB5];
	_ =	sdelay $0x3  }
0x33: {  	p0 =	seq.s32 s10, $0x1;
	s10 =	sld [smem:$0x3FB7];
	_ =	sdelay $0x3  }
0x34: {  	[smem:$0x3FB7] =	sst s10  }
0x35: {  	s10 =	sld [smem:$0x3FB6];
	_ =	sdelay $0x3  }
0x36: {  	p1 =	seq.s32 s10, $0x1;
	s10 =	sld [smem:$0x3FB7];
	_ =	sdelay $0x3  }
0x37: {  	[smem:$0x3FB7] =	sst s10  }
0x38: {  	s10 =	sld [smem:$0x3FB8]  }
0x39: {  	_ = 	snop;
	(pc) =	sbr.ind lr, $3  }
0x3a: {  	_ = 	snop  }
0x3b: {  	_ = 	snop  }
0x3c: {  	p2 =	seq.s32 s10, $0x1;
	s10 =	sld [smem:$0x3FB7]  }
0x3d: {  	_ =	shalt  }
0x3e: {  	_ =	shalt  }
0x3f: {  	_ =	shalt  }
0x40: {  	_ =	shalt  }
0x41: {  	_ =	shalt  }
0x42: {  	_ =	shalt  }
0x43: {  	_ =	shalt  }
0x44: {  	_ =	shalt  }
0x45: {  	_ =	shalt  }
0x46: {  	_ =	shalt  }
0x47: {  	_ =	shalt  }
0x48: {  	_ =	shalt  }
0x49: {  	_ =	shalt  }
0x4a: {  	_ =	shalt  }
0x4b: {  	_ =	shalt  }
0x4c: {  	_ =	shalt  }
0x4d: {  	_ =	shalt  }
0x4e: {  	_ =	shalt  }
0x4f: {  	_ =	shalt  }
0x50: {  	_ =	shalt  }
0x51: {  	_ =	shalt  }
0x52: {  	_ =	shalt  }
0x53: {  	_ =	shalt  }
0x54: {  	_ =	shalt  }
0x55: {  	_ =	shalt  }
0x56: {  	_ =	shalt  }
0x57: {  	_ =	shalt  }
0x58: {  	_ =	shalt  }
0x59: {  	_ =	shalt  }
0x5a: {  	_ =	shalt  }
0x5b: {  	_ =	shalt  }
0x5c: {  	_ =	shalt  }
0x5d: {  	_ =	shalt  }
0x5e: {  	_ =	shalt  }
0x5f: {  	_ =	shalt  }
0x60: {  	_ =	shalt  }
0x61: {  	_ =	shalt  }
0x62: {  	_ =	shalt  }
0x63: {  	_ =	shalt  }
0x64: {  	_ =	shalt  }
0x65: {  	_ =	shalt  }
0x66: {  	_ =	shalt  }
0x67: {  	_ =	shalt  }
0x68: {  	_ =	shalt  }
0x69: {  	_ =	shalt  }
0x6a: {  	_ =	shalt  }
0x6b: {  	_ =	shalt  }
0x6c: {  	_ =	shalt  }
0x6d: {  	_ =	shalt  }
0x6e: {  	_ =	shalt  }
0x6f: {  	_ =	shalt  }
0x70: {  	_ =	shalt  }
0x71: {  	_ =	shalt  }
0x72: {  	_ =	shalt  }
0x73: {  	_ =	shalt  }
0x74: {  	_ =	shalt  }
0x75: {  	_ =	shalt  }
0x76: {  	_ =	shalt  }
0x77: {  	_ =	shalt  }
0x78: {  	_ =	shalt  }
0x79: {  	_ =	shalt  }
0x7a: {  	_ =	shalt  }
0x7b: {  	_ =	shalt  }
0x7c: {  	_ =	shalt  }
0x7d: {  	_ =	shalt  }
0x7e: {  	_ =	shalt  }
0x7f: {  	_ =	shalt  }
0x80: {  	_ =	shalt  }
0x81: {  	_ =	shalt  }
0x82: {  	_ =	shalt  }
0x83: {  	_ =	shalt  }
0x84: {  	_ =	shalt  }
0x85: {  	_ =	shalt  }
0x86: {  	_ =	shalt  }
0x87: {  	_ =	shalt  }
.Lfunc_end0:
.L_simem_size_0:
called_computation_lowered:
.L_overlay_start_0:
0x88: {  	s2 =	sld [smem:$0x3FD9]  }
0x89: {  	s3 =	sld [smem:$0x3FFE];
	_ =	sdelay $0x1  }
0x8a: {  	s1 =	srdreg.scid  }
0x8b: {  	s0 =	sand.u32 $0x1, s1  }
0x8c: {  	s17 =	sshll.u32 s0, $0xA;
	s2 =	sadd.s32 s3, s2  }
0x8d: {  	s2 =	sadd.s32 s2, s17  }
0x8e: {  	[smem:$0x3FC3] =	sst s2  }
0x8f: {  	_ = 	snop  }
0x90: {  	s2 =	sld [smem:$0x3FC8]  }
0x91: {  	s18 =	sld [smem:$0x3FC7]  }
0x92: {  	s4 =	sld [smem:$0x3FD0];
	(tm) =	ssettm $0x1  }
0x93: {  	s5 =	sld [smem:$0x3FFB];
	_ =	sdelay $0x3  }
0x94: {  	_ =	strace s5  }
0x95: {  	s5 =	sld [smem:$0x3FFC];
	_ =	sdelay $0x3  }
0x96: {  	_ =	strace s5  }
0x97: {  	s5 =	sld [smem:$0x3FFD];
	_ =	sdelay $0x3  }
0x98: {  	_ =	strace s5  }
0x99: {  	_ =	strace $0x8FFFFFFF  }
0x9a: {  	s19 =	sld [smem:$0x3FDB];
	_ =	sdelay $0x1  }
0x9b: {  	s6 =	simm.s32 $_scs_section_size  }
0x9c: {  	s7 =	simm.s32 $_size__tile_overlayer_lowered;
	s8 =	simm.s32 $_tile_overlayer_lowered  }
0x9d: {  	s22 =	simm.s32 $0x1BFF;
	s21 =	sshll.u32 s8, $0x1;
	s5 =	sadd.s32 s6, s19  }
0x9e: {  	s9 =	simm.s32 $0x0;
	s20 =	sshll.u32 s7, $0x1;
	s7 =	sadd.s32 s21, s5  }
0x9f: {  	[timem:s9], [sflag:s22] =	dma.local [hbm:s7], s20  }
0xa0: {  	_ =	swait.ge [sflag:s22], s20  }
0xa1: {  	s6 =	ssub.s32 $0x0, s20;
	[sflag:s22] =	ssyncset.done $0x0  }
0xa2: {  	[sflag:s22] =	ssyncadd.s32 s6;
	_ =	sdelay $0x1  }
0xa3: {  	s23 =	simm.s32 $0x1B8B  }
0xa4: {  	_ =	swait.ge [sflag:s23], $0x1  }
0xa5: {  	[sflag:s23] =	ssyncset.done $0x0  }
0xa6: {  	s25 =	simm.s32 $0x1B8E;
	s24 =	sld [smem:$0x3FFE];
	[sflag:s23] =	ssyncadd.s32 $0xFFFFFFFF  }
0xa7: {  	s26 =	simm.s32 $execute0_lowered;
	[smem:$0x3FD2] =	sst s25  }
0xa8: {  	s7 =	sshll.u32 s26, $0x1;
	_ =	strace $0x80000046;
	[dreg:$0x1] =	wrdreg $0xFFFFFFFF  }
0xa9: {  	s28 =	simm.s32 $_size_execute0_lowered;
	s5 =	sadd.s32 s5, s7;
	[dreg:$0x0] =	wrdreg $0x0  }
0xaa: {  	s7 =	sshll.u32 s28, $0x1;
	[dreg:$0x2] =	wrdreg s5  }
0xab: {  	[dreg:$0x3] =	wrdreg s7  }
0xac: {  	[dreg:$0x4] =	wrdreg $0xC0  }
0xad: {  	_ =	task [dreg:s9], $0x5FFFF  }
0xae: {  	[dreg:$0x1] =	wrdreg $0xFFFFFFFF  }
0xaf: {  	[dreg:$0x0] =	wrdreg $0x60  }
0xb0: {  	[dreg:$0x2] =	wrdreg s2  }
0xb1: {  	[dreg:$0x3] =	wrdreg s18  }
0xb2: {  	[dreg:$0x4] =	wrdreg s4  }
0xb3: {  	[dreg:$0x5] =	wrdreg s24  }
0xb4: {  	[dreg:$0x6] =	wrdreg $0x9  }
0xb5: {  	_ =	task.clear_ibuf [dreg:s9], $0x7FFFF;
	_ =	strace $0x90000046  }
0xb6: {  	s29 =	simm.s32 $0x9;
	_ =	strace $0x80000048  }
0xb7: {  	_ =	swait.ge [sflag:s29], $0x1  }
0xb8: {  	[sflag:s29] =	ssyncadd.s32 $0xFFFFFFFF  }
0xb9: {  	_ =	strace $0x90000048  }
0xba: {  	_ =	sfence  }
0xbb: {  	s30 =	sld [smem:$0x0];
	_ =	sdelay $0x2  }
0xbc: {  	s31 =	sshll.u32 s1, $0xD;
	s1 =	sshrl.u32 s1, $0x2  }
0xbd: {  	s3 =	sand.u32 $0x4000, s31;
	s1 =	sadd.s32 s1, s30  }
0xbe: {  	s0 =	sor.u32 s3, s0;
	s1 =	sshll.u32 s1, $0x11  }
0xbf: {  	s0 =	sor.u32 s1, s0  }
0xc0: {  	s0 =	sadd.s32 $0x8F2B, s0  }
0xc1: {  	[sflag:s0] =	ssyncadd.remote.s32 $0x1  }
0xc2: {  	_ =	sfence.sel $0xFFFF  }
0xc3: {  	[dreg:$0x0] =	wrdreg $0xFFFFFFFF;
	(pc) =	sbr.abs _section_cstart, $3  }
0xc4: {  	[dreg:$0x1] =	wrdreg $0xFFFFFFFF  }
0xc5: {  	_ =	task.clear_ibuf [dreg:s9], $0x2FFFF;
	_ =	strace $0x9FFFFFFF  }
0xc6: {  	(tm) =	ssettm $0x7FFFFFFF  }
0xc7: {  	_ =	shalt  }
tec
execute0_lowered:
.L_overlay_start_1:
0x0: {  	(tag) =	ssettag $0x1  }
0x1: {  	s3 =	rddreg [dreg:$0x0]  }
0x2: {  	s8 =	rddreg [dreg:$0x1]  }
0x3: {  	s7 =	rddreg [dreg:$0x2]  }
0x4: {  	s4 =	rddreg [dreg:$0x3]  }
0x5: {  	s0 =	rddreg [dreg:$0x4]  }
0x6: {  	s5 =	srdreg.scid;
	s1 =	stileid.u32  }
0x7: {  	s2 =	simm.s32 $0x0;
	s14 =	simm.s32 $0x8000;
	s15 =	simm.s32 $0x2  }
0x8: {  	s16 =	simm.s32 $0xC000;
	s17 =	simm.s32 $0x4;
	s18 =	simm.s32 $0x14000  }
0x9: {  	s19 =	simm.s32 $0x0;
	s9 =	sand.u32 $0x1, s5;
	s26 =	sshll.u32 s1, $0x1  }
0xa: {  	[smem:$0x7FF] =	sst s2;
	s13 =	sshll.u32 s1, $0x3;
	s5 =	sor.u32 s9, s26  }
0xb: {  	_ =	strace $0x80000047;
	s6 =	ssub.s32 $0x2, s9;
	s30 =	sadd.s32 s13, s8  }
0xc: {  	s31 =	sshll.u32 s9, $0x2;
	s13 =	simm.s32 $0x1;
	s10 =	sshll.u32 s5, $0x12  }
.Ltmp0:
0xd: {  	s11 =	sshll.u32 s5, $0xC;
	s28 =	sshrl.u32 s6, $0x1;
	(pc) =	sbr.rel .LBB2_1-.Ltmp0, $4  }
0xe: {  	s3 =	sadd.s32 s3, s10;
	s29 =	sadd.s32 s11, s4;
	s12 =	ssub.s32 s6, s28  }
0xf: {  	s7 =	sadd.s32 s7, s11;
	s10 =	sadd.s32 s31, s30;
	s11 =	simm.s32 $0x4000  }
0x10: {  	s4 =	sadd.s32 $0x800, s3;
	s5 =	sadd.s32 $0x1000, s3;
	s6 =	sadd.s32 $0x1800, s3  }
0x11: {  	s8 =	sadd.s32 $0x1600, s29;
	s9 =	smax.u32 s12, $0x1;
	s12 =	simm.s32 $0x3  }
.LBB2_10:
0x12: {  	[hbm4b:s7+s2] =	stream.linear.scatter [tilespmem:s16], [sflag:$0x4], $0x8000, $0x38;
	[tilespmem:$0x1C000] =	vst v63  }
0x13: {  	s19 =	sadd.s32 $0x1, s19;
	_ =	swait.ge [sflag:s17], $0x8000  }
0x14: {  	p0 =	sne.s32 s19, s9;
	[sflag:s17] =	ssyncset.done $0x0  }
.Ltmp1:
0x15: {  	[sflag:s17] =	ssyncadd.s32 $0xFFFF8000;
	(pc) =	sbr.rel @!p0 .LBB2_11-.Ltmp1, $4  }
0x16: {  	[hbm4b:s8+s2] =	stream.linear.scatter [tilespmem:s18], [sflag:$0x4], $0x8000, $0x38;
	[tilespmem:$0x1C000] =	vst v63  }
0x17: {  	_ =	swait.ge [sflag:s17], $0x8000  }
0x18: {  	[sflag:s17] =	ssyncset.done $0x0  }
0x19: {  	[sflag:s17] =	ssyncadd.s32 $0xFFFF8000  }
.LBB2_1:
0x1a: {  	s20 =	simm.s32 $0x80;
	s21 =	simm.s32 $0x8000;
	s22 =	sadd.s32 $0x0, s10  }
.LBB2_2:
0x1b: {  	[tilespmem:s21], [sflag:$0x3] =	stream.linear.gather [hbm4b:s22+s2], $0x20, $0x38;
	[tilespmem:$0x1C000] =	vst v63  }
0x1c: {  	s22 =	smov.u32 s20;
	p0 =	sne.s32 s20, $0xFF80  }
.Ltmp2:
0x1d: {  	s20 =	sadd.s32 $0x80, s20;
	(pc) =	sbr.rel @p0 .LBB2_2-.Ltmp2, $3  }
0x1e: {  	_ =	sdelay $0x1  }
0x1f: {  	s21 =	sshra.s32 s22, $0x2  }
0x20: {  	s22 =	sadd.s32 s22, s10;
	s21 =	sadd.s32 $0x8000, s21  }
0x21: {  	[tilespmem:s21], [sflag:$0x3] =	stream.linear.gather [hbm4b:s22+s2], $0x20, $0x38;
	[tilespmem:$0x1C000] =	vst v63  }
0x22: {  	s20 =	simm.s32 $0x0  }
0x23: {  	[tilespmem:s20], [sflag:$0x1] =	stream.linear.gather [hbm4b:s3+s20], $0x4000, $0x38;
	[tilespmem:$0x1C000] =	vst v63  }
0x24: {  	_ = 	snop  }
0x25: {  	[tilespmem:s11], [sflag:$0x2] =	stream.linear.gather [hbm4b:s4+s20], $0x4000, $0x38;
	[tilespmem:$0x1C000] =	vst v63  }
0x26: {  	_ =	swait.ge [sflag:s12], $0x4000  }
0x27: {  	[sflag:s12] =	ssyncset.done $0x0  }
0x28: {  	[sflag:s12] =	ssyncadd.s32 $0xFFFFC000  }
.LBB2_4:
0x29: {  	_ =	swait.ge [sflag:s13], $0x4000  }
0x2a: {  	s22 =	sshll.u32 s20, $0x9;
	s23 =	sshll.u32 s20, $0x3;
	s21 =	sshrl.u32 s20, $0x1  }
0x2b: {  	[sflag:s13] =	ssyncset.done $0x0;
	s22 =	sand.u32 $0x3FFFFC00, s22;
	s24 =	sand.u32 $0x8, s23  }
0x2c: {  	s23 =	simm.s32 $0x0;
	[sflag:s13] =	ssyncadd.s32 $0xFFFFC000;
	s22 =	sadd.s32 $0xC000, s22  }
.LBB2_5:
0x2d: {  	s25 =	sor.u32 s24, s23  }
0x2e: {  	s30 =	sshll.u32 s23, $0xC;
	s26 =	sshll.u32 s25, $0xA  }
0x2f: {  	s28 =	sadd.s32 s21, s26;
	s26 =	sand.u32 $0x3FFFF000, s30  }
0x30: {  	v21 =	vld [tilespmem:s26+$0x0]  }
0x31: {  	v28 =	vld [tilespmem:s26+$0x10]  }
0x32: {  	v36 =	vld [tilespmem:s26+$0x20]  }
0x33: {  	v31 =	vld [tilespmem:s26+$0x30]  }
0x34: {  	v37 =	vld [tilespmem:s26+$0x40]  }
0x35: {  	v33 =	vld [tilespmem:s26+$0x50]  }
0x36: {  	v41 =	vld [tilespmem:s26+$0x60]  }
0x37: {  	v58 =	vld [tilespmem:s26+$0x70]  }
0x38: {  	v18 =	vld [tilespmem:s26+$0x80]  }
0x39: {  	v30 =	vld [tilespmem:s26+$0x90]  }
0x3a: {  	v27 =	vld [tilespmem:s26+$0xA0]  }
0x3b: {  	v34 =	vld [tilespmem:s26+$0xB0]  }
0x3c: {  	v57 =	vld [tilespmem:s26+$0xC0]  }
0x3d: {  	v46 =	vld [tilespmem:s26+$0xD0]  }
0x3e: {  	v47 =	vld [tilespmem:s26+$0xE0]  }
0x3f: {  	v48 =	vld [tilespmem:s26+$0xF0]  }
0x40: {  	v51 =	vld [tilespmem:s26+$0x100]  }
0x41: {  	v6 =	vld [tilespmem:s26+$0x110]  }
0x42: {  	v63 =	vld [tilespmem:s26+$0x120]  }
0x43: {  	v7 =	vld [tilespmem:s26+$0x130]  }
0x44: {  	v2 =	vld [tilespmem:s26+$0x140]  }
0x45: {  	v25 =	vld [tilespmem:s26+$0x150]  }
0x46: {  	v26 =	vld [tilespmem:s26+$0x160]  }
0x47: {  	v29 =	vld [tilespmem:s26+$0x170]  }
0x48: {  	v35 =	vld [tilespmem:s26+$0x180]  }
0x49: {  	v38 =	vld [tilespmem:s26+$0x190]  }
0x4a: {  	v39 =	vld [tilespmem:s26+$0x1A0]  }
0x4b: {  	v40 =	vld [tilespmem:s26+$0x1B0]  }
0x4c: {  	v43 =	vld [tilespmem:s26+$0x1C0]  }
0x4d: {  	v44 =	vld [tilespmem:s26+$0x1D0]  }
0x4e: {  	v45 =	vld [tilespmem:s26+$0x1E0]  }
0x4f: {  	v49 =	vld [tilespmem:s26+$0x1F0]  }
0x50: {  	v50 =	vld [tilespmem:s26+$0x200]  }
0x51: {  	v53 =	vld [tilespmem:s26+$0x210]  }
0x52: {  	v54 =	vld [tilespmem:s26+$0x220]  }
0x53: {  	v0 =	vmov s28;
	v55 =	vld [tilespmem:s26+$0x230]  }
0x54: {  	v60 =	vld [tilespmem:s26+$0x240]  }
0x55: {  	v3 =	vld [tilespmem:s26+$0x250]  }
0x56: {  	v4 =	vld [tilespmem:s26+$0x260]  }
0x57: {  	v5 =	vld [tilespmem:s26+$0x270]  }
0x58: {  	v52 =	vld.idx.msk [tilespmem:v0+s14+$0x0], $0xffff  }
0x59: {  	[tilespmem:$0x1FA90] =	vst v38;
	v38 =	vld [tilespmem:s26+$0x2F0]  }
0x5a: {  	[tilespmem:$0x1FAB0] =	vst v40;
	v40 =	vld [tilespmem:s26+$0x310]  }
0x5b: {  	s29 =	sor.u32 $0x20, s28;
	[tilespmem:$0x1FAC0] =	vst v43;
	v43 =	vld [tilespmem:s26+$0x320]  }
0x5c: {  	s31 =	sor.u32 $0x40, s28;
	v23 =	vmov s29;
	[tilespmem:$0x1FAD0] =	vst v44;
	v44 =	vld [tilespmem:s26+$0x330]  }
0x5d: {  	s30 =	sor.u32 $0x60, s28;
	v1 =	vmov s31;
	[tilespmem:$0x1FB30] =	vst v55;
	v55 =	vld [tilespmem:s26+$0x360]  }
0x5e: {  	v24 =	vmov s30;
	[tilespmem:$0x1FB20] =	vst v54;
	v54 =	vld [tilespmem:s26+$0x370]  }
0x5f: {  	s31 =	sor.u32 $0x80, s28;
	[tilespmem:$0x1FA40] =	vst v2;
	v2 =	vld [tilespmem:s26+$0x380]  }
0x60: {  	s30 =	sor.u32 $0xA0, s28;
	v42 =	vmov s31;
	[tilespmem:$0x1FB50] =	vst v3;
	v3 =	vld [tilespmem:s26+$0x390]  }
0x61: {  	v56 =	vmov s30;
	s31 =	sor.u32 $0xC0, s28;
	v0 =	vld.idx.msk [tilespmem:v23+s14+$0x0], $0xffff  }
0x62: {  	s30 =	sor.u32 $0xE0, s28;
	v61 =	vmov s31;
	v32 =	vld.idx.msk [tilespmem:v1+s14+$0x0], $0xffff  }
0x63: {  	v62 =	vmov s30;
	s31 =	sor.u32 $0x100, s28;
	v19 =	vld.idx.msk [tilespmem:v24+s14+$0x0], $0xffff  }
0x64: {  	s30 =	sor.u32 $0x120, s28;
	v8 =	vmov s31;
	v1 =	vld [tilespmem:s26+$0x300]  }
0x65: {  	v9 =	vmov s30;
	v59 =	vld.idx.msk [tilespmem:v42+s14+$0x0], $0xffff  }
0x66: {  	[tilespmem:$0x1FB10] =	vst v53;
	v53 =	vld.idx.msk [tilespmem:v56+s14+$0x0], $0xffff  }
0x67: {  	s31 =	sor.u32 $0x140, s28;
	[tilespmem:$0x1FA70] =	vst v29;
	v29 =	vld.idx.msk [tilespmem:v61+s14+$0x0], $0xffff  }
0x68: {  	s30 =	sor.u32 $0x160, s28;
	v10 =	vmov s31;
	v16 =	vld.idx.msk [tilespmem:v62+s14+$0x0], $0xffff  }
0x69: {  	v11 =	vmov s30;
	s31 =	sor.u32 $0x180, s28;
	v15 =	vld.idx.msk [tilespmem:v8+s14+$0x0], $0xffff  }
0x6a: {  	s30 =	sor.u32 $0x1A0, s28;
	v20 =	vmov s31;
	v14 =	vld.idx.msk [tilespmem:v9+s14+$0x0], $0xffff  }
0x6b: {  	v22 =	vmov s30;
	s31 =	sor.u32 $0x1C0, s28;
	v8 =	vld [tilespmem:s26+$0x3A0]  }
0x6c: {  	s30 =	sor.u32 $0x1E0, s28;
	v23 =	vmov s31;
	v9 =	vld [tilespmem:s26+$0x3B0]  }
0x6d: {  	v24 =	vmov s30;
	v13 =	vld.idx.msk [tilespmem:v10+s14+$0x0], $0xffff  }
0x6e: {  	v12 =	vld.idx.msk [tilespmem:v11+s14+$0x0], $0xffff  }
0x6f: {  	[tilespmem:$0x1FA50] =	vst v25;
	s31 =	sor.u32 $0x200, s28;
	v11 =	vld.idx.msk [tilespmem:v20+s14+$0x0], $0xffff  }
0x70: {  	[tilespmem:$0x1FA60] =	vst v26;
	s30 =	sor.u32 $0x220, s28;
	v25 =	vmov s31;
	v10 =	vld.idx.msk [tilespmem:v22+s14+$0x0], $0xffff  }
0x71: {  	[tilespmem:$0x1FAA0] =	vst v39;
	v26 =	vmov s30;
	v39 =	vld.idx.msk [tilespmem:v23+s14+$0x0], $0xffff  }
0x72: {  	v42 =	vld.idx.msk [tilespmem:v24+s14+$0x0], $0xffff  }
0x73: {  	s31 =	sor.u32 $0x240, s28;
	v23 =	vld [tilespmem:s26+$0x2A0]  }
0x74: {  	[tilespmem:$0x1FA80] =	vst v35;
	s30 =	sor.u32 $0x260, s28;
	v35 =	vmov s31;
	v24 =	vld [tilespmem:s26+$0x2B0]  }
0x75: {  	[tilespmem:$0x1FAE0] =	vst v45;
	v17 =	vmov s30;
	v45 =	vld.idx.msk [tilespmem:v25+s14+$0x0], $0xffff  }
0x76: {  	v56 =	vld.idx.msk [tilespmem:v26+s14+$0x0], $0xffff  }
0x77: {  	v25 =	vld [tilespmem:s26+$0x2C0]  }
0x78: {  	v26 =	vld [tilespmem:s26+$0x2D0]  }
0x79: {  	[tilespmem:$0x1FB40] =	vst v60;
	v60 =	vld.idx.msk [tilespmem:v35+s14+$0x0], $0xffff  }
0x7a: {  	[tilespmem:$0x1FAF0] =	vst v49;
	s31 =	sor.u32 $0x280, s28;
	v21 =	vmul.f32 v21, v52;
	v17 =	vld.idx.msk [tilespmem:v17+s14+$0x0], $0xffff  }
0x7b: {  	[tilespmem:$0x1FB00] =	vst v50;
	s30 =	sor.u32 $0x2A0, s28;
	v49 =	vmov s31;
	v28 =	vmul.f32 v28, v52;
	v35 =	vld [tilespmem:s26+$0x2E0]  }
0x7c: {  	v50 =	vmov s30;
	v18 =	vmul.f32 v18, v0;
	v21 =	vadd.f32 $0.0e+00, v21;
	[tilespmem:$0x1FB80] =	vst v8;
	v8 =	vld [tilespmem:s26+$0x3C0]  }
0x7d: {  	v30 =	vmul.f32 v30, v0;
	v28 =	vadd.f32 $0.0e+00, v28;
	[tilespmem:$0x1FB90] =	vst v9;
	v9 =	vld [tilespmem:s26+$0x3D0]  }
0x7e: {  	s31 =	sor.u32 $0x2C0, s28;
	v18 =	vadd.f32 v18, v21;
	v21 =	vmul.f32 v36, v52;
	v36 =	vmul.f32 v37, v52;
	v37 =	vld [tilespmem:s26+$0x620]  }
0x7f: {  	s30 =	sor.u32 $0x2E0, s28;
	v20 =	vmov s31;
	v28 =	vadd.f32 v30, v28;
	v30 =	vld [tilespmem:s26+$0x650]  }
0x80: {  	v22 =	vmov s30;
	v61 =	vld.idx.msk [tilespmem:v49+s14+$0x0], $0xffff  }
0x81: {  	v62 =	vld.idx.msk [tilespmem:v50+s14+$0x0], $0xffff  }
0x82: {  	v49 =	vld [tilespmem:s26+$0x340]  }
0x83: {  	v50 =	vld [tilespmem:s26+$0x350]  }
0x84: {  	[tilespmem:$0x1FB60] =	vst v4;
	v31 =	vmul.f32 v31, v52;
	v4 =	vld.idx.msk [tilespmem:v20+s14+$0x0], $0xffff  }
0x85: {  	[tilespmem:$0x1FB70] =	vst v5;
	v27 =	vmul.f32 v27, v0;
	v5 =	vld.idx.msk [tilespmem:v22+s14+$0x0], $0xffff;
	v21 =	vadd.f32 $0.0e+00, v21  }
0x86: {  	v34 =	vmul.f32 v34, v0;
	v31 =	vadd.f32 $0.0e+00, v31;
	v20 =	vld [tilespmem:s26+$0x280]  }
0x87: {  	v22 =	vld [tilespmem:s26+$0x290];
	v21 =	vadd.f32 v27, v21  }
0x88: {  	v27 =	vadd.f32 v34, v31;
	v31 =	vmul.f32 v57, v0;
	v57 =	vmul.f32 v46, v0;
	v46 =	vld [tilespmem:$0x1FA70]  }
0x89: {  	[tilespmem:$0x1FBA0] =	vst v8;
	v8 =	vld [tilespmem:s26+$0x3E0]  }
0x8a: {  	[tilespmem:$0x1FBB0] =	vst v9;
	v9 =	vld [tilespmem:s26+$0x3F0]  }
0x8b: {  	v63 =	vmul.f32 v63, v32;
	[tilespmem:$0x1FDC0] =	vst v37;
	v37 =	vld [tilespmem:s26+$0x630]  }
0x8c: {  	[tilespmem:$0x1FDF0] =	vst v30;
	v30 =	vadd.f32 $0.0e+00, v36;
	v36 =	vmul.f32 v47, v0;
	v0 =	vmul.f32 v48, v0;
	v48 =	vld [tilespmem:s26+$0x680]  }
0x8d: {  	v33 =	vmul.f32 v33, v52;
	v47 =	vld [tilespmem:s26+$0x6E0]  }
0x8e: {  	v21 =	vadd.f32 v63, v21;
	v63 =	vld [tilespmem:s26+$0x6D0]  }
0x8f: {  	v33 =	vadd.f32 $0.0e+00, v33;
	[tilespmem:$0x1FFF0] =	vst v5;
	v5 =	vld [tilespmem:s26+$0x5F0]  }
0x90: {  	[tilespmem:$0x1FFE0] =	vst v4;
	v4 =	vld [tilespmem:s26+$0x600]  }
0x91: {  	v30 =	vadd.f32 v31, v30;
	v31 =	vadd.f32 v57, v33;
	v57 =	vld [tilespmem:s26+$0x690]  }
0x92: {  	[tilespmem:$0x1FBC0] =	vst v8;
	v8 =	vld [tilespmem:s26+$0x400]  }
0x93: {  	[tilespmem:$0x1FBD0] =	vst v9;
	v9 =	vld [tilespmem:s26+$0x410]  }
0x94: {  	[tilespmem:$0x1FDD0] =	vst v37;
	v37 =	vmul.f32 v41, v52;
	v41 =	vld [tilespmem:s26+$0x640]  }
0x95: {  	[tilespmem:$0x1FE20] =	vst v48;
	v48 =	vmul.f32 v7, v32;
	v7 =	vld [tilespmem:s26+$0x6B0]  }
0x96: {  	[tilespmem:$0x1FE60] =	vst v47;
	v47 =	vld [tilespmem:s26+$0x720]  }
0x97: {  	[tilespmem:$0x1FE50] =	vst v63;
	v63 =	vld [tilespmem:s26+$0x700]  }
0x98: {  	[tilespmem:$0x1FE30] =	vst v57;
	v57 =	vld [tilespmem:s26+$0x6C0]  }
0x99: {  	v27 =	vadd.f32 v48, v27;
	v48 =	vld [tilespmem:$0x1FA80]  }
0x9a: {  	[tilespmem:$0x1FBE0] =	vst v8;
	v8 =	vld [tilespmem:s26+$0x420]  }
0x9b: {  	[tilespmem:$0x1FBF0] =	vst v9;
	v9 =	vld [tilespmem:s26+$0x430]  }
0x9c: {  	[tilespmem:$0x1FDE0] =	vst v41;
	v41 =	vmul.f32 v58, v52;
	v52 =	vld [tilespmem:s26+$0x660]  }
0x9d: {  	v58 =	vld [tilespmem:s26+$0x670]  }
0x9e: {  	[tilespmem:$0x1FEA0] =	vst v47;
	v47 =	vld [tilespmem:$0x1FB40]  }
0x9f: {  	[tilespmem:$0x1FE80] =	vst v63;
	v63 =	vld [tilespmem:s26+$0x740]  }
0xa0: {  	[tilespmem:$0x1FE40] =	vst v57;
	v57 =	vld [tilespmem:$0x1FAA0]  }
0xa1: {  	[tilespmem:$0x1FC00] =	vst v8;
	v8 =	vld [tilespmem:s26+$0x440]  }
0xa2: {  	[tilespmem:$0x1FC10] =	vst v9;
	v9 =	vld [tilespmem:s26+$0x450]  }
0xa3: {  	[tilespmem:$0x1FE10] =	vst v58;
	v58 =	vmul.f32 v6, v32;
	v6 =	vld [tilespmem:s26+$0x6A0]  }
0xa4: {  	[tilespmem:$0x1FE00] =	vst v52;
	v52 =	vmul.f32 v51, v32;
	v51 =	vld [tilespmem:$0x1FA40]  }
0xa5: {  	[tilespmem:$0x1FEC0] =	vst v63;
	v63 =	vld [tilespmem:s26+$0x7A0]  }
0xa6: {  	v18 =	vadd.f32 v52, v18;
	v52 =	vld [tilespmem:$0x1FA50]  }
0xa7: {  	v28 =	vadd.f32 v58, v28;
	v58 =	vld [tilespmem:$0x1FA60]  }
0xa8: {  	v37 =	vadd.f32 $0.0e+00, v37;
	[tilespmem:$0x1FC20] =	vst v8;
	v8 =	vld [tilespmem:s26+$0x460]  }
0xa9: {  	v41 =	vadd.f32 $0.0e+00, v41;
	[tilespmem:$0x1FC30] =	vst v9;
	v9 =	vld [tilespmem:s26+$0x470]  }
0xaa: {  	v34 =	vadd.f32 v36, v37;
	v36 =	vmul.f32 v51, v32;
	v51 =	vld [tilespmem:$0x1FA90]  }
0xab: {  	v0 =	vadd.f32 v0, v41;
	v41 =	vmul.f32 v52, v32;
	v52 =	vld [tilespmem:s26+$0x6F0]  }
0xac: {  	v33 =	vmul.f32 v58, v32;
	v58 =	vld [tilespmem:$0x1FAB0]  }
0xad: {  	v32 =	vmul.f32 v46, v32;
	v46 =	vld [tilespmem:$0x1FAD0]  }
0xae: {  	v31 =	vadd.f32 v41, v31;
	v41 =	vld [tilespmem:s26+$0x710]  }
0xaf: {  	v33 =	vadd.f32 v33, v34;
	v34 =	vmul.f32 v48, v19;
	v48 =	vld [tilespmem:$0x1FAE0]  }
0xb0: {  	v0 =	vadd.f32 v32, v0;
	v32 =	vmul.f32 v57, v19;
	v57 =	vld [tilespmem:$0x1FB00]  }
0xb1: {  	[tilespmem:$0x1FC40] =	vst v8;
	v8 =	vld [tilespmem:s26+$0x480]  }
0xb2: {  	v30 =	vadd.f32 v36, v30;
	[tilespmem:$0x1FC50] =	vst v9;
	v9 =	vld [tilespmem:s26+$0x490];
	v36 =	vmul.f32 v51, v19  }
0xb3: {  	v51 =	vld [tilespmem:$0x1FAF0]  }
0xb4: {  	v28 =	vadd.f32 v36, v28;
	v36 =	vld [tilespmem:$0x1FAC0]  }
0xb5: {  	[tilespmem:$0x1FE70] =	vst v52;
	v52 =	vld [tilespmem:s26+$0x730]  }
0xb6: {  	v37 =	vmul.f32 v58, v19;
	v58 =	vld [tilespmem:$0x1FB10]  }
0xb7: {  	v21 =	vadd.f32 v32, v21;
	v32 =	vmul.f32 v46, v19;
	v46 =	vld [tilespmem:s26+$0x760]  }
0xb8: {  	v27 =	vadd.f32 v37, v27;
	v37 =	vld [tilespmem:s26+$0x750]  }
0xb9: {  	[tilespmem:$0x1FE90] =	vst v41;
	v41 =	vld [tilespmem:$0x1FB30]  }
0xba: {  	v31 =	vadd.f32 v32, v31;
	v32 =	vmul.f32 v57, v59;
	v57 =	vld [tilespmem:$0x1FB70]  }
0xbb: {  	[tilespmem:$0x1FC60] =	vst v8;
	v8 =	vld [tilespmem:s26+$0x4A0]  }
0xbc: {  	[tilespmem:$0x1FC70] =	vst v9;
	v9 =	vld [tilespmem:s26+$0x4B0]  }
0xbd: {  	v18 =	vadd.f32 v34, v18;
	v34 =	vmul.f32 v36, v19;
	[tilespmem:$0x1FEB0] =	vst v52;
	v52 =	vld [tilespmem:$0x1FB60]  }
0xbe: {  	v36 =	vmul.f32 v58, v59;
	v58 =	vld [tilespmem:s26+$0x780]  }
0xbf: {  	v30 =	vadd.f32 v34, v30;
	v34 =	vmul.f32 v48, v19;
	v48 =	vld [tilespmem:$0x1FB50]  }
0xc0: {  	v19 =	vmul.f32 v51, v19;
	v51 =	vld [tilespmem:s26+$0x770]  }
0xc1: {  	v18 =	vadd.f32 v32, v18;
	v32 =	vmul.f32 v41, v59;
	v41 =	vmul.f32 v25, v53;
	v25 =	vld [tilespmem:s26+$0x850]  }
0xc2: {  	v28 =	vadd.f32 v36, v28;
	v36 =	vmul.f32 v57, v59;
	v57 =	vld [tilespmem:s26+$0x860]  }
0xc3: {  	[tilespmem:$0x1FC80] =	vst v8;
	v8 =	vld [tilespmem:s26+$0x4C0]  }
0xc4: {  	[tilespmem:$0x1FC90] =	vst v9;
	v9 =	vld [tilespmem:s26+$0x4D0]  }
0xc5: {  	v33 =	vadd.f32 v34, v33;
	v34 =	vld [tilespmem:$0x1FB20]  }
0xc6: {  	[tilespmem:$0x1FED0] =	vst v37;
	v27 =	vadd.f32 v32, v27;
	v32 =	vmul.f32 v52, v59;
	v52 =	vld [tilespmem:s26+$0x7B0]  }
0xc7: {  	[tilespmem:$0x1FF00] =	vst v58;
	v58 =	vld [tilespmem:$0x1FBA0]  }
0xc8: {  	[tilespmem:$0x1FEF0] =	vst v51;
	v51 =	vmul.f32 v35, v53;
	v35 =	vld [tilespmem:s26+$0x7F0]  }
0xc9: {  	[tilespmem:$0x1FF90] =	vst v57;
	v57 =	vld [tilespmem:s26+$0x8B0]  }
0xca: {  	v37 =	vmul.f32 v24, v53;
	[tilespmem:$0x1FCA0] =	vst v8;
	v8 =	vld [tilespmem:s26+$0x4E0]  }
0xcb: {  	v0 =	vadd.f32 v19, v0;
	[tilespmem:$0x1FCB0] =	vst v9;
	v9 =	vld [tilespmem:s26+$0x4F0];
	v19 =	vmul.f32 v34, v59  }
0xcc: {  	v34 =	vmul.f32 v48, v59;
	v48 =	vadd.f32 v37, v27;
	v37 =	vmul.f32 v44, v29;
	v44 =	vld [tilespmem:s26+$0x820]  }
0xcd: {  	v19 =	vadd.f32 v19, v21;
	v21 =	vmul.f32 v47, v59;
	v59 =	vld [tilespmem:s26+$0x790]  }
0xce: {  	v47 =	vld [tilespmem:s26+$0x7C0]  }
0xcf: {  	[tilespmem:$0x1FCC0] =	vst v8;
	v8 =	vld [tilespmem:s26+$0x500]  }
0xd0: {  	v0 =	vadd.f32 v36, v0;
	v36 =	vmul.f32 v23, v53;
	[tilespmem:$0x1FCD0] =	vst v9;
	v9 =	vld [tilespmem:s26+$0x510];
	v21 =	vadd.f32 v21, v30  }
0xd1: {  	[tilespmem:$0x1FEE0] =	vst v46;
	v46 =	vmul.f32 v26, v53;
	v30 =	vadd.f32 v34, v31;
	v31 =	vadd.f32 v32, v33;
	v32 =	vld [tilespmem:s26+$0x7E0]  }
0xd2: {  	v19 =	vadd.f32 v36, v19;
	v36 =	vmul.f32 v43, v29;
	v43 =	vmul.f32 v50, v29;
	v50 =	vld [tilespmem:s26+$0x840]  }
0xd3: {  	[tilespmem:$0x1FF20] =	vst v63;
	v63 =	vadd.f32 v46, v30;
	v30 =	vmul.f32 v38, v53;
	v38 =	vld [tilespmem:s26+$0x800]  }
0xd4: {  	v20 =	vmul.f32 v20, v53;
	v23 =	vadd.f32 v51, v31;
	v51 =	vld [tilespmem:$0x1FB80]  }
0xd5: {  	v33 =	vmul.f32 v1, v29;
	v21 =	vadd.f32 v41, v21;
	v41 =	vadd.f32 v36, v19;
	v19 =	vld [tilespmem:$0x1FBB0]  }
0xd6: {  	v34 =	vmul.f32 v40, v29;
	v40 =	vmul.f32 v49, v29;
	[tilespmem:$0x1FF10] =	vst v59;
	v59 =	vld [tilespmem:s26+$0x7D0]  }
0xd7: {  	v46 =	vmul.f32 v55, v29;
	[tilespmem:$0x1FF30] =	vst v47;
	v47 =	vmul.f32 v54, v29;
	v29 =	vld [tilespmem:s26+$0x830]  }
0xd8: {  	v18 =	vadd.f32 v20, v18;
	v54 =	vld [tilespmem:$0x1FB90]  }
0xd9: {  	v22 =	vmul.f32 v22, v53;
	v20 =	vadd.f32 v37, v48;
	v21 =	vadd.f32 v40, v21;
	v40 =	vld [tilespmem:$0x1FBC0]  }
0xda: {  	v48 =	vmul.f32 v2, v16;
	v18 =	vadd.f32 v33, v18;
	v24 =	vadd.f32 v43, v63;
	v43 =	vld [tilespmem:$0x1FBD0]  }
0xdb: {  	v22 =	vadd.f32 v22, v28;
	v23 =	vadd.f32 v46, v23;
	v46 =	vld [tilespmem:$0x1FBE0]  }
0xdc: {  	v53 =	vadd.f32 v48, v18;
	v18 =	vld [tilespmem:s26+$0x890]  }
0xdd: {  	v49 =	vmul.f32 v3, v16;
	v22 =	vadd.f32 v34, v22;
	v48 =	vld [tilespmem:$0x1FBF0]  }
0xde: {  	v63 =	vmul.f32 v58, v16;
	v58 =	vld [tilespmem:$0x1FC20]  }
0xdf: {  	v0 =	vadd.f32 v30, v0;
	v30 =	vadd.f32 v49, v22;
	v22 =	vld [tilespmem:$0x1FC90]  }
0xe0: {  	[tilespmem:$0x1FCE0] =	vst v8;
	v8 =	vld [tilespmem:s26+$0x520]  }
0xe1: {  	[tilespmem:$0x1FCF0] =	vst v9;
	v9 =	vld [tilespmem:s26+$0x530]  }
0xe2: {  	[tilespmem:$0x1FF40] =	vst v32;
	v32 =	vld [tilespmem:s26+$0x810]  }
0xe3: {  	[tilespmem:$0x1FF80] =	vst v50;
	v50 =	vld [tilespmem:s26+$0x8A0]  }
0xe4: {  	v36 =	vadd.f32 v63, v21;
	v21 =	vld [tilespmem:s26+$0x8F0]  }
0xe5: {  	v26 =	vmul.f32 v19, v16;
	v19 =	vld [tilespmem:s26+$0x870]  }
0xe6: {  	v28 =	vadd.f32 v47, v0;
	v0 =	vmul.f32 v51, v16;
	v51 =	vld [tilespmem:$0x1FC00]  }
0xe7: {  	v55 =	vmul.f32 v54, v16;
	v54 =	vld [tilespmem:$0x1FC10]  }
0xe8: {  	[tilespmem:$0x1FF70] =	vst v44;
	v27 =	vadd.f32 v0, v41;
	v41 =	vmul.f32 v40, v16;
	v44 =	vmul.f32 v43, v16;
	v16 =	vld [tilespmem:s26+$0x880]  }
0xe9: {  	v63 =	vmul.f32 v58, v15;
	v58 =	vld [tilespmem:$0x1FC80]  }
0xea: {  	v33 =	vadd.f32 v26, v24;
	v24 =	vld [tilespmem:s26+$0x900]  }
0xeb: {  	[tilespmem:$0x1FD00] =	vst v8;
	v8 =	vld [tilespmem:s26+$0x540]  }
0xec: {  	[tilespmem:$0x1FD10] =	vst v9;
	v9 =	vld [tilespmem:s26+$0x550]  }
0xed: {  	v34 =	vadd.f32 v55, v20;
	v20 =	vld [tilespmem:s26+$0x8C0]  }
0xee: {  	v47 =	vmul.f32 v46, v15;
	[tilespmem:$0x1FFA0] =	vst v50;
	v50 =	vld [tilespmem:$0x1FC50]  }
0xef: {  	v49 =	vmul.f32 v48, v15;
	v28 =	vadd.f32 v44, v28;
	v44 =	vld [tilespmem:$0x1FC30]  }
0xf0: {  	v31 =	vadd.f32 v47, v53;
	v47 =	vld [tilespmem:$0x1FC40];
	v53 =	vmul.f32 v51, v15  }
0xf1: {  	v30 =	vadd.f32 v49, v30;
	v49 =	vld [tilespmem:s26+$0x8D0]  }
0xf2: {  	[tilespmem:$0x1FF50] =	vst v35;
	v35 =	vadd.f32 v53, v27;
	v53 =	vld [tilespmem:$0x1FC60]  }
0xf3: {  	v36 =	vadd.f32 v63, v36;
	v63 =	vmul.f32 v58, v14;
	v58 =	vld [tilespmem:$0x1FCE0]  }
0xf4: {  	v55 =	vmul.f32 v54, v15;
	[tilespmem:$0x1FD20] =	vst v8;
	v8 =	vld [tilespmem:s26+$0x560]  }
0xf5: {  	[tilespmem:$0x1FD30] =	vst v9;
	v9 =	vld [tilespmem:s26+$0x570]  }
0xf6: {  	v34 =	vadd.f32 v55, v34;
	v51 =	vmul.f32 v50, v15;
	v55 =	vld [tilespmem:$0x1FC70]  }
0xf7: {  	v46 =	vmul.f32 v44, v15;
	v48 =	vmul.f32 v47, v15;
	v15 =	vld [tilespmem:s26+$0x8E0]  }
0xf8: {  	v47 =	vld [tilespmem:$0x1FCA0]  }
0xf9: {  	[tilespmem:$0x1FFC0] =	vst v49;
	v49 =	vld [tilespmem:$0x1FCB0]  }
0xfa: {  	v37 =	vadd.f32 v51, v28;
	v51 =	vld [tilespmem:$0x1FCC0]  }
0xfb: {  	v23 =	vadd.f32 v41, v23;
	[tilespmem:$0x1FD40] =	vst v8;
	v8 =	vld [tilespmem:s26+$0x580]  }
0xfc: {  	[tilespmem:$0x1FFB0] =	vst v57;
	v57 =	vmul.f32 v55, v14;
	v55 =	vld [tilespmem:$0x1FCD0]  }
0xfd: {  	[tilespmem:$0x1FF60] =	vst v38;
	v28 =	vld [tilespmem:s26+$0x930];
	v38 =	vadd.f32 v48, v23;
	v23 =	vmul.f32 v22, v14  }
0xfe: {  	v54 =	vmul.f32 v53, v14;
	[tilespmem:$0x1FD50] =	vst v9;
	v9 =	vld [tilespmem:s26+$0x590]  }
0xff: {  	v35 =	vadd.f32 v63, v35;
	v63 =	vmul.f32 v58, v13;
	v41 =	vadd.f32 v23, v34;
	v23 =	vld [tilespmem:$0x1FD00]  }
0x100: {  	v26 =	vadd.f32 v54, v31;
	v48 =	vmul.f32 v47, v14;
	v50 =	vmul.f32 v49, v14;
	[tilespmem:$0x1FD60] =	vst v8;
	v8 =	vld [tilespmem:s26+$0x5A0]  }
0x101: {  	v40 =	vadd.f32 v57, v30;
	v54 =	vmul.f32 v51, v14;
	v57 =	vmul.f32 v55, v14;
	v14 =	vld [tilespmem:$0x1FCF0]  }
0x102: {  	v44 =	vadd.f32 v63, v26;
	v26 =	vld [tilespmem:$0x1FD10]  }
0x103: {  	v33 =	vadd.f32 v46, v33;
	v46 =	vadd.f32 v57, v37;
	v57 =	vld [tilespmem:$0x1FD30]  }
0x104: {  	[tilespmem:$0x1FD70] =	vst v9;
	v9 =	vld [tilespmem:s26+$0x5B0]  }
0x105: {  	v38 =	vadd.f32 v54, v38;
	v54 =	vld [tilespmem:$0x1FD20]  }
0x106: {  	[tilespmem:$0x1FD80] =	vst v8;
	v8 =	vld [tilespmem:s26+$0x5C0];
	v22 =	vmul.f32 v14, v13  }
0x107: {  	v63 =	vld [tilespmem:$0x1FD40]  }
0x108: {  	v47 =	vadd.f32 v50, v33;
	v40 =	vadd.f32 v22, v40;
	v58 =	vmul.f32 v57, v13;
	v22 =	vld [tilespmem:$0x1FD50]  }
0x109: {  	[tilespmem:$0x1FD90] =	vst v9;
	v9 =	vld [tilespmem:s26+$0x5D0]  }
0x10a: {  	v43 =	vadd.f32 v48, v36;
	v55 =	vmul.f32 v54, v13;
	v47 =	vadd.f32 v58, v47;
	v58 =	vld [tilespmem:$0x1FD70]  }
0x10b: {  	[tilespmem:$0x1FDA0] =	vst v8;
	v8 =	vld [tilespmem:s26+$0x5E0]  }
0x10c: {  	[tilespmem:$0x1FFD0] =	vst v24;
	v24 =	vmul.f32 v23, v13;
	v27 =	vmul.f32 v26, v13;
	v54 =	vadd.f32 v55, v43;
	v55 =	vld [tilespmem:$0x1FD60]  }
0x10d: {  	v14 =	vmul.f32 v63, v13;
	v23 =	vmul.f32 v22, v13;
	v13 =	vld [tilespmem:$0x1FD80]  }
0x10e: {  	[tilespmem:$0x1FDB0] =	vst v9;
	v9 =	vld [tilespmem:s26+$0x610]  }
0x10f: {  	v48 =	vadd.f32 v24, v35;
	v24 =	vld [tilespmem:$0x1FDA0];
	v63 =	vmul.f32 v58, v12  }
0x110: {  	v2 =	vmul.f32 v8, v12;
	v8 =	vld [tilespmem:$0x1FDC0]  }
0x111: {  	v50 =	vadd.f32 v63, v40;
	v63 =	vld [tilespmem:$0x1FDB0]  }
0x112: {  	v49 =	vadd.f32 v14, v38;
	v14 =	vmul.f32 v13, v12;
	v13 =	vld [tilespmem:$0x1FDE0]  }
0x113: {  	v3 =	vmul.f32 v5, v12;
	v22 =	vld [tilespmem:$0x1FD90]  }
0x114: {  	v53 =	vld [tilespmem:s26+$0x910];
	v57 =	vmul.f32 v55, v12;
	v5 =	vmul.f32 v9, v11  }
0x115: {  	v34 =	vld [tilespmem:s26+$0x960]  }
0x116: {  	v51 =	vadd.f32 v57, v44;
	v1 =	vmul.f32 v63, v12;
	v63 =	vadd.f32 v5, v50;
	v5 =	vld [tilespmem:$0x1FE00]  }
0x117: {  	v48 =	vadd.f32 v14, v48;
	v9 =	vmul.f32 v8, v11;
	v14 =	vmul.f32 v13, v11;
	v13 =	vld [tilespmem:$0x1FE20]  }
0x118: {  	v46 =	vadd.f32 v23, v46;
	v26 =	vmul.f32 v24, v12;
	v23 =	vmul.f32 v22, v12;
	v12 =	vld [tilespmem:$0x1FDD0]  }
0x119: {  	v57 =	vadd.f32 v1, v47;
	v1 =	vadd.f32 v9, v48;
	v9 =	vld [tilespmem:$0x1FE10]  }
0x11a: {  	v22 =	vld [tilespmem:$0x1FDF0];
	v54 =	vadd.f32 v26, v54  }
0x11b: {  	v31 =	vld [tilespmem:s26+$0x940];
	v58 =	vadd.f32 v2, v49;
	v8 =	vmul.f32 v5, v11  }
0x11c: {  	v54 =	vadd.f32 v14, v54;
	v14 =	vmul.f32 v13, v10;
	v13 =	vld [tilespmem:$0x1FE60]  }
0x11d: {  	v4 =	vmul.f32 v4, v11;
	v41 =	vadd.f32 v27, v41;
	v58 =	vadd.f32 v8, v58;
	v8 =	vld [tilespmem:$0x1FE40]  }
0x11e: {  	v30 =	vld [tilespmem:s26+$0x920];
	v2 =	vadd.f32 v3, v46;
	v0 =	vmul.f32 v12, v11;
	v12 =	vmul.f32 v9, v11  }
0x11f: {  	v51 =	vadd.f32 v4, v51;
	v55 =	vadd.f32 v23, v41;
	v23 =	vmul.f32 v22, v11;
	v22 =	vld [tilespmem:$0x1FE30]  }
0x120: {  	v2 =	vadd.f32 v12, v2;
	v12 =	vld [tilespmem:$0x1FE50]  }
0x121: {  	v3 =	vadd.f32 v14, v51;
	v14 =	vmul.f32 v13, v10;
	v13 =	vld [tilespmem:$0x1FEA0]  }
0x122: {  	v11 =	vmul.f32 v8, v10;
	v8 =	vld [tilespmem:$0x1FE70]  }
0x123: {  	v33 =	vld [tilespmem:s26+$0x950]  }
0x124: {  	v7 =	vmul.f32 v7, v10;
	v36 =	vld [tilespmem:s26+$0x970];
	v4 =	vadd.f32 v0, v55;
	v0 =	vmul.f32 v22, v10  }
0x125: {  	v57 =	vadd.f32 v23, v57;
	v23 =	vmul.f32 v6, v10;
	v55 =	vadd.f32 v11, v54;
	v11 =	vld [tilespmem:$0x1FE90]  }
0x126: {  	v6 =	vadd.f32 v0, v63;
	v63 =	vadd.f32 v14, v58;
	v14 =	vmul.f32 v13, v39;
	v13 =	vld [tilespmem:$0x1FED0]  }
0x127: {  	v9 =	vadd.f32 v23, v1;
	v0 =	vmul.f32 v12, v10;
	v1 =	vmul.f32 v8, v10;
	v10 =	vld [tilespmem:$0x1FE80]  }
0x128: {  	v37 =	vld [tilespmem:s26+$0x990]  }
0x129: {  	v35 =	vld [tilespmem:s26+$0x9A0]  }
0x12a: {  	v27 =	vld [tilespmem:s26+$0x980];
	v5 =	vadd.f32 v7, v4  }
0x12b: {  	v43 =	vld [tilespmem:s26+$0x9C0];
	v4 =	vadd.f32 v0, v57;
	v7 =	vadd.f32 v1, v2;
	v1 =	vmul.f32 v13, v39  }
0x12c: {  	v12 =	vmul.f32 v11, v39;
	v11 =	vld [tilespmem:$0x1FEB0];
	v0 =	vmul.f32 v10, v39  }
0x12d: {  	v8 =	vadd.f32 v1, v4;
	v4 =	vld [tilespmem:$0x1FEF0]  }
0x12e: {  	v10 =	vadd.f32 v0, v3;
	v3 =	vadd.f32 v14, v9;
	v14 =	vld [tilespmem:$0x1FEE0]  }
0x12f: {  	v6 =	vadd.f32 v12, v6;
	v12 =	vld [tilespmem:$0x1FEC0]  }
0x130: {  	v38 =	vld [tilespmem:s26+$0x9B0]  }
0x131: {  	v44 =	vld [tilespmem:s26+$0x9D0]  }
0x132: {  	v40 =	vld [tilespmem:s26+$0x9F0];
	v0 =	vmul.f32 v11, v39  }
0x133: {  	v24 =	vld [tilespmem:s26+$0xA30];
	v11 =	vmul.f32 v4, v39;
	v9 =	vmul.f32 v14, v39  }
0x134: {  	v2 =	vmul.f32 v12, v39;
	v12 =	vld [tilespmem:$0x1FF00]  }
0x135: {  	v63 =	vadd.f32 v9, v63;
	v9 =	vadd.f32 v11, v7;
	v11 =	vld [tilespmem:$0x1FF30]  }
0x136: {  	v46 =	vld [tilespmem:s26+$0xA10]  }
0x137: {  	v49 =	vld [tilespmem:s26+$0xA40]  }
0x138: {  	v7 =	vld [tilespmem:$0x1FF20]  }
0x139: {  	v26 =	vld [tilespmem:s26+$0x9E0]  }
0x13a: {  	v39 =	vmul.f32 v12, v42;
	v12 =	vmul.f32 v11, v42;
	v11 =	vld [tilespmem:$0x1FF40]  }
0x13b: {  	v41 =	vld [tilespmem:s26+$0xA00]  }
0x13c: {  	v50 =	vld [tilespmem:s26+$0xA50]  }
0x13d: {  	v47 =	vld [tilespmem:s26+$0xA20];
	v7 =	vmul.f32 v7, v42  }
0x13e: {  	v48 =	vld [tilespmem:s26+$0xA60]  }
0x13f: {  	v23 =	vld [tilespmem:s26+$0xA80];
	v3 =	vadd.f32 v7, v3;
	v7 =	vmul.f32 v11, v42  }
0x140: {  	v11 =	vld [tilespmem:$0x1FF60]  }
0x141: {  	v63 =	vadd.f32 v7, v63;
	v7 =	vld [tilespmem:$0x1FF70]  }
0x142: {  	v13 =	vld [tilespmem:$0x1FF10];
	v1 =	vmul.f32 v52, v42;
	v5 =	vadd.f32 v0, v5  }
0x143: {  	v22 =	vld [tilespmem:s26+$0xAC0]  }
0x144: {  	v51 =	vld [tilespmem:s26+$0xA70];
	v5 =	vadd.f32 v1, v5;
	v1 =	vmul.f32 v59, v42  }
0x145: {  	v58 =	vld [tilespmem:s26+$0xAB0]  }
0x146: {  	v54 =	vld [tilespmem:s26+$0xA90];
	v8 =	vadd.f32 v1, v8;
	v1 =	vmul.f32 v11, v45;
	v11 =	vmul.f32 v7, v45  }
0x147: {  	v57 =	vld [tilespmem:s26+$0xAA0];
	v0 =	vmul.f32 v13, v42  }
0x148: {  	v3 =	vadd.f32 v11, v3;
	v11 =	vld [tilespmem:$0x1FF80]  }
0x149: {  	v52 =	vld [tilespmem:s26+$0xB00];
	v4 =	vadd.f32 v0, v6;
	v0 =	vmul.f32 v32, v45  }
0x14a: {  	v13 =	vld [tilespmem:s26+$0xAF0];
	v2 =	vadd.f32 v2, v55  }
0x14b: {  	v55 =	vld [tilespmem:s26+$0xAE0];
	v0 =	vadd.f32 v0, v4;
	v4 =	vmul.f32 v29, v45;
	v10 =	vadd.f32 v39, v10  }
0x14c: {  	v59 =	vld [tilespmem:s26+$0xB20]  }
0x14d: {  	v1 =	vadd.f32 v1, v10;
	v10 =	vmul.f32 v11, v45;
	v11 =	vadd.f32 v4, v5;
	v5 =	vld [tilespmem:$0x1FF90]  }
0x14e: {  	v6 =	vadd.f32 v12, v2;
	v12 =	vld [tilespmem:$0x1FF50]  }
0x14f: {  	v32 =	vld [tilespmem:s26+$0xB40]  }
0x150: {  	v14 =	vld [tilespmem:s26+$0xAD0]  }
0x151: {  	v29 =	vld [tilespmem:s26+$0xB60]  }
0x152: {  	v39 =	vld [tilespmem:s26+$0xB10];
	v5 =	vmul.f32 v5, v45  }
0x153: {  	v2 =	vmul.f32 v16, v56;
	v16 =	vld [tilespmem:s26+$0xB90];
	v42 =	vmul.f32 v12, v42  }
0x154: {  	v5 =	vadd.f32 v5, v63;
	v63 =	vld [tilespmem:$0x1FFA0]  }
0x155: {  	v19 =	vmul.f32 v19, v45;
	v12 =	vld [tilespmem:s26+$0xB30];
	v9 =	vadd.f32 v42, v9  }
0x156: {  	v42 =	vld [tilespmem:s26+$0xB50];
	v7 =	vmul.f32 v25, v45  }
0x157: {  	v9 =	vadd.f32 v19, v9;
	v19 =	vld [tilespmem:s26+$0xBB0]  }
0x158: {  	v25 =	vld [tilespmem:s26+$0xB70];
	v7 =	vadd.f32 v7, v8;
	v6 =	vadd.f32 v10, v6;
	v10 =	vmul.f32 v18, v56  }
0x159: {  	v4 =	vadd.f32 v2, v1;
	v1 =	vmul.f32 v20, v56;
	v20 =	vld [tilespmem:s26+$0xBC0];
	v8 =	vmul.f32 v63, v56  }
0x15a: {  	v10 =	vadd.f32 v10, v0;
	v0 =	vld [tilespmem:$0x1FFB0]  }
0x15b: {  	s31 =	sor.u32 $0x300, s28;
	v3 =	vadd.f32 v8, v3;
	v8 =	vld [tilespmem:$0x1FFC0]  }
0x15c: {  	v2 =	vmul.f32 v15, v56;
	v15 =	vld [tilespmem:s26+$0xBD0];
	v63 =	vmov s31  }
0x15d: {  	v18 =	vld [tilespmem:s26+$0xBA0]  }
0x15e: {  	v30 =	vmul.f32 v30, v60;
	v1 =	vadd.f32 v1, v6;
	v6 =	vld [tilespmem:s26+$0xBE0]  }
0x15f: {  	v45 =	vld [tilespmem:s26+$0xB80];
	v0 =	vmul.f32 v0, v56  }
0x160: {  	v3 =	vadd.f32 v30, v3;
	v30 =	vld [tilespmem:s26+$0xC10];
	v8 =	vmul.f32 v8, v56  }
0x161: {  	v53 =	vmul.f32 v53, v60;
	v11 =	vadd.f32 v0, v11;
	v0 =	vld.idx.msk [tilespmem:v63+s14+$0x0], $0xffff;
	v56 =	vmul.f32 v21, v56  }
0x162: {  	v63 =	vmul.f32 v31, v60;
	v21 =	vld [tilespmem:$0x1FFD0];
	v7 =	vadd.f32 v8, v7  }
0x163: {  	v31 =	vld [tilespmem:s26+$0xC00];
	v8 =	vadd.f32 v56, v9;
	v9 =	vadd.f32 v53, v10;
	v53 =	vmul.f32 v33, v60  }
0x164: {  	v1 =	vadd.f32 v63, v1;
	v63 =	vmul.f32 v36, v60;
	v36 =	vld [tilespmem:s26+$0xC40]  }
0x165: {  	v56 =	vmul.f32 v28, v60;
	v28 =	vld [tilespmem:s26+$0xC20];
	v7 =	vadd.f32 v53, v7  }
0x166: {  	v33 =	vld [tilespmem:s26+$0xC30];
	v53 =	vmul.f32 v27, v17;
	v8 =	vadd.f32 v63, v8;
	v63 =	vmul.f32 v38, v17  }
0x167: {  	v2 =	vadd.f32 v2, v5;
	v38 =	vmul.f32 v43, v17;
	v27 =	vld [tilespmem:s26+$0xC60];
	v5 =	vmul.f32 v21, v60  }
0x168: {  	v43 =	vmul.f32 v44, v17;
	v44 =	vmul.f32 v41, v61;
	v41 =	vld [tilespmem:s26+$0xCE0]  }
0x169: {  	v21 =	vld [tilespmem:s26+$0xBF0];
	v1 =	vadd.f32 v38, v1;
	v4 =	vadd.f32 v5, v4  }
0x16a: {  	v38 =	vld [tilespmem:s26+$0xC80];
	v5 =	vadd.f32 v56, v11;
	v56 =	vmul.f32 v34, v60;
	v60 =	vmul.f32 v35, v17  }
0x16b: {  	v26 =	vmul.f32 v26, v17;
	v7 =	vadd.f32 v43, v7;
	v43 =	vld [tilespmem:s26+$0xCC0]  }
0x16c: {  	v35 =	vld [tilespmem:s26+$0xC70];
	v2 =	vadd.f32 v56, v2;
	v56 =	vmul.f32 v37, v17;
	v3 =	vadd.f32 v60, v3  }
0x16d: {  	s31 =	sor.u32 $0x340, s28;
	v37 =	vld [tilespmem:s26+$0xC50];
	v5 =	vadd.f32 v63, v5;
	v60 =	vmul.f32 v49, v61;
	v49 =	vmul.f32 v50, v61  }
0x16e: {  	v63 =	vmov s31;
	v50 =	vmul.f32 v48, v61;
	v48 =	vmul.f32 v33, v0;
	v33 =	vld [tilespmem:s26+$0xE40]  }
0x16f: {  	v46 =	vmul.f32 v46, v61;
	v11 =	vadd.f32 v53, v4;
	v2 =	vadd.f32 v26, v2;
	v26 =	vld [tilespmem:s26+$0xC90]  }
0x170: {  	s30 =	sor.u32 $0x320, s28;
	v17 =	vmul.f32 v40, v17;
	v9 =	vadd.f32 v56, v9;
	v56 =	vmul.f32 v24, v61;
	v24 =	vld [tilespmem:s26+$0xCA0]  }
0x171: {  	v23 =	vmul.f32 v23, v62;
	v34 =	vmov s30;
	v10 =	vadd.f32 v44, v11;
	v44 =	vld [tilespmem:s26+$0xCD0]  }
0x172: {  	v22 =	vmul.f32 v22, v62;
	v57 =	vmul.f32 v57, v62;
	v8 =	vadd.f32 v17, v8;
	v17 =	vld [tilespmem:s26+$0xD20]  }
0x173: {  	v14 =	vmul.f32 v14, v62;
	v53 =	vmul.f32 v47, v61;
	v40 =	vld.idx.msk [tilespmem:v63+s14+$0x0], $0xffff  }
0x174: {  	v28 =	vmul.f32 v28, v0;
	v27 =	vmul.f32 v27, v0;
	v63 =	vld [tilespmem:$0x1FFE0]  }
0x175: {  	v3 =	vadd.f32 v53, v3;
	v1 =	vadd.f32 v60, v1;
	v53 =	vmul.f32 v51, v61;
	v11 =	vld [tilespmem:s26+$0xE70]  }
0x176: {  	v7 =	vadd.f32 v49, v7;
	v60 =	vmul.f32 v58, v62;
	v61 =	vmul.f32 v55, v62;
	v4 =	vld.idx.msk [tilespmem:v34+s14+$0x0], $0xffff  }
0x177: {  	v34 =	vld [tilespmem:s26+$0xCB0];
	v9 =	vadd.f32 v46, v9;
	v5 =	vadd.f32 v56, v5;
	v56 =	vmul.f32 v54, v62  }
0x178: {  	s30 =	sor.u32 $0x360, s28;
	v2 =	vadd.f32 v50, v2;
	v10 =	vadd.f32 v23, v10;
	v23 =	vld [tilespmem:s26+$0xCF0];
	v62 =	vmul.f32 v13, v62  }
0x179: {  	v50 =	vmov s30;
	v9 =	vadd.f32 v56, v9;
	v56 =	vld [tilespmem:$0x1FFF0];
	v47 =	vmul.f32 v52, v63  }
0x17a: {  	v8 =	vadd.f32 v53, v8;
	v46 =	vld [tilespmem:s26+$0xD00];
	v49 =	vmul.f32 v39, v63;
	v51 =	vmul.f32 v59, v63  }
0x17b: {  	v3 =	vadd.f32 v57, v3;
	v13 =	vld [tilespmem:s26+$0xD10];
	v12 =	vmul.f32 v12, v63;
	v52 =	vmul.f32 v32, v63  }
0x17c: {  	v1 =	vadd.f32 v22, v1;
	v22 =	vld [tilespmem:s26+$0xD30];
	v53 =	vmul.f32 v42, v63;
	v54 =	vmul.f32 v29, v63  }
0x17d: {  	v7 =	vadd.f32 v14, v7;
	v14 =	vld [tilespmem:s26+$0xD60];
	v55 =	vmul.f32 v25, v63;
	v39 =	vmul.f32 v31, v0  }
0x17e: {  	s31 =	sor.u32 $0x380, s28;
	v8 =	vadd.f32 v62, v8;
	v29 =	vld.idx.msk [tilespmem:v50+s14+$0x0], $0xffff;
	v50 =	vmul.f32 v37, v0;
	v57 =	vmul.f32 v45, v56  }
0x17f: {  	v62 =	vmov s31;
	v42 =	vld [tilespmem:s26+$0xD50];
	v16 =	vmul.f32 v16, v56;
	v58 =	vmul.f32 v18, v56  }
0x180: {  	v5 =	vadd.f32 v60, v5;
	v25 =	vld [tilespmem:s26+$0xD70];
	v59 =	vmul.f32 v19, v56;
	v60 =	vmul.f32 v20, v56  }
0x181: {  	v2 =	vadd.f32 v61, v2;
	v31 =	vld [tilespmem:s26+$0xE00];
	v61 =	vmul.f32 v15, v56;
	v6 =	vmul.f32 v6, v56  }
0x182: {  	s30 =	sor.u32 $0x3A0, s28;
	v32 =	vld [tilespmem:s26+$0xE60];
	v63 =	vmul.f32 v21, v56;
	v45 =	vmul.f32 v30, v0;
	v10 =	vadd.f32 v47, v10  }
0x183: {  	v37 =	vld [tilespmem:s26+$0xE90];
	v56 =	vmov s30;
	v9 =	vadd.f32 v49, v9;
	v3 =	vadd.f32 v51, v3  }
0x184: {  	v18 =	vld.idx.msk [tilespmem:v62+s14+$0x0], $0xffff;
	v62 =	vmul.f32 v17, v40;
	v5 =	vadd.f32 v12, v5;
	v1 =	vadd.f32 v52, v1  }
0x185: {  	v19 =	vld [tilespmem:s26+$0xD80];
	v7 =	vadd.f32 v53, v7;
	v2 =	vadd.f32 v54, v2;
	v49 =	vmul.f32 v36, v0  }
0x186: {  	v15 =	vld [tilespmem:s26+$0xDA0];
	v8 =	vadd.f32 v55, v8;
	v0 =	vmul.f32 v35, v0;
	v51 =	vmul.f32 v38, v4  }
0x187: {  	v21 =	vld [tilespmem:s26+$0xDC0];
	v52 =	vmul.f32 v26, v4;
	v54 =	vmul.f32 v24, v4;
	v10 =	vadd.f32 v57, v10  }
0x188: {  	v30 =	vld [tilespmem:s26+$0xDD0];
	v55 =	vmul.f32 v34, v4;
	v9 =	vadd.f32 v16, v9;
	v3 =	vadd.f32 v58, v3  }
0x189: {  	v20 =	vld [tilespmem:s26+$0xDE0];
	v5 =	vadd.f32 v59, v5;
	v1 =	vadd.f32 v60, v1;
	v57 =	vmul.f32 v43, v4  }
0x18a: {  	v47 =	vld [tilespmem:s26+$0xD40];
	v7 =	vadd.f32 v61, v7;
	v58 =	vmul.f32 v44, v4;
	v59 =	vmul.f32 v41, v4  }
0x18b: {  	v12 =	vld [tilespmem:s26+$0xDB0];
	v2 =	vadd.f32 v6, v2;
	v4 =	vmul.f32 v23, v4;
	v60 =	vmul.f32 v46, v40  }
0x18c: {  	s31 =	sor.u32 $0x3C0, s28;
	v26 =	vld [tilespmem:s26+$0xE10];
	v8 =	vadd.f32 v63, v8;
	v61 =	vmul.f32 v13, v40;
	v63 =	vmul.f32 v22, v40  }
0x18d: {  	v24 =	vld [tilespmem:s26+$0xE30];
	v44 =	vmov s31;
	v10 =	vadd.f32 v39, v10;
	v6 =	vadd.f32 v45, v9  }
0x18e: {  	v36 =	vld [tilespmem:s26+$0xE80];
	v35 =	vmul.f32 v42, v40;
	v3 =	vadd.f32 v28, v3;
	v5 =	vadd.f32 v48, v5  }
0x18f: {  	v16 =	vld [tilespmem:s26+$0xD90];
	v42 =	vmul.f32 v25, v40;
	v1 =	vadd.f32 v49, v1;
	v7 =	vadd.f32 v50, v7  }
0x190: {  	v23 =	vld [tilespmem:s26+$0xE50];
	v2 =	vadd.f32 v27, v2;
	v39 =	vmul.f32 v14, v40;
	v19 =	vmul.f32 v19, v29  }
0x191: {  	v41 =	vld [tilespmem:s26+$0xEA0];
	v0 =	vadd.f32 v0, v8;
	v15 =	vmul.f32 v15, v29;
	v48 =	vmul.f32 v21, v29  }
0x192: {  	v43 =	vld [tilespmem:s26+$0xEB0];
	v50 =	vmul.f32 v30, v29;
	v11 =	vmul.f32 v11, v18;
	v53 =	vadd.f32 v51, v10  }
0x193: {  	v46 =	vld [tilespmem:s26+$0xEC0];
	v34 =	vmul.f32 v47, v40;
	v6 =	vadd.f32 v52, v6;
	v3 =	vadd.f32 v54, v3  }
0x194: {  	v28 =	vld [tilespmem:s26+$0xDF0];
	v12 =	vmul.f32 v12, v29;
	v5 =	vadd.f32 v55, v5;
	v1 =	vadd.f32 v57, v1  }
0x195: {  	v17 =	vld.idx.msk [tilespmem:v56+s14+$0x0], $0xffff;
	v7 =	vadd.f32 v58, v7;
	v2 =	vadd.f32 v59, v2;
	v51 =	vmul.f32 v20, v29  }
0x196: {  	v49 =	vld [tilespmem:s26+$0xEE0];
	v0 =	vadd.f32 v4, v0;
	v54 =	vmul.f32 v31, v18;
	v55 =	vmul.f32 v26, v18  }
0x197: {  	v56 =	vld [tilespmem:s26+$0xF00];
	v59 =	vmul.f32 v24, v18;
	v8 =	vadd.f32 v60, v53;
	v4 =	vadd.f32 v61, v6  }
0x198: {  	v30 =	vld [tilespmem:s26+$0xF40];
	v45 =	vmul.f32 v16, v29;
	v3 =	vadd.f32 v62, v3;
	v5 =	vadd.f32 v63, v5  }
0x199: {  	v47 =	vld [tilespmem:s26+$0xED0];
	v23 =	vmul.f32 v23, v18;
	v1 =	vadd.f32 v34, v1;
	v38 =	vadd.f32 v35, v7  }
0x19a: {  	v40 =	vld [tilespmem:s26+$0xF80];
	v2 =	vadd.f32 v39, v2;
	v61 =	vmul.f32 v33, v18;
	v53 =	vmul.f32 v28, v29  }
0x19b: {  	s28 =	sor.u32 $0x3E0, s28;
	v10 =	vld [tilespmem:s26+$0xE20];
	v0 =	vadd.f32 v42, v0;
	v29 =	vmul.f32 v32, v18;
	v32 =	vmul.f32 v36, v17  }
0x19c: {  	v52 =	vld [tilespmem:s26+$0xEF0];
	v63 =	vmov s28;
	v9 =	vmul.f32 v37, v17;
	v34 =	vmul.f32 v41, v17  }
0x19d: {  	v58 =	vld [tilespmem:s26+$0xF10];
	v35 =	vmul.f32 v43, v17;
	v8 =	vadd.f32 v19, v8;
	v4 =	vadd.f32 v45, v4  }
0x19e: {  	v25 =	vld.idx.msk [tilespmem:v44+s14+$0x0], $0xffff;
	v37 =	vmul.f32 v46, v17;
	v3 =	vadd.f32 v15, v3;
	v5 =	vadd.f32 v12, v5  }
0x19f: {  	v31 =	vld [tilespmem:s26+$0xF50];
	v41 =	vmul.f32 v49, v17;
	v1 =	vadd.f32 v48, v1;
	v6 =	vadd.f32 v50, v38  }
0x1a0: {  	v60 =	vld [tilespmem:s26+$0xF20];
	v2 =	vadd.f32 v51, v2;
	v39 =	vmul.f32 v47, v17;
	v0 =	vadd.f32 v53, v0  }
0x1a1: {  	v62 =	vld [tilespmem:s26+$0xF30];
	v10 =	vmul.f32 v10, v18;
	v57 =	vadd.f32 v54, v8;
	v4 =	vadd.f32 v55, v4  }
0x1a2: {  	v33 =	vld [tilespmem:s26+$0xF60];
	v42 =	vmul.f32 v52, v17;
	v5 =	vadd.f32 v59, v5;
	v1 =	vadd.f32 v61, v1  }
0x1a3: {  	v36 =	vld [tilespmem:s26+$0xF70];
	v6 =	vadd.f32 v23, v6;
	v44 =	vmul.f32 v56, v25;
	v8 =	vmul.f32 v58, v25  }
0x1a4: {  	v2 =	vadd.f32 v29, v2;
	v50 =	vmul.f32 v30, v25;
	v53 =	vmul.f32 v31, v25;
	v38 =	vld.idx.msk [tilespmem:v63+s14+$0x0], $0xffff  }
0x1a5: {  	v43 =	vld [tilespmem:s26+$0xF90];
	v3 =	vadd.f32 v10, v3;
	v0 =	vadd.f32 v11, v0;
	v46 =	vmul.f32 v60, v25  }
0x1a6: {  	v45 =	vld [tilespmem:s26+$0xFA0];
	v48 =	vmul.f32 v62, v25;
	v7 =	vadd.f32 v32, v57;
	v4 =	vadd.f32 v9, v4  }
0x1a7: {  	v47 =	vld [tilespmem:s26+$0xFB0];
	v58 =	vmul.f32 v33, v25;
	v5 =	vadd.f32 v35, v5;
	v1 =	vadd.f32 v37, v1  }
0x1a8: {  	v49 =	vld [tilespmem:s26+$0xFC0];
	v6 =	vadd.f32 v39, v6;
	v2 =	vadd.f32 v41, v2;
	v60 =	vmul.f32 v36, v25  }
0x1a9: {  	s30 =	sshll.u32 s23, $0xF;
	v54 =	vld [tilespmem:s26+$0xFE0];
	v3 =	vadd.f32 v34, v3;
	v7 =	vadd.f32 v44, v7;
	v51 =	vmul.f32 v40, v38  }
0x1aa: {  	s25 =	sshll.u32 s25, $0x6;
	s28 =	sand.u32 $0x8000, s30;
	v56 =	vld [tilespmem:s26+$0xFF0];
	v0 =	vadd.f32 v42, v0;
	v4 =	vadd.f32 v8, v4;
	v15 =	vmul.f32 v43, v38  }
0x1ab: {  	s25 =	sand.u32 $0x280, s25;
	s31 =	sadd.s32 s28, s22;
	v52 =	vld [tilespmem:s26+$0xFD0];
	v3 =	vadd.f32 v46, v3;
	v55 =	vmul.f32 v45, v38;
	v7 =	vadd.f32 v51, v7  }
0x1ac: {  	s25 =	sadd.s32 s25, s31;
	v5 =	vadd.f32 v48, v5;
	v57 =	vmul.f32 v47, v38;
	v4 =	vadd.f32 v15, v4  }
0x1ad: {  	v1 =	vadd.f32 v50, v1;
	v59 =	vmul.f32 v49, v38;
	v3 =	vadd.f32 v55, v3;
	[tilespmem:s25+$0x0] =	vst v7  }
0x1ae: {  	v2 =	vadd.f32 v58, v2;
	v62 =	vmul.f32 v54, v38;
	v5 =	vadd.f32 v57, v5;
	[tilespmem:s25+$0x10] =	vst v4  }
0x1af: {  	p0 =	sne.s32 s23, $0x3;
	v0 =	vadd.f32 v60, v0;
	v63 =	vmul.f32 v56, v38;
	v1 =	vadd.f32 v59, v1;
	[tilespmem:s25+$0x20] =	vst v3  }
.Ltmp3:
0x1b0: {  	v6 =	vadd.f32 v53, v6;
	v61 =	vmul.f32 v52, v38;
	v2 =	vadd.f32 v62, v2;
	[tilespmem:s25+$0x30] =	vst v5;
	(pc) =	sbr.rel @p0 .LBB2_5-.Ltmp3, $4  }
0x1b1: {  	v0 =	vadd.f32 v63, v0;
	[tilespmem:s25+$0x40] =	vst v1  }
0x1b2: {  	v4 =	vadd.f32 v61, v6;
	[tilespmem:s25+$0x60] =	vst v2  }
0x1b3: {  	[tilespmem:s25+$0x70] =	vst v0  }
0x1b4: {  	s23 =	sadd.s32 $0x1, s23;
	[tilespmem:s25+$0x50] =	vst v4  }
0x1b5: {  	s23 =	sshll.u32 s20, $0xC;
	p0 =	seq.s32 s20, $0x3F  }
0x1b6: {  	s25 =	sadd.s32 @!p0 s23, s5;
	s26 =	simm.s32 @!p0 $0x0  }
0x1b7: {  	[tilespmem:s26], [sflag:$0x1] =	stream.linear.gather @!p0 [hbm4b:s25+s26], $0x4000, $0x38;
	[tilespmem:$0x1C000] =	vst v63  }
0x1b8: {  	_ =	swait.ge [sflag:s15], $0x4000  }
0x1b9: {  	s24 =	sor.u32 $0x4, s24;
	[sflag:s15] =	ssyncset.done $0x0  }
0x1ba: {  	[dreg:$0x5] =	wrdreg s24;
	s24 =	simm.s32 $0x0;
	[sflag:s15] =	ssyncadd.s32 $0xFFFFC000  }
.LBB2_7:
0x1bb: {  	s25 =	rddreg [dreg:$0x5]  }
0x1bc: {  	s25 =	sor.u32 s25, s24  }
0x1bd: {  	s30 =	sshll.u32 s24, $0xC;
	s26 =	sshll.u32 s25, $0xA  }
0x1be: {  	s28 =	sadd.s32 s21, s26;
	s26 =	sand.u32 $0x3FFFF000, s30  }
0x1bf: {  	v21 =	vld [tilespmem:s26+$0x4000]  }
0x1c0: {  	v28 =	vld [tilespmem:s26+$0x4010]  }
0x1c1: {  	v36 =	vld [tilespmem:s26+$0x4020]  }
0x1c2: {  	v31 =	vld [tilespmem:s26+$0x4030]  }
0x1c3: {  	v37 =	vld [tilespmem:s26+$0x4040]  }
0x1c4: {  	v33 =	vld [tilespmem:s26+$0x4050]  }
0x1c5: {  	v41 =	vld [tilespmem:s26+$0x4060]  }
0x1c6: {  	v58 =	vld [tilespmem:s26+$0x4070]  }
0x1c7: {  	v18 =	vld [tilespmem:s26+$0x4080]  }
0x1c8: {  	v30 =	vld [tilespmem:s26+$0x4090]  }
0x1c9: {  	v27 =	vld [tilespmem:s26+$0x40A0]  }
0x1ca: {  	v34 =	vld [tilespmem:s26+$0x40B0]  }
0x1cb: {  	v57 =	vld [tilespmem:s26+$0x40C0]  }
0x1cc: {  	v46 =	vld [tilespmem:s26+$0x40D0]  }
0x1cd: {  	v47 =	vld [tilespmem:s26+$0x40E0]  }
0x1ce: {  	v48 =	vld [tilespmem:s26+$0x40F0]  }
0x1cf: {  	v51 =	vld [tilespmem:s26+$0x4100]  }
0x1d0: {  	v6 =	vld [tilespmem:s26+$0x4110]  }
0x1d1: {  	v63 =	vld [tilespmem:s26+$0x4120]  }
0x1d2: {  	v7 =	vld [tilespmem:s26+$0x4130]  }
0x1d3: {  	v2 =	vld [tilespmem:s26+$0x4140]  }
0x1d4: {  	v25 =	vld [tilespmem:s26+$0x4150]  }
0x1d5: {  	v26 =	vld [tilespmem:s26+$0x4160]  }
0x1d6: {  	v29 =	vld [tilespmem:s26+$0x4170]  }
0x1d7: {  	v35 =	vld [tilespmem:s26+$0x4180]  }
0x1d8: {  	v38 =	vld [tilespmem:s26+$0x4190]  }
0x1d9: {  	v39 =	vld [tilespmem:s26+$0x41A0]  }
0x1da: {  	v40 =	vld [tilespmem:s26+$0x41B0]  }
0x1db: {  	v43 =	vld [tilespmem:s26+$0x41C0]  }
0x1dc: {  	v44 =	vld [tilespmem:s26+$0x41D0]  }
0x1dd: {  	v45 =	vld [tilespmem:s26+$0x41E0]  }
0x1de: {  	v49 =	vld [tilespmem:s26+$0x41F0]  }
0x1df: {  	v50 =	vld [tilespmem:s26+$0x4200]  }
0x1e0: {  	v53 =	vld [tilespmem:s26+$0x4210]  }
0x1e1: {  	v54 =	vld [tilespmem:s26+$0x4220]  }
0x1e2: {  	v0 =	vmov s28;
	v55 =	vld [tilespmem:s26+$0x4230]  }
0x1e3: {  	v60 =	vld [tilespmem:s26+$0x4240]  }
0x1e4: {  	v3 =	vld [tilespmem:s26+$0x4250]  }
0x1e5: {  	v4 =	vld [tilespmem:s26+$0x4260]  }
0x1e6: {  	v5 =	vld [tilespmem:s26+$0x4270]  }
0x1e7: {  	v52 =	vld.idx.msk [tilespmem:v0+s14+$0x0], $0xffff  }
0x1e8: {  	[tilespmem:$0x1F4D0] =	vst v38;
	v38 =	vld [tilespmem:s26+$0x42F0]  }
0x1e9: {  	[tilespmem:$0x1F4F0] =	vst v40;
	v40 =	vld [tilespmem:s26+$0x4310]  }
0x1ea: {  	s29 =	sor.u32 $0x20, s28;
	[tilespmem:$0x1F500] =	vst v43;
	v43 =	vld [tilespmem:s26+$0x4320]  }
0x1eb: {  	s31 =	sor.u32 $0x40, s28;
	v23 =	vmov s29;
	[tilespmem:$0x1F510] =	vst v44;
	v44 =	vld [tilespmem:s26+$0x4330]  }
0x1ec: {  	s30 =	sor.u32 $0x60, s28;
	v1 =	vmov s31;
	[tilespmem:$0x1F570] =	vst v55;
	v55 =	vld [tilespmem:s26+$0x4360]  }
0x1ed: {  	v24 =	vmov s30;
	[tilespmem:$0x1F560] =	vst v54;
	v54 =	vld [tilespmem:s26+$0x4370]  }
0x1ee: {  	s31 =	sor.u32 $0x80, s28;
	[tilespmem:$0x1F480] =	vst v2;
	v2 =	vld [tilespmem:s26+$0x4380]  }
0x1ef: {  	s30 =	sor.u32 $0xA0, s28;
	v42 =	vmov s31;
	[tilespmem:$0x1F590] =	vst v3;
	v3 =	vld [tilespmem:s26+$0x4390]  }
0x1f0: {  	v56 =	vmov s30;
	s31 =	sor.u32 $0xC0, s28;
	v0 =	vld.idx.msk [tilespmem:v23+s14+$0x0], $0xffff  }
0x1f1: {  	s30 =	sor.u32 $0xE0, s28;
	v61 =	vmov s31;
	v32 =	vld.idx.msk [tilespmem:v1+s14+$0x0], $0xffff  }
0x1f2: {  	v62 =	vmov s30;
	s31 =	sor.u32 $0x100, s28;
	v19 =	vld.idx.msk [tilespmem:v24+s14+$0x0], $0xffff  }
0x1f3: {  	s30 =	sor.u32 $0x120, s28;
	v8 =	vmov s31;
	v1 =	vld [tilespmem:s26+$0x4300]  }
0x1f4: {  	v9 =	vmov s30;
	v59 =	vld.idx.msk [tilespmem:v42+s14+$0x0], $0xffff  }
0x1f5: {  	[tilespmem:$0x1F550] =	vst v53;
	v53 =	vld.idx.msk [tilespmem:v56+s14+$0x0], $0xffff  }
0x1f6: {  	s31 =	sor.u32 $0x140, s28;
	[tilespmem:$0x1F4B0] =	vst v29;
	v29 =	vld.idx.msk [tilespmem:v61+s14+$0x0], $0xffff  }
0x1f7: {  	s30 =	sor.u32 $0x160, s28;
	v10 =	vmov s31;
	v16 =	vld.idx.msk [tilespmem:v62+s14+$0x0], $0xffff  }
0x1f8: {  	v11 =	vmov s30;
	s31 =	sor.u32 $0x180, s28;
	v15 =	vld.idx.msk [tilespmem:v8+s14+$0x0], $0xffff  }
0x1f9: {  	s30 =	sor.u32 $0x1A0, s28;
	v20 =	vmov s31;
	v14 =	vld.idx.msk [tilespmem:v9+s14+$0x0], $0xffff  }
0x1fa: {  	v22 =	vmov s30;
	s31 =	sor.u32 $0x1C0, s28;
	v8 =	vld [tilespmem:s26+$0x43A0]  }
0x1fb: {  	s30 =	sor.u32 $0x1E0, s28;
	v23 =	vmov s31;
	v9 =	vld [tilespmem:s26+$0x43B0]  }
0x1fc: {  	v24 =	vmov s30;
	v13 =	vld.idx.msk [tilespmem:v10+s14+$0x0], $0xffff  }
0x1fd: {  	v12 =	vld.idx.msk [tilespmem:v11+s14+$0x0], $0xffff  }
0x1fe: {  	[tilespmem:$0x1F490] =	vst v25;
	s31 =	sor.u32 $0x200, s28;
	v11 =	vld.idx.msk [tilespmem:v20+s14+$0x0], $0xffff  }
0x1ff: {  	[tilespmem:$0x1F4A0] =	vst v26;
	s30 =	sor.u32 $0x220, s28;
	v25 =	vmov s31;
	v10 =	vld.idx.msk [tilespmem:v22+s14+$0x0], $0xffff  }
0x200: {  	[tilespmem:$0x1F4E0] =	vst v39;
	v26 =	vmov s30;
	v39 =	vld.idx.msk [tilespmem:v23+s14+$0x0], $0xffff  }
0x201: {  	v42 =	vld.idx.msk [tilespmem:v24+s14+$0x0], $0xffff  }
0x202: {  	s31 =	sor.u32 $0x240, s28;
	v23 =	vld [tilespmem:s26+$0x42A0]  }
0x203: {  	[tilespmem:$0x1F4C0] =	vst v35;
	s30 =	sor.u32 $0x260, s28;
	v35 =	vmov s31;
	v24 =	vld [tilespmem:s26+$0x42B0]  }
0x204: {  	[tilespmem:$0x1F520] =	vst v45;
	v17 =	vmov s30;
	v45 =	vld.idx.msk [tilespmem:v25+s14+$0x0], $0xffff  }
0x205: {  	v56 =	vld.idx.msk [tilespmem:v26+s14+$0x0], $0xffff  }
0x206: {  	v25 =	vld [tilespmem:s26+$0x42C0]  }
0x207: {  	v26 =	vld [tilespmem:s26+$0x42D0]  }
0x208: {  	[tilespmem:$0x1F580] =	vst v60;
	v60 =	vld.idx.msk [tilespmem:v35+s14+$0x0], $0xffff  }
0x209: {  	[tilespmem:$0x1F530] =	vst v49;
	s31 =	sor.u32 $0x280, s28;
	v21 =	vmul.f32 v21, v52;
	v17 =	vld.idx.msk [tilespmem:v17+s14+$0x0], $0xffff  }
0x20a: {  	[tilespmem:$0x1F540] =	vst v50;
	s30 =	sor.u32 $0x2A0, s28;
	v49 =	vmov s31;
	v28 =	vmul.f32 v28, v52;
	v35 =	vld [tilespmem:s26+$0x42E0]  }
0x20b: {  	v50 =	vmov s30;
	v18 =	vmul.f32 v18, v0;
	v21 =	vadd.f32 $0.0e+00, v21;
	[tilespmem:$0x1F5C0] =	vst v8;
	v8 =	vld [tilespmem:s26+$0x43C0]  }
0x20c: {  	v30 =	vmul.f32 v30, v0;
	v28 =	vadd.f32 $0.0e+00, v28;
	[tilespmem:$0x1F5D0] =	vst v9;
	v9 =	vld [tilespmem:s26+$0x43D0]  }
0x20d: {  	s31 =	sor.u32 $0x2C0, s28;
	v18 =	vadd.f32 v18, v21;
	v21 =	vmul.f32 v36, v52;
	v36 =	vmul.f32 v37, v52;
	v37 =	vld [tilespmem:s26+$0x4620]  }
0x20e: {  	s30 =	sor.u32 $0x2E0, s28;
	v20 =	vmov s31;
	v28 =	vadd.f32 v30, v28;
	v30 =	vld [tilespmem:s26+$0x4650]  }
0x20f: {  	v22 =	vmov s30;
	v61 =	vld.idx.msk [tilespmem:v49+s14+$0x0], $0xffff  }
0x210: {  	v62 =	vld.idx.msk [tilespmem:v50+s14+$0x0], $0xffff  }
0x211: {  	v49 =	vld [tilespmem:s26+$0x4340]  }
0x212: {  	v50 =	vld [tilespmem:s26+$0x4350]  }
0x213: {  	[tilespmem:$0x1F5A0] =	vst v4;
	v31 =	vmul.f32 v31, v52;
	v4 =	vld.idx.msk [tilespmem:v20+s14+$0x0], $0xffff  }
0x214: {  	[tilespmem:$0x1F5B0] =	vst v5;
	v27 =	vmul.f32 v27, v0;
	v5 =	vld.idx.msk [tilespmem:v22+s14+$0x0], $0xffff;
	v21 =	vadd.f32 $0.0e+00, v21  }
0x215: {  	v34 =	vmul.f32 v34, v0;
	v31 =	vadd.f32 $0.0e+00, v31;
	v20 =	vld [tilespmem:s26+$0x4280]  }
0x216: {  	v22 =	vld [tilespmem:s26+$0x4290];
	v21 =	vadd.f32 v27, v21  }
0x217: {  	v27 =	vadd.f32 v34, v31;
	v31 =	vmul.f32 v57, v0;
	v57 =	vmul.f32 v46, v0;
	v46 =	vld [tilespmem:$0x1F4B0]  }
0x218: {  	[tilespmem:$0x1F5E0] =	vst v8;
	v8 =	vld [tilespmem:s26+$0x43E0]  }
0x219: {  	[tilespmem:$0x1F5F0] =	vst v9;
	v9 =	vld [tilespmem:s26+$0x43F0]  }
0x21a: {  	v63 =	vmul.f32 v63, v32;
	[tilespmem:$0x1F800] =	vst v37;
	v37 =	vld [tilespmem:s26+$0x4630]  }
0x21b: {  	[tilespmem:$0x1F830] =	vst v30;
	v30 =	vadd.f32 $0.0e+00, v36;
	v36 =	vmul.f32 v47, v0;
	v0 =	vmul.f32 v48, v0;
	v48 =	vld [tilespmem:s26+$0x4680]  }
0x21c: {  	v33 =	vmul.f32 v33, v52;
	v47 =	vld [tilespmem:s26+$0x46E0]  }
0x21d: {  	v21 =	vadd.f32 v63, v21;
	v63 =	vld [tilespmem:s26+$0x46D0]  }
0x21e: {  	v33 =	vadd.f32 $0.0e+00, v33;
	[tilespmem:$0x1FA30] =	vst v5;
	v5 =	vld [tilespmem:s26+$0x45F0]  }
0x21f: {  	[tilespmem:$0x1FA20] =	vst v4;
	v4 =	vld [tilespmem:s26+$0x4600]  }
0x220: {  	v30 =	vadd.f32 v31, v30;
	v31 =	vadd.f32 v57, v33;
	v57 =	vld [tilespmem:s26+$0x4690]  }
0x221: {  	[tilespmem:$0x1F600] =	vst v8;
	v8 =	vld [tilespmem:s26+$0x4400]  }
0x222: {  	[tilespmem:$0x1F610] =	vst v9;
	v9 =	vld [tilespmem:s26+$0x4410]  }
0x223: {  	[tilespmem:$0x1F810] =	vst v37;
	v37 =	vmul.f32 v41, v52;
	v41 =	vld [tilespmem:s26+$0x4640]  }
0x224: {  	[tilespmem:$0x1F860] =	vst v48;
	v48 =	vmul.f32 v7, v32;
	v7 =	vld [tilespmem:s26+$0x46B0]  }
0x225: {  	[tilespmem:$0x1F8A0] =	vst v47;
	v47 =	vld [tilespmem:s26+$0x4720]  }
0x226: {  	[tilespmem:$0x1F890] =	vst v63;
	v63 =	vld [tilespmem:s26+$0x4700]  }
0x227: {  	[tilespmem:$0x1F870] =	vst v57;
	v57 =	vld [tilespmem:s26+$0x46C0]  }
0x228: {  	v27 =	vadd.f32 v48, v27;
	v48 =	vld [tilespmem:$0x1F4C0]  }
0x229: {  	[tilespmem:$0x1F620] =	vst v8;
	v8 =	vld [tilespmem:s26+$0x4420]  }
0x22a: {  	[tilespmem:$0x1F630] =	vst v9;
	v9 =	vld [tilespmem:s26+$0x4430]  }
0x22b: {  	[tilespmem:$0x1F820] =	vst v41;
	v41 =	vmul.f32 v58, v52;
	v52 =	vld [tilespmem:s26+$0x4660]  }
0x22c: {  	v58 =	vld [tilespmem:s26+$0x4670]  }
0x22d: {  	[tilespmem:$0x1F8E0] =	vst v47;
	v47 =	vld [tilespmem:$0x1F580]  }
0x22e: {  	[tilespmem:$0x1F8C0] =	vst v63;
	v63 =	vld [tilespmem:s26+$0x4740]  }
0x22f: {  	[tilespmem:$0x1F880] =	vst v57;
	v57 =	vld [tilespmem:$0x1F4E0]  }
0x230: {  	[tilespmem:$0x1F640] =	vst v8;
	v8 =	vld [tilespmem:s26+$0x4440]  }
0x231: {  	[tilespmem:$0x1F650] =	vst v9;
	v9 =	vld [tilespmem:s26+$0x4450]  }
0x232: {  	[tilespmem:$0x1F850] =	vst v58;
	v58 =	vmul.f32 v6, v32;
	v6 =	vld [tilespmem:s26+$0x46A0]  }
0x233: {  	[tilespmem:$0x1F840] =	vst v52;
	v52 =	vmul.f32 v51, v32;
	v51 =	vld [tilespmem:$0x1F480]  }
0x234: {  	[tilespmem:$0x1F900] =	vst v63;
	v63 =	vld [tilespmem:s26+$0x47A0]  }
0x235: {  	v18 =	vadd.f32 v52, v18;
	v52 =	vld [tilespmem:$0x1F490]  }
0x236: {  	v28 =	vadd.f32 v58, v28;
	v58 =	vld [tilespmem:$0x1F4A0]  }
0x237: {  	v37 =	vadd.f32 $0.0e+00, v37;
	[tilespmem:$0x1F660] =	vst v8;
	v8 =	vld [tilespmem:s26+$0x4460]  }
0x238: {  	v41 =	vadd.f32 $0.0e+00, v41;
	[tilespmem:$0x1F670] =	vst v9;
	v9 =	vld [tilespmem:s26+$0x4470]  }
0x239: {  	v34 =	vadd.f32 v36, v37;
	v36 =	vmul.f32 v51, v32;
	v51 =	vld [tilespmem:$0x1F4D0]  }
0x23a: {  	v0 =	vadd.f32 v0, v41;
	v41 =	vmul.f32 v52, v32;
	v52 =	vld [tilespmem:s26+$0x46F0]  }
0x23b: {  	v33 =	vmul.f32 v58, v32;
	v58 =	vld [tilespmem:$0x1F4F0]  }
0x23c: {  	v32 =	vmul.f32 v46, v32;
	v46 =	vld [tilespmem:$0x1F510]  }
0x23d: {  	v31 =	vadd.f32 v41, v31;
	v41 =	vld [tilespmem:s26+$0x4710]  }
0x23e: {  	v33 =	vadd.f32 v33, v34;
	v34 =	vmul.f32 v48, v19;
	v48 =	vld [tilespmem:$0x1F520]  }
0x23f: {  	v0 =	vadd.f32 v32, v0;
	v32 =	vmul.f32 v57, v19;
	v57 =	vld [tilespmem:$0x1F540]  }
0x240: {  	[tilespmem:$0x1F680] =	vst v8;
	v8 =	vld [tilespmem:s26+$0x4480]  }
0x241: {  	v30 =	vadd.f32 v36, v30;
	[tilespmem:$0x1F690] =	vst v9;
	v9 =	vld [tilespmem:s26+$0x4490];
	v36 =	vmul.f32 v51, v19  }
0x242: {  	v51 =	vld [tilespmem:$0x1F530]  }
0x243: {  	v28 =	vadd.f32 v36, v28;
	v36 =	vld [tilespmem:$0x1F500]  }
0x244: {  	[tilespmem:$0x1F8B0] =	vst v52;
	v52 =	vld [tilespmem:s26+$0x4730]  }
0x245: {  	v37 =	vmul.f32 v58, v19;
	v58 =	vld [tilespmem:$0x1F550]  }
0x246: {  	v21 =	vadd.f32 v32, v21;
	v32 =	vmul.f32 v46, v19;
	v46 =	vld [tilespmem:s26+$0x4760]  }
0x247: {  	v27 =	vadd.f32 v37, v27;
	v37 =	vld [tilespmem:s26+$0x4750]  }
0x248: {  	[tilespmem:$0x1F8D0] =	vst v41;
	v41 =	vld [tilespmem:$0x1F570]  }
0x249: {  	v31 =	vadd.f32 v32, v31;
	v32 =	vmul.f32 v57, v59;
	v57 =	vld [tilespmem:$0x1F5B0]  }
0x24a: {  	[tilespmem:$0x1F6A0] =	vst v8;
	v8 =	vld [tilespmem:s26+$0x44A0]  }
0x24b: {  	[tilespmem:$0x1F6B0] =	vst v9;
	v9 =	vld [tilespmem:s26+$0x44B0]  }
0x24c: {  	v18 =	vadd.f32 v34, v18;
	v34 =	vmul.f32 v36, v19;
	[tilespmem:$0x1F8F0] =	vst v52;
	v52 =	vld [tilespmem:$0x1F5A0]  }
0x24d: {  	v36 =	vmul.f32 v58, v59;
	v58 =	vld [tilespmem:s26+$0x4780]  }
0x24e: {  	v30 =	vadd.f32 v34, v30;
	v34 =	vmul.f32 v48, v19;
	v48 =	vld [tilespmem:$0x1F590]  }
0x24f: {  	v19 =	vmul.f32 v51, v19;
	v51 =	vld [tilespmem:s26+$0x4770]  }
0x250: {  	v18 =	vadd.f32 v32, v18;
	v32 =	vmul.f32 v41, v59;
	v41 =	vmul.f32 v25, v53;
	v25 =	vld [tilespmem:s26+$0x4850]  }
0x251: {  	v28 =	vadd.f32 v36, v28;
	v36 =	vmul.f32 v57, v59;
	v57 =	vld [tilespmem:s26+$0x4860]  }
0x252: {  	[tilespmem:$0x1F6C0] =	vst v8;
	v8 =	vld [tilespmem:s26+$0x44C0]  }
0x253: {  	[tilespmem:$0x1F6D0] =	vst v9;
	v9 =	vld [tilespmem:s26+$0x44D0]  }
0x254: {  	v33 =	vadd.f32 v34, v33;
	v34 =	vld [tilespmem:$0x1F560]  }
0x255: {  	[tilespmem:$0x1F910] =	vst v37;
	v27 =	vadd.f32 v32, v27;
	v32 =	vmul.f32 v52, v59;
	v52 =	vld [tilespmem:s26+$0x47B0]  }
0x256: {  	[tilespmem:$0x1F940] =	vst v58;
	v58 =	vld [tilespmem:$0x1F5E0]  }
0x257: {  	[tilespmem:$0x1F930] =	vst v51;
	v51 =	vmul.f32 v35, v53;
	v35 =	vld [tilespmem:s26+$0x47F0]  }
0x258: {  	[tilespmem:$0x1F9D0] =	vst v57;
	v57 =	vld [tilespmem:s26+$0x48B0]  }
0x259: {  	v37 =	vmul.f32 v24, v53;
	[tilespmem:$0x1F6E0] =	vst v8;
	v8 =	vld [tilespmem:s26+$0x44E0]  }
0x25a: {  	v0 =	vadd.f32 v19, v0;
	[tilespmem:$0x1F6F0] =	vst v9;
	v9 =	vld [tilespmem:s26+$0x44F0];
	v19 =	vmul.f32 v34, v59  }
0x25b: {  	v34 =	vmul.f32 v48, v59;
	v48 =	vadd.f32 v37, v27;
	v37 =	vmul.f32 v44, v29;
	v44 =	vld [tilespmem:s26+$0x4820]  }
0x25c: {  	v19 =	vadd.f32 v19, v21;
	v21 =	vmul.f32 v47, v59;
	v59 =	vld [tilespmem:s26+$0x4790]  }
0x25d: {  	v47 =	vld [tilespmem:s26+$0x47C0]  }
0x25e: {  	[tilespmem:$0x1F700] =	vst v8;
	v8 =	vld [tilespmem:s26+$0x4500]  }
0x25f: {  	v0 =	vadd.f32 v36, v0;
	v36 =	vmul.f32 v23, v53;
	[tilespmem:$0x1F710] =	vst v9;
	v9 =	vld [tilespmem:s26+$0x4510];
	v21 =	vadd.f32 v21, v30  }
0x260: {  	[tilespmem:$0x1F920] =	vst v46;
	v46 =	vmul.f32 v26, v53;
	v30 =	vadd.f32 v34, v31;
	v31 =	vadd.f32 v32, v33;
	v32 =	vld [tilespmem:s26+$0x47E0]  }
0x261: {  	v19 =	vadd.f32 v36, v19;
	v36 =	vmul.f32 v43, v29;
	v43 =	vmul.f32 v50, v29;
	v50 =	vld [tilespmem:s26+$0x4840]  }
0x262: {  	[tilespmem:$0x1F960] =	vst v63;
	v63 =	vadd.f32 v46, v30;
	v30 =	vmul.f32 v38, v53;
	v38 =	vld [tilespmem:s26+$0x4800]  }
0x263: {  	v20 =	vmul.f32 v20, v53;
	v23 =	vadd.f32 v51, v31;
	v51 =	vld [tilespmem:$0x1F5C0]  }
0x264: {  	v33 =	vmul.f32 v1, v29;
	v21 =	vadd.f32 v41, v21;
	v41 =	vadd.f32 v36, v19;
	v19 =	vld [tilespmem:$0x1F5F0]  }
0x265: {  	v34 =	vmul.f32 v40, v29;
	v40 =	vmul.f32 v49, v29;
	[tilespmem:$0x1F950] =	vst v59;
	v59 =	vld [tilespmem:s26+$0x47D0]  }
0x266: {  	v46 =	vmul.f32 v55, v29;
	[tilespmem:$0x1F970] =	vst v47;
	v47 =	vmul.f32 v54, v29;
	v29 =	vld [tilespmem:s26+$0x4830]  }
0x267: {  	v18 =	vadd.f32 v20, v18;
	v54 =	vld [tilespmem:$0x1F5D0]  }
0x268: {  	v22 =	vmul.f32 v22, v53;
	v20 =	vadd.f32 v37, v48;
	v21 =	vadd.f32 v40, v21;
	v40 =	vld [tilespmem:$0x1F600]  }
0x269: {  	v48 =	vmul.f32 v2, v16;
	v18 =	vadd.f32 v33, v18;
	v24 =	vadd.f32 v43, v63;
	v43 =	vld [tilespmem:$0x1F610]  }
0x26a: {  	v22 =	vadd.f32 v22, v28;
	v23 =	vadd.f32 v46, v23;
	v46 =	vld [tilespmem:$0x1F620]  }
0x26b: {  	v53 =	vadd.f32 v48, v18;
	v18 =	vld [tilespmem:s26+$0x4890]  }
0x26c: {  	v49 =	vmul.f32 v3, v16;
	v22 =	vadd.f32 v34, v22;
	v48 =	vld [tilespmem:$0x1F630]  }
0x26d: {  	v63 =	vmul.f32 v58, v16;
	v58 =	vld [tilespmem:$0x1F660]  }
0x26e: {  	v0 =	vadd.f32 v30, v0;
	v30 =	vadd.f32 v49, v22;
	v22 =	vld [tilespmem:$0x1F6D0]  }
0x26f: {  	[tilespmem:$0x1F720] =	vst v8;
	v8 =	vld [tilespmem:s26+$0x4520]  }
0x270: {  	[tilespmem:$0x1F730] =	vst v9;
	v9 =	vld [tilespmem:s26+$0x4530]  }
0x271: {  	[tilespmem:$0x1F980] =	vst v32;
	v32 =	vld [tilespmem:s26+$0x4810]  }
0x272: {  	[tilespmem:$0x1F9C0] =	vst v50;
	v50 =	vld [tilespmem:s26+$0x48A0]  }
0x273: {  	v36 =	vadd.f32 v63, v21;
	v21 =	vld [tilespmem:s26+$0x48F0]  }
0x274: {  	v26 =	vmul.f32 v19, v16;
	v19 =	vld [tilespmem:s26+$0x4870]  }
0x275: {  	v28 =	vadd.f32 v47, v0;
	v0 =	vmul.f32 v51, v16;
	v51 =	vld [tilespmem:$0x1F640]  }
0x276: {  	v55 =	vmul.f32 v54, v16;
	v54 =	vld [tilespmem:$0x1F650]  }
0x277: {  	[tilespmem:$0x1F9B0] =	vst v44;
	v27 =	vadd.f32 v0, v41;
	v41 =	vmul.f32 v40, v16;
	v44 =	vmul.f32 v43, v16;
	v16 =	vld [tilespmem:s26+$0x4880]  }
0x278: {  	v63 =	vmul.f32 v58, v15;
	v58 =	vld [tilespmem:$0x1F6C0]  }
0x279: {  	v33 =	vadd.f32 v26, v24;
	v24 =	vld [tilespmem:s26+$0x4900]  }
0x27a: {  	[tilespmem:$0x1F740] =	vst v8;
	v8 =	vld [tilespmem:s26+$0x4540]  }
0x27b: {  	[tilespmem:$0x1F750] =	vst v9;
	v9 =	vld [tilespmem:s26+$0x4550]  }
0x27c: {  	v34 =	vadd.f32 v55, v20;
	v20 =	vld [tilespmem:s26+$0x48C0]  }
0x27d: {  	v47 =	vmul.f32 v46, v15;
	[tilespmem:$0x1F9E0] =	vst v50;
	v50 =	vld [tilespmem:$0x1F690]  }
0x27e: {  	v49 =	vmul.f32 v48, v15;
	v28 =	vadd.f32 v44, v28;
	v44 =	vld [tilespmem:$0x1F670]  }
0x27f: {  	v31 =	vadd.f32 v47, v53;
	v47 =	vld [tilespmem:$0x1F680];
	v53 =	vmul.f32 v51, v15  }
0x280: {  	v30 =	vadd.f32 v49, v30;
	v49 =	vld [tilespmem:s26+$0x48D0]  }
0x281: {  	[tilespmem:$0x1F990] =	vst v35;
	v35 =	vadd.f32 v53, v27;
	v53 =	vld [tilespmem:$0x1F6A0]  }
0x282: {  	v36 =	vadd.f32 v63, v36;
	v63 =	vmul.f32 v58, v14;
	v58 =	vld [tilespmem:$0x1F720]  }
0x283: {  	v55 =	vmul.f32 v54, v15;
	[tilespmem:$0x1F760] =	vst v8;
	v8 =	vld [tilespmem:s26+$0x4560]  }
0x284: {  	[tilespmem:$0x1F770] =	vst v9;
	v9 =	vld [tilespmem:s26+$0x4570]  }
0x285: {  	v34 =	vadd.f32 v55, v34;
	v51 =	vmul.f32 v50, v15;
	v55 =	vld [tilespmem:$0x1F6B0]  }
0x286: {  	v46 =	vmul.f32 v44, v15;
	v48 =	vmul.f32 v47, v15;
	v15 =	vld [tilespmem:s26+$0x48E0]  }
0x287: {  	v47 =	vld [tilespmem:$0x1F6E0]  }
0x288: {  	[tilespmem:$0x1FA00] =	vst v49;
	v49 =	vld [tilespmem:$0x1F6F0]  }
0x289: {  	v37 =	vadd.f32 v51, v28;
	v51 =	vld [tilespmem:$0x1F700]  }
0x28a: {  	v23 =	vadd.f32 v41, v23;
	[tilespmem:$0x1F780] =	vst v8;
	v8 =	vld [tilespmem:s26+$0x4580]  }
0x28b: {  	[tilespmem:$0x1F9F0] =	vst v57;
	v57 =	vmul.f32 v55, v14;
	v55 =	vld [tilespmem:$0x1F710]  }
0x28c: {  	[tilespmem:$0x1F9A0] =	vst v38;
	v28 =	vld [tilespmem:s26+$0x4930];
	v38 =	vadd.f32 v48, v23;
	v23 =	vmul.f32 v22, v14  }
0x28d: {  	v54 =	vmul.f32 v53, v14;
	[tilespmem:$0x1F790] =	vst v9;
	v9 =	vld [tilespmem:s26+$0x4590]  }
0x28e: {  	v35 =	vadd.f32 v63, v35;
	v63 =	vmul.f32 v58, v13;
	v41 =	vadd.f32 v23, v34;
	v23 =	vld [tilespmem:$0x1F740]  }
0x28f: {  	v26 =	vadd.f32 v54, v31;
	v48 =	vmul.f32 v47, v14;
	v50 =	vmul.f32 v49, v14;
	[tilespmem:$0x1F7A0] =	vst v8;
	v8 =	vld [tilespmem:s26+$0x45A0]  }
0x290: {  	v40 =	vadd.f32 v57, v30;
	v54 =	vmul.f32 v51, v14;
	v57 =	vmul.f32 v55, v14;
	v14 =	vld [tilespmem:$0x1F730]  }
0x291: {  	v44 =	vadd.f32 v63, v26;
	v26 =	vld [tilespmem:$0x1F750]  }
0x292: {  	v33 =	vadd.f32 v46, v33;
	v46 =	vadd.f32 v57, v37;
	v57 =	vld [tilespmem:$0x1F770]  }
0x293: {  	[tilespmem:$0x1F7B0] =	vst v9;
	v9 =	vld [tilespmem:s26+$0x45B0]  }
0x294: {  	v38 =	vadd.f32 v54, v38;
	v54 =	vld [tilespmem:$0x1F760]  }
0x295: {  	[tilespmem:$0x1F7C0] =	vst v8;
	v8 =	vld [tilespmem:s26+$0x45C0];
	v22 =	vmul.f32 v14, v13  }
0x296: {  	v63 =	vld [tilespmem:$0x1F780]  }
0x297: {  	v47 =	vadd.f32 v50, v33;
	v40 =	vadd.f32 v22, v40;
	v58 =	vmul.f32 v57, v13;
	v22 =	vld [tilespmem:$0x1F790]  }
0x298: {  	[tilespmem:$0x1F7D0] =	vst v9;
	v9 =	vld [tilespmem:s26+$0x45D0]  }
0x299: {  	v43 =	vadd.f32 v48, v36;
	v55 =	vmul.f32 v54, v13;
	v47 =	vadd.f32 v58, v47;
	v58 =	vld [tilespmem:$0x1F7B0]  }
0x29a: {  	[tilespmem:$0x1F7E0] =	vst v8;
	v8 =	vld [tilespmem:s26+$0x45E0]  }
0x29b: {  	[tilespmem:$0x1FA10] =	vst v24;
	v24 =	vmul.f32 v23, v13;
	v27 =	vmul.f32 v26, v13;
	v54 =	vadd.f32 v55, v43;
	v55 =	vld [tilespmem:$0x1F7A0]  }
0x29c: {  	v14 =	vmul.f32 v63, v13;
	v23 =	vmul.f32 v22, v13;
	v13 =	vld [tilespmem:$0x1F7C0]  }
0x29d: {  	[tilespmem:$0x1F7F0] =	vst v9;
	v9 =	vld [tilespmem:s26+$0x4610]  }
0x29e: {  	v48 =	vadd.f32 v24, v35;
	v24 =	vld [tilespmem:$0x1F7E0];
	v63 =	vmul.f32 v58, v12  }
0x29f: {  	v2 =	vmul.f32 v8, v12;
	v8 =	vld [tilespmem:$0x1F800]  }
0x2a0: {  	v50 =	vadd.f32 v63, v40;
	v63 =	vld [tilespmem:$0x1F7F0]  }
0x2a1: {  	v49 =	vadd.f32 v14, v38;
	v14 =	vmul.f32 v13, v12;
	v13 =	vld [tilespmem:$0x1F820]  }
0x2a2: {  	v3 =	vmul.f32 v5, v12;
	v22 =	vld [tilespmem:$0x1F7D0]  }
0x2a3: {  	v53 =	vld [tilespmem:s26+$0x4910];
	v57 =	vmul.f32 v55, v12;
	v5 =	vmul.f32 v9, v11  }
0x2a4: {  	v34 =	vld [tilespmem:s26+$0x4960]  }
0x2a5: {  	v51 =	vadd.f32 v57, v44;
	v1 =	vmul.f32 v63, v12;
	v63 =	vadd.f32 v5, v50;
	v5 =	vld [tilespmem:$0x1F840]  }
0x2a6: {  	v48 =	vadd.f32 v14, v48;
	v9 =	vmul.f32 v8, v11;
	v14 =	vmul.f32 v13, v11;
	v13 =	vld [tilespmem:$0x1F860]  }
0x2a7: {  	v46 =	vadd.f32 v23, v46;
	v26 =	vmul.f32 v24, v12;
	v23 =	vmul.f32 v22, v12;
	v12 =	vld [tilespmem:$0x1F810]  }
0x2a8: {  	v57 =	vadd.f32 v1, v47;
	v1 =	vadd.f32 v9, v48;
	v9 =	vld [tilespmem:$0x1F850]  }
0x2a9: {  	v22 =	vld [tilespmem:$0x1F830];
	v54 =	vadd.f32 v26, v54  }
0x2aa: {  	v31 =	vld [tilespmem:s26+$0x4940];
	v58 =	vadd.f32 v2, v49;
	v8 =	vmul.f32 v5, v11  }
0x2ab: {  	v54 =	vadd.f32 v14, v54;
	v14 =	vmul.f32 v13, v10;
	v13 =	vld [tilespmem:$0x1F8A0]  }
0x2ac: {  	v4 =	vmul.f32 v4, v11;
	v41 =	vadd.f32 v27, v41;
	v58 =	vadd.f32 v8, v58;
	v8 =	vld [tilespmem:$0x1F880]  }
0x2ad: {  	v30 =	vld [tilespmem:s26+$0x4920];
	v2 =	vadd.f32 v3, v46;
	v0 =	vmul.f32 v12, v11;
	v12 =	vmul.f32 v9, v11  }
0x2ae: {  	v51 =	vadd.f32 v4, v51;
	v55 =	vadd.f32 v23, v41;
	v23 =	vmul.f32 v22, v11;
	v22 =	vld [tilespmem:$0x1F870]  }
0x2af: {  	v2 =	vadd.f32 v12, v2;
	v12 =	vld [tilespmem:$0x1F890]  }
0x2b0: {  	v3 =	vadd.f32 v14, v51;
	v14 =	vmul.f32 v13, v10;
	v13 =	vld [tilespmem:$0x1F8E0]  }
0x2b1: {  	v11 =	vmul.f32 v8, v10;
	v8 =	vld [tilespmem:$0x1F8B0]  }
0x2b2: {  	v33 =	vld [tilespmem:s26+$0x4950]  }
0x2b3: {  	v7 =	vmul.f32 v7, v10;
	v36 =	vld [tilespmem:s26+$0x4970];
	v4 =	vadd.f32 v0, v55;
	v0 =	vmul.f32 v22, v10  }
0x2b4: {  	v57 =	vadd.f32 v23, v57;
	v23 =	vmul.f32 v6, v10;
	v55 =	vadd.f32 v11, v54;
	v11 =	vld [tilespmem:$0x1F8D0]  }
0x2b5: {  	v6 =	vadd.f32 v0, v63;
	v63 =	vadd.f32 v14, v58;
	v14 =	vmul.f32 v13, v39;
	v13 =	vld [tilespmem:$0x1F910]  }
0x2b6: {  	v9 =	vadd.f32 v23, v1;
	v0 =	vmul.f32 v12, v10;
	v1 =	vmul.f32 v8, v10;
	v10 =	vld [tilespmem:$0x1F8C0]  }
0x2b7: {  	v37 =	vld [tilespmem:s26+$0x4990]  }
0x2b8: {  	v35 =	vld [tilespmem:s26+$0x49A0]  }
0x2b9: {  	v27 =	vld [tilespmem:s26+$0x4980];
	v5 =	vadd.f32 v7, v4  }
0x2ba: {  	v43 =	vld [tilespmem:s26+$0x49C0];
	v4 =	vadd.f32 v0, v57;
	v7 =	vadd.f32 v1, v2;
	v1 =	vmul.f32 v13, v39  }
0x2bb: {  	v12 =	vmul.f32 v11, v39;
	v11 =	vld [tilespmem:$0x1F8F0];
	v0 =	vmul.f32 v10, v39  }
0x2bc: {  	v8 =	vadd.f32 v1, v4;
	v4 =	vld [tilespmem:$0x1F930]  }
0x2bd: {  	v10 =	vadd.f32 v0, v3;
	v3 =	vadd.f32 v14, v9;
	v14 =	vld [tilespmem:$0x1F920]  }
0x2be: {  	v6 =	vadd.f32 v12, v6;
	v12 =	vld [tilespmem:$0x1F900]  }
0x2bf: {  	v38 =	vld [tilespmem:s26+$0x49B0]  }
0x2c0: {  	v44 =	vld [tilespmem:s26+$0x49D0]  }
0x2c1: {  	v40 =	vld [tilespmem:s26+$0x49F0];
	v0 =	vmul.f32 v11, v39  }
0x2c2: {  	v24 =	vld [tilespmem:s26+$0x4A30];
	v11 =	vmul.f32 v4, v39;
	v9 =	vmul.f32 v14, v39  }
0x2c3: {  	v2 =	vmul.f32 v12, v39;
	v12 =	vld [tilespmem:$0x1F940]  }
0x2c4: {  	v63 =	vadd.f32 v9, v63;
	v9 =	vadd.f32 v11, v7;
	v11 =	vld [tilespmem:$0x1F970]  }
0x2c5: {  	v46 =	vld [tilespmem:s26+$0x4A10]  }
0x2c6: {  	v49 =	vld [tilespmem:s26+$0x4A40]  }
0x2c7: {  	v7 =	vld [tilespmem:$0x1F960]  }
0x2c8: {  	v26 =	vld [tilespmem:s26+$0x49E0]  }
0x2c9: {  	v39 =	vmul.f32 v12, v42;
	v12 =	vmul.f32 v11, v42;
	v11 =	vld [tilespmem:$0x1F980]  }
0x2ca: {  	v41 =	vld [tilespmem:s26+$0x4A00]  }
0x2cb: {  	v50 =	vld [tilespmem:s26+$0x4A50]  }
0x2cc: {  	v47 =	vld [tilespmem:s26+$0x4A20];
	v7 =	vmul.f32 v7, v42  }
0x2cd: {  	v48 =	vld [tilespmem:s26+$0x4A60]  }
0x2ce: {  	v23 =	vld [tilespmem:s26+$0x4A80];
	v3 =	vadd.f32 v7, v3;
	v7 =	vmul.f32 v11, v42  }
0x2cf: {  	v11 =	vld [tilespmem:$0x1F9A0]  }
0x2d0: {  	v63 =	vadd.f32 v7, v63;
	v7 =	vld [tilespmem:$0x1F9B0]  }
0x2d1: {  	v13 =	vld [tilespmem:$0x1F950];
	v1 =	vmul.f32 v52, v42;
	v5 =	vadd.f32 v0, v5  }
0x2d2: {  	v22 =	vld [tilespmem:s26+$0x4AC0]  }
0x2d3: {  	v51 =	vld [tilespmem:s26+$0x4A70];
	v5 =	vadd.f32 v1, v5;
	v1 =	vmul.f32 v59, v42  }
0x2d4: {  	v58 =	vld [tilespmem:s26+$0x4AB0]  }
0x2d5: {  	v54 =	vld [tilespmem:s26+$0x4A90];
	v8 =	vadd.f32 v1, v8;
	v1 =	vmul.f32 v11, v45;
	v11 =	vmul.f32 v7, v45  }
0x2d6: {  	v57 =	vld [tilespmem:s26+$0x4AA0];
	v0 =	vmul.f32 v13, v42  }
0x2d7: {  	v3 =	vadd.f32 v11, v3;
	v11 =	vld [tilespmem:$0x1F9C0]  }
0x2d8: {  	v52 =	vld [tilespmem:s26+$0x4B00];
	v4 =	vadd.f32 v0, v6;
	v0 =	vmul.f32 v32, v45  }
0x2d9: {  	v13 =	vld [tilespmem:s26+$0x4AF0];
	v2 =	vadd.f32 v2, v55  }
0x2da: {  	v55 =	vld [tilespmem:s26+$0x4AE0];
	v0 =	vadd.f32 v0, v4;
	v4 =	vmul.f32 v29, v45;
	v10 =	vadd.f32 v39, v10  }
0x2db: {  	v59 =	vld [tilespmem:s26+$0x4B20]  }
0x2dc: {  	v1 =	vadd.f32 v1, v10;
	v10 =	vmul.f32 v11, v45;
	v11 =	vadd.f32 v4, v5;
	v5 =	vld [tilespmem:$0x1F9D0]  }
0x2dd: {  	v6 =	vadd.f32 v12, v2;
	v12 =	vld [tilespmem:$0x1F990]  }
0x2de: {  	v32 =	vld [tilespmem:s26+$0x4B40]  }
0x2df: {  	v14 =	vld [tilespmem:s26+$0x4AD0]  }
0x2e0: {  	v29 =	vld [tilespmem:s26+$0x4B60]  }
0x2e1: {  	v39 =	vld [tilespmem:s26+$0x4B10];
	v5 =	vmul.f32 v5, v45  }
0x2e2: {  	v2 =	vmul.f32 v16, v56;
	v16 =	vld [tilespmem:s26+$0x4B90];
	v42 =	vmul.f32 v12, v42  }
0x2e3: {  	v5 =	vadd.f32 v5, v63;
	v63 =	vld [tilespmem:$0x1F9E0]  }
0x2e4: {  	v19 =	vmul.f32 v19, v45;
	v12 =	vld [tilespmem:s26+$0x4B30];
	v9 =	vadd.f32 v42, v9  }
0x2e5: {  	v42 =	vld [tilespmem:s26+$0x4B50];
	v7 =	vmul.f32 v25, v45  }
0x2e6: {  	v9 =	vadd.f32 v19, v9;
	v19 =	vld [tilespmem:s26+$0x4BB0]  }
0x2e7: {  	v25 =	vld [tilespmem:s26+$0x4B70];
	v7 =	vadd.f32 v7, v8;
	v6 =	vadd.f32 v10, v6;
	v10 =	vmul.f32 v18, v56  }
0x2e8: {  	v4 =	vadd.f32 v2, v1;
	v1 =	vmul.f32 v20, v56;
	v20 =	vld [tilespmem:s26+$0x4BC0];
	v8 =	vmul.f32 v63, v56  }
0x2e9: {  	v10 =	vadd.f32 v10, v0;
	v0 =	vld [tilespmem:$0x1F9F0]  }
0x2ea: {  	s31 =	sor.u32 $0x300, s28;
	v3 =	vadd.f32 v8, v3;
	v8 =	vld [tilespmem:$0x1FA00]  }
0x2eb: {  	v2 =	vmul.f32 v15, v56;
	v15 =	vld [tilespmem:s26+$0x4BD0];
	v63 =	vmov s31  }
0x2ec: {  	v18 =	vld [tilespmem:s26+$0x4BA0]  }
0x2ed: {  	v30 =	vmul.f32 v30, v60;
	v1 =	vadd.f32 v1, v6;
	v6 =	vld [tilespmem:s26+$0x4BE0]  }
0x2ee: {  	v45 =	vld [tilespmem:s26+$0x4B80];
	v0 =	vmul.f32 v0, v56  }
0x2ef: {  	v3 =	vadd.f32 v30, v3;
	v30 =	vld [tilespmem:s26+$0x4C10];
	v8 =	vmul.f32 v8, v56  }
0x2f0: {  	v53 =	vmul.f32 v53, v60;
	v11 =	vadd.f32 v0, v11;
	v0 =	vld.idx.msk [tilespmem:v63+s14+$0x0], $0xffff;
	v56 =	vmul.f32 v21, v56  }
0x2f1: {  	v63 =	vmul.f32 v31, v60;
	v21 =	vld [tilespmem:$0x1FA10];
	v7 =	vadd.f32 v8, v7  }
0x2f2: {  	v31 =	vld [tilespmem:s26+$0x4C00];
	v8 =	vadd.f32 v56, v9;
	v9 =	vadd.f32 v53, v10;
	v53 =	vmul.f32 v33, v60  }
0x2f3: {  	v1 =	vadd.f32 v63, v1;
	v63 =	vmul.f32 v36, v60;
	v36 =	vld [tilespmem:s26+$0x4C40]  }
0x2f4: {  	v56 =	vmul.f32 v28, v60;
	v28 =	vld [tilespmem:s26+$0x4C20];
	v7 =	vadd.f32 v53, v7  }
0x2f5: {  	v33 =	vld [tilespmem:s26+$0x4C30];
	v53 =	vmul.f32 v27, v17;
	v8 =	vadd.f32 v63, v8;
	v63 =	vmul.f32 v38, v17  }
0x2f6: {  	v2 =	vadd.f32 v2, v5;
	v38 =	vmul.f32 v43, v17;
	v27 =	vld [tilespmem:s26+$0x4C60];
	v5 =	vmul.f32 v21, v60  }
0x2f7: {  	v43 =	vmul.f32 v44, v17;
	v44 =	vmul.f32 v41, v61;
	v41 =	vld [tilespmem:s26+$0x4CE0]  }
0x2f8: {  	v21 =	vld [tilespmem:s26+$0x4BF0];
	v1 =	vadd.f32 v38, v1;
	v4 =	vadd.f32 v5, v4  }
0x2f9: {  	v38 =	vld [tilespmem:s26+$0x4C80];
	v5 =	vadd.f32 v56, v11;
	v56 =	vmul.f32 v34, v60;
	v60 =	vmul.f32 v35, v17  }
0x2fa: {  	v26 =	vmul.f32 v26, v17;
	v7 =	vadd.f32 v43, v7;
	v43 =	vld [tilespmem:s26+$0x4CC0]  }
0x2fb: {  	v35 =	vld [tilespmem:s26+$0x4C70];
	v2 =	vadd.f32 v56, v2;
	v56 =	vmul.f32 v37, v17;
	v3 =	vadd.f32 v60, v3  }
0x2fc: {  	s31 =	sor.u32 $0x340, s28;
	v37 =	vld [tilespmem:s26+$0x4C50];
	v5 =	vadd.f32 v63, v5;
	v60 =	vmul.f32 v49, v61;
	v49 =	vmul.f32 v50, v61  }
0x2fd: {  	v63 =	vmov s31;
	v50 =	vmul.f32 v48, v61;
	v48 =	vmul.f32 v33, v0;
	v33 =	vld [tilespmem:s26+$0x4E40]  }
0x2fe: {  	v46 =	vmul.f32 v46, v61;
	v11 =	vadd.f32 v53, v4;
	v2 =	vadd.f32 v26, v2;
	v26 =	vld [tilespmem:s26+$0x4C90]  }
0x2ff: {  	s30 =	sor.u32 $0x320, s28;
	v17 =	vmul.f32 v40, v17;
	v9 =	vadd.f32 v56, v9;
	v56 =	vmul.f32 v24, v61;
	v24 =	vld [tilespmem:s26+$0x4CA0]  }
0x300: {  	v23 =	vmul.f32 v23, v62;
	v34 =	vmov s30;
	v10 =	vadd.f32 v44, v11;
	v44 =	vld [tilespmem:s26+$0x4CD0]  }
0x301: {  	v22 =	vmul.f32 v22, v62;
	v57 =	vmul.f32 v57, v62;
	v8 =	vadd.f32 v17, v8;
	v17 =	vld [tilespmem:s26+$0x4D20]  }
0x302: {  	v14 =	vmul.f32 v14, v62;
	v53 =	vmul.f32 v47, v61;
	v40 =	vld.idx.msk [tilespmem:v63+s14+$0x0], $0xffff  }
0x303: {  	v28 =	vmul.f32 v28, v0;
	v27 =	vmul.f32 v27, v0;
	v63 =	vld [tilespmem:$0x1FA20]  }
0x304: {  	v3 =	vadd.f32 v53, v3;
	v1 =	vadd.f32 v60, v1;
	v53 =	vmul.f32 v51, v61;
	v11 =	vld [tilespmem:s26+$0x4E70]  }
0x305: {  	v7 =	vadd.f32 v49, v7;
	v60 =	vmul.f32 v58, v62;
	v61 =	vmul.f32 v55, v62;
	v4 =	vld.idx.msk [tilespmem:v34+s14+$0x0], $0xffff  }
0x306: {  	v34 =	vld [tilespmem:s26+$0x4CB0];
	v9 =	vadd.f32 v46, v9;
	v5 =	vadd.f32 v56, v5;
	v56 =	vmul.f32 v54, v62  }
0x307: {  	s30 =	sor.u32 $0x360, s28;
	v2 =	vadd.f32 v50, v2;
	v10 =	vadd.f32 v23, v10;
	v23 =	vld [tilespmem:s26+$0x4CF0];
	v62 =	vmul.f32 v13, v62  }
0x308: {  	v50 =	vmov s30;
	v9 =	vadd.f32 v56, v9;
	v56 =	vld [tilespmem:$0x1FA30];
	v47 =	vmul.f32 v52, v63  }
0x309: {  	v8 =	vadd.f32 v53, v8;
	v46 =	vld [tilespmem:s26+$0x4D00];
	v49 =	vmul.f32 v39, v63;
	v51 =	vmul.f32 v59, v63  }
0x30a: {  	v3 =	vadd.f32 v57, v3;
	v13 =	vld [tilespmem:s26+$0x4D10];
	v12 =	vmul.f32 v12, v63;
	v52 =	vmul.f32 v32, v63  }
0x30b: {  	v1 =	vadd.f32 v22, v1;
	v22 =	vld [tilespmem:s26+$0x4D30];
	v53 =	vmul.f32 v42, v63;
	v54 =	vmul.f32 v29, v63  }
0x30c: {  	v7 =	vadd.f32 v14, v7;
	v14 =	vld [tilespmem:s26+$0x4D60];
	v55 =	vmul.f32 v25, v63;
	v39 =	vmul.f32 v31, v0  }
0x30d: {  	s31 =	sor.u32 $0x380, s28;
	v8 =	vadd.f32 v62, v8;
	v29 =	vld.idx.msk [tilespmem:v50+s14+$0x0], $0xffff;
	v50 =	vmul.f32 v37, v0;
	v57 =	vmul.f32 v45, v56  }
0x30e: {  	v62 =	vmov s31;
	v42 =	vld [tilespmem:s26+$0x4D50];
	v16 =	vmul.f32 v16, v56;
	v58 =	vmul.f32 v18, v56  }
0x30f: {  	v5 =	vadd.f32 v60, v5;
	v25 =	vld [tilespmem:s26+$0x4D70];
	v59 =	vmul.f32 v19, v56;
	v60 =	vmul.f32 v20, v56  }
0x310: {  	v2 =	vadd.f32 v61, v2;
	v31 =	vld [tilespmem:s26+$0x4E00];
	v61 =	vmul.f32 v15, v56;
	v6 =	vmul.f32 v6, v56  }
0x311: {  	s30 =	sor.u32 $0x3A0, s28;
	v32 =	vld [tilespmem:s26+$0x4E60];
	v63 =	vmul.f32 v21, v56;
	v45 =	vmul.f32 v30, v0;
	v10 =	vadd.f32 v47, v10  }
0x312: {  	v37 =	vld [tilespmem:s26+$0x4E90];
	v56 =	vmov s30;
	v9 =	vadd.f32 v49, v9;
	v3 =	vadd.f32 v51, v3  }
0x313: {  	v18 =	vld.idx.msk [tilespmem:v62+s14+$0x0], $0xffff;
	v62 =	vmul.f32 v17, v40;
	v5 =	vadd.f32 v12, v5;
	v1 =	vadd.f32 v52, v1  }
0x314: {  	v19 =	vld [tilespmem:s26+$0x4D80];
	v7 =	vadd.f32 v53, v7;
	v2 =	vadd.f32 v54, v2;
	v49 =	vmul.f32 v36, v0  }
0x315: {  	v15 =	vld [tilespmem:s26+$0x4DA0];
	v8 =	vadd.f32 v55, v8;
	v0 =	vmul.f32 v35, v0;
	v51 =	vmul.f32 v38, v4  }
0x316: {  	v21 =	vld [tilespmem:s26+$0x4DC0];
	v52 =	vmul.f32 v26, v4;
	v54 =	vmul.f32 v24, v4;
	v10 =	vadd.f32 v57, v10  }
0x317: {  	v30 =	vld [tilespmem:s26+$0x4DD0];
	v55 =	vmul.f32 v34, v4;
	v9 =	vadd.f32 v16, v9;
	v3 =	vadd.f32 v58, v3  }
0x318: {  	v20 =	vld [tilespmem:s26+$0x4DE0];
	v5 =	vadd.f32 v59, v5;
	v1 =	vadd.f32 v60, v1;
	v57 =	vmul.f32 v43, v4  }
0x319: {  	v47 =	vld [tilespmem:s26+$0x4D40];
	v7 =	vadd.f32 v61, v7;
	v58 =	vmul.f32 v44, v4;
	v59 =	vmul.f32 v41, v4  }
0x31a: {  	v12 =	vld [tilespmem:s26+$0x4DB0];
	v2 =	vadd.f32 v6, v2;
	v4 =	vmul.f32 v23, v4;
	v60 =	vmul.f32 v46, v40  }
0x31b: {  	s31 =	sor.u32 $0x3C0, s28;
	v26 =	vld [tilespmem:s26+$0x4E10];
	v8 =	vadd.f32 v63, v8;
	v61 =	vmul.f32 v13, v40;
	v63 =	vmul.f32 v22, v40  }
0x31c: {  	v24 =	vld [tilespmem:s26+$0x4E30];
	v44 =	vmov s31;
	v10 =	vadd.f32 v39, v10;
	v6 =	vadd.f32 v45, v9  }
0x31d: {  	v36 =	vld [tilespmem:s26+$0x4E80];
	v35 =	vmul.f32 v42, v40;
	v3 =	vadd.f32 v28, v3;
	v5 =	vadd.f32 v48, v5  }
0x31e: {  	v16 =	vld [tilespmem:s26+$0x4D90];
	v42 =	vmul.f32 v25, v40;
	v1 =	vadd.f32 v49, v1;
	v7 =	vadd.f32 v50, v7  }
0x31f: {  	v23 =	vld [tilespmem:s26+$0x4E50];
	v2 =	vadd.f32 v27, v2;
	v39 =	vmul.f32 v14, v40;
	v19 =	vmul.f32 v19, v29  }
0x320: {  	v41 =	vld [tilespmem:s26+$0x4EA0];
	v0 =	vadd.f32 v0, v8;
	v15 =	vmul.f32 v15, v29;
	v48 =	vmul.f32 v21, v29  }
0x321: {  	v43 =	vld [tilespmem:s26+$0x4EB0];
	v50 =	vmul.f32 v30, v29;
	v11 =	vmul.f32 v11, v18;
	v53 =	vadd.f32 v51, v10  }
0x322: {  	v46 =	vld [tilespmem:s26+$0x4EC0];
	v34 =	vmul.f32 v47, v40;
	v6 =	vadd.f32 v52, v6;
	v3 =	vadd.f32 v54, v3  }
0x323: {  	v28 =	vld [tilespmem:s26+$0x4DF0];
	v12 =	vmul.f32 v12, v29;
	v5 =	vadd.f32 v55, v5;
	v1 =	vadd.f32 v57, v1  }
0x324: {  	v17 =	vld.idx.msk [tilespmem:v56+s14+$0x0], $0xffff;
	v7 =	vadd.f32 v58, v7;
	v2 =	vadd.f32 v59, v2;
	v51 =	vmul.f32 v20, v29  }
0x325: {  	v49 =	vld [tilespmem:s26+$0x4EE0];
	v0 =	vadd.f32 v4, v0;
	v54 =	vmul.f32 v31, v18;
	v55 =	vmul.f32 v26, v18  }
0x326: {  	v56 =	vld [tilespmem:s26+$0x4F00];
	v59 =	vmul.f32 v24, v18;
	v8 =	vadd.f32 v60, v53;
	v4 =	vadd.f32 v61, v6  }
0x327: {  	v30 =	vld [tilespmem:s26+$0x4F40];
	v45 =	vmul.f32 v16, v29;
	v3 =	vadd.f32 v62, v3;
	v5 =	vadd.f32 v63, v5  }
0x328: {  	v47 =	vld [tilespmem:s26+$0x4ED0];
	v23 =	vmul.f32 v23, v18;
	v1 =	vadd.f32 v34, v1;
	v38 =	vadd.f32 v35, v7  }
0x329: {  	v40 =	vld [tilespmem:s26+$0x4F80];
	v2 =	vadd.f32 v39, v2;
	v61 =	vmul.f32 v33, v18;
	v53 =	vmul.f32 v28, v29  }
0x32a: {  	s28 =	sor.u32 $0x3E0, s28;
	v10 =	vld [tilespmem:s26+$0x4E20];
	v0 =	vadd.f32 v42, v0;
	v29 =	vmul.f32 v32, v18;
	v32 =	vmul.f32 v36, v17  }
0x32b: {  	v52 =	vld [tilespmem:s26+$0x4EF0];
	v63 =	vmov s28;
	v9 =	vmul.f32 v37, v17;
	v34 =	vmul.f32 v41, v17  }
0x32c: {  	v58 =	vld [tilespmem:s26+$0x4F10];
	v35 =	vmul.f32 v43, v17;
	v8 =	vadd.f32 v19, v8;
	v4 =	vadd.f32 v45, v4  }
0x32d: {  	v25 =	vld.idx.msk [tilespmem:v44+s14+$0x0], $0xffff;
	v37 =	vmul.f32 v46, v17;
	v3 =	vadd.f32 v15, v3;
	v5 =	vadd.f32 v12, v5  }
0x32e: {  	v31 =	vld [tilespmem:s26+$0x4F50];
	v41 =	vmul.f32 v49, v17;
	v1 =	vadd.f32 v48, v1;
	v6 =	vadd.f32 v50, v38  }
0x32f: {  	v60 =	vld [tilespmem:s26+$0x4F20];
	v2 =	vadd.f32 v51, v2;
	v39 =	vmul.f32 v47, v17;
	v0 =	vadd.f32 v53, v0  }
0x330: {  	v62 =	vld [tilespmem:s26+$0x4F30];
	v10 =	vmul.f32 v10, v18;
	v57 =	vadd.f32 v54, v8;
	v4 =	vadd.f32 v55, v4  }
0x331: {  	v33 =	vld [tilespmem:s26+$0x4F60];
	v42 =	vmul.f32 v52, v17;
	v5 =	vadd.f32 v59, v5;
	v1 =	vadd.f32 v61, v1  }
0x332: {  	v36 =	vld [tilespmem:s26+$0x4F70];
	v6 =	vadd.f32 v23, v6;
	v44 =	vmul.f32 v56, v25;
	v8 =	vmul.f32 v58, v25  }
0x333: {  	v2 =	vadd.f32 v29, v2;
	v50 =	vmul.f32 v30, v25;
	v53 =	vmul.f32 v31, v25;
	v38 =	vld.idx.msk [tilespmem:v63+s14+$0x0], $0xffff  }
0x334: {  	v43 =	vld [tilespmem:s26+$0x4F90];
	v3 =	vadd.f32 v10, v3;
	v0 =	vadd.f32 v11, v0;
	v46 =	vmul.f32 v60, v25  }
0x335: {  	v45 =	vld [tilespmem:s26+$0x4FA0];
	v48 =	vmul.f32 v62, v25;
	v7 =	vadd.f32 v32, v57;
	v4 =	vadd.f32 v9, v4  }
0x336: {  	v47 =	vld [tilespmem:s26+$0x4FB0];
	v58 =	vmul.f32 v33, v25;
	v5 =	vadd.f32 v35, v5;
	v1 =	vadd.f32 v37, v1  }
0x337: {  	v49 =	vld [tilespmem:s26+$0x4FC0];
	v6 =	vadd.f32 v39, v6;
	v2 =	vadd.f32 v41, v2;
	v60 =	vmul.f32 v36, v25  }
0x338: {  	s30 =	sshll.u32 s24, $0xF;
	v54 =	vld [tilespmem:s26+$0x4FE0];
	v3 =	vadd.f32 v34, v3;
	v7 =	vadd.f32 v44, v7;
	v51 =	vmul.f32 v40, v38  }
0x339: {  	s25 =	sshll.u32 s25, $0x6;
	s28 =	sand.u32 $0x8000, s30;
	v56 =	vld [tilespmem:s26+$0x4FF0];
	v0 =	vadd.f32 v42, v0;
	v4 =	vadd.f32 v8, v4;
	v15 =	vmul.f32 v43, v38  }
0x33a: {  	s25 =	sand.u32 $0x380, s25;
	s31 =	sadd.s32 s28, s22;
	v52 =	vld [tilespmem:s26+$0x4FD0];
	v3 =	vadd.f32 v46, v3;
	v55 =	vmul.f32 v45, v38;
	v7 =	vadd.f32 v51, v7  }
0x33b: {  	s25 =	sadd.s32 s25, s31;
	v5 =	vadd.f32 v48, v5;
	v57 =	vmul.f32 v47, v38;
	v4 =	vadd.f32 v15, v4  }
0x33c: {  	v1 =	vadd.f32 v50, v1;
	v59 =	vmul.f32 v49, v38;
	v3 =	vadd.f32 v55, v3;
	[tilespmem:s25+$0x0] =	vst v7  }
0x33d: {  	v2 =	vadd.f32 v58, v2;
	v62 =	vmul.f32 v54, v38;
	v5 =	vadd.f32 v57, v5;
	[tilespmem:s25+$0x10] =	vst v4  }
0x33e: {  	p1 =	sne.s32 s24, $0x3;
	v0 =	vadd.f32 v60, v0;
	v63 =	vmul.f32 v56, v38;
	v1 =	vadd.f32 v59, v1;
	[tilespmem:s25+$0x20] =	vst v3  }
.Ltmp4:
0x33f: {  	v6 =	vadd.f32 v53, v6;
	v61 =	vmul.f32 v52, v38;
	v2 =	vadd.f32 v62, v2;
	[tilespmem:s25+$0x30] =	vst v5;
	(pc) =	sbr.rel @p1 .LBB2_7-.Ltmp4, $4  }
0x340: {  	v0 =	vadd.f32 v63, v0;
	[tilespmem:s25+$0x40] =	vst v1  }
0x341: {  	v4 =	vadd.f32 v61, v6;
	[tilespmem:s25+$0x60] =	vst v2  }
0x342: {  	[tilespmem:s25+$0x70] =	vst v0  }
0x343: {  	s24 =	sadd.s32 $0x1, s24;
	[tilespmem:s25+$0x50] =	vst v4  }
.Ltmp5:
0x344: {  	(pc) =	sbr.rel @p0 .LBB2_10-.Ltmp5, $1  }
0x345: {  	_ =	sdelay $0x3  }
.Ltmp6:
0x346: {  	(pc) =	sbr.rel .LBB2_4-.Ltmp6, $3  }
0x347: {  	_ =	sdelay $0x1  }
0x348: {  	s21 =	sadd.s32 s23, s6;
	s20 =	sadd.s32 $0x1, s20  }
0x349: {  	[tilespmem:s11], [sflag:$0x2] =	stream.linear.gather [hbm4b:s21+s2], $0x4000, $0x38;
	[tilespmem:$0x1C000] =	vst v63  }
.LBB2_11:
0x34a: {  	_ =	sfence.sel $0x180000  }
0x34b: {  	[bflag:$0x0] =	sbarrier.arrive $0xFFFF  }
0x34c: {  	p0 =	sne.s32 s1, $0x0;
	_ =	strace $0x90000047  }
0x34d: {  	s0 =	sadd.s32 @!p0 $0x100000, s0;
	[bflag:$0x2] =	sbarrier.arrive $0xFFFF  }
0x34e: {  	[sflag:s0] =	ssyncadd.tile.s32 @!p0 $0x1;
	_ =	shalt  }
.Lfunc_end2:
_tile_overlayer_lowered:
.L_overlay_start_2:
0x34f: {  	(tag) =	ssettag $0x2  }
0x350: {  	s0 =	rddreg [dreg:$0x0];
	s2 =	stileid.u32  }
0x351: {  	s1 =	rddreg [dreg:$0x1];
	p0 =	sne.s32 s2, $0x0  }
0x352: {  	s3 =	rddreg [dreg:$0x2];
	[bflag:$0x3] =	sbarrier.arrive $0xFFFF;
	s2 =	simm.s32 @!p0 $0x1C04  }
0x353: {  	[timem:s3], [sflag:s2] =	dma.local @!p0 [hbm:s0], s1  }
0x354: {  	s0 =	simm.s32 @!p0 $0x4  }
0x355: {  	_ =	swait.ge @!p0 [sflag:s0], s1  }
0x356: {  	s1 =	ssub.s32 @!p0 $0x0, s1;
	[sflag:s0] =	ssyncset.done @!p0 $0x0  }
0x357: {  	[sflag:s0] =	ssyncadd.s32 @!p0 s1  }
0x358: {  	[bflag:$0x3] =	sbarrier.arrive $0xFFFF  }
0x359: {  	_ =	shalt  }

</sc_bundles>
